<compile_context>
chip_gen: v7x
topology: tpu7x:2x2x1
jax: 0.10.2.dev20260603
libtpu: 0.0.44.dev20260713+nightly
codegen_flags: <defaults>
</compile_context>

<pallas_src>
import functools

import jax
import jax.numpy as jnp
from jax import lax
from jax.experimental import pallas as pl
from jax.experimental.pallas import tpu as pltpu
from jax.experimental.pallas import tpu_sc as plsc

N, C, H, W = 4, 19, 512, 512
P = N * H * W
K = 512
NCODE = 2 * K
RB = 128

NW = 32
SEGS = ((0, 2), (2, 2))
NSEG = len(SEGS)
ROWS_PER_CHUNK = 8
LANES = 16
HWORDS = LANES * NCODE


def _bin_body(logits_ref, labels_ref, code_ref, n1_ref):
    s = jnp.exp(logits_ref[0, 0])
    e0 = s
    for c in range(1, C):
        s = s + jnp.exp(logits_ref[0, c])
    p0 = e0 / s
    lab = labels_ref[0]
    fg0 = lab == 0
    e = jnp.where(fg0, 1.0 - p0, p0)
    b = jnp.clip((e * K).astype(jnp.int32), 0, K - 1)
    code_ref[...] = b + jnp.where(fg0, K, 0)
    n1_ref[...] = jnp.reshape(jnp.sum((lab == 1).astype(jnp.int32)), (1, 1, 1, 1))


def _bin_codes(logits, labels, b0, nb):
    grid = (nb, H // RB)
    return pl.pallas_call(
        _bin_body,
        grid=grid,
        in_specs=[
            pl.BlockSpec((1, C, RB, W), lambda b, r: (b + b0, 0, r, 0)),
            pl.BlockSpec((1, RB, W), lambda b, r: (b + b0, r, 0)),
        ],
        out_specs=[
            pl.BlockSpec((RB, W), lambda b, r: (b * (H // RB) + r, 0)),
            pl.BlockSpec((1, 1, 1, 1), lambda b, r: (b, r, 0, 0)),
        ],
        out_shape=[
            jax.ShapeDtypeStruct((nb * H, W), jnp.int32),
            jax.ShapeDtypeStruct((nb, H // RB, 1, 1), jnp.int32),
        ],
    )(logits, labels)


def _make_hist_sc(nb):
    rows_per_w = nb * H // NW
    nchunk = rows_per_w // ROWS_PER_CHUNK

    def _hist_body(codes_hbm, out_hbm, buf0, buf1, hist, hred, sem0, sem1):
        cid = lax.axis_index("c")
        sid = lax.axis_index("s")
        wid = sid * 2 + cid
        base = wid * rows_per_w

        zeros16 = jnp.zeros((LANES,), jnp.int32)
        ones16 = jnp.ones((LANES,), jnp.int32)
        lane_off = lax.iota(jnp.int32, LANES) * NCODE

        @plsc.parallel_loop(0, HWORDS // LANES, step=1, unroll=8)
        def zbody(i):
            hist[pl.ds(i * LANES, LANES)] = zeros16

        sems = [sem0, sem1]
        bufs = [buf0, buf1]
        copies = [None, None]
        copies[0] = pltpu.async_copy(
            codes_hbm.at[pl.ds(base, ROWS_PER_CHUNK)], bufs[0], sems[0])
        for k in range(nchunk):
            cur = k % 2
            copies[cur].wait()
            if k + 1 < nchunk:
                copies[1 - cur] = pltpu.async_copy(
                    codes_hbm.at[pl.ds(base + (k + 1) * ROWS_PER_CHUNK,
                                       ROWS_PER_CHUNK)],
                    bufs[1 - cur], sems[1 - cur])
            bufc = bufs[cur]

            @plsc.parallel_loop(0, W // LANES, step=1, unroll=2)
            def sbody(v):
                for rr in range(ROWS_PER_CHUNK):
                    codes = bufc[rr, pl.ds(v * LANES, LANES)]
                    plsc.addupdate_scatter(hist, [lane_off + codes], ones16)

        @plsc.parallel_loop(0, NCODE // LANES, step=1, unroll=2)
        def rbody(ii):
            acc = hist[pl.ds(ii * LANES, LANES)]
            for j in range(1, LANES):
                acc = acc + hist[pl.ds(j * NCODE + ii * LANES, LANES)]
            hred[pl.ds(ii * LANES, LANES)] = acc

        pltpu.sync_copy(hred, out_hbm.at[wid])

    mesh = plsc.VectorSubcoreMesh(core_axis_name="c", subcore_axis_name="s")
    return functools.partial(
        pl.kernel,
        out_type=jax.ShapeDtypeStruct((NW, NCODE), jnp.int32),
        mesh=mesh,
        compiler_params=pltpu.CompilerParams(needs_layout_passes=False),
        scratch_types=[
            pltpu.VMEM((ROWS_PER_CHUNK, W), jnp.int32),
            pltpu.VMEM((ROWS_PER_CHUNK, W), jnp.int32),
            pltpu.VMEM((HWORDS,), jnp.int32),
            pltpu.VMEM((NCODE,), jnp.int32),
            pltpu.SemaphoreType.DMA,
            pltpu.SemaphoreType.DMA,
        ],
        name="hist_sc",
    )(_hist_body)


def _final_body(*refs):
    h_refs = refs[:NSEG]
    n1_refs = refs[NSEG:2 * NSEG]
    lv_ref = refs[2 * NSEG]
    out_ref = refs[2 * NSEG + 1]
    h = jnp.sum(h_refs[0][...].astype(jnp.float32), axis=0)
    for r in h_refs[1:]:
        h = h + jnp.sum(r[...].astype(jnp.float32), axis=0)
    n1 = jnp.sum(n1_refs[0][...].astype(jnp.float32))
    for r in n1_refs[1:]:
        n1 = n1 + jnp.sum(r[...].astype(jnp.float32))
    c0 = h[0:K]
    c1 = h[K:2 * K]
    cnt = c0 + c1
    G = jnp.sum(c1)

    BLK = 256
    cb = jnp.reshape(cnt, (1, K))
    mb = jnp.reshape(c1, (1, K))
    colj = lax.broadcasted_iota(jnp.int32, (BLK, K), 1)
    Ns, Ms = [], []
    for blk in range(K // BLK):
        rowk = lax.broadcasted_iota(jnp.int32, (BLK, K), 0) + blk * BLK
        msk = colj >= rowk
        Ns.append(jnp.sum(jnp.where(msk, cb, 0.0), axis=1))
        Ms.append(jnp.sum(jnp.where(msk, mb, 0.0), axis=1))
    Nk = jnp.concatenate(Ns)
    Mk = jnp.concatenate(Ms)

    J = jnp.where(Nk > 0.0, 1.0 - (G - Mk) / (G + Nk - Mk), 0.0)
    J0 = jnp.sum(jnp.where(lax.iota(jnp.int32, K) == 0, J, 0.0))
    loss0 = (jnp.sum(J) - 0.5 * J0) / K

    lvec = lv_ref[...]
    mlv = jnp.max(lvec)
    elv = jnp.exp(lvec - mlv)
    sel1 = lax.broadcasted_iota(jnp.int32, (1, C), 1) == 1
    s1 = jnp.sum(jnp.where(sel1, elv, 0.0)) / jnp.sum(elv)
    Pf = jnp.float32(P)
    loss1 = jnp.where(
        s1 <= 0.5,
        1.0 - s1,
        (s1 * (Pf - n1) + (1.0 - s1) * n1) / Pf,
    )

    pres0 = (G > 0.0).astype(jnp.float32)
    pres1 = (n1 > 0.0).astype(jnp.float32)
    total = (loss0 * pres0 + loss1 * pres1) / (pres0 + pres1)
    out_ref[...] = jnp.reshape(total, (1, 1))


def _final(hists, n1s, lv):
    return pl.pallas_call(
        _final_body,
        in_specs=(
            [pl.BlockSpec((NW, NCODE), lambda: (0, 0)) for _ in range(NSEG)]
            + [pl.BlockSpec((nb, H // RB, 1, 1), lambda: (0, 0, 0, 0))
               for _, nb in SEGS]
            + [pl.BlockSpec((1, C), lambda: (0, 0))]
        ),
        out_specs=pl.BlockSpec((1, 1), lambda: (0, 0)),
        out_shape=jax.ShapeDtypeStruct((1, 1), jnp.float32),
    )(*hists, *n1s, lv)


def kernel(logits, labels):
    hists, n1s = [], []
    for b0, nb in SEGS:
        codes, n1c = _bin_codes(logits, labels, b0, nb)
        hists.append(_make_hist_sc(nb)(codes))
        n1s.append(n1c)
    lv = logits[0, :, 0, 0].reshape(1, C)
    return _final(hists, n1s, lv)[0, 0]

# --- scband reference (transcript-rebuilt; emitter-appended) ---
"""Pipeline reference for scband-lovasz-softmax-loss-88991722373275 (READ-ONLY COPY).

The authoritative reference and input builder live on the scoring server;
editing this copy changes nothing except your own understanding.
"""

import jax, jax.numpy as jnp
import numpy as np

IGNORE_INDEX = 255


def setup_inputs(seed: int = 0) -> dict:
    key = jax.random.key(seed)
    k1, k2 = jax.random.split(key)
    logits = jax.random.normal(k1, (4, 19, 512, 512), dtype=jnp.float32)
    labels = jax.random.randint(k2, (4, 512, 512), 0, 19, dtype=jnp.int32)
    return {"logits": logits, "labels": labels}


def _lovasz_grad(fg_sorted):
    gts = jnp.sum(fg_sorted)
    p = fg_sorted.shape[0]
    intersection = gts - jnp.cumsum(fg_sorted, axis=0)
    union = gts + jnp.cumsum(1.0 - fg_sorted, axis=0)
    jaccard = 1.0 - intersection.astype(jnp.float32) / union.astype(jnp.float32)
    if p > 1:
        jaccard = jaccard.at[1:p].set(jaccard[1:p] - jaccard[0:p - 1])
    return jaccard


def reference(logits, labels):
    # softmax over channel dim
    probas = jax.nn.softmax(logits, axis=1)
    # flatten_probas (faithful to torch semantics, including the nonzero/gather behavior)
    C = probas.shape[1]
    probas = jnp.transpose(probas, (0, 2, 3, 1)).reshape(-1, C)
    labels_flat = labels.reshape(-1)
    valid = labels_flat != IGNORE_INDEX
    valid_mask = valid.reshape(-1, 1)
    # torch.nonzero on a [P,1] mask returns [num_valid, 2] (row_idx, col_idx) pairs
    rows, cols = jnp.nonzero(valid_mask, size=valid_mask.shape[0], fill_value=0)
    indexs = jnp.stack([rows, cols], axis=1)  # [num_valid, 2]
    # torch.gather(probas, 0, indexs): out[i, j] = probas[indexs[i, j], j]
    vprobas = jnp.stack(
        [probas[indexs[:, j], j] for j in range(indexs.shape[1])], axis=1
    )  # [num_valid, 2]
    vlabels = labels_flat[indexs[:, 0]]
    # lovasz_softmax_flat with classes='present'
    Cv = vprobas.shape[1]
    classes_to_sum = list(range(Cv))
    losses = []
    presents = []
    for c in classes_to_sum:
        fg = (vlabels == c).astype(vprobas.dtype)
        presents.append(jnp.sum(fg) != 0.0)
        class_pred = vprobas[:, 0] if Cv == 1 else vprobas[:, c]
        errors = jnp.abs(fg - class_pred)
        perm = jnp.argsort(-errors, axis=0)
        errors_sorted = errors[perm]
        fg_sorted = fg[perm]
        grad = _lovasz_grad(fg_sorted)
        losses.append(jnp.sum(errors_sorted * grad))
    if len(classes_to_sum) == 1:
        return losses[0]
    losses_tensor = jnp.stack(losses)
    present_tensor = jnp.stack(presents).astype(losses_tensor.dtype)
    return jnp.sum(losses_tensor * present_tensor) / jnp.sum(present_tensor)

if __name__ == "__main__":
    import jax
    _d = setup_inputs()
    print(jax.jit(kernel)(*tuple(_d.values())))

</pallas_src>

<mosaic_0001>
#map = affine_map<(d0, d1) -> (0, 0)>
module attributes {stable_mosaic.version = 14 : i64} {
  func.func @hist_sc(%arg0: i32, %arg1: i32, %arg2: memref<1024x512xi32, #tpu.memory_space<hbm>>, %arg3: memref<32x1024xi32, #tpu.memory_space<hbm>>, %arg4: memref<8x512xi32, #tpu.memory_space<vmem>>, %arg5: memref<8x512xi32, #tpu.memory_space<vmem>>, %arg6: memref<16384xi32, #tpu.memory_space<vmem>>, %arg7: memref<1024xi32, #tpu.memory_space<vmem>>, %arg8: memref<!tpu.dma_semaphore, #tpu.memory_space<semaphore_mem>>, %arg9: memref<!tpu.dma_semaphore, #tpu.memory_space<semaphore_mem>>) attributes {dimension_semantics = [#tpu.dimension_semantics<core_parallel>, #tpu.dimension_semantics<subcore_parallel>], iteration_bounds = array<i64: 2, 16>, scalar_prefetch = 0 : i64, scratch_operands = 6 : i64, tpu.core_type = #tpu.core_type<sc_vector_subcore>, window_params = [{transform_indices = #map}, {transform_indices = #map}]} {
    %mul3A = arith.constant 2 : i32
    %mul3A_0 = arith.muli %arg1, %mul3A : i32
    %add3A = arith.addi %mul3A_0, %arg0 : i32
    %mul3A_1 = arith.constant 32 : i32
    %mul3A_2 = arith.muli %add3A, %mul3A_1 : i32
    %broadcast_in_dim3A = arith.constant 0 : i32
    %broadcast_in_dim3A_3 = vector.broadcast %broadcast_in_dim3A : i32 to vector<16xi32>
    %broadcast_in_dim3A_4 = arith.constant 1 : i32
    %broadcast_in_dim3A_5 = vector.broadcast %broadcast_in_dim3A_4 : i32 to vector<16xi32>
    %iota3A = tpu.iota {dimensions = array<i32: 0>} : vector<16xi32>
    %mul3A_6 = arith.constant 1024 : i32
    %mul3A_7 = vector.broadcast %mul3A_6 : i32 to vector<16xi32>
    %mul3A_8 = arith.muli %iota3A, %mul3A_7 : vector<16xi32>
    %parallel_loop3A = arith.constant 0 : i32
    %parallel_loop3A_9 = arith.constant 1024 : i32
    %parallel_loop3A_10 = arith.constant 1 : i32
    scf.for %parallel_loop3A_62 = %parallel_loop3A to %parallel_loop3A_9 step %parallel_loop3A_10  : i32 {
      %parallel_loop3A_63 = arith.constant 16 : i32
      %parallel_loop3A_64 = arith.muli %parallel_loop3A_62, %parallel_loop3A_63 : i32
      %parallel_loop3A_65 = arith.index_cast %parallel_loop3A_64 : i32 to index
      %parallel_loop3A_66 = tpu.vector_load %arg6[%parallel_loop3A_65] {strides = array<i32>} : memref<16384xi32, #tpu.memory_space<vmem>>, vector<16xi32>,
      tpu.vector_store %arg6[%parallel_loop3A_65], %broadcast_in_dim3A_3 {strides = array<i32>} : memref<16384xi32, #tpu.memory_space<vmem>>, vector<16xi32>,
    } {sc.loop_unroll_factor = 8 : i64, sc.parallel_access}
    %dma_start3A = arith.constant 0 : i32
    %dma_start3A_11 = tpu.memref_slice %arg2[%mul3A_2, %dma_start3A] : memref<1024x512xi32, #tpu.memory_space<hbm>> -> memref<8x512xi32, #tpu.memory_space<hbm>>
    %dma_start3A_12 = arith.constant 0 : i32
    %dma_start3A_13 = tpu.memref_slice %arg2[%mul3A_2, %dma_start3A_12] : memref<1024x512xi32, #tpu.memory_space<hbm>> -> memref<8x512xi32, #tpu.memory_space<hbm>>
    tpu.enqueue_dma source(%dma_start3A_13 : memref<8x512xi32, #tpu.memory_space<hbm>>) target(%arg4 : memref<8x512xi32, #tpu.memory_space<vmem>>) target_semaphore(%arg8 : memref<!tpu.dma_semaphore, #tpu.memory_space<semaphore_mem>>)
    %dma_wait3A = arith.constant 0 : i32
    %dma_wait3A_14 = tpu.memref_slice %arg2[%mul3A_2, %dma_wait3A] : memref<1024x512xi32, #tpu.memory_space<hbm>> -> memref<8x512xi32, #tpu.memory_space<hbm>>
    %dma_wait3A_15 = arith.constant 0 : i32
    %dma_wait3A_16 = tpu.memref_slice %arg2[%mul3A_2, %dma_wait3A_15] : memref<1024x512xi32, #tpu.memory_space<hbm>> -> memref<8x512xi32, #tpu.memory_space<hbm>>
    tpu.wait_dma2 semaphore(%arg8 : memref<!tpu.dma_semaphore, #tpu.memory_space<semaphore_mem>>) src(%dma_wait3A_16 : memref<8x512xi32, #tpu.memory_space<hbm>>) dst(%arg4 : memref<8x512xi32, #tpu.memory_space<vmem>>)
    %add3A_17 = arith.constant 8 : i32
    %add3A_18 = arith.addi %mul3A_2, %add3A_17 : i32
    %dma_start3A_19 = arith.constant 0 : i32
    %dma_start3A_20 = tpu.memref_slice %arg2[%add3A_18, %dma_start3A_19] : memref<1024x512xi32, #tpu.memory_space<hbm>> -> memref<8x512xi32, #tpu.memory_space<hbm>>
    %dma_start3A_21 = arith.constant 0 : i32
    %dma_start3A_22 = tpu.memref_slice %arg2[%add3A_18, %dma_start3A_21] : memref<1024x512xi32, #tpu.memory_space<hbm>> -> memref<8x512xi32, #tpu.memory_space<hbm>>
    tpu.enqueue_dma source(%dma_start3A_22 : memref<8x512xi32, #tpu.memory_space<hbm>>) target(%arg5 : memref<8x512xi32, #tpu.memory_space<vmem>>) target_semaphore(%arg9 : memref<!tpu.dma_semaphore, #tpu.memory_space<semaphore_mem>>)
    %parallel_loop3A_23 = arith.constant 0 : i32
    %parallel_loop3A_24 = arith.constant 32 : i32
    %parallel_loop3A_25 = arith.constant 1 : i32
    scf.for %parallel_loop3A_62 = %parallel_loop3A_23 to %parallel_loop3A_24 step %parallel_loop3A_25  : i32 {
      %parallel_loop3A_63 = arith.constant 16 : i32
      %parallel_loop3A_64 = arith.muli %parallel_loop3A_62, %parallel_loop3A_63 : i32
      %parallel_loop3A_65 = arith.constant 0 : i32
      %parallel_loop3A_66 = arith.index_cast %parallel_loop3A_65 : i32 to index
      %parallel_loop3A_67 = arith.index_cast %parallel_loop3A_64 : i32 to index
      %parallel_loop3A_68 = tpu.vector_load %arg4[%parallel_loop3A_66, %parallel_loop3A_67] {strides = array<i32>} : memref<8x512xi32, #tpu.memory_space<vmem>>, vector<16xi32>,
      %parallel_loop3A_69 = arith.addi %mul3A_8, %parallel_loop3A_68 : vector<16xi32>
      tpu.vector_store_idx %arg6[%parallel_loop3A_69], %broadcast_in_dim3A_5 {add = true} : memref<16384xi32, #tpu.memory_space<vmem>>[vector<16xi32>], vector<16xi32>,
      %parallel_loop3A_70 = arith.constant 16 : i32
      %parallel_loop3A_71 = arith.muli %parallel_loop3A_62, %parallel_loop3A_70 : i32
      %parallel_loop3A_72 = arith.constant 1 : i32
      %parallel_loop3A_73 = arith.index_cast %parallel_loop3A_72 : i32 to index
      %parallel_loop3A_74 = arith.index_cast %parallel_loop3A_71 : i32 to index
      %parallel_loop3A_75 = tpu.vector_load %arg4[%parallel_loop3A_73, %parallel_loop3A_74] {strides = array<i32>} : memref<8x512xi32, #tpu.memory_space<vmem>>, vector<16xi32>,
      %parallel_loop3A_76 = arith.addi %mul3A_8, %parallel_loop3A_75 : vector<16xi32>
      tpu.vector_store_idx %arg6[%parallel_loop3A_76], %broadcast_in_dim3A_5 {add = true} : memref<16384xi32, #tpu.memory_space<vmem>>[vector<16xi32>], vector<16xi32>,
      %parallel_loop3A_77 = arith.constant 16 : i32
      %parallel_loop3A_78 = arith.muli %parallel_loop3A_62, %parallel_loop3A_77 : i32
      %parallel_loop3A_79 = arith.constant 2 : i32
      %parallel_loop3A_80 = arith.index_cast %parallel_loop3A_79 : i32 to index
      %parallel_loop3A_81 = arith.index_cast %parallel_loop3A_78 : i32 to index
      %parallel_loop3A_82 = tpu.vector_load %arg4[%parallel_loop3A_80, %parallel_loop3A_81] {strides = array<i32>} : memref<8x512xi32, #tpu.memory_space<vmem>>, vector<16xi32>,
      %parallel_loop3A_83 = arith.addi %mul3A_8, %parallel_loop3A_82 : vector<16xi32>
      tpu.vector_store_idx %arg6[%parallel_loop3A_83], %broadcast_in_dim3A_5 {add = true} : memref<16384xi32, #tpu.memory_space<vmem>>[vector<16xi32>], vector<16xi32>,
      %parallel_loop3A_84 = arith.constant 16 : i32
      %parallel_loop3A_85 = arith.muli %parallel_loop3A_62, %parallel_loop3A_84 : i32
      %parallel_loop3A_86 = arith.constant 3 : i32
      %parallel_loop3A_87 = arith.index_cast %parallel_loop3A_86 : i32 to index
      %parallel_loop3A_88 = arith.index_cast %parallel_loop3A_85 : i32 to index
      %parallel_loop3A_89 = tpu.vector_load %arg4[%parallel_loop3A_87, %parallel_loop3A_88] {strides = array<i32>} : memref<8x512xi32, #tpu.memory_space<vmem>>, vector<16xi32>,
      %parallel_loop3A_90 = arith.addi %mul3A_8, %parallel_loop3A_89 : vector<16xi32>
      tpu.vector_store_idx %arg6[%parallel_loop3A_90], %broadcast_in_dim3A_5 {add = true} : memref<16384xi32, #tpu.memory_space<vmem>>[vector<16xi32>], vector<16xi32>,
      %parallel_loop3A_91 = arith.constant 16 : i32
      %parallel_loop3A_92 = arith.muli %parallel_loop3A_62, %parallel_loop3A_91 : i32
      %parallel_loop3A_93 = arith.constant 4 : i32
      %parallel_loop3A_94 = arith.index_cast %parallel_loop3A_93 : i32 to index
      %parallel_loop3A_95 = arith.index_cast %parallel_loop3A_92 : i32 to index
      %parallel_loop3A_96 = tpu.vector_load %arg4[%parallel_loop3A_94, %parallel_loop3A_95] {strides = array<i32>} : memref<8x512xi32, #tpu.memory_space<vmem>>, vector<16xi32>,
      %parallel_loop3A_97 = arith.addi %mul3A_8, %parallel_loop3A_96 : vector<16xi32>
      tpu.vector_store_idx %arg6[%parallel_loop3A_97], %broadcast_in_dim3A_5 {add = true} : memref<16384xi32, #tpu.memory_space<vmem>>[vector<16xi32>], vector<16xi32>,
      %parallel_loop3A_98 = arith.constant 16 : i32
      %parallel_loop3A_99 = arith.muli %parallel_loop3A_62, %parallel_loop3A_98 : i32
      %parallel_loop3A_100 = arith.constant 5 : i32
      %parallel_loop3A_101 = arith.index_cast %parallel_loop3A_100 : i32 to index
      %parallel_loop3A_102 = arith.index_cast %parallel_loop3A_99 : i32 to index
      %parallel_loop3A_103 = tpu.vector_load %arg4[%parallel_loop3A_101, %parallel_loop3A_102] {strides = array<i32>} : memref<8x512xi32, #tpu.memory_space<vmem>>, vector<16xi32>,
      %parallel_loop3A_104 = arith.addi %mul3A_8, %parallel_loop3A_103 : vector<16xi32>
      tpu.vector_store_idx %arg6[%parallel_loop3A_104], %broadcast_in_dim3A_5 {add = true} : memref<16384xi32, #tpu.memory_space<vmem>>[vector<16xi32>], vector<16xi32>,
      %parallel_loop3A_105 = arith.constant 16 : i32
      %parallel_loop3A_106 = arith.muli %parallel_loop3A_62, %parallel_loop3A_105 : i32
      %parallel_loop3A_107 = arith.constant 6 : i32
      %parallel_loop3A_108 = arith.index_cast %parallel_loop3A_107 : i32 to index
      %parallel_loop3A_109 = arith.index_cast %parallel_loop3A_106 : i32 to index
      %parallel_loop3A_110 = tpu.vector_load %arg4[%parallel_loop3A_108, %parallel_loop3A_109] {strides = array<i32>} : memref<8x512xi32, #tpu.memory_space<vmem>>, vector<16xi32>,
      %parallel_loop3A_111 = arith.addi %mul3A_8, %parallel_loop3A_110 : vector<16xi32>
      tpu.vector_store_idx %arg6[%parallel_loop3A_111], %broadcast_in_dim3A_5 {add = true} : memref<16384xi32, #tpu.memory_space<vmem>>[vector<16xi32>], vector<16xi32>,
      %parallel_loop3A_112 = arith.constant 16 : i32
      %parallel_loop3A_113 = arith.muli %parallel_loop3A_62, %parallel_loop3A_112 : i32
      %parallel_loop3A_114 = arith.constant 7 : i32
      %parallel_loop3A_115 = arith.index_cast %parallel_loop3A_114 : i32 to index
      %parallel_loop3A_116 = arith.index_cast %parallel_loop3A_113 : i32 to index
      %parallel_loop3A_117 = tpu.vector_load %arg4[%parallel_loop3A_115, %parallel_loop3A_116] {strides = array<i32>} : memref<8x512xi32, #tpu.memory_space<vmem>>, vector<16xi32>,
      %parallel_loop3A_118 = arith.addi %mul3A_8, %parallel_loop3A_117 : vector<16xi32>
      tpu.vector_store_idx %arg6[%parallel_loop3A_118], %broadcast_in_dim3A_5 {add = true} : memref<16384xi32, #tpu.memory_space<vmem>>[vector<16xi32>], vector<16xi32>,
    } {sc.loop_unroll_factor = 2 : i64, sc.parallel_access}
    %dma_wait3A_26 = arith.constant 0 : i32
    %dma_wait3A_27 = tpu.memref_slice %arg2[%add3A_18, %dma_wait3A_26] : memref<1024x512xi32, #tpu.memory_space<hbm>> -> memref<8x512xi32, #tpu.memory_space<hbm>>
    %dma_wait3A_28 = arith.constant 0 : i32
    %dma_wait3A_29 = tpu.memref_slice %arg2[%add3A_18, %dma_wait3A_28] : memref<1024x512xi32, #tpu.memory_space<hbm>> -> memref<8x512xi32, #tpu.memory_space<hbm>>
    tpu.wait_dma2 semaphore(%arg9 : memref<!tpu.dma_semaphore, #tpu.memory_space<semaphore_mem>>) src(%dma_wait3A_29 : memref<8x512xi32, #tpu.memory_space<hbm>>) dst(%arg5 : memref<8x512xi32, #tpu.memory_space<vmem>>)
    %add3A_30 = arith.constant 16 : i32
    %add3A_31 = arith.addi %mul3A_2, %add3A_30 : i32
    %dma_start3A_32 = arith.constant 0 : i32
    %dma_start3A_33 = tpu.memref_slice %arg2[%add3A_31, %dma_start3A_32] : memref<1024x512xi32, #tpu.memory_space<hbm>> -> memref<8x512xi32, #tpu.memory_space<hbm>>
    %dma_start3A_34 = arith.constant 0 : i32
    %dma_start3A_35 = tpu.memref_slice %arg2[%add3A_31, %dma_start3A_34] : memref<1024x512xi32, #tpu.memory_space<hbm>> -> memref<8x512xi32, #tpu.memory_space<hbm>>
    tpu.enqueue_dma source(%dma_start3A_35 : memref<8x512xi32, #tpu.memory_space<hbm>>) target(%arg4 : memref<8x512xi32, #tpu.memory_space<vmem>>) target_semaphore(%arg8 : memref<!tpu.dma_semaphore, #tpu.memory_space<semaphore_mem>>)
    %parallel_loop3A_36 = arith.constant 0 : i32
    %parallel_loop3A_37 = arith.constant 32 : i32
    %parallel_loop3A_38 = arith.constant 1 : i32
    scf.for %parallel_loop3A_62 = %parallel_loop3A_36 to %parallel_loop3A_37 step %parallel_loop3A_38  : i32 {
      %parallel_loop3A_63 = arith.constant 16 : i32
      %parallel_loop3A_64 = arith.muli %parallel_loop3A_62, %parallel_loop3A_63 : i32
      %parallel_loop3A_65 = arith.constant 0 : i32
      %parallel_loop3A_66 = arith.index_cast %parallel_loop3A_65 : i32 to index
      %parallel_loop3A_67 = arith.index_cast %parallel_loop3A_64 : i32 to index
      %parallel_loop3A_68 = tpu.vector_load %arg5[%parallel_loop3A_66, %parallel_loop3A_67] {strides = array<i32>} : memref<8x512xi32, #tpu.memory_space<vmem>>, vector<16xi32>,
      %parallel_loop3A_69 = arith.addi %mul3A_8, %parallel_loop3A_68 : vector<16xi32>
      tpu.vector_store_idx %arg6[%parallel_loop3A_69], %broadcast_in_dim3A_5 {add = true} : memref<16384xi32, #tpu.memory_space<vmem>>[vector<16xi32>], vector<16xi32>,
      %parallel_loop3A_70 = arith.constant 16 : i32
      %parallel_loop3A_71 = arith.muli %parallel_loop3A_62, %parallel_loop3A_70 : i32
      %parallel_loop3A_72 = arith.constant 1 : i32
      %parallel_loop3A_73 = arith.index_cast %parallel_loop3A_72 : i32 to index
      %parallel_loop3A_74 = arith.index_cast %parallel_loop3A_71 : i32 to index
      %parallel_loop3A_75 = tpu.vector_load %arg5[%parallel_loop3A_73, %parallel_loop3A_74] {strides = array<i32>} : memref<8x512xi32, #tpu.memory_space<vmem>>, vector<16xi32>,
      %parallel_loop3A_76 = arith.addi %mul3A_8, %parallel_loop3A_75 : vector<16xi32>
      tpu.vector_store_idx %arg6[%parallel_loop3A_76], %broadcast_in_dim3A_5 {add = true} : memref<16384xi32, #tpu.memory_space<vmem>>[vector<16xi32>], vector<16xi32>,
      %parallel_loop3A_77 = arith.constant 16 : i32
      %parallel_loop3A_78 = arith.muli %parallel_loop3A_62, %parallel_loop3A_77 : i32
      %parallel_loop3A_79 = arith.constant 2 : i32
      %parallel_loop3A_80 = arith.index_cast %parallel_loop3A_79 : i32 to index
      %parallel_loop3A_81 = arith.index_cast %parallel_loop3A_78 : i32 to index
      %parallel_loop3A_82 = tpu.vector_load %arg5[%parallel_loop3A_80, %parallel_loop3A_81] {strides = array<i32>} : memref<8x512xi32, #tpu.memory_space<vmem>>, vector<16xi32>,
      %parallel_loop3A_83 = arith.addi %mul3A_8, %parallel_loop3A_82 : vector<16xi32>
      tpu.vector_store_idx %arg6[%parallel_loop3A_83], %broadcast_in_dim3A_5 {add = true} : memref<16384xi32, #tpu.memory_space<vmem>>[vector<16xi32>], vector<16xi32>,
      %parallel_loop3A_84 = arith.constant 16 : i32
      %parallel_loop3A_85 = arith.muli %parallel_loop3A_62, %parallel_loop3A_84 : i32
      %parallel_loop3A_86 = arith.constant 3 : i32
      %parallel_loop3A_87 = arith.index_cast %parallel_loop3A_86 : i32 to index
      %parallel_loop3A_88 = arith.index_cast %parallel_loop3A_85 : i32 to index
      %parallel_loop3A_89 = tpu.vector_load %arg5[%parallel_loop3A_87, %parallel_loop3A_88] {strides = array<i32>} : memref<8x512xi32, #tpu.memory_space<vmem>>, vector<16xi32>,
      %parallel_loop3A_90 = arith.addi %mul3A_8, %parallel_loop3A_89 : vector<16xi32>
      tpu.vector_store_idx %arg6[%parallel_loop3A_90], %broadcast_in_dim3A_5 {add = true} : memref<16384xi32, #tpu.memory_space<vmem>>[vector<16xi32>], vector<16xi32>,
      %parallel_loop3A_91 = arith.constant 16 : i32
      %parallel_loop3A_92 = arith.muli %parallel_loop3A_62, %parallel_loop3A_91 : i32
      %parallel_loop3A_93 = arith.constant 4 : i32
      %parallel_loop3A_94 = arith.index_cast %parallel_loop3A_93 : i32 to index
      %parallel_loop3A_95 = arith.index_cast %parallel_loop3A_92 : i32 to index
      %parallel_loop3A_96 = tpu.vector_load %arg5[%parallel_loop3A_94, %parallel_loop3A_95] {strides = array<i32>} : memref<8x512xi32, #tpu.memory_space<vmem>>, vector<16xi32>,
      %parallel_loop3A_97 = arith.addi %mul3A_8, %parallel_loop3A_96 : vector<16xi32>
      tpu.vector_store_idx %arg6[%parallel_loop3A_97], %broadcast_in_dim3A_5 {add = true} : memref<16384xi32, #tpu.memory_space<vmem>>[vector<16xi32>], vector<16xi32>,
      %parallel_loop3A_98 = arith.constant 16 : i32
      %parallel_loop3A_99 = arith.muli %parallel_loop3A_62, %parallel_loop3A_98 : i32
      %parallel_loop3A_100 = arith.constant 5 : i32
      %parallel_loop3A_101 = arith.index_cast %parallel_loop3A_100 : i32 to index
      %parallel_loop3A_102 = arith.index_cast %parallel_loop3A_99 : i32 to index
      %parallel_loop3A_103 = tpu.vector_load %arg5[%parallel_loop3A_101, %parallel_loop3A_102] {strides = array<i32>} : memref<8x512xi32, #tpu.memory_space<vmem>>, vector<16xi32>,
      %parallel_loop3A_104 = arith.addi %mul3A_8, %parallel_loop3A_103 : vector<16xi32>
      tpu.vector_store_idx %arg6[%parallel_loop3A_104], %broadcast_in_dim3A_5 {add = true} : memref<16384xi32, #tpu.memory_space<vmem>>[vector<16xi32>], vector<16xi32>,
      %parallel_loop3A_105 = arith.constant 16 : i32
      %parallel_loop3A_106 = arith.muli %parallel_loop3A_62, %parallel_loop3A_105 : i32
      %parallel_loop3A_107 = arith.constant 6 : i32
      %parallel_loop3A_108 = arith.index_cast %parallel_loop3A_107 : i32 to index
      %parallel_loop3A_109 = arith.index_cast %parallel_loop3A_106 : i32 to index
      %parallel_loop3A_110 = tpu.vector_load %arg5[%parallel_loop3A_108, %parallel_loop3A_109] {strides = array<i32>} : memref<8x512xi32, #tpu.memory_space<vmem>>, vector<16xi32>,
      %parallel_loop3A_111 = arith.addi %mul3A_8, %parallel_loop3A_110 : vector<16xi32>
      tpu.vector_store_idx %arg6[%parallel_loop3A_111], %broadcast_in_dim3A_5 {add = true} : memref<16384xi32, #tpu.memory_space<vmem>>[vector<16xi32>], vector<16xi32>,
      %parallel_loop3A_112 = arith.constant 16 : i32
      %parallel_loop3A_113 = arith.muli %parallel_loop3A_62, %parallel_loop3A_112 : i32
      %parallel_loop3A_114 = arith.constant 7 : i32
      %parallel_loop3A_115 = arith.index_cast %parallel_loop3A_114 : i32 to index
      %parallel_loop3A_116 = arith.index_cast %parallel_loop3A_113 : i32 to index
      %parallel_loop3A_117 = tpu.vector_load %arg5[%parallel_loop3A_115, %parallel_loop3A_116] {strides = array<i32>} : memref<8x512xi32, #tpu.memory_space<vmem>>, vector<16xi32>,
      %parallel_loop3A_118 = arith.addi %mul3A_8, %parallel_loop3A_117 : vector<16xi32>
      tpu.vector_store_idx %arg6[%parallel_loop3A_118], %broadcast_in_dim3A_5 {add = true} : memref<16384xi32, #tpu.memory_space<vmem>>[vector<16xi32>], vector<16xi32>,
    } {sc.loop_unroll_factor = 2 : i64, sc.parallel_access}
    %dma_wait3A_39 = arith.constant 0 : i32
    %dma_wait3A_40 = tpu.memref_slice %arg2[%add3A_31, %dma_wait3A_39] : memref<1024x512xi32, #tpu.memory_space<hbm>> -> memref<8x512xi32, #tpu.memory_space<hbm>>
    %dma_wait3A_41 = arith.constant 0 : i32
    %dma_wait3A_42 = tpu.memref_slice %arg2[%add3A_31, %dma_wait3A_41] : memref<1024x512xi32, #tpu.memory_space<hbm>> -> memref<8x512xi32, #tpu.memory_space<hbm>>
    tpu.wait_dma2 semaphore(%arg8 : memref<!tpu.dma_semaphore, #tpu.memory_space<semaphore_mem>>) src(%dma_wait3A_42 : memref<8x512xi32, #tpu.memory_space<hbm>>) dst(%arg4 : memref<8x512xi32, #tpu.memory_space<vmem>>)
    %add3A_43 = arith.constant 24 : i32
    %add3A_44 = arith.addi %mul3A_2, %add3A_43 : i32
    %dma_start3A_45 = arith.constant 0 : i32
    %dma_start3A_46 = tpu.memref_slice %arg2[%add3A_44, %dma_start3A_45] : memref<1024x512xi32, #tpu.memory_space<hbm>> -> memref<8x512xi32, #tpu.memory_space<hbm>>
    %dma_start3A_47 = arith.constant 0 : i32
    %dma_start3A_48 = tpu.memref_slice %arg2[%add3A_44, %dma_start3A_47] : memref<1024x512xi32, #tpu.memory_space<hbm>> -> memref<8x512xi32, #tpu.memory_space<hbm>>
    tpu.enqueue_dma source(%dma_start3A_48 : memref<8x512xi32, #tpu.memory_space<hbm>>) target(%arg5 : memref<8x512xi32, #tpu.memory_space<vmem>>) target_semaphore(%arg9 : memref<!tpu.dma_semaphore, #tpu.memory_space<semaphore_mem>>)
    %parallel_loop3A_49 = arith.constant 0 : i32
    %parallel_loop3A_50 = arith.constant 32 : i32
    %parallel_loop3A_51 = arith.constant 1 : i32
    scf.for %parallel_loop3A_62 = %parallel_loop3A_49 to %parallel_loop3A_50 step %parallel_loop3A_51  : i32 {
      %parallel_loop3A_63 = arith.constant 16 : i32
      %parallel_loop3A_64 = arith.muli %parallel_loop3A_62, %parallel_loop3A_63 : i32
      %parallel_loop3A_65 = arith.constant 0 : i32
      %parallel_loop3A_66 = arith.index_cast %parallel_loop3A_65 : i32 to index
      %parallel_loop3A_67 = arith.index_cast %parallel_loop3A_64 : i32 to index
      %parallel_loop3A_68 = tpu.vector_load %arg4[%parallel_loop3A_66, %parallel_loop3A_67] {strides = array<i32>} : memref<8x512xi32, #tpu.memory_space<vmem>>, vector<16xi32>,
      %parallel_loop3A_69 = arith.addi %mul3A_8, %parallel_loop3A_68 : vector<16xi32>
      tpu.vector_store_idx %arg6[%parallel_loop3A_69], %broadcast_in_dim3A_5 {add = true} : memref<16384xi32, #tpu.memory_space<vmem>>[vector<16xi32>], vector<16xi32>,
      %parallel_loop3A_70 = arith.constant 16 : i32
      %parallel_loop3A_71 = arith.muli %parallel_loop3A_62, %parallel_loop3A_70 : i32
      %parallel_loop3A_72 = arith.constant 1 : i32
      %parallel_loop3A_73 = arith.index_cast %parallel_loop3A_72 : i32 to index
      %parallel_loop3A_74 = arith.index_cast %parallel_loop3A_71 : i32 to index
      %parallel_loop3A_75 = tpu.vector_load %arg4[%parallel_loop3A_73, %parallel_loop3A_74] {strides = array<i32>} : memref<8x512xi32, #tpu.memory_space<vmem>>, vector<16xi32>,
      %parallel_loop3A_76 = arith.addi %mul3A_8, %parallel_loop3A_75 : vector<16xi32>
      tpu.vector_store_idx %arg6[%parallel_loop3A_76], %broadcast_in_dim3A_5 {add = true} : memref<16384xi32, #tpu.memory_space<vmem>>[vector<16xi32>], vector<16xi32>,
      %parallel_loop3A_77 = arith.constant 16 : i32
      %parallel_loop3A_78 = arith.muli %parallel_loop3A_62, %parallel_loop3A_77 : i32
      %parallel_loop3A_79 = arith.constant 2 : i32
      %parallel_loop3A_80 = arith.index_cast %parallel_loop3A_79 : i32 to index
      %parallel_loop3A_81 = arith.index_cast %parallel_loop3A_78 : i32 to index
      %parallel_loop3A_82 = tpu.vector_load %arg4[%parallel_loop3A_80, %parallel_loop3A_81] {strides = array<i32>} : memref<8x512xi32, #tpu.memory_space<vmem>>, vector<16xi32>,
      %parallel_loop3A_83 = arith.addi %mul3A_8, %parallel_loop3A_82 : vector<16xi32>
      tpu.vector_store_idx %arg6[%parallel_loop3A_83], %broadcast_in_dim3A_5 {add = true} : memref<16384xi32, #tpu.memory_space<vmem>>[vector<16xi32>], vector<16xi32>,
      %parallel_loop3A_84 = arith.constant 16 : i32
      %parallel_loop3A_85 = arith.muli %parallel_loop3A_62, %parallel_loop3A_84 : i32
      %parallel_loop3A_86 = arith.constant 3 : i32
      %parallel_loop3A_87 = arith.index_cast %parallel_loop3A_86 : i32 to index
      %parallel_loop3A_88 = arith.index_cast %parallel_loop3A_85 : i32 to index
      %parallel_loop3A_89 = tpu.vector_load %arg4[%parallel_loop3A_87, %parallel_loop3A_88] {strides = array<i32>} : memref<8x512xi32, #tpu.memory_space<vmem>>, vector<16xi32>,
      %parallel_loop3A_90 = arith.addi %mul3A_8, %parallel_loop3A_89 : vector<16xi32>
      tpu.vector_store_idx %arg6[%parallel_loop3A_90], %broadcast_in_dim3A_5 {add = true} : memref<16384xi32, #tpu.memory_space<vmem>>[vector<16xi32>], vector<16xi32>,
      %parallel_loop3A_91 = arith.constant 16 : i32
      %parallel_loop3A_92 = arith.muli %parallel_loop3A_62, %parallel_loop3A_91 : i32
      %parallel_loop3A_93 = arith.constant 4 : i32
      %parallel_loop3A_94 = arith.index_cast %parallel_loop3A_93 : i32 to index
      %parallel_loop3A_95 = arith.index_cast %parallel_loop3A_92 : i32 to index
      %parallel_loop3A_96 = tpu.vector_load %arg4[%parallel_loop3A_94, %parallel_loop3A_95] {strides = array<i32>} : memref<8x512xi32, #tpu.memory_space<vmem>>, vector<16xi32>,
      %parallel_loop3A_97 = arith.addi %mul3A_8, %parallel_loop3A_96 : vector<16xi32>
      tpu.vector_store_idx %arg6[%parallel_loop3A_97], %broadcast_in_dim3A_5 {add = true} : memref<16384xi32, #tpu.memory_space<vmem>>[vector<16xi32>], vector<16xi32>,
      %parallel_loop3A_98 = arith.constant 16 : i32
      %parallel_loop3A_99 = arith.muli %parallel_loop3A_62, %parallel_loop3A_98 : i32
      %parallel_loop3A_100 = arith.constant 5 : i32
      %parallel_loop3A_101 = arith.index_cast %parallel_loop3A_100 : i32 to index
      %parallel_loop3A_102 = arith.index_cast %parallel_loop3A_99 : i32 to index
      %parallel_loop3A_103 = tpu.vector_load %arg4[%parallel_loop3A_101, %parallel_loop3A_102] {strides = array<i32>} : memref<8x512xi32, #tpu.memory_space<vmem>>, vector<16xi32>,
      %parallel_loop3A_104 = arith.addi %mul3A_8, %parallel_loop3A_103 : vector<16xi32>
      tpu.vector_store_idx %arg6[%parallel_loop3A_104], %broadcast_in_dim3A_5 {add = true} : memref<16384xi32, #tpu.memory_space<vmem>>[vector<16xi32>], vector<16xi32>,
      %parallel_loop3A_105 = arith.constant 16 : i32
      %parallel_loop3A_106 = arith.muli %parallel_loop3A_62, %parallel_loop3A_105 : i32
      %parallel_loop3A_107 = arith.constant 6 : i32
      %parallel_loop3A_108 = arith.index_cast %parallel_loop3A_107 : i32 to index
      %parallel_loop3A_109 = arith.index_cast %parallel_loop3A_106 : i32 to index
      %parallel_loop3A_110 = tpu.vector_load %arg4[%parallel_loop3A_108, %parallel_loop3A_109] {strides = array<i32>} : memref<8x512xi32, #tpu.memory_space<vmem>>, vector<16xi32>,
      %parallel_loop3A_111 = arith.addi %mul3A_8, %parallel_loop3A_110 : vector<16xi32>
      tpu.vector_store_idx %arg6[%parallel_loop3A_111], %broadcast_in_dim3A_5 {add = true} : memref<16384xi32, #tpu.memory_space<vmem>>[vector<16xi32>], vector<16xi32>,
      %parallel_loop3A_112 = arith.constant 16 : i32
      %parallel_loop3A_113 = arith.muli %parallel_loop3A_62, %parallel_loop3A_112 : i32
      %parallel_loop3A_114 = arith.constant 7 : i32
      %parallel_loop3A_115 = arith.index_cast %parallel_loop3A_114 : i32 to index
      %parallel_loop3A_116 = arith.index_cast %parallel_loop3A_113 : i32 to index
      %parallel_loop3A_117 = tpu.vector_load %arg4[%parallel_loop3A_115, %parallel_loop3A_116] {strides = array<i32>} : memref<8x512xi32, #tpu.memory_space<vmem>>, vector<16xi32>,
      %parallel_loop3A_118 = arith.addi %mul3A_8, %parallel_loop3A_117 : vector<16xi32>
      tpu.vector_store_idx %arg6[%parallel_loop3A_118], %broadcast_in_dim3A_5 {add = true} : memref<16384xi32, #tpu.memory_space<vmem>>[vector<16xi32>], vector<16xi32>,
    } {sc.loop_unroll_factor = 2 : i64, sc.parallel_access}
    %dma_wait3A_52 = arith.constant 0 : i32
    %dma_wait3A_53 = tpu.memref_slice %arg2[%add3A_44, %dma_wait3A_52] : memref<1024x512xi32, #tpu.memory_space<hbm>> -> memref<8x512xi32, #tpu.memory_space<hbm>>
    %dma_wait3A_54 = arith.constant 0 : i32
    %dma_wait3A_55 = tpu.memref_slice %arg2[%add3A_44, %dma_wait3A_54] : memref<1024x512xi32, #tpu.memory_space<hbm>> -> memref<8x512xi32, #tpu.memory_space<hbm>>
    tpu.wait_dma2 semaphore(%arg9 : memref<!tpu.dma_semaphore, #tpu.memory_space<semaphore_mem>>) src(%dma_wait3A_55 : memref<8x512xi32, #tpu.memory_space<hbm>>) dst(%arg5 : memref<8x512xi32, #tpu.memory_space<vmem>>)
    %parallel_loop3A_56 = arith.constant 0 : i32
    %parallel_loop3A_57 = arith.constant 32 : i32
    %parallel_loop3A_58 = arith.constant 1 : i32
    scf.for %parallel_loop3A_62 = %parallel_loop3A_56 to %parallel_loop3A_57 step %parallel_loop3A_58  : i32 {
      %parallel_loop3A_63 = arith.constant 16 : i32
      %parallel_loop3A_64 = arith.muli %parallel_loop3A_62, %parallel_loop3A_63 : i32
      %parallel_loop3A_65 = arith.constant 0 : i32
      %parallel_loop3A_66 = arith.index_cast %parallel_loop3A_65 : i32 to index
      %parallel_loop3A_67 = arith.index_cast %parallel_loop3A_64 : i32 to index
      %parallel_loop3A_68 = tpu.vector_load %arg5[%parallel_loop3A_66, %parallel_loop3A_67] {strides = array<i32>} : memref<8x512xi32, #tpu.memory_space<vmem>>, vector<16xi32>,
      %parallel_loop3A_69 = arith.addi %mul3A_8, %parallel_loop3A_68 : vector<16xi32>
      tpu.vector_store_idx %arg6[%parallel_loop3A_69], %broadcast_in_dim3A_5 {add = true} : memref<16384xi32, #tpu.memory_space<vmem>>[vector<16xi32>], vector<16xi32>,
      %parallel_loop3A_70 = arith.constant 16 : i32
      %parallel_loop3A_71 = arith.muli %parallel_loop3A_62, %parallel_loop3A_70 : i32
      %parallel_loop3A_72 = arith.constant 1 : i32
      %parallel_loop3A_73 = arith.index_cast %parallel_loop3A_72 : i32 to index
      %parallel_loop3A_74 = arith.index_cast %parallel_loop3A_71 : i32 to index
      %parallel_loop3A_75 = tpu.vector_load %arg5[%parallel_loop3A_73, %parallel_loop3A_74] {strides = array<i32>} : memref<8x512xi32, #tpu.memory_space<vmem>>, vector<16xi32>,
      %parallel_loop3A_76 = arith.addi %mul3A_8, %parallel_loop3A_75 : vector<16xi32>
      tpu.vector_store_idx %arg6[%parallel_loop3A_76], %broadcast_in_dim3A_5 {add = true} : memref<16384xi32, #tpu.memory_space<vmem>>[vector<16xi32>], vector<16xi32>,
      %parallel_loop3A_77 = arith.constant 16 : i32
      %parallel_loop3A_78 = arith.muli %parallel_loop3A_62, %parallel_loop3A_77 : i32
      %parallel_loop3A_79 = arith.constant 2 : i32
      %parallel_loop3A_80 = arith.index_cast %parallel_loop3A_79 : i32 to index
      %parallel_loop3A_81 = arith.index_cast %parallel_loop3A_78 : i32 to index
      %parallel_loop3A_82 = tpu.vector_load %arg5[%parallel_loop3A_80, %parallel_loop3A_81] {strides = array<i32>} : memref<8x512xi32, #tpu.memory_space<vmem>>, vector<16xi32>,
      %parallel_loop3A_83 = arith.addi %mul3A_8, %parallel_loop3A_82 : vector<16xi32>
      tpu.vector_store_idx %arg6[%parallel_loop3A_83], %broadcast_in_dim3A_5 {add = true} : memref<16384xi32, #tpu.memory_space<vmem>>[vector<16xi32>], vector<16xi32>,
      %parallel_loop3A_84 = arith.constant 16 : i32
      %parallel_loop3A_85 = arith.muli %parallel_loop3A_62, %parallel_loop3A_84 : i32
      %parallel_loop3A_86 = arith.constant 3 : i32
      %parallel_loop3A_87 = arith.index_cast %parallel_loop3A_86 : i32 to index
      %parallel_loop3A_88 = arith.index_cast %parallel_loop3A_85 : i32 to index
      %parallel_loop3A_89 = tpu.vector_load %arg5[%parallel_loop3A_87, %parallel_loop3A_88] {strides = array<i32>} : memref<8x512xi32, #tpu.memory_space<vmem>>, vector<16xi32>,
      %parallel_loop3A_90 = arith.addi %mul3A_8, %parallel_loop3A_89 : vector<16xi32>
      tpu.vector_store_idx %arg6[%parallel_loop3A_90], %broadcast_in_dim3A_5 {add = true} : memref<16384xi32, #tpu.memory_space<vmem>>[vector<16xi32>], vector<16xi32>,
      %parallel_loop3A_91 = arith.constant 16 : i32
      %parallel_loop3A_92 = arith.muli %parallel_loop3A_62, %parallel_loop3A_91 : i32
      %parallel_loop3A_93 = arith.constant 4 : i32
      %parallel_loop3A_94 = arith.index_cast %parallel_loop3A_93 : i32 to index
      %parallel_loop3A_95 = arith.index_cast %parallel_loop3A_92 : i32 to index
      %parallel_loop3A_96 = tpu.vector_load %arg5[%parallel_loop3A_94, %parallel_loop3A_95] {strides = array<i32>} : memref<8x512xi32, #tpu.memory_space<vmem>>, vector<16xi32>,
      %parallel_loop3A_97 = arith.addi %mul3A_8, %parallel_loop3A_96 : vector<16xi32>
      tpu.vector_store_idx %arg6[%parallel_loop3A_97], %broadcast_in_dim3A_5 {add = true} : memref<16384xi32, #tpu.memory_space<vmem>>[vector<16xi32>], vector<16xi32>,
      %parallel_loop3A_98 = arith.constant 16 : i32
      %parallel_loop3A_99 = arith.muli %parallel_loop3A_62, %parallel_loop3A_98 : i32
      %parallel_loop3A_100 = arith.constant 5 : i32
      %parallel_loop3A_101 = arith.index_cast %parallel_loop3A_100 : i32 to index
      %parallel_loop3A_102 = arith.index_cast %parallel_loop3A_99 : i32 to index
      %parallel_loop3A_103 = tpu.vector_load %arg5[%parallel_loop3A_101, %parallel_loop3A_102] {strides = array<i32>} : memref<8x512xi32, #tpu.memory_space<vmem>>, vector<16xi32>,
      %parallel_loop3A_104 = arith.addi %mul3A_8, %parallel_loop3A_103 : vector<16xi32>
      tpu.vector_store_idx %arg6[%parallel_loop3A_104], %broadcast_in_dim3A_5 {add = true} : memref<16384xi32, #tpu.memory_space<vmem>>[vector<16xi32>], vector<16xi32>,
      %parallel_loop3A_105 = arith.constant 16 : i32
      %parallel_loop3A_106 = arith.muli %parallel_loop3A_62, %parallel_loop3A_105 : i32
      %parallel_loop3A_107 = arith.constant 6 : i32
      %parallel_loop3A_108 = arith.index_cast %parallel_loop3A_107 : i32 to index
      %parallel_loop3A_109 = arith.index_cast %parallel_loop3A_106 : i32 to index
      %parallel_loop3A_110 = tpu.vector_load %arg5[%parallel_loop3A_108, %parallel_loop3A_109] {strides = array<i32>} : memref<8x512xi32, #tpu.memory_space<vmem>>, vector<16xi32>,
      %parallel_loop3A_111 = arith.addi %mul3A_8, %parallel_loop3A_110 : vector<16xi32>
      tpu.vector_store_idx %arg6[%parallel_loop3A_111], %broadcast_in_dim3A_5 {add = true} : memref<16384xi32, #tpu.memory_space<vmem>>[vector<16xi32>], vector<16xi32>,
      %parallel_loop3A_112 = arith.constant 16 : i32
      %parallel_loop3A_113 = arith.muli %parallel_loop3A_62, %parallel_loop3A_112 : i32
      %parallel_loop3A_114 = arith.constant 7 : i32
      %parallel_loop3A_115 = arith.index_cast %parallel_loop3A_114 : i32 to index
      %parallel_loop3A_116 = arith.index_cast %parallel_loop3A_113 : i32 to index
      %parallel_loop3A_117 = tpu.vector_load %arg5[%parallel_loop3A_115, %parallel_loop3A_116] {strides = array<i32>} : memref<8x512xi32, #tpu.memory_space<vmem>>, vector<16xi32>,
      %parallel_loop3A_118 = arith.addi %mul3A_8, %parallel_loop3A_117 : vector<16xi32>
      tpu.vector_store_idx %arg6[%parallel_loop3A_118], %broadcast_in_dim3A_5 {add = true} : memref<16384xi32, #tpu.memory_space<vmem>>[vector<16xi32>], vector<16xi32>,
    } {sc.loop_unroll_factor = 2 : i64, sc.parallel_access}
    %parallel_loop3A_59 = arith.constant 0 : i32
    %parallel_loop3A_60 = arith.constant 64 : i32
    %parallel_loop3A_61 = arith.constant 1 : i32
    scf.for %parallel_loop3A_62 = %parallel_loop3A_59 to %parallel_loop3A_60 step %parallel_loop3A_61  : i32 {
      %parallel_loop3A_63 = arith.constant 16 : i32
      %parallel_loop3A_64 = arith.muli %parallel_loop3A_62, %parallel_loop3A_63 : i32
      %parallel_loop3A_65 = arith.index_cast %parallel_loop3A_64 : i32 to index
      %parallel_loop3A_66 = tpu.vector_load %arg6[%parallel_loop3A_65] {strides = array<i32>} : memref<16384xi32, #tpu.memory_space<vmem>>, vector<16xi32>,
      %parallel_loop3A_67 = arith.constant 16 : i32
      %parallel_loop3A_68 = arith.muli %parallel_loop3A_62, %parallel_loop3A_67 : i32
      %parallel_loop3A_69 = arith.constant 1024 : i32
      %parallel_loop3A_70 = arith.addi %parallel_loop3A_69, %parallel_loop3A_68 : i32
      %parallel_loop3A_71 = arith.index_cast %parallel_loop3A_70 : i32 to index
      %parallel_loop3A_72 = tpu.vector_load %arg6[%parallel_loop3A_71] {strides = array<i32>} : memref<16384xi32, #tpu.memory_space<vmem>>, vector<16xi32>,
      %parallel_loop3A_73 = arith.addi %parallel_loop3A_66, %parallel_loop3A_72 : vector<16xi32>
      %parallel_loop3A_74 = arith.constant 16 : i32
      %parallel_loop3A_75 = arith.muli %parallel_loop3A_62, %parallel_loop3A_74 : i32
      %parallel_loop3A_76 = arith.constant 2048 : i32
      %parallel_loop3A_77 = arith.addi %parallel_loop3A_76, %parallel_loop3A_75 : i32
      %parallel_loop3A_78 = arith.index_cast %parallel_loop3A_77 : i32 to index
      %parallel_loop3A_79 = tpu.vector_load %arg6[%parallel_loop3A_78] {strides = array<i32>} : memref<16384xi32, #tpu.memory_space<vmem>>, vector<16xi32>,
      %parallel_loop3A_80 = arith.addi %parallel_loop3A_73, %parallel_loop3A_79 : vector<16xi32>
      %parallel_loop3A_81 = arith.constant 16 : i32
      %parallel_loop3A_82 = arith.muli %parallel_loop3A_62, %parallel_loop3A_81 : i32
      %parallel_loop3A_83 = arith.constant 3072 : i32
      %parallel_loop3A_84 = arith.addi %parallel_loop3A_83, %parallel_loop3A_82 : i32
      %parallel_loop3A_85 = arith.index_cast %parallel_loop3A_84 : i32 to index
      %parallel_loop3A_86 = tpu.vector_load %arg6[%parallel_loop3A_85] {strides = array<i32>} : memref<16384xi32, #tpu.memory_space<vmem>>, vector<16xi32>,
      %parallel_loop3A_87 = arith.addi %parallel_loop3A_80, %parallel_loop3A_86 : vector<16xi32>
      %parallel_loop3A_88 = arith.constant 16 : i32
      %parallel_loop3A_89 = arith.muli %parallel_loop3A_62, %parallel_loop3A_88 : i32
      %parallel_loop3A_90 = arith.constant 4096 : i32
      %parallel_loop3A_91 = arith.addi %parallel_loop3A_90, %parallel_loop3A_89 : i32
      %parallel_loop3A_92 = arith.index_cast %parallel_loop3A_91 : i32 to index
      %parallel_loop3A_93 = tpu.vector_load %arg6[%parallel_loop3A_92] {strides = array<i32>} : memref<16384xi32, #tpu.memory_space<vmem>>, vector<16xi32>,
      %parallel_loop3A_94 = arith.addi %parallel_loop3A_87, %parallel_loop3A_93 : vector<16xi32>
      %parallel_loop3A_95 = arith.constant 16 : i32
      %parallel_loop3A_96 = arith.muli %parallel_loop3A_62, %parallel_loop3A_95 : i32
      %parallel_loop3A_97 = arith.constant 5120 : i32
      %parallel_loop3A_98 = arith.addi %parallel_loop3A_97, %parallel_loop3A_96 : i32
      %parallel_loop3A_99 = arith.index_cast %parallel_loop3A_98 : i32 to index
      %parallel_loop3A_100 = tpu.vector_load %arg6[%parallel_loop3A_99] {strides = array<i32>} : memref<16384xi32, #tpu.memory_space<vmem>>, vector<16xi32>,
      %parallel_loop3A_101 = arith.addi %parallel_loop3A_94, %parallel_loop3A_100 : vector<16xi32>
      %parallel_loop3A_102 = arith.constant 16 : i32
      %parallel_loop3A_103 = arith.muli %parallel_loop3A_62, %parallel_loop3A_102 : i32
      %parallel_loop3A_104 = arith.constant 6144 : i32
      %parallel_loop3A_105 = arith.addi %parallel_loop3A_104, %parallel_loop3A_103 : i32
      %parallel_loop3A_106 = arith.index_cast %parallel_loop3A_105 : i32 to index
      %parallel_loop3A_107 = tpu.vector_load %arg6[%parallel_loop3A_106] {strides = array<i32>} : memref<16384xi32, #tpu.memory_space<vmem>>, vector<16xi32>,
      %parallel_loop3A_108 = arith.addi %parallel_loop3A_101, %parallel_loop3A_107 : vector<16xi32>
      %parallel_loop3A_109 = arith.constant 16 : i32
      %parallel_loop3A_110 = arith.muli %parallel_loop3A_62, %parallel_loop3A_109 : i32
      %parallel_loop3A_111 = arith.constant 7168 : i32
      %parallel_loop3A_112 = arith.addi %parallel_loop3A_111, %parallel_loop3A_110 : i32
      %parallel_loop3A_113 = arith.index_cast %parallel_loop3A_112 : i32 to index
      %parallel_loop3A_114 = tpu.vector_load %arg6[%parallel_loop3A_113] {strides = array<i32>} : memref<16384xi32, #tpu.memory_space<vmem>>, vector<16xi32>,
      %parallel_loop3A_115 = arith.addi %parallel_loop3A_108, %parallel_loop3A_114 : vector<16xi32>
      %parallel_loop3A_116 = arith.constant 16 : i32
      %parallel_loop3A_117 = arith.muli %parallel_loop3A_62, %parallel_loop3A_116 : i32
      %parallel_loop3A_118 = arith.constant 8192 : i32
      %parallel_loop3A_119 = arith.addi %parallel_loop3A_118, %parallel_loop3A_117 : i32
      %parallel_loop3A_120 = arith.index_cast %parallel_loop3A_119 : i32 to index
      %parallel_loop3A_121 = tpu.vector_load %arg6[%parallel_loop3A_120] {strides = array<i32>} : memref<16384xi32, #tpu.memory_space<vmem>>, vector<16xi32>,
      %parallel_loop3A_122 = arith.addi %parallel_loop3A_115, %parallel_loop3A_121 : vector<16xi32>
      %parallel_loop3A_123 = arith.constant 16 : i32
      %parallel_loop3A_124 = arith.muli %parallel_loop3A_62, %parallel_loop3A_123 : i32
      %parallel_loop3A_125 = arith.constant 9216 : i32
      %parallel_loop3A_126 = arith.addi %parallel_loop3A_125, %parallel_loop3A_124 : i32
      %parallel_loop3A_127 = arith.index_cast %parallel_loop3A_126 : i32 to index
      %parallel_loop3A_128 = tpu.vector_load %arg6[%parallel_loop3A_127] {strides = array<i32>} : memref<16384xi32, #tpu.memory_space<vmem>>, vector<16xi32>,
      %parallel_loop3A_129 = arith.addi %parallel_loop3A_122, %parallel_loop3A_128 : vector<16xi32>
      %parallel_loop3A_130 = arith.constant 16 : i32
      %parallel_loop3A_131 = arith.muli %parallel_loop3A_62, %parallel_loop3A_130 : i32
      %parallel_loop3A_132 = arith.constant 10240 : i32
      %parallel_loop3A_133 = arith.addi %parallel_loop3A_132, %parallel_loop3A_131 : i32
      %parallel_loop3A_134 = arith.index_cast %parallel_loop3A_133 : i32 to index
      %parallel_loop3A_135 = tpu.vector_load %arg6[%parallel_loop3A_134] {strides = array<i32>} : memref<16384xi32, #tpu.memory_space<vmem>>, vector<16xi32>,
      %parallel_loop3A_136 = arith.addi %parallel_loop3A_129, %parallel_loop3A_135 : vector<16xi32>
      %parallel_loop3A_137 = arith.constant 16 : i32
      %parallel_loop3A_138 = arith.muli %parallel_loop3A_62, %parallel_loop3A_137 : i32
      %parallel_loop3A_139 = arith.constant 11264 : i32
      %parallel_loop3A_140 = arith.addi %parallel_loop3A_139, %parallel_loop3A_138 : i32
      %parallel_loop3A_141 = arith.index_cast %parallel_loop3A_140 : i32 to index
      %parallel_loop3A_142 = tpu.vector_load %arg6[%parallel_loop3A_141] {strides = array<i32>} : memref<16384xi32, #tpu.memory_space<vmem>>, vector<16xi32>,
      %parallel_loop3A_143 = arith.addi %parallel_loop3A_136, %parallel_loop3A_142 : vector<16xi32>
      %parallel_loop3A_144 = arith.constant 16 : i32
      %parallel_loop3A_145 = arith.muli %parallel_loop3A_62, %parallel_loop3A_144 : i32
      %parallel_loop3A_146 = arith.constant 12288 : i32
      %parallel_loop3A_147 = arith.addi %parallel_loop3A_146, %parallel_loop3A_145 : i32
      %parallel_loop3A_148 = arith.index_cast %parallel_loop3A_147 : i32 to index
      %parallel_loop3A_149 = tpu.vector_load %arg6[%parallel_loop3A_148] {strides = array<i32>} : memref<16384xi32, #tpu.memory_space<vmem>>, vector<16xi32>,
      %parallel_loop3A_150 = arith.addi %parallel_loop3A_143, %parallel_loop3A_149 : vector<16xi32>
      %parallel_loop3A_151 = arith.constant 16 : i32
      %parallel_loop3A_152 = arith.muli %parallel_loop3A_62, %parallel_loop3A_151 : i32
      %parallel_loop3A_153 = arith.constant 13312 : i32
      %parallel_loop3A_154 = arith.addi %parallel_loop3A_153, %parallel_loop3A_152 : i32
      %parallel_loop3A_155 = arith.index_cast %parallel_loop3A_154 : i32 to index
      %parallel_loop3A_156 = tpu.vector_load %arg6[%parallel_loop3A_155] {strides = array<i32>} : memref<16384xi32, #tpu.memory_space<vmem>>, vector<16xi32>,
      %parallel_loop3A_157 = arith.addi %parallel_loop3A_150, %parallel_loop3A_156 : vector<16xi32>
      %parallel_loop3A_158 = arith.constant 16 : i32
      %parallel_loop3A_159 = arith.muli %parallel_loop3A_62, %parallel_loop3A_158 : i32
      %parallel_loop3A_160 = arith.constant 14336 : i32
      %parallel_loop3A_161 = arith.addi %parallel_loop3A_160, %parallel_loop3A_159 : i32
      %parallel_loop3A_162 = arith.index_cast %parallel_loop3A_161 : i32 to index
      %parallel_loop3A_163 = tpu.vector_load %arg6[%parallel_loop3A_162] {strides = array<i32>} : memref<16384xi32, #tpu.memory_space<vmem>>, vector<16xi32>,
      %parallel_loop3A_164 = arith.addi %parallel_loop3A_157, %parallel_loop3A_163 : vector<16xi32>
      %parallel_loop3A_165 = arith.constant 16 : i32
      %parallel_loop3A_166 = arith.muli %parallel_loop3A_62, %parallel_loop3A_165 : i32
      %parallel_loop3A_167 = arith.constant 15360 : i32
      %parallel_loop3A_168 = arith.addi %parallel_loop3A_167, %parallel_loop3A_166 : i32
      %parallel_loop3A_169 = arith.index_cast %parallel_loop3A_168 : i32 to index
      %parallel_loop3A_170 = tpu.vector_load %arg6[%parallel_loop3A_169] {strides = array<i32>} : memref<16384xi32, #tpu.memory_space<vmem>>, vector<16xi32>,
      %parallel_loop3A_171 = arith.addi %parallel_loop3A_164, %parallel_loop3A_170 : vector<16xi32>
      %parallel_loop3A_172 = arith.constant 16 : i32
      %parallel_loop3A_173 = arith.muli %parallel_loop3A_62, %parallel_loop3A_172 : i32
      %parallel_loop3A_174 = arith.index_cast %parallel_loop3A_173 : i32 to index
      %parallel_loop3A_175 = tpu.vector_load %arg7[%parallel_loop3A_174] {strides = array<i32>} : memref<1024xi32, #tpu.memory_space<vmem>>, vector<16xi32>,
      tpu.vector_store %arg7[%parallel_loop3A_174], %parallel_loop3A_171 {strides = array<i32>} : memref<1024xi32, #tpu.memory_space<vmem>>, vector<16xi32>,
    } {sc.loop_unroll_factor = 2 : i64, sc.parallel_access}
    "tpu.region"() ({
      %run_scoped3A = tpu.sem_alloc : memref<!tpu.dma_semaphore, #tpu.memory_space<semaphore_mem>>
      %dma_start3A_62 = arith.constant 0 : i32
      %dma_start3A_63 = tpu.memref_slice %arg3[%add3A, %dma_start3A_62] : memref<32x1024xi32, #tpu.memory_space<hbm>> -> memref<1x1024xi32, #tpu.memory_space<hbm>>
      %dma_start3A_64 = tpu.memref_squeeze %dma_start3A_63 : memref<1x1024xi32, #tpu.memory_space<hbm>> -> memref<1024xi32, #tpu.memory_space<hbm>>
      %dma_start3A_65 = arith.constant 0 : i32
      %dma_start3A_66 = tpu.memref_slice %arg3[%add3A, %dma_start3A_65] : memref<32x1024xi32, #tpu.memory_space<hbm>> -> memref<1x1024xi32, #tpu.memory_space<hbm>>
      %dma_start3A_67 = tpu.memref_squeeze %dma_start3A_66 : memref<1x1024xi32, #tpu.memory_space<hbm>> -> memref<1024xi32, #tpu.memory_space<hbm>>
      tpu.enqueue_dma source(%arg7 : memref<1024xi32, #tpu.memory_space<vmem>>) target(%dma_start3A_67 : memref<1024xi32, #tpu.memory_space<hbm>>) target_semaphore(%run_scoped3A : memref<!tpu.dma_semaphore, #tpu.memory_space<semaphore_mem>>)
      %dma_wait3A_68 = arith.constant 0 : i32
      %dma_wait3A_69 = tpu.memref_slice %arg3[%add3A, %dma_wait3A_68] : memref<32x1024xi32, #tpu.memory_space<hbm>> -> memref<1x1024xi32, #tpu.memory_space<hbm>>
      %dma_wait3A_70 = tpu.memref_squeeze %dma_wait3A_69 : memref<1x1024xi32, #tpu.memory_space<hbm>> -> memref<1024xi32, #tpu.memory_space<hbm>>
      %dma_wait3A_71 = arith.constant 0 : i32
      %dma_wait3A_72 = tpu.memref_slice %arg3[%add3A, %dma_wait3A_71] : memref<32x1024xi32, #tpu.memory_space<hbm>> -> memref<1x1024xi32, #tpu.memory_space<hbm>>
      %dma_wait3A_73 = tpu.memref_squeeze %dma_wait3A_72 : memref<1x1024xi32, #tpu.memory_space<hbm>> -> memref<1024xi32, #tpu.memory_space<hbm>>
      tpu.wait_dma2 semaphore(%run_scoped3A : memref<!tpu.dma_semaphore, #tpu.memory_space<semaphore_mem>>) src(%arg7 : memref<1024xi32, #tpu.memory_space<vmem>>) dst(%dma_wait3A_73 : memref<1024xi32, #tpu.memory_space<hbm>>)
      tpu.yield
    }) : () -> ()
    return
  }
}

#map = affine_map<(d0, d1) -> (0, 0)>
module attributes {stable_mosaic.version = 14 : i64} {
  func.func @hist_sc(%arg0: i32, %arg1: i32, %arg2: memref<1024x512xi32, #tpu.memory_space<hbm>>, %arg3: memref<32x1024xi32, #tpu.memory_space<hbm>>, %arg4: memref<8x512xi32, #tpu.memory_space<vmem>>, %arg5: memref<8x512xi32, #tpu.memory_space<vmem>>, %arg6: memref<16384xi32, #tpu.memory_space<vmem>>, %arg7: memref<1024xi32, #tpu.memory_space<vmem>>, %arg8: memref<!tpu.dma_semaphore, #tpu.memory_space<semaphore_mem>>, %arg9: memref<!tpu.dma_semaphore, #tpu.memory_space<semaphore_mem>>) attributes {dimension_semantics = [#tpu.dimension_semantics<core_parallel>, #tpu.dimension_semantics<subcore_parallel>], iteration_bounds = array<i64: 2, 16>, scalar_prefetch = 0 : i64, scratch_operands = 6 : i64, tpu.core_type = #tpu.core_type<sc_vector_subcore>, window_params = [{transform_indices = #map}, {transform_indices = #map}]} {
    %mul3A = arith.constant 2 : i32
    %mul3A_0 = arith.muli %arg1, %mul3A : i32
    %add3A = arith.addi %mul3A_0, %arg0 : i32
    %mul3A_1 = arith.constant 32 : i32
    %mul3A_2 = arith.muli %add3A, %mul3A_1 : i32
    %broadcast_in_dim3A = arith.constant 0 : i32
    %broadcast_in_dim3A_3 = vector.broadcast %broadcast_in_dim3A : i32 to vector<16xi32>
    %broadcast_in_dim3A_4 = arith.constant 1 : i32
    %broadcast_in_dim3A_5 = vector.broadcast %broadcast_in_dim3A_4 : i32 to vector<16xi32>
    %iota3A = tpu.iota {dimensions = array<i32: 0>} : vector<16xi32>
    %mul3A_6 = arith.constant 1024 : i32
    %mul3A_7 = vector.broadcast %mul3A_6 : i32 to vector<16xi32>
    %mul3A_8 = arith.muli %iota3A, %mul3A_7 : vector<16xi32>
    %parallel_loop3A = arith.constant 0 : i32
    %parallel_loop3A_9 = arith.constant 1024 : i32
    %parallel_loop3A_10 = arith.constant 1 : i32
    scf.for %parallel_loop3A_62 = %parallel_loop3A to %parallel_loop3A_9 step %parallel_loop3A_10  : i32 {
      %parallel_loop3A_63 = arith.constant 16 : i32
      %parallel_loop3A_64 = arith.muli %parallel_loop3A_62, %parallel_loop3A_63 : i32
      %parallel_loop3A_65 = arith.index_cast %parallel_loop3A_64 : i32 to index
      %parallel_loop3A_66 = tpu.vector_load %arg6[%parallel_loop3A_65] {strides = array<i32>} : memref<16384xi32, #tpu.memory_space<vmem>>, vector<16xi32>,
      tpu.vector_store %arg6[%parallel_loop3A_65], %broadcast_in_dim3A_3 {strides = array<i32>} : memref<16384xi32, #tpu.memory_space<vmem>>, vector<16xi32>,
    } {sc.loop_unroll_factor = 8 : i64, sc.parallel_access}
    %dma_start3A = arith.constant 0 : i32
    %dma_start3A_11 = tpu.memref_slice %arg2[%mul3A_2, %dma_start3A] : memref<1024x512xi32, #tpu.memory_space<hbm>> -> memref<8x512xi32, #tpu.memory_space<hbm>>
    %dma_start3A_12 = arith.constant 0 : i32
    %dma_start3A_13 = tpu.memref_slice %arg2[%mul3A_2, %dma_start3A_12] : memref<1024x512xi32, #tpu.memory_space<hbm>> -> memref<8x512xi32, #tpu.memory_space<hbm>>
    tpu.enqueue_dma source(%dma_start3A_13 : memref<8x512xi32, #tpu.memory_space<hbm>>) target(%arg4 : memref<8x512xi32, #tpu.memory_space<vmem>>) target_semaphore(%arg8 : memref<!tpu.dma_semaphore, #tpu.memory_space<semaphore_mem>>)
    %dma_wait3A = arith.constant 0 : i32
    %dma_wait3A_14 = tpu.memref_slice %arg2[%mul3A_2, %dma_wait3A] : memref<1024x512xi32, #tpu.memory_space<hbm>> -> memref<8x512xi32, #tpu.memory_space<hbm>>
    %dma_wait3A_15 = arith.constant 0 : i32
    %dma_wait3A_16 = tpu.memref_slice %arg2[%mul3A_2, %dma_wait3A_15] : memref<1024x512xi32, #tpu.memory_space<hbm>> -> memref<8x512xi32, #tpu.memory_space<hbm>>
    tpu.wait_dma2 semaphore(%arg8 : memref<!tpu.dma_semaphore, #tpu.memory_space<semaphore_mem>>) src(%dma_wait3A_16 : memref<8x512xi32, #tpu.memory_space<hbm>>) dst(%arg4 : memref<8x512xi32, #tpu.memory_space<vmem>>)
    %add3A_17 = arith.constant 8 : i32
    %add3A_18 = arith.addi %mul3A_2, %add3A_17 : i32
    %dma_start3A_19 = arith.constant 0 : i32
    %dma_start3A_20 = tpu.memref_slice %arg2[%add3A_18, %dma_start3A_19] : memref<1024x512xi32, #tpu.memory_space<hbm>> -> memref<8x512xi32, #tpu.memory_space<hbm>>
    %dma_start3A_21 = arith.constant 0 : i32
    %dma_start3A_22 = tpu.memref_slice %arg2[%add3A_18, %dma_start3A_21] : memref<1024x512xi32, #tpu.memory_space<hbm>> -> memref<8x512xi32, #tpu.memory_space<hbm>>
    tpu.enqueue_dma source(%dma_start3A_22 : memref<8x512xi32, #tpu.memory_space<hbm>>) target(%arg5 : memref<8x512xi32, #tpu.memory_space<vmem>>) target_semaphore(%arg9 : memref<!tpu.dma_semaphore, #tpu.memory_space<semaphore_mem>>)
    %parallel_loop3A_23 = arith.constant 0 : i32
    %parallel_loop3A_24 = arith.constant 32 : i32
    %parallel_loop3A_25 = arith.constant 1 : i32
    scf.for %parallel_loop3A_62 = %parallel_loop3A_23 to %parallel_loop3A_24 step %parallel_loop3A_25  : i32 {
      %parallel_loop3A_63 = arith.constant 16 : i32
      %parallel_loop3A_64 = arith.muli %parallel_loop3A_62, %parallel_loop3A_63 : i32
      %parallel_loop3A_65 = arith.constant 0 : i32
      %parallel_loop3A_66 = arith.index_cast %parallel_loop3A_65 : i32 to index
      %parallel_loop3A_67 = arith.index_cast %parallel_loop3A_64 : i32 to index
      %parallel_loop3A_68 = tpu.vector_load %arg4[%parallel_loop3A_66, %parallel_loop3A_67] {strides = array<i32>} : memref<8x512xi32, #tpu.memory_space<vmem>>, vector<16xi32>,
      %parallel_loop3A_69 = arith.addi %mul3A_8, %parallel_loop3A_68 : vector<16xi32>
      tpu.vector_store_idx %arg6[%parallel_loop3A_69], %broadcast_in_dim3A_5 {add = true} : memref<16384xi32, #tpu.memory_space<vmem>>[vector<16xi32>], vector<16xi32>,
      %parallel_loop3A_70 = arith.constant 16 : i32
      %parallel_loop3A_71 = arith.muli %parallel_loop3A_62, %parallel_loop3A_70 : i32
      %parallel_loop3A_72 = arith.constant 1 : i32
      %parallel_loop3A_73 = arith.index_cast %parallel_loop3A_72 : i32 to index
      %parallel_loop3A_74 = arith.index_cast %parallel_loop3A_71 : i32 to index
      %parallel_loop3A_75 = tpu.vector_load %arg4[%parallel_loop3A_73, %parallel_loop3A_74] {strides = array<i32>} : memref<8x512xi32, #tpu.memory_space<vmem>>, vector<16xi32>,
      %parallel_loop3A_76 = arith.addi %mul3A_8, %parallel_loop3A_75 : vector<16xi32>
      tpu.vector_store_idx %arg6[%parallel_loop3A_76], %broadcast_in_dim3A_5 {add = true} : memref<16384xi32, #tpu.memory_space<vmem>>[vector<16xi32>], vector<16xi32>,
      %parallel_loop3A_77 = arith.constant 16 : i32
      %parallel_loop3A_78 = arith.muli %parallel_loop3A_62, %parallel_loop3A_77 : i32
      %parallel_loop3A_79 = arith.constant 2 : i32
      %parallel_loop3A_80 = arith.index_cast %parallel_loop3A_79 : i32 to index
      %parallel_loop3A_81 = arith.index_cast %parallel_loop3A_78 : i32 to index
      %parallel_loop3A_82 = tpu.vector_load %arg4[%parallel_loop3A_80, %parallel_loop3A_81] {strides = array<i32>} : memref<8x512xi32, #tpu.memory_space<vmem>>, vector<16xi32>,
      %parallel_loop3A_83 = arith.addi %mul3A_8, %parallel_loop3A_82 : vector<16xi32>
      tpu.vector_store_idx %arg6[%parallel_loop3A_83], %broadcast_in_dim3A_5 {add = true} : memref<16384xi32, #tpu.memory_space<vmem>>[vector<16xi32>], vector<16xi32>,
      %parallel_loop3A_84 = arith.constant 16 : i32
      %parallel_loop3A_85 = arith.muli %parallel_loop3A_62, %parallel_loop3A_84 : i32
      %parallel_loop3A_86 = arith.constant 3 : i32
      %parallel_loop3A_87 = arith.index_cast %parallel_loop3A_86 : i32 to index
      %parallel_loop3A_88 = arith.index_cast %parallel_loop3A_85 : i32 to index
      %parallel_loop3A_89 = tpu.vector_load %arg4[%parallel_loop3A_87, %parallel_loop3A_88] {strides = array<i32>} : memref<8x512xi32, #tpu.memory_space<vmem>>, vector<16xi32>,
      %parallel_loop3A_90 = arith.addi %mul3A_8, %parallel_loop3A_89 : vector<16xi32>
      tpu.vector_store_idx %arg6[%parallel_loop3A_90], %broadcast_in_dim3A_5 {add = true} : memref<16384xi32, #tpu.memory_space<vmem>>[vector<16xi32>], vector<16xi32>,
      %parallel_loop3A_91 = arith.constant 16 : i32
      %parallel_loop3A_92 = arith.muli %parallel_loop3A_62, %parallel_loop3A_91 : i32
      %parallel_loop3A_93 = arith.constant 4 : i32
      %parallel_loop3A_94 = arith.index_cast %parallel_loop3A_93 : i32 to index
      %parallel_loop3A_95 = arith.index_cast %parallel_loop3A_92 : i32 to index
      %parallel_loop3A_96 = tpu.vector_load %arg4[%parallel_loop3A_94, %parallel_loop3A_95] {strides = array<i32>} : memref<8x512xi32, #tpu.memory_space<vmem>>, vector<16xi32>,
      %parallel_loop3A_97 = arith.addi %mul3A_8, %parallel_loop3A_96 : vector<16xi32>
      tpu.vector_store_idx %arg6[%parallel_loop3A_97], %broadcast_in_dim3A_5 {add = true} : memref<16384xi32, #tpu.memory_space<vmem>>[vector<16xi32>], vector<16xi32>,
      %parallel_loop3A_98 = arith.constant 16 : i32
      %parallel_loop3A_99 = arith.muli %parallel_loop3A_62, %parallel_loop3A_98 : i32
      %parallel_loop3A_100 = arith.constant 5 : i32
      %parallel_loop3A_101 = arith.index_cast %parallel_loop3A_100 : i32 to index
      %parallel_loop3A_102 = arith.index_cast %parallel_loop3A_99 : i32 to index
      %parallel_loop3A_103 = tpu.vector_load %arg4[%parallel_loop3A_101, %parallel_loop3A_102] {strides = array<i32>} : memref<8x512xi32, #tpu.memory_space<vmem>>, vector<16xi32>,
      %parallel_loop3A_104 = arith.addi %mul3A_8, %parallel_loop3A_103 : vector<16xi32>
      tpu.vector_store_idx %arg6[%parallel_loop3A_104], %broadcast_in_dim3A_5 {add = true} : memref<16384xi32, #tpu.memory_space<vmem>>[vector<16xi32>], vector<16xi32>,
      %parallel_loop3A_105 = arith.constant 16 : i32
      %parallel_loop3A_106 = arith.muli %parallel_loop3A_62, %parallel_loop3A_105 : i32
      %parallel_loop3A_107 = arith.constant 6 : i32
      %parallel_loop3A_108 = arith.index_cast %parallel_loop3A_107 : i32 to index
      %parallel_loop3A_109 = arith.index_cast %parallel_loop3A_106 : i32 to index
      %parallel_loop3A_110 = tpu.vector_load %arg4[%parallel_loop3A_108, %parallel_loop3A_109] {strides = array<i32>} : memref<8x512xi32, #tpu.memory_space<vmem>>, vector<16xi32>,
      %parallel_loop3A_111 = arith.addi %mul3A_8, %parallel_loop3A_110 : vector<16xi32>
      tpu.vector_store_idx %arg6[%parallel_loop3A_111], %broadcast_in_dim3A_5 {add = true} : memref<16384xi32, #tpu.memory_space<vmem>>[vector<16xi32>], vector<16xi32>,
      %parallel_loop3A_112 = arith.constant 16 : i32
      %parallel_loop3A_113 = arith.muli %parallel_loop3A_62, %parallel_loop3A_112 : i32
      %parallel_loop3A_114 = arith.constant 7 : i32
      %parallel_loop3A_115 = arith.index_cast %parallel_loop3A_114 : i32 to index
      %parallel_loop3A_116 = arith.index_cast %parallel_loop3A_113 : i32 to index
      %parallel_loop3A_117 = tpu.vector_load %arg4[%parallel_loop3A_115, %parallel_loop3A_116] {strides = array<i32>} : memref<8x512xi32, #tpu.memory_space<vmem>>, vector<16xi32>,
      %parallel_loop3A_118 = arith.addi %mul3A_8, %parallel_loop3A_117 : vector<16xi32>
      tpu.vector_store_idx %arg6[%parallel_loop3A_118], %broadcast_in_dim3A_5 {add = true} : memref<16384xi32, #tpu.memory_space<vmem>>[vector<16xi32>], vector<16xi32>,
    } {sc.loop_unroll_factor = 2 : i64, sc.parallel_access}
    %dma_wait3A_26 = arith.constant 0 : i32
    %dma_wait3A_27 = tpu.memref_slice %arg2[%add3A_18, %dma_wait3A_26] : memref<1024x512xi32, #tpu.memory_space<hbm>> -> memref<8x512xi32, #tpu.memory_space<hbm>>
    %dma_wait3A_28 = arith.constant 0 : i32
    %dma_wait3A_29 = tpu.memref_slice %arg2[%add3A_18, %dma_wait3A_28] : memref<1024x512xi32, #tpu.memory_space<hbm>> -> memref<8x512xi32, #tpu.memory_space<hbm>>
    tpu.wait_dma2 semaphore(%arg9 : memref<!tpu.dma_semaphore, #tpu.memory_space<semaphore_mem>>) src(%dma_wait3A_29 : memref<8x512xi32, #tpu.memory_space<hbm>>) dst(%arg5 : memref<8x512xi32, #tpu.memory_space<vmem>>)
    %add3A_30 = arith.constant 16 : i32
    %add3A_31 = arith.addi %mul3A_2, %add3A_30 : i32
    %dma_start3A_32 = arith.constant 0 : i32
    %dma_start3A_33 = tpu.memref_slice %arg2[%add3A_31, %dma_start3A_32] : memref<1024x512xi32, #tpu.memory_space<hbm>> -> memref<8x512xi32, #tpu.memory_space<hbm>>
    %dma_start3A_34 = arith.constant 0 : i32
    %dma_start3A_35 = tpu.memref_slice %arg2[%add3A_31, %dma_start3A_34] : memref<1024x512xi32, #tpu.memory_space<hbm>> -> memref<8x512xi32, #tpu.memory_space<hbm>>
    tpu.enqueue_dma source(%dma_start3A_35 : memref<8x512xi32, #tpu.memory_space<hbm>>) target(%arg4 : memref<8x512xi32, #tpu.memory_space<vmem>>) target_semaphore(%arg8 : memref<!tpu.dma_semaphore, #tpu.memory_space<semaphore_mem>>)
    %parallel_loop3A_36 = arith.constant 0 : i32
    %parallel_loop3A_37 = arith.constant 32 : i32
    %parallel_loop3A_38 = arith.constant 1 : i32
    scf.for %parallel_loop3A_62 = %parallel_loop3A_36 to %parallel_loop3A_37 step %parallel_loop3A_38  : i32 {
      %parallel_loop3A_63 = arith.constant 16 : i32
      %parallel_loop3A_64 = arith.muli %parallel_loop3A_62, %parallel_loop3A_63 : i32
      %parallel_loop3A_65 = arith.constant 0 : i32
      %parallel_loop3A_66 = arith.index_cast %parallel_loop3A_65 : i32 to index
      %parallel_loop3A_67 = arith.index_cast %parallel_loop3A_64 : i32 to index
      %parallel_loop3A_68 = tpu.vector_load %arg5[%parallel_loop3A_66, %parallel_loop3A_67] {strides = array<i32>} : memref<8x512xi32, #tpu.memory_space<vmem>>, vector<16xi32>,
      %parallel_loop3A_69 = arith.addi %mul3A_8, %parallel_loop3A_68 : vector<16xi32>
      tpu.vector_store_idx %arg6[%parallel_loop3A_69], %broadcast_in_dim3A_5 {add = true} : memref<16384xi32, #tpu.memory_space<vmem>>[vector<16xi32>], vector<16xi32>,
      %parallel_loop3A_70 = arith.constant 16 : i32
      %parallel_loop3A_71 = arith.muli %parallel_loop3A_62, %parallel_loop3A_70 : i32
      %parallel_loop3A_72 = arith.constant 1 : i32
      %parallel_loop3A_73 = arith.index_cast %parallel_loop3A_72 : i32 to index
      %parallel_loop3A_74 = arith.index_cast %parallel_loop3A_71 : i32 to index
      %parallel_loop3A_75 = tpu.vector_load %arg5[%parallel_loop3A_73, %parallel_loop3A_74] {strides = array<i32>} : memref<8x512xi32, #tpu.memory_space<vmem>>, vector<16xi32>,
      %parallel_loop3A_76 = arith.addi %mul3A_8, %parallel_loop3A_75 : vector<16xi32>
      tpu.vector_store_idx %arg6[%parallel_loop3A_76], %broadcast_in_dim3A_5 {add = true} : memref<16384xi32, #tpu.memory_space<vmem>>[vector<16xi32>], vector<16xi32>,
      %parallel_loop3A_77 = arith.constant 16 : i32
      %parallel_loop3A_78 = arith.muli %parallel_loop3A_62, %parallel_loop3A_77 : i32
      %parallel_loop3A_79 = arith.constant 2 : i32
      %parallel_loop3A_80 = arith.index_cast %parallel_loop3A_79 : i32 to index
      %parallel_loop3A_81 = arith.index_cast %parallel_loop3A_78 : i32 to index
      %parallel_loop3A_82 = tpu.vector_load %arg5[%parallel_loop3A_80, %parallel_loop3A_81] {strides = array<i32>} : memref<8x512xi32, #tpu.memory_space<vmem>>, vector<16xi32>,
      %parallel_loop3A_83 = arith.addi %mul3A_8, %parallel_loop3A_82 : vector<16xi32>
      tpu.vector_store_idx %arg6[%parallel_loop3A_83], %broadcast_in_dim3A_5 {add = true} : memref<16384xi32, #tpu.memory_space<vmem>>[vector<16xi32>], vector<16xi32>,
      %parallel_loop3A_84 = arith.constant 16 : i32
      %parallel_loop3A_85 = arith.muli %parallel_loop3A_62, %parallel_loop3A_84 : i32
      %parallel_loop3A_86 = arith.constant 3 : i32
      %parallel_loop3A_87 = arith.index_cast %parallel_loop3A_86 : i32 to index
      %parallel_loop3A_88 = arith.index_cast %parallel_loop3A_85 : i32 to index
      %parallel_loop3A_89 = tpu.vector_load %arg5[%parallel_loop3A_87, %parallel_loop3A_88] {strides = array<i32>} : memref<8x512xi32, #tpu.memory_space<vmem>>, vector<16xi32>,
      %parallel_loop3A_90 = arith.addi %mul3A_8, %parallel_loop3A_89 : vector<16xi32>
      tpu.vector_store_idx %arg6[%parallel_loop3A_90], %broadcast_in_dim3A_5 {add = true} : memref<16384xi32, #tpu.memory_space<vmem>>[vector<16xi32>], vector<16xi32>,
      %parallel_loop3A_91 = arith.constant 16 : i32
      %parallel_loop3A_92 = arith.muli %parallel_loop3A_62, %parallel_loop3A_91 : i32
      %parallel_loop3A_93 = arith.constant 4 : i32
      %parallel_loop3A_94 = arith.index_cast %parallel_loop3A_93 : i32 to index
      %parallel_loop3A_95 = arith.index_cast %parallel_loop3A_92 : i32 to index
      %parallel_loop3A_96 = tpu.vector_load %arg5[%parallel_loop3A_94, %parallel_loop3A_95] {strides = array<i32>} : memref<8x512xi32, #tpu.memory_space<vmem>>, vector<16xi32>,
      %parallel_loop3A_97 = arith.addi %mul3A_8, %parallel_loop3A_96 : vector<16xi32>
      tpu.vector_store_idx %arg6[%parallel_loop3A_97], %broadcast_in_dim3A_5 {add = true} : memref<16384xi32, #tpu.memory_space<vmem>>[vector<16xi32>], vector<16xi32>,
      %parallel_loop3A_98 = arith.constant 16 : i32
      %parallel_loop3A_99 = arith.muli %parallel_loop3A_62, %parallel_loop3A_98 : i32
      %parallel_loop3A_100 = arith.constant 5 : i32
      %parallel_loop3A_101 = arith.index_cast %parallel_loop3A_100 : i32 to index
      %parallel_loop3A_102 = arith.index_cast %parallel_loop3A_99 : i32 to index
      %parallel_loop3A_103 = tpu.vector_load %arg5[%parallel_loop3A_101, %parallel_loop3A_102] {strides = array<i32>} : memref<8x512xi32, #tpu.memory_space<vmem>>, vector<16xi32>,
      %parallel_loop3A_104 = arith.addi %mul3A_8, %parallel_loop3A_103 : vector<16xi32>
      tpu.vector_store_idx %arg6[%parallel_loop3A_104], %broadcast_in_dim3A_5 {add = true} : memref<16384xi32, #tpu.memory_space<vmem>>[vector<16xi32>], vector<16xi32>,
      %parallel_loop3A_105 = arith.constant 16 : i32
      %parallel_loop3A_106 = arith.muli %parallel_loop3A_62, %parallel_loop3A_105 : i32
      %parallel_loop3A_107 = arith.constant 6 : i32
      %parallel_loop3A_108 = arith.index_cast %parallel_loop3A_107 : i32 to index
      %parallel_loop3A_109 = arith.index_cast %parallel_loop3A_106 : i32 to index
      %parallel_loop3A_110 = tpu.vector_load %arg5[%parallel_loop3A_108, %parallel_loop3A_109] {strides = array<i32>} : memref<8x512xi32, #tpu.memory_space<vmem>>, vector<16xi32>,
      %parallel_loop3A_111 = arith.addi %mul3A_8, %parallel_loop3A_110 : vector<16xi32>
      tpu.vector_store_idx %arg6[%parallel_loop3A_111], %broadcast_in_dim3A_5 {add = true} : memref<16384xi32, #tpu.memory_space<vmem>>[vector<16xi32>], vector<16xi32>,
      %parallel_loop3A_112 = arith.constant 16 : i32
      %parallel_loop3A_113 = arith.muli %parallel_loop3A_62, %parallel_loop3A_112 : i32
      %parallel_loop3A_114 = arith.constant 7 : i32
      %parallel_loop3A_115 = arith.index_cast %parallel_loop3A_114 : i32 to index
      %parallel_loop3A_116 = arith.index_cast %parallel_loop3A_113 : i32 to index
      %parallel_loop3A_117 = tpu.vector_load %arg5[%parallel_loop3A_115, %parallel_loop3A_116] {strides = array<i32>} : memref<8x512xi32, #tpu.memory_space<vmem>>, vector<16xi32>,
      %parallel_loop3A_118 = arith.addi %mul3A_8, %parallel_loop3A_117 : vector<16xi32>
      tpu.vector_store_idx %arg6[%parallel_loop3A_118], %broadcast_in_dim3A_5 {add = true} : memref<16384xi32, #tpu.memory_space<vmem>>[vector<16xi32>], vector<16xi32>,
    } {sc.loop_unroll_factor = 2 : i64, sc.parallel_access}
    %dma_wait3A_39 = arith.constant 0 : i32
    %dma_wait3A_40 = tpu.memref_slice %arg2[%add3A_31, %dma_wait3A_39] : memref<1024x512xi32, #tpu.memory_space<hbm>> -> memref<8x512xi32, #tpu.memory_space<hbm>>
    %dma_wait3A_41 = arith.constant 0 : i32
    %dma_wait3A_42 = tpu.memref_slice %arg2[%add3A_31, %dma_wait3A_41] : memref<1024x512xi32, #tpu.memory_space<hbm>> -> memref<8x512xi32, #tpu.memory_space<hbm>>
    tpu.wait_dma2 semaphore(%arg8 : memref<!tpu.dma_semaphore, #tpu.memory_space<semaphore_mem>>) src(%dma_wait3A_42 : memref<8x512xi32, #tpu.memory_space<hbm>>) dst(%arg4 : memref<8x512xi32, #tpu.memory_space<vmem>>)
    %add3A_43 = arith.constant 24 : i32
    %add3A_44 = arith.addi %mul3A_2, %add3A_43 : i32
    %dma_start3A_45 = arith.constant 0 : i32
    %dma_start3A_46 = tpu.memref_slice %arg2[%add3A_44, %dma_start3A_45] : memref<1024x512xi32, #tpu.memory_space<hbm>> -> memref<8x512xi32, #tpu.memory_space<hbm>>
    %dma_start3A_47 = arith.constant 0 : i32
    %dma_start3A_48 = tpu.memref_slice %arg2[%add3A_44, %dma_start3A_47] : memref<1024x512xi32, #tpu.memory_space<hbm>> -> memref<8x512xi32, #tpu.memory_space<hbm>>
    tpu.enqueue_dma source(%dma_start3A_48 : memref<8x512xi32, #tpu.memory_space<hbm>>) target(%arg5 : memref<8x512xi32, #tpu.memory_space<vmem>>) target_semaphore(%arg9 : memref<!tpu.dma_semaphore, #tpu.memory_space<semaphore_mem>>)
    %parallel_loop3A_49 = arith.constant 0 : i32
    %parallel_loop3A_50 = arith.constant 32 : i32
    %parallel_loop3A_51 = arith.constant 1 : i32
    scf.for %parallel_loop3A_62 = %parallel_loop3A_49 to %parallel_loop3A_50 step %parallel_loop3A_51  : i32 {
      %parallel_loop3A_63 = arith.constant 16 : i32
      %parallel_loop3A_64 = arith.muli %parallel_loop3A_62, %parallel_loop3A_63 : i32
      %parallel_loop3A_65 = arith.constant 0 : i32
      %parallel_loop3A_66 = arith.index_cast %parallel_loop3A_65 : i32 to index
      %parallel_loop3A_67 = arith.index_cast %parallel_loop3A_64 : i32 to index
      %parallel_loop3A_68 = tpu.vector_load %arg4[%parallel_loop3A_66, %parallel_loop3A_67] {strides = array<i32>} : memref<8x512xi32, #tpu.memory_space<vmem>>, vector<16xi32>,
      %parallel_loop3A_69 = arith.addi %mul3A_8, %parallel_loop3A_68 : vector<16xi32>
      tpu.vector_store_idx %arg6[%parallel_loop3A_69], %broadcast_in_dim3A_5 {add = true} : memref<16384xi32, #tpu.memory_space<vmem>>[vector<16xi32>], vector<16xi32>,
      %parallel_loop3A_70 = arith.constant 16 : i32
      %parallel_loop3A_71 = arith.muli %parallel_loop3A_62, %parallel_loop3A_70 : i32
      %parallel_loop3A_72 = arith.constant 1 : i32
      %parallel_loop3A_73 = arith.index_cast %parallel_loop3A_72 : i32 to index
      %parallel_loop3A_74 = arith.index_cast %parallel_loop3A_71 : i32 to index
      %parallel_loop3A_75 = tpu.vector_load %arg4[%parallel_loop3A_73, %parallel_loop3A_74] {strides = array<i32>} : memref<8x512xi32, #tpu.memory_space<vmem>>, vector<16xi32>,
      %parallel_loop3A_76 = arith.addi %mul3A_8, %parallel_loop3A_75 : vector<16xi32>
      tpu.vector_store_idx %arg6[%parallel_loop3A_76], %broadcast_in_dim3A_5 {add = true} : memref<16384xi32, #tpu.memory_space<vmem>>[vector<16xi32>], vector<16xi32>,
      %parallel_loop3A_77 = arith.constant 16 : i32
      %parallel_loop3A_78 = arith.muli %parallel_loop3A_62, %parallel_loop3A_77 : i32
      %parallel_loop3A_79 = arith.constant 2 : i32
      %parallel_loop3A_80 = arith.index_cast %parallel_loop3A_79 : i32 to index
      %parallel_loop3A_81 = arith.index_cast %parallel_loop3A_78 : i32 to index
      %parallel_loop3A_82 = tpu.vector_load %arg4[%parallel_loop3A_80, %parallel_loop3A_81] {strides = array<i32>} : memref<8x512xi32, #tpu.memory_space<vmem>>, vector<16xi32>,
      %parallel_loop3A_83 = arith.addi %mul3A_8, %parallel_loop3A_82 : vector<16xi32>
      tpu.vector_store_idx %arg6[%parallel_loop3A_83], %broadcast_in_dim3A_5 {add = true} : memref<16384xi32, #tpu.memory_space<vmem>>[vector<16xi32>], vector<16xi32>,
      %parallel_loop3A_84 = arith.constant 16 : i32
      %parallel_loop3A_85 = arith.muli %parallel_loop3A_62, %parallel_loop3A_84 : i32
      %parallel_loop3A_86 = arith.constant 3 : i32
      %parallel_loop3A_87 = arith.index_cast %parallel_loop3A_86 : i32 to index
      %parallel_loop3A_88 = arith.index_cast %parallel_loop3A_85 : i32 to index
      %parallel_loop3A_89 = tpu.vector_load %arg4[%parallel_loop3A_87, %parallel_loop3A_88] {strides = array<i32>} : memref<8x512xi32, #tpu.memory_space<vmem>>, vector<16xi32>,
      %parallel_loop3A_90 = arith.addi %mul3A_8, %parallel_loop3A_89 : vector<16xi32>
      tpu.vector_store_idx %arg6[%parallel_loop3A_90], %broadcast_in_dim3A_5 {add = true} : memref<16384xi32, #tpu.memory_space<vmem>>[vector<16xi32>], vector<16xi32>,
      %parallel_loop3A_91 = arith.constant 16 : i32
      %parallel_loop3A_92 = arith.muli %parallel_loop3A_62, %parallel_loop3A_91 : i32
      %parallel_loop3A_93 = arith.constant 4 : i32
      %parallel_loop3A_94 = arith.index_cast %parallel_loop3A_93 : i32 to index
      %parallel_loop3A_95 = arith.index_cast %parallel_loop3A_92 : i32 to index
      %parallel_loop3A_96 = tpu.vector_load %arg4[%parallel_loop3A_94, %parallel_loop3A_95] {strides = array<i32>} : memref<8x512xi32, #tpu.memory_space<vmem>>, vector<16xi32>,
      %parallel_loop3A_97 = arith.addi %mul3A_8, %parallel_loop3A_96 : vector<16xi32>
      tpu.vector_store_idx %arg6[%parallel_loop3A_97], %broadcast_in_dim3A_5 {add = true} : memref<16384xi32, #tpu.memory_space<vmem>>[vector<16xi32>], vector<16xi32>,
      %parallel_loop3A_98 = arith.constant 16 : i32
      %parallel_loop3A_99 = arith.muli %parallel_loop3A_62, %parallel_loop3A_98 : i32
      %parallel_loop3A_100 = arith.constant 5 : i32
      %parallel_loop3A_101 = arith.index_cast %parallel_loop3A_100 : i32 to index
      %parallel_loop3A_102 = arith.index_cast %parallel_loop3A_99 : i32 to index
      %parallel_loop3A_103 = tpu.vector_load %arg4[%parallel_loop3A_101, %parallel_loop3A_102] {strides = array<i32>} : memref<8x512xi32, #tpu.memory_space<vmem>>, vector<16xi32>,
      %parallel_loop3A_104 = arith.addi %mul3A_8, %parallel_loop3A_103 : vector<16xi32>
      tpu.vector_store_idx %arg6[%parallel_loop3A_104], %broadcast_in_dim3A_5 {add = true} : memref<16384xi32, #tpu.memory_space<vmem>>[vector<16xi32>], vector<16xi32>,
      %parallel_loop3A_105 = arith.constant 16 : i32
      %parallel_loop3A_106 = arith.muli %parallel_loop3A_62, %parallel_loop3A_105 : i32
      %parallel_loop3A_107 = arith.constant 6 : i32
      %parallel_loop3A_108 = arith.index_cast %parallel_loop3A_107 : i32 to index
      %parallel_loop3A_109 = arith.index_cast %parallel_loop3A_106 : i32 to index
      %parallel_loop3A_110 = tpu.vector_load %arg4[%parallel_loop3A_108, %parallel_loop3A_109] {strides = array<i32>} : memref<8x512xi32, #tpu.memory_space<vmem>>, vector<16xi32>,
      %parallel_loop3A_111 = arith.addi %mul3A_8, %parallel_loop3A_110 : vector<16xi32>
      tpu.vector_store_idx %arg6[%parallel_loop3A_111], %broadcast_in_dim3A_5 {add = true} : memref<16384xi32, #tpu.memory_space<vmem>>[vector<16xi32>], vector<16xi32>,
      %parallel_loop3A_112 = arith.constant 16 : i32
      %parallel_loop3A_113 = arith.muli %parallel_loop3A_62, %parallel_loop3A_112 : i32
      %parallel_loop3A_114 = arith.constant 7 : i32
      %parallel_loop3A_115 = arith.index_cast %parallel_loop3A_114 : i32 to index
      %parallel_loop3A_116 = arith.index_cast %parallel_loop3A_113 : i32 to index
      %parallel_loop3A_117 = tpu.vector_load %arg4[%parallel_loop3A_115, %parallel_loop3A_116] {strides = array<i32>} : memref<8x512xi32, #tpu.memory_space<vmem>>, vector<16xi32>,
      %parallel_loop3A_118 = arith.addi %mul3A_8, %parallel_loop3A_117 : vector<16xi32>
      tpu.vector_store_idx %arg6[%parallel_loop3A_118], %broadcast_in_dim3A_5 {add = true} : memref<16384xi32, #tpu.memory_space<vmem>>[vector<16xi32>], vector<16xi32>,
    } {sc.loop_unroll_factor = 2 : i64, sc.parallel_access}
    %dma_wait3A_52 = arith.constant 0 : i32
    %dma_wait3A_53 = tpu.memref_slice %arg2[%add3A_44, %dma_wait3A_52] : memref<1024x512xi32, #tpu.memory_space<hbm>> -> memref<8x512xi32, #tpu.memory_space<hbm>>
    %dma_wait3A_54 = arith.constant 0 : i32
    %dma_wait3A_55 = tpu.memref_slice %arg2[%add3A_44, %dma_wait3A_54] : memref<1024x512xi32, #tpu.memory_space<hbm>> -> memref<8x512xi32, #tpu.memory_space<hbm>>
    tpu.wait_dma2 semaphore(%arg9 : memref<!tpu.dma_semaphore, #tpu.memory_space<semaphore_mem>>) src(%dma_wait3A_55 : memref<8x512xi32, #tpu.memory_space<hbm>>) dst(%arg5 : memref<8x512xi32, #tpu.memory_space<vmem>>)
    %parallel_loop3A_56 = arith.constant 0 : i32
    %parallel_loop3A_57 = arith.constant 32 : i32
    %parallel_loop3A_58 = arith.constant 1 : i32
    scf.for %parallel_loop3A_62 = %parallel_loop3A_56 to %parallel_loop3A_57 step %parallel_loop3A_58  : i32 {
      %parallel_loop3A_63 = arith.constant 16 : i32
      %parallel_loop3A_64 = arith.muli %parallel_loop3A_62, %parallel_loop3A_63 : i32
      %parallel_loop3A_65 = arith.constant 0 : i32
      %parallel_loop3A_66 = arith.index_cast %parallel_loop3A_65 : i32 to index
      %parallel_loop3A_67 = arith.index_cast %parallel_loop3A_64 : i32 to index
      %parallel_loop3A_68 = tpu.vector_load %arg5[%parallel_loop3A_66, %parallel_loop3A_67] {strides = array<i32>} : memref<8x512xi32, #tpu.memory_space<vmem>>, vector<16xi32>,
      %parallel_loop3A_69 = arith.addi %mul3A_8, %parallel_loop3A_68 : vector<16xi32>
      tpu.vector_store_idx %arg6[%parallel_loop3A_69], %broadcast_in_dim3A_5 {add = true} : memref<16384xi32, #tpu.memory_space<vmem>>[vector<16xi32>], vector<16xi32>,
      %parallel_loop3A_70 = arith.constant 16 : i32
      %parallel_loop3A_71 = arith.muli %parallel_loop3A_62, %parallel_loop3A_70 : i32
      %parallel_loop3A_72 = arith.constant 1 : i32
      %parallel_loop3A_73 = arith.index_cast %parallel_loop3A_72 : i32 to index
      %parallel_loop3A_74 = arith.index_cast %parallel_loop3A_71 : i32 to index
      %parallel_loop3A_75 = tpu.vector_load %arg5[%parallel_loop3A_73, %parallel_loop3A_74] {strides = array<i32>} : memref<8x512xi32, #tpu.memory_space<vmem>>, vector<16xi32>,
      %parallel_loop3A_76 = arith.addi %mul3A_8, %parallel_loop3A_75 : vector<16xi32>
      tpu.vector_store_idx %arg6[%parallel_loop3A_76], %broadcast_in_dim3A_5 {add = true} : memref<16384xi32, #tpu.memory_space<vmem>>[vector<16xi32>], vector<16xi32>,
      %parallel_loop3A_77 = arith.constant 16 : i32
      %parallel_loop3A_78 = arith.muli %parallel_loop3A_62, %parallel_loop3A_77 : i32
      %parallel_loop3A_79 = arith.constant 2 : i32
      %parallel_loop3A_80 = arith.index_cast %parallel_loop3A_79 : i32 to index
      %parallel_loop3A_81 = arith.index_cast %parallel_loop3A_78 : i32 to index
      %parallel_loop3A_82 = tpu.vector_load %arg5[%parallel_loop3A_80, %parallel_loop3A_81] {strides = array<i32>} : memref<8x512xi32, #tpu.memory_space<vmem>>, vector<16xi32>,
      %parallel_loop3A_83 = arith.addi %mul3A_8, %parallel_loop3A_82 : vector<16xi32>
      tpu.vector_store_idx %arg6[%parallel_loop3A_83], %broadcast_in_dim3A_5 {add = true} : memref<16384xi32, #tpu.memory_space<vmem>>[vector<16xi32>], vector<16xi32>,
      %parallel_loop3A_84 = arith.constant 16 : i32
      %parallel_loop3A_85 = arith.muli %parallel_loop3A_62, %parallel_loop3A_84 : i32
      %parallel_loop3A_86 = arith.constant 3 : i32
      %parallel_loop3A_87 = arith.index_cast %parallel_loop3A_86 : i32 to index
      %parallel_loop3A_88 = arith.index_cast %parallel_loop3A_85 : i32 to index
      %parallel_loop3A_89 = tpu.vector_load %arg5[%parallel_loop3A_87, %parallel_loop3A_88] {strides = array<i32>} : memref<8x512xi32, #tpu.memory_space<vmem>>, vector<16xi32>,
      %parallel_loop3A_90 = arith.addi %mul3A_8, %parallel_loop3A_89 : vector<16xi32>
      tpu.vector_store_idx %arg6[%parallel_loop3A_90], %broadcast_in_dim3A_5 {add = true} : memref<16384xi32, #tpu.memory_space<vmem>>[vector<16xi32>], vector<16xi32>,
      %parallel_loop3A_91 = arith.constant 16 : i32
      %parallel_loop3A_92 = arith.muli %parallel_loop3A_62, %parallel_loop3A_91 : i32
      %parallel_loop3A_93 = arith.constant 4 : i32
      %parallel_loop3A_94 = arith.index_cast %parallel_loop3A_93 : i32 to index
      %parallel_loop3A_95 = arith.index_cast %parallel_loop3A_92 : i32 to index
      %parallel_loop3A_96 = tpu.vector_load %arg5[%parallel_loop3A_94, %parallel_loop3A_95] {strides = array<i32>} : memref<8x512xi32, #tpu.memory_space<vmem>>, vector<16xi32>,
      %parallel_loop3A_97 = arith.addi %mul3A_8, %parallel_loop3A_96 : vector<16xi32>
      tpu.vector_store_idx %arg6[%parallel_loop3A_97], %broadcast_in_dim3A_5 {add = true} : memref<16384xi32, #tpu.memory_space<vmem>>[vector<16xi32>], vector<16xi32>,
      %parallel_loop3A_98 = arith.constant 16 : i32
      %parallel_loop3A_99 = arith.muli %parallel_loop3A_62, %parallel_loop3A_98 : i32
      %parallel_loop3A_100 = arith.constant 5 : i32
      %parallel_loop3A_101 = arith.index_cast %parallel_loop3A_100 : i32 to index
      %parallel_loop3A_102 = arith.index_cast %parallel_loop3A_99 : i32 to index
      %parallel_loop3A_103 = tpu.vector_load %arg5[%parallel_loop3A_101, %parallel_loop3A_102] {strides = array<i32>} : memref<8x512xi32, #tpu.memory_space<vmem>>, vector<16xi32>,
      %parallel_loop3A_104 = arith.addi %mul3A_8, %parallel_loop3A_103 : vector<16xi32>
      tpu.vector_store_idx %arg6[%parallel_loop3A_104], %broadcast_in_dim3A_5 {add = true} : memref<16384xi32, #tpu.memory_space<vmem>>[vector<16xi32>], vector<16xi32>,
      %parallel_loop3A_105 = arith.constant 16 : i32
      %parallel_loop3A_106 = arith.muli %parallel_loop3A_62, %parallel_loop3A_105 : i32
      %parallel_loop3A_107 = arith.constant 6 : i32
      %parallel_loop3A_108 = arith.index_cast %parallel_loop3A_107 : i32 to index
      %parallel_loop3A_109 = arith.index_cast %parallel_loop3A_106 : i32 to index
      %parallel_loop3A_110 = tpu.vector_load %arg5[%parallel_loop3A_108, %parallel_loop3A_109] {strides = array<i32>} : memref<8x512xi32, #tpu.memory_space<vmem>>, vector<16xi32>,
      %parallel_loop3A_111 = arith.addi %mul3A_8, %parallel_loop3A_110 : vector<16xi32>
      tpu.vector_store_idx %arg6[%parallel_loop3A_111], %broadcast_in_dim3A_5 {add = true} : memref<16384xi32, #tpu.memory_space<vmem>>[vector<16xi32>], vector<16xi32>,
      %parallel_loop3A_112 = arith.constant 16 : i32
      %parallel_loop3A_113 = arith.muli %parallel_loop3A_62, %parallel_loop3A_112 : i32
      %parallel_loop3A_114 = arith.constant 7 : i32
      %parallel_loop3A_115 = arith.index_cast %parallel_loop3A_114 : i32 to index
      %parallel_loop3A_116 = arith.index_cast %parallel_loop3A_113 : i32 to index
      %parallel_loop3A_117 = tpu.vector_load %arg5[%parallel_loop3A_115, %parallel_loop3A_116] {strides = array<i32>} : memref<8x512xi32, #tpu.memory_space<vmem>>, vector<16xi32>,
      %parallel_loop3A_118 = arith.addi %mul3A_8, %parallel_loop3A_117 : vector<16xi32>
      tpu.vector_store_idx %arg6[%parallel_loop3A_118], %broadcast_in_dim3A_5 {add = true} : memref<16384xi32, #tpu.memory_space<vmem>>[vector<16xi32>], vector<16xi32>,
    } {sc.loop_unroll_factor = 2 : i64, sc.parallel_access}
    %parallel_loop3A_59 = arith.constant 0 : i32
    %parallel_loop3A_60 = arith.constant 64 : i32
    %parallel_loop3A_61 = arith.constant 1 : i32
    scf.for %parallel_loop3A_62 = %parallel_loop3A_59 to %parallel_loop3A_60 step %parallel_loop3A_61  : i32 {
      %parallel_loop3A_63 = arith.constant 16 : i32
      %parallel_loop3A_64 = arith.muli %parallel_loop3A_62, %parallel_loop3A_63 : i32
      %parallel_loop3A_65 = arith.index_cast %parallel_loop3A_64 : i32 to index
      %parallel_loop3A_66 = tpu.vector_load %arg6[%parallel_loop3A_65] {strides = array<i32>} : memref<16384xi32, #tpu.memory_space<vmem>>, vector<16xi32>,
      %parallel_loop3A_67 = arith.constant 16 : i32
      %parallel_loop3A_68 = arith.muli %parallel_loop3A_62, %parallel_loop3A_67 : i32
      %parallel_loop3A_69 = arith.constant 1024 : i32
      %parallel_loop3A_70 = arith.addi %parallel_loop3A_69, %parallel_loop3A_68 : i32
      %parallel_loop3A_71 = arith.index_cast %parallel_loop3A_70 : i32 to index
      %parallel_loop3A_72 = tpu.vector_load %arg6[%parallel_loop3A_71] {strides = array<i32>} : memref<16384xi32, #tpu.memory_space<vmem>>, vector<16xi32>,
      %parallel_loop3A_73 = arith.addi %parallel_loop3A_66, %parallel_loop3A_72 : vector<16xi32>
      %parallel_loop3A_74 = arith.constant 16 : i32
      %parallel_loop3A_75 = arith.muli %parallel_loop3A_62, %parallel_loop3A_74 : i32
      %parallel_loop3A_76 = arith.constant 2048 : i32
      %parallel_loop3A_77 = arith.addi %parallel_loop3A_76, %parallel_loop3A_75 : i32
      %parallel_loop3A_78 = arith.index_cast %parallel_loop3A_77 : i32 to index
      %parallel_loop3A_79 = tpu.vector_load %arg6[%parallel_loop3A_78] {strides = array<i32>} : memref<16384xi32, #tpu.memory_space<vmem>>, vector<16xi32>,
      %parallel_loop3A_80 = arith.addi %parallel_loop3A_73, %parallel_loop3A_79 : vector<16xi32>
      %parallel_loop3A_81 = arith.constant 16 : i32
      %parallel_loop3A_82 = arith.muli %parallel_loop3A_62, %parallel_loop3A_81 : i32
      %parallel_loop3A_83 = arith.constant 3072 : i32
      %parallel_loop3A_84 = arith.addi %parallel_loop3A_83, %parallel_loop3A_82 : i32
      %parallel_loop3A_85 = arith.index_cast %parallel_loop3A_84 : i32 to index
      %parallel_loop3A_86 = tpu.vector_load %arg6[%parallel_loop3A_85] {strides = array<i32>} : memref<16384xi32, #tpu.memory_space<vmem>>, vector<16xi32>,
      %parallel_loop3A_87 = arith.addi %parallel_loop3A_80, %parallel_loop3A_86 : vector<16xi32>
      %parallel_loop3A_88 = arith.constant 16 : i32
      %parallel_loop3A_89 = arith.muli %parallel_loop3A_62, %parallel_loop3A_88 : i32
      %parallel_loop3A_90 = arith.constant 4096 : i32
      %parallel_loop3A_91 = arith.addi %parallel_loop3A_90, %parallel_loop3A_89 : i32
      %parallel_loop3A_92 = arith.index_cast %parallel_loop3A_91 : i32 to index
      %parallel_loop3A_93 = tpu.vector_load %arg6[%parallel_loop3A_92] {strides = array<i32>} : memref<16384xi32, #tpu.memory_space<vmem>>, vector<16xi32>,
      %parallel_loop3A_94 = arith.addi %parallel_loop3A_87, %parallel_loop3A_93 : vector<16xi32>
      %parallel_loop3A_95 = arith.constant 16 : i32
      %parallel_loop3A_96 = arith.muli %parallel_loop3A_62, %parallel_loop3A_95 : i32
      %parallel_loop3A_97 = arith.constant 5120 : i32
      %parallel_loop3A_98 = arith.addi %parallel_loop3A_97, %parallel_loop3A_96 : i32
      %parallel_loop3A_99 = arith.index_cast %parallel_loop3A_98 : i32 to index
      %parallel_loop3A_100 = tpu.vector_load %arg6[%parallel_loop3A_99] {strides = array<i32>} : memref<16384xi32, #tpu.memory_space<vmem>>, vector<16xi32>,
      %parallel_loop3A_101 = arith.addi %parallel_loop3A_94, %parallel_loop3A_100 : vector<16xi32>
      %parallel_loop3A_102 = arith.constant 16 : i32
      %parallel_loop3A_103 = arith.muli %parallel_loop3A_62, %parallel_loop3A_102 : i32
      %parallel_loop3A_104 = arith.constant 6144 : i32
      %parallel_loop3A_105 = arith.addi %parallel_loop3A_104, %parallel_loop3A_103 : i32
      %parallel_loop3A_106 = arith.index_cast %parallel_loop3A_105 : i32 to index
      %parallel_loop3A_107 = tpu.vector_load %arg6[%parallel_loop3A_106] {strides = array<i32>} : memref<16384xi32, #tpu.memory_space<vmem>>, vector<16xi32>,
      %parallel_loop3A_108 = arith.addi %parallel_loop3A_101, %parallel_loop3A_107 : vector<16xi32>
      %parallel_loop3A_109 = arith.constant 16 : i32
      %parallel_loop3A_110 = arith.muli %parallel_loop3A_62, %parallel_loop3A_109 : i32
      %parallel_loop3A_111 = arith.constant 7168 : i32
      %parallel_loop3A_112 = arith.addi %parallel_loop3A_111, %parallel_loop3A_110 : i32
      %parallel_loop3A_113 = arith.index_cast %parallel_loop3A_112 : i32 to index
      %parallel_loop3A_114 = tpu.vector_load %arg6[%parallel_loop3A_113] {strides = array<i32>} : memref<16384xi32, #tpu.memory_space<vmem>>, vector<16xi32>,
      %parallel_loop3A_115 = arith.addi %parallel_loop3A_108, %parallel_loop3A_114 : vector<16xi32>
      %parallel_loop3A_116 = arith.constant 16 : i32
      %parallel_loop3A_117 = arith.muli %parallel_loop3A_62, %parallel_loop3A_116 : i32
      %parallel_loop3A_118 = arith.constant 8192 : i32
      %parallel_loop3A_119 = arith.addi %parallel_loop3A_118, %parallel_loop3A_117 : i32
      %parallel_loop3A_120 = arith.index_cast %parallel_loop3A_119 : i32 to index
      %parallel_loop3A_121 = tpu.vector_load %arg6[%parallel_loop3A_120] {strides = array<i32>} : memref<16384xi32, #tpu.memory_space<vmem>>, vector<16xi32>,
      %parallel_loop3A_122 = arith.addi %parallel_loop3A_115, %parallel_loop3A_121 : vector<16xi32>
      %parallel_loop3A_123 = arith.constant 16 : i32
      %parallel_loop3A_124 = arith.muli %parallel_loop3A_62, %parallel_loop3A_123 : i32
      %parallel_loop3A_125 = arith.constant 9216 : i32
      %parallel_loop3A_126 = arith.addi %parallel_loop3A_125, %parallel_loop3A_124 : i32
      %parallel_loop3A_127 = arith.index_cast %parallel_loop3A_126 : i32 to index
      %parallel_loop3A_128 = tpu.vector_load %arg6[%parallel_loop3A_127] {strides = array<i32>} : memref<16384xi32, #tpu.memory_space<vmem>>, vector<16xi32>,
      %parallel_loop3A_129 = arith.addi %parallel_loop3A_122, %parallel_loop3A_128 : vector<16xi32>
      %parallel_loop3A_130 = arith.constant 16 : i32
      %parallel_loop3A_131 = arith.muli %parallel_loop3A_62, %parallel_loop3A_130 : i32
      %parallel_loop3A_132 = arith.constant 10240 : i32
      %parallel_loop3A_133 = arith.addi %parallel_loop3A_132, %parallel_loop3A_131 : i32
      %parallel_loop3A_134 = arith.index_cast %parallel_loop3A_133 : i32 to index
      %parallel_loop3A_135 = tpu.vector_load %arg6[%parallel_loop3A_134] {strides = array<i32>} : memref<16384xi32, #tpu.memory_space<vmem>>, vector<16xi32>,
      %parallel_loop3A_136 = arith.addi %parallel_loop3A_129, %parallel_loop3A_135 : vector<16xi32>
      %parallel_loop3A_137 = arith.constant 16 : i32
      %parallel_loop3A_138 = arith.muli %parallel_loop3A_62, %parallel_loop3A_137 : i32
      %parallel_loop3A_139 = arith.constant 11264 : i32
      %parallel_loop3A_140 = arith.addi %parallel_loop3A_139, %parallel_loop3A_138 : i32
      %parallel_loop3A_141 = arith.index_cast %parallel_loop3A_140 : i32 to index
      %parallel_loop3A_142 = tpu.vector_load %arg6[%parallel_loop3A_141] {strides = array<i32>} : memref<16384xi32, #tpu.memory_space<vmem>>, vector<16xi32>,
      %parallel_loop3A_143 = arith.addi %parallel_loop3A_136, %parallel_loop3A_142 : vector<16xi32>
      %parallel_loop3A_144 = arith.constant 16 : i32
      %parallel_loop3A_145 = arith.muli %parallel_loop3A_62, %parallel_loop3A_144 : i32
      %parallel_loop3A_146 = arith.constant 12288 : i32
      %parallel_loop3A_147 = arith.addi %parallel_loop3A_146, %parallel_loop3A_145 : i32
      %parallel_loop3A_148 = arith.index_cast %parallel_loop3A_147 : i32 to index
      %parallel_loop3A_149 = tpu.vector_load %arg6[%parallel_loop3A_148] {strides = array<i32>} : memref<16384xi32, #tpu.memory_space<vmem>>, vector<16xi32>,
      %parallel_loop3A_150 = arith.addi %parallel_loop3A_143, %parallel_loop3A_149 : vector<16xi32>
      %parallel_loop3A_151 = arith.constant 16 : i32
      %parallel_loop3A_152 = arith.muli %parallel_loop3A_62, %parallel_loop3A_151 : i32
      %parallel_loop3A_153 = arith.constant 13312 : i32
      %parallel_loop3A_154 = arith.addi %parallel_loop3A_153, %parallel_loop3A_152 : i32
      %parallel_loop3A_155 = arith.index_cast %parallel_loop3A_154 : i32 to index
      %parallel_loop3A_156 = tpu.vector_load %arg6[%parallel_loop3A_155] {strides = array<i32>} : memref<16384xi32, #tpu.memory_space<vmem>>, vector<16xi32>,
      %parallel_loop3A_157 = arith.addi %parallel_loop3A_150, %parallel_loop3A_156 : vector<16xi32>
      %parallel_loop3A_158 = arith.constant 16 : i32
      %parallel_loop3A_159 = arith.muli %parallel_loop3A_62, %parallel_loop3A_158 : i32
      %parallel_loop3A_160 = arith.constant 14336 : i32
      %parallel_loop3A_161 = arith.addi %parallel_loop3A_160, %parallel_loop3A_159 : i32
      %parallel_loop3A_162 = arith.index_cast %parallel_loop3A_161 : i32 to index
      %parallel_loop3A_163 = tpu.vector_load %arg6[%parallel_loop3A_162] {strides = array<i32>} : memref<16384xi32, #tpu.memory_space<vmem>>, vector<16xi32>,
      %parallel_loop3A_164 = arith.addi %parallel_loop3A_157, %parallel_loop3A_163 : vector<16xi32>
      %parallel_loop3A_165 = arith.constant 16 : i32
      %parallel_loop3A_166 = arith.muli %parallel_loop3A_62, %parallel_loop3A_165 : i32
      %parallel_loop3A_167 = arith.constant 15360 : i32
      %parallel_loop3A_168 = arith.addi %parallel_loop3A_167, %parallel_loop3A_166 : i32
      %parallel_loop3A_169 = arith.index_cast %parallel_loop3A_168 : i32 to index
      %parallel_loop3A_170 = tpu.vector_load %arg6[%parallel_loop3A_169] {strides = array<i32>} : memref<16384xi32, #tpu.memory_space<vmem>>, vector<16xi32>,
      %parallel_loop3A_171 = arith.addi %parallel_loop3A_164, %parallel_loop3A_170 : vector<16xi32>
      %parallel_loop3A_172 = arith.constant 16 : i32
      %parallel_loop3A_173 = arith.muli %parallel_loop3A_62, %parallel_loop3A_172 : i32
      %parallel_loop3A_174 = arith.index_cast %parallel_loop3A_173 : i32 to index
      %parallel_loop3A_175 = tpu.vector_load %arg7[%parallel_loop3A_174] {strides = array<i32>} : memref<1024xi32, #tpu.memory_space<vmem>>, vector<16xi32>,
      tpu.vector_store %arg7[%parallel_loop3A_174], %parallel_loop3A_171 {strides = array<i32>} : memref<1024xi32, #tpu.memory_space<vmem>>, vector<16xi32>,
    } {sc.loop_unroll_factor = 2 : i64, sc.parallel_access}
    "tpu.region"() ({
      %run_scoped3A = tpu.sem_alloc : memref<!tpu.dma_semaphore, #tpu.memory_space<semaphore_mem>>
      %dma_start3A_62 = arith.constant 0 : i32
      %dma_start3A_63 = tpu.memref_slice %arg3[%add3A, %dma_start3A_62] : memref<32x1024xi32, #tpu.memory_space<hbm>> -> memref<1x1024xi32, #tpu.memory_space<hbm>>
      %dma_start3A_64 = tpu.memref_squeeze %dma_start3A_63 : memref<1x1024xi32, #tpu.memory_space<hbm>> -> memref<1024xi32, #tpu.memory_space<hbm>>
      %dma_start3A_65 = arith.constant 0 : i32
      %dma_start3A_66 = tpu.memref_slice %arg3[%add3A, %dma_start3A_65] : memref<32x1024xi32, #tpu.memory_space<hbm>> -> memref<1x1024xi32, #tpu.memory_space<hbm>>
      %dma_start3A_67 = tpu.memref_squeeze %dma_start3A_66 : memref<1x1024xi32, #tpu.memory_space<hbm>> -> memref<1024xi32, #tpu.memory_space<hbm>>
      tpu.enqueue_dma source(%arg7 : memref<1024xi32, #tpu.memory_space<vmem>>) target(%dma_start3A_67 : memref<1024xi32, #tpu.memory_space<hbm>>) target_semaphore(%run_scoped3A : memref<!tpu.dma_semaphore, #tpu.memory_space<semaphore_mem>>)
      %dma_wait3A_68 = arith.constant 0 : i32
      %dma_wait3A_69 = tpu.memref_slice %arg3[%add3A, %dma_wait3A_68] : memref<32x1024xi32, #tpu.memory_space<hbm>> -> memref<1x1024xi32, #tpu.memory_space<hbm>>
      %dma_wait3A_70 = tpu.memref_squeeze %dma_wait3A_69 : memref<1x1024xi32, #tpu.memory_space<hbm>> -> memref<1024xi32, #tpu.memory_space<hbm>>
      %dma_wait3A_71 = arith.constant 0 : i32
      %dma_wait3A_72 = tpu.memref_slice %arg3[%add3A, %dma_wait3A_71] : memref<32x1024xi32, #tpu.memory_space<hbm>> -> memref<1x1024xi32, #tpu.memory_space<hbm>>
      %dma_wait3A_73 = tpu.memref_squeeze %dma_wait3A_72 : memref<1x1024xi32, #tpu.memory_space<hbm>> -> memref<1024xi32, #tpu.memory_space<hbm>>
      tpu.wait_dma2 semaphore(%run_scoped3A : memref<!tpu.dma_semaphore, #tpu.memory_space<semaphore_mem>>) src(%arg7 : memref<1024xi32, #tpu.memory_space<vmem>>) dst(%dma_wait3A_73 : memref<1024xi32, #tpu.memory_space<hbm>>)
      tpu.yield
    }) : () -> ()
    return
  }
}

module attributes {stable_mosaic.version = 14 : i64} {
  func.func @_bin_body(%arg0: i32, %arg1: i32, %arg2: memref<1x19x128x512xf32, #tpu.memory_space<vmem>>, %arg3: memref<1x128x512xi32, #tpu.memory_space<vmem>>, %arg4: memref<128x512xi32, #tpu.memory_space<vmem>>, %arg5: memref<1x1x1x1xi32, #tpu.memory_space<vmem>>) attributes {dimension_semantics = [#tpu.dimension_semantics<arbitrary>, #tpu.dimension_semantics<arbitrary>], iteration_bounds = array<i64: 2, 4>, scalar_prefetch = 0 : i64, scratch_operands = 0 : i64, tpu.core_type = #tpu.core_type<tc>, window_params = [{transform_indices = @transform_0, window_bounds = array<i64: 1, 19, 128, 512>}, {transform_indices = @transform_1, window_bounds = array<i64: 1, 128, 512>}, {transform_indices = @transform_2, window_bounds = array<i64: 128, 512>}, {transform_indices = @transform_3, window_bounds = array<i64: 1, 1, 1, 1>}]} {
    %get3A = arith.constant 0 : index
    %get3A_0 = arith.constant 0 : index
    %get3A_1 = arith.constant 0 : index
    %get3A_2 = arith.constant 0 : index
    %get3A_3 = vector.load %arg2[%get3A, %get3A_0, %get3A_1, %get3A_2] : memref<1x19x128x512xf32, #tpu.memory_space<vmem>>, vector<1x1x128x512xf32>
    %get3A_4 = vector.shape_cast %get3A_3 : vector<1x1x128x512xf32> to vector<128x512xf32>
    %exp3A = math.exp %get3A_4 : vector<128x512xf32>
    %get3A_5 = arith.constant 0 : index
    %get3A_6 = arith.constant 1 : index
    %get3A_7 = arith.constant 0 : index
    %get3A_8 = arith.constant 0 : index
    %get3A_9 = vector.load %arg2[%get3A_5, %get3A_6, %get3A_7, %get3A_8] : memref<1x19x128x512xf32, #tpu.memory_space<vmem>>, vector<1x1x128x512xf32>
    %get3A_10 = vector.shape_cast %get3A_9 : vector<1x1x128x512xf32> to vector<128x512xf32>
    %exp3A_11 = math.exp %get3A_10 : vector<128x512xf32>
    %add3A = arith.addf %exp3A, %exp3A_11 : vector<128x512xf32>
    %get3A_12 = arith.constant 0 : index
    %get3A_13 = arith.constant 2 : index
    %get3A_14 = arith.constant 0 : index
    %get3A_15 = arith.constant 0 : index
    %get3A_16 = vector.load %arg2[%get3A_12, %get3A_13, %get3A_14, %get3A_15] : memref<1x19x128x512xf32, #tpu.memory_space<vmem>>, vector<1x1x128x512xf32>
    %get3A_17 = vector.shape_cast %get3A_16 : vector<1x1x128x512xf32> to vector<128x512xf32>
    %exp3A_18 = math.exp %get3A_17 : vector<128x512xf32>
    %add3A_19 = arith.addf %add3A, %exp3A_18 : vector<128x512xf32>
    %get3A_20 = arith.constant 0 : index
    %get3A_21 = arith.constant 3 : index
    %get3A_22 = arith.constant 0 : index
    %get3A_23 = arith.constant 0 : index
    %get3A_24 = vector.load %arg2[%get3A_20, %get3A_21, %get3A_22, %get3A_23] : memref<1x19x128x512xf32, #tpu.memory_space<vmem>>, vector<1x1x128x512xf32>
    %get3A_25 = vector.shape_cast %get3A_24 : vector<1x1x128x512xf32> to vector<128x512xf32>
    %exp3A_26 = math.exp %get3A_25 : vector<128x512xf32>
    %add3A_27 = arith.addf %add3A_19, %exp3A_26 : vector<128x512xf32>
    %get3A_28 = arith.constant 0 : index
    %get3A_29 = arith.constant 4 : index
    %get3A_30 = arith.constant 0 : index
    %get3A_31 = arith.constant 0 : index
    %get3A_32 = vector.load %arg2[%get3A_28, %get3A_29, %get3A_30, %get3A_31] : memref<1x19x128x512xf32, #tpu.memory_space<vmem>>, vector<1x1x128x512xf32>
    %get3A_33 = vector.shape_cast %get3A_32 : vector<1x1x128x512xf32> to vector<128x512xf32>
    %exp3A_34 = math.exp %get3A_33 : vector<128x512xf32>
    %add3A_35 = arith.addf %add3A_27, %exp3A_34 : vector<128x512xf32>
    %get3A_36 = arith.constant 0 : index
    %get3A_37 = arith.constant 5 : index
    %get3A_38 = arith.constant 0 : index
    %get3A_39 = arith.constant 0 : index
    %get3A_40 = vector.load %arg2[%get3A_36, %get3A_37, %get3A_38, %get3A_39] : memref<1x19x128x512xf32, #tpu.memory_space<vmem>>, vector<1x1x128x512xf32>
    %get3A_41 = vector.shape_cast %get3A_40 : vector<1x1x128x512xf32> to vector<128x512xf32>
    %exp3A_42 = math.exp %get3A_41 : vector<128x512xf32>
    %add3A_43 = arith.addf %add3A_35, %exp3A_42 : vector<128x512xf32>
    %get3A_44 = arith.constant 0 : index
    %get3A_45 = arith.constant 6 : index
    %get3A_46 = arith.constant 0 : index
    %get3A_47 = arith.constant 0 : index
    %get3A_48 = vector.load %arg2[%get3A_44, %get3A_45, %get3A_46, %get3A_47] : memref<1x19x128x512xf32, #tpu.memory_space<vmem>>, vector<1x1x128x512xf32>
    %get3A_49 = vector.shape_cast %get3A_48 : vector<1x1x128x512xf32> to vector<128x512xf32>
    %exp3A_50 = math.exp %get3A_49 : vector<128x512xf32>
    %add3A_51 = arith.addf %add3A_43, %exp3A_50 : vector<128x512xf32>
    %get3A_52 = arith.constant 0 : index
    %get3A_53 = arith.constant 7 : index
    %get3A_54 = arith.constant 0 : index
    %get3A_55 = arith.constant 0 : index
    %get3A_56 = vector.load %arg2[%get3A_52, %get3A_53, %get3A_54, %get3A_55] : memref<1x19x128x512xf32, #tpu.memory_space<vmem>>, vector<1x1x128x512xf32>
    %get3A_57 = vector.shape_cast %get3A_56 : vector<1x1x128x512xf32> to vector<128x512xf32>
    %exp3A_58 = math.exp %get3A_57 : vector<128x512xf32>
    %add3A_59 = arith.addf %add3A_51, %exp3A_58 : vector<128x512xf32>
    %get3A_60 = arith.constant 0 : index
    %get3A_61 = arith.constant 8 : index
    %get3A_62 = arith.constant 0 : index
    %get3A_63 = arith.constant 0 : index
    %get3A_64 = vector.load %arg2[%get3A_60, %get3A_61, %get3A_62, %get3A_63] : memref<1x19x128x512xf32, #tpu.memory_space<vmem>>, vector<1x1x128x512xf32>
    %get3A_65 = vector.shape_cast %get3A_64 : vector<1x1x128x512xf32> to vector<128x512xf32>
    %exp3A_66 = math.exp %get3A_65 : vector<128x512xf32>
    %add3A_67 = arith.addf %add3A_59, %exp3A_66 : vector<128x512xf32>
    %get3A_68 = arith.constant 0 : index
    %get3A_69 = arith.constant 9 : index
    %get3A_70 = arith.constant 0 : index
    %get3A_71 = arith.constant 0 : index
    %get3A_72 = vector.load %arg2[%get3A_68, %get3A_69, %get3A_70, %get3A_71] : memref<1x19x128x512xf32, #tpu.memory_space<vmem>>, vector<1x1x128x512xf32>
    %get3A_73 = vector.shape_cast %get3A_72 : vector<1x1x128x512xf32> to vector<128x512xf32>
    %exp3A_74 = math.exp %get3A_73 : vector<128x512xf32>
    %add3A_75 = arith.addf %add3A_67, %exp3A_74 : vector<128x512xf32>
    %get3A_76 = arith.constant 0 : index
    %get3A_77 = arith.constant 10 : index
    %get3A_78 = arith.constant 0 : index
    %get3A_79 = arith.constant 0 : index
    %get3A_80 = vector.load %arg2[%get3A_76, %get3A_77, %get3A_78, %get3A_79] : memref<1x19x128x512xf32, #tpu.memory_space<vmem>>, vector<1x1x128x512xf32>
    %get3A_81 = vector.shape_cast %get3A_80 : vector<1x1x128x512xf32> to vector<128x512xf32>
    %exp3A_82 = math.exp %get3A_81 : vector<128x512xf32>
    %add3A_83 = arith.addf %add3A_75, %exp3A_82 : vector<128x512xf32>
    %get3A_84 = arith.constant 0 : index
    %get3A_85 = arith.constant 11 : index
    %get3A_86 = arith.constant 0 : index
    %get3A_87 = arith.constant 0 : index
    %get3A_88 = vector.load %arg2[%get3A_84, %get3A_85, %get3A_86, %get3A_87] : memref<1x19x128x512xf32, #tpu.memory_space<vmem>>, vector<1x1x128x512xf32>
    %get3A_89 = vector.shape_cast %get3A_88 : vector<1x1x128x512xf32> to vector<128x512xf32>
    %exp3A_90 = math.exp %get3A_89 : vector<128x512xf32>
    %add3A_91 = arith.addf %add3A_83, %exp3A_90 : vector<128x512xf32>
    %get3A_92 = arith.constant 0 : index
    %get3A_93 = arith.constant 12 : index
    %get3A_94 = arith.constant 0 : index
    %get3A_95 = arith.constant 0 : index
    %get3A_96 = vector.load %arg2[%get3A_92, %get3A_93, %get3A_94, %get3A_95] : memref<1x19x128x512xf32, #tpu.memory_space<vmem>>, vector<1x1x128x512xf32>
    %get3A_97 = vector.shape_cast %get3A_96 : vector<1x1x128x512xf32> to vector<128x512xf32>
    %exp3A_98 = math.exp %get3A_97 : vector<128x512xf32>
    %add3A_99 = arith.addf %add3A_91, %exp3A_98 : vector<128x512xf32>
    %get3A_100 = arith.constant 0 : index
    %get3A_101 = arith.constant 13 : index
    %get3A_102 = arith.constant 0 : index
    %get3A_103 = arith.constant 0 : index
    %get3A_104 = vector.load %arg2[%get3A_100, %get3A_101, %get3A_102, %get3A_103] : memref<1x19x128x512xf32, #tpu.memory_space<vmem>>, vector<1x1x128x512xf32>
    %get3A_105 = vector.shape_cast %get3A_104 : vector<1x1x128x512xf32> to vector<128x512xf32>
    %exp3A_106 = math.exp %get3A_105 : vector<128x512xf32>
    %add3A_107 = arith.addf %add3A_99, %exp3A_106 : vector<128x512xf32>
    %get3A_108 = arith.constant 0 : index
    %get3A_109 = arith.constant 14 : index
    %get3A_110 = arith.constant 0 : index
    %get3A_111 = arith.constant 0 : index
    %get3A_112 = vector.load %arg2[%get3A_108, %get3A_109, %get3A_110, %get3A_111] : memref<1x19x128x512xf32, #tpu.memory_space<vmem>>, vector<1x1x128x512xf32>
    %get3A_113 = vector.shape_cast %get3A_112 : vector<1x1x128x512xf32> to vector<128x512xf32>
    %exp3A_114 = math.exp %get3A_113 : vector<128x512xf32>
    %add3A_115 = arith.addf %add3A_107, %exp3A_114 : vector<128x512xf32>
    %get3A_116 = arith.constant 0 : index
    %get3A_117 = arith.constant 15 : index
    %get3A_118 = arith.constant 0 : index
    %get3A_119 = arith.constant 0 : index
    %get3A_120 = vector.load %arg2[%get3A_116, %get3A_117, %get3A_118, %get3A_119] : memref<1x19x128x512xf32, #tpu.memory_space<vmem>>, vector<1x1x128x512xf32>
    %get3A_121 = vector.shape_cast %get3A_120 : vector<1x1x128x512xf32> to vector<128x512xf32>
    %exp3A_122 = math.exp %get3A_121 : vector<128x512xf32>
    %add3A_123 = arith.addf %add3A_115, %exp3A_122 : vector<128x512xf32>
    %get3A_124 = arith.constant 0 : index
    %get3A_125 = arith.constant 16 : index
    %get3A_126 = arith.constant 0 : index
    %get3A_127 = arith.constant 0 : index
    %get3A_128 = vector.load %arg2[%get3A_124, %get3A_125, %get3A_126, %get3A_127] : memref<1x19x128x512xf32, #tpu.memory_space<vmem>>, vector<1x1x128x512xf32>
    %get3A_129 = vector.shape_cast %get3A_128 : vector<1x1x128x512xf32> to vector<128x512xf32>
    %exp3A_130 = math.exp %get3A_129 : vector<128x512xf32>
    %add3A_131 = arith.addf %add3A_123, %exp3A_130 : vector<128x512xf32>
    %get3A_132 = arith.constant 0 : index
    %get3A_133 = arith.constant 17 : index
    %get3A_134 = arith.constant 0 : index
    %get3A_135 = arith.constant 0 : index
    %get3A_136 = vector.load %arg2[%get3A_132, %get3A_133, %get3A_134, %get3A_135] : memref<1x19x128x512xf32, #tpu.memory_space<vmem>>, vector<1x1x128x512xf32>
    %get3A_137 = vector.shape_cast %get3A_136 : vector<1x1x128x512xf32> to vector<128x512xf32>
    %exp3A_138 = math.exp %get3A_137 : vector<128x512xf32>
    %add3A_139 = arith.addf %add3A_131, %exp3A_138 : vector<128x512xf32>
    %get3A_140 = arith.constant 0 : index
    %get3A_141 = arith.constant 18 : index
    %get3A_142 = arith.constant 0 : index
    %get3A_143 = arith.constant 0 : index
    %get3A_144 = vector.load %arg2[%get3A_140, %get3A_141, %get3A_142, %get3A_143] : memref<1x19x128x512xf32, #tpu.memory_space<vmem>>, vector<1x1x128x512xf32>
    %get3A_145 = vector.shape_cast %get3A_144 : vector<1x1x128x512xf32> to vector<128x512xf32>
    %exp3A_146 = math.exp %get3A_145 : vector<128x512xf32>
    %add3A_147 = arith.addf %add3A_139, %exp3A_146 : vector<128x512xf32>
    %div3A = arith.divf %exp3A, %add3A_147 : vector<128x512xf32>
    %get3A_148 = arith.constant 0 : index
    %get3A_149 = arith.constant 0 : index
    %get3A_150 = arith.constant 0 : index
    %get3A_151 = vector.load %arg3[%get3A_148, %get3A_149, %get3A_150] : memref<1x128x512xi32, #tpu.memory_space<vmem>>, vector<1x128x512xi32>
    %get3A_152 = vector.shape_cast %get3A_151 : vector<1x128x512xi32> to vector<128x512xi32>
    %eq3A = arith.constant 0 : i32
    %eq3A_153 = vector.broadcast %eq3A : i32 to vector<128x512xi32>
    %eq3A_154 = arith.cmpi eq, %get3A_152, %eq3A_153 : vector<128x512xi32>
    %sub3A = arith.constant 1.000000e+00 : f32
    %sub3A_155 = vector.broadcast %sub3A : f32 to vector<128x512xf32>
    %sub3A_156 = arith.subf %sub3A_155, %div3A : vector<128x512xf32>
    %select_n3A = arith.select %eq3A_154, %sub3A_156, %div3A : vector<128x512xi1>, vector<128x512xf32>
    %mul3A = arith.constant 5.120000e+02 : f32
    %mul3A_157 = vector.broadcast %mul3A : f32 to vector<128x512xf32>
    %mul3A_158 = arith.mulf %select_n3A, %mul3A_157 : vector<128x512xf32>
    %convert_element_type3A = arith.fptosi %mul3A_158 : vector<128x512xf32> to vector<128x512xi32>
    %jit3A = arith.constant 0 : i32
    %jit3A_159 = arith.constant 511 : i32
    %max3A = vector.broadcast %jit3A : i32 to vector<128x512xi32>
    %max3A_160 = arith.maxsi %max3A, %convert_element_type3A : vector<128x512xi32>
    %min3A = vector.broadcast %jit3A_159 : i32 to vector<128x512xi32>
    %min3A_161 = arith.minsi %min3A, %max3A_160 : vector<128x512xi32>
    %jit3A_162 = arith.constant 512 : i32
    %jit3A_163 = arith.constant 0 : i32
    %broadcast_in_dim3A = vector.broadcast %jit3A_162 : i32 to vector<128x512xi32>
    %broadcast_in_dim3A_164 = vector.broadcast %jit3A_163 : i32 to vector<128x512xi32>
    %select_n3A_165 = arith.select %eq3A_154, %broadcast_in_dim3A, %broadcast_in_dim3A_164 : vector<128x512xi1>, vector<128x512xi32>
    %add3A_166 = arith.addi %min3A_161, %select_n3A_165 : vector<128x512xi32>
    %swap3A = arith.constant 0 : index
    %swap3A_167 = arith.constant 0 : index
    %swap3A_168 = vector.load %arg4[%swap3A, %swap3A_167] : memref<128x512xi32, #tpu.memory_space<vmem>>, vector<128x512xi32>
    tpu.vector_store %arg4[%swap3A, %swap3A_167], %add3A_166 {strides = array<i32>} : memref<128x512xi32, #tpu.memory_space<vmem>>, vector<128x512xi32>,
    %eq3A_169 = arith.constant 1 : i32
    %eq3A_170 = vector.broadcast %eq3A_169 : i32 to vector<128x512xi32>
    %eq3A_171 = arith.cmpi eq, %get3A_152, %eq3A_170 : vector<128x512xi32>
    %convert_element_type3A_172 = arith.extui %eq3A_171 : vector<128x512xi1> to vector<128x512xi32>
    %reduce_sum3A = vector.shape_cast %convert_element_type3A_172 : vector<128x512xi32> to vector<1x128x512xi32>
    %reduce_sum3A_173 = arith.constant dense<0> : vector<1xi32>
    %reduce_sum3A_174 = vector.multi_reduction <add>, %reduce_sum3A, %reduce_sum3A_173 [1, 2] : vector<1x128x512xi32> to vector<1xi32>
    %reduce_sum3A_175 = vector.shape_cast %reduce_sum3A_174 : vector<1xi32> to vector<1x1x1xi32>
    %reduce_sum3A_176 = vector.extract %reduce_sum3A_175[0, 0, 0] : i32 from vector<1x1x1xi32>
    %reshape3A = vector.broadcast %reduce_sum3A_176 : i32 to vector<1x1x1x1xi32>
    %swap3A_177 = arith.constant 0 : index
    %swap3A_178 = arith.constant 0 : index
    %swap3A_179 = arith.constant 0 : index
    %swap3A_180 = arith.constant 0 : index
    %swap3A_181 = vector.load %arg5[%swap3A_177, %swap3A_178, %swap3A_179, %swap3A_180] : memref<1x1x1x1xi32, #tpu.memory_space<vmem>>, vector<1x1x1x1xi32>
    tpu.vector_store %arg5[%swap3A_177, %swap3A_178, %swap3A_179, %swap3A_180], %reshape3A {strides = array<i32>} : memref<1x1x1x1xi32, #tpu.memory_space<vmem>>, vector<1x1x1x1xi32>,
    return
  }
  func.func @transform_0(%arg0: i32, %arg1: i32) -> (i32, i32, i32, i32) {
    %add3A = arith.constant 0 : i32
    %add3A_0 = arith.addi %arg0, %add3A : i32
    %c0_i32 = arith.constant 0 : i32
    %c0_i32_1 = arith.constant 0 : i32
    %c0_i32_2 = arith.constant 0 : i32
    return %add3A_0, %c0_i32, %arg1, %c0_i32_1 : i32, i32, i32, i32
  }
  func.func @transform_1(%arg0: i32, %arg1: i32) -> (i32, i32, i32) {
    %add3A = arith.constant 0 : i32
    %add3A_0 = arith.addi %arg0, %add3A : i32
    %c0_i32 = arith.constant 0 : i32
    %c0_i32_1 = arith.constant 0 : i32
    return %add3A_0, %arg1, %c0_i32 : i32, i32, i32
  }
  func.func @transform_2(%arg0: i32, %arg1: i32) -> (i32, i32) {
    %mul3A = arith.constant 4 : i32
    %mul3A_0 = arith.muli %arg0, %mul3A : i32
    %add3A = arith.addi %mul3A_0, %arg1 : i32
    %c0_i32 = arith.constant 0 : i32
    %c0_i32_1 = arith.constant 0 : i32
    return %add3A, %c0_i32 : i32, i32
  }
  func.func @transform_3(%arg0: i32, %arg1: i32) -> (i32, i32, i32, i32) {
    %c0_i32 = arith.constant 0 : i32
    %c0_i32_0 = arith.constant 0 : i32
    %c0_i32_1 = arith.constant 0 : i32
    return %arg0, %arg1, %c0_i32, %c0_i32_0 : i32, i32, i32, i32
  }
}

module attributes {stable_mosaic.version = 14 : i64} {
  func.func @_final_body(%arg0: memref<32x1024xi32, #tpu.memory_space<vmem>>, %arg1: memref<32x1024xi32, #tpu.memory_space<vmem>>, %arg2: memref<2x4x1x1xi32, #tpu.memory_space<vmem>>, %arg3: memref<2x4x1x1xi32, #tpu.memory_space<vmem>>, %arg4: memref<1x19xf32, #tpu.memory_space<vmem>>, %arg5: memref<1x1xf32, #tpu.memory_space<vmem>>) attributes {dimension_semantics = [], scalar_prefetch = 0 : i64, scratch_operands = 0 : i64, tpu.core_type = #tpu.core_type<tc>} {
    %get3A = arith.constant 0 : index
    %get3A_0 = arith.constant 0 : index
    %get3A_1 = vector.load %arg0[%get3A, %get3A_0] : memref<32x1024xi32, #tpu.memory_space<vmem>>, vector<32x1024xi32>
    %convert_element_type3A = arith.sitofp %get3A_1 : vector<32x1024xi32> to vector<32x1024xf32>
    %reduce_sum3A = arith.constant dense<0.000000e+00> : vector<1024xf32>
    %reduce_sum3A_2 = vector.multi_reduction <add>, %convert_element_type3A, %reduce_sum3A [0] : vector<32x1024xf32> to vector<1024xf32>
    %get3A_3 = arith.constant 0 : index
    %get3A_4 = arith.constant 0 : index
    %get3A_5 = vector.load %arg1[%get3A_3, %get3A_4] : memref<32x1024xi32, #tpu.memory_space<vmem>>, vector<32x1024xi32>
    %convert_element_type3A_6 = arith.sitofp %get3A_5 : vector<32x1024xi32> to vector<32x1024xf32>
    %reduce_sum3A_7 = arith.constant dense<0.000000e+00> : vector<1024xf32>
    %reduce_sum3A_8 = vector.multi_reduction <add>, %convert_element_type3A_6, %reduce_sum3A_7 [0] : vector<32x1024xf32> to vector<1024xf32>
    %add3A = arith.addf %reduce_sum3A_2, %reduce_sum3A_8 : vector<1024xf32>
    %get3A_9 = arith.constant 0 : index
    %get3A_10 = arith.constant 0 : index
    %get3A_11 = arith.constant 0 : index
    %get3A_12 = arith.constant 0 : index
    %get3A_13 = vector.load %arg2[%get3A_9, %get3A_10, %get3A_11, %get3A_12] : memref<2x4x1x1xi32, #tpu.memory_space<vmem>>, vector<2x4x1x1xi32>
    %convert_element_type3A_14 = arith.sitofp %get3A_13 : vector<2x4x1x1xi32> to vector<2x4x1x1xf32>
    %reduce_sum3A_15 = vector.shape_cast %convert_element_type3A_14 : vector<2x4x1x1xf32> to vector<1x2x4x1x1xf32>
    %reduce_sum3A_16 = arith.constant dense<0.000000e+00> : vector<1xf32>
    %reduce_sum3A_17 = vector.multi_reduction <add>, %reduce_sum3A_15, %reduce_sum3A_16 [1, 2, 3, 4] : vector<1x2x4x1x1xf32> to vector<1xf32>
    %reduce_sum3A_18 = vector.shape_cast %reduce_sum3A_17 : vector<1xf32> to vector<1x1x1x1x1xf32>
    %reduce_sum3A_19 = vector.extract %reduce_sum3A_18[0, 0, 0, 0, 0] : f32 from vector<1x1x1x1x1xf32>
    %get3A_20 = arith.constant 0 : index
    %get3A_21 = arith.constant 0 : index
    %get3A_22 = arith.constant 0 : index
    %get3A_23 = arith.constant 0 : index
    %get3A_24 = vector.load %arg3[%get3A_20, %get3A_21, %get3A_22, %get3A_23] : memref<2x4x1x1xi32, #tpu.memory_space<vmem>>, vector<2x4x1x1xi32>
    %convert_element_type3A_25 = arith.sitofp %get3A_24 : vector<2x4x1x1xi32> to vector<2x4x1x1xf32>
    %reduce_sum3A_26 = vector.shape_cast %convert_element_type3A_25 : vector<2x4x1x1xf32> to vector<1x2x4x1x1xf32>
    %reduce_sum3A_27 = arith.constant dense<0.000000e+00> : vector<1xf32>
    %reduce_sum3A_28 = vector.multi_reduction <add>, %reduce_sum3A_26, %reduce_sum3A_27 [1, 2, 3, 4] : vector<1x2x4x1x1xf32> to vector<1xf32>
    %reduce_sum3A_29 = vector.shape_cast %reduce_sum3A_28 : vector<1xf32> to vector<1x1x1x1x1xf32>
    %reduce_sum3A_30 = vector.extract %reduce_sum3A_29[0, 0, 0, 0, 0] : f32 from vector<1x1x1x1x1xf32>
    %add3A_31 = arith.addf %reduce_sum3A_19, %reduce_sum3A_30 : f32
    %slice3A = vector.extract_strided_slice %add3A {offsets = [0], sizes = [512], strides = [1]} : vector<1024xf32> to vector<512xf32>
    %slice3A_32 = vector.extract_strided_slice %add3A {offsets = [512], sizes = [512], strides = [1]} : vector<1024xf32> to vector<512xf32>
    %add3A_33 = arith.addf %slice3A, %slice3A_32 : vector<512xf32>
    %reduce_sum3A_34 = vector.shape_cast %slice3A_32 : vector<512xf32> to vector<1x512xf32>
    %reduce_sum3A_35 = arith.constant dense<0.000000e+00> : vector<1xf32>
    %reduce_sum3A_36 = vector.multi_reduction <add>, %reduce_sum3A_34, %reduce_sum3A_35 [1] : vector<1x512xf32> to vector<1xf32>
    %reduce_sum3A_37 = vector.shape_cast %reduce_sum3A_36 : vector<1xf32> to vector<1x1xf32>
    %reduce_sum3A_38 = vector.extract %reduce_sum3A_37[0, 0] : f32 from vector<1x1xf32>
    %reshape3A = vector.shape_cast %add3A_33 : vector<512xf32> to vector<1x512xf32>
    %reshape3A_39 = vector.shape_cast %slice3A_32 : vector<512xf32> to vector<1x512xf32>
    %iota3A = tpu.iota {dimensions = array<i32: 1>} : vector<256x512xi32>
    %iota3A_40 = tpu.iota {dimensions = array<i32: 0>} : vector<256x512xi32>
    %add3A_41 = arith.constant 0 : i32
    %add3A_42 = vector.broadcast %add3A_41 : i32 to vector<256x512xi32>
    %add3A_43 = arith.addi %iota3A_40, %add3A_42 : vector<256x512xi32>
    %ge3A = arith.cmpi sge, %iota3A, %add3A_43 : vector<256x512xi32>
    %jit3A = arith.constant 0.000000e+00 : f32
    %broadcast_in_dim3A = vector.shape_cast %reshape3A : vector<1x512xf32> to vector<1x512xf32>
    %broadcast_in_dim3A_44 = vector.broadcast %broadcast_in_dim3A : vector<1x512xf32> to vector<256x512xf32>
    %broadcast_in_dim3A_45 = vector.broadcast %jit3A : f32 to vector<256x512xf32>
    %select_n3A = arith.select %ge3A, %broadcast_in_dim3A_44, %broadcast_in_dim3A_45 : vector<256x512xi1>, vector<256x512xf32>
    %reduce_sum3A_46 = arith.constant dense<0.000000e+00> : vector<256xf32>
    %reduce_sum3A_47 = vector.multi_reduction <add>, %select_n3A, %reduce_sum3A_46 [1] : vector<256x512xf32> to vector<256xf32>
    %jit3A_48 = arith.constant 0.000000e+00 : f32
    %broadcast_in_dim3A_49 = vector.shape_cast %reshape3A_39 : vector<1x512xf32> to vector<1x512xf32>
    %broadcast_in_dim3A_50 = vector.broadcast %broadcast_in_dim3A_49 : vector<1x512xf32> to vector<256x512xf32>
    %broadcast_in_dim3A_51 = vector.broadcast %jit3A_48 : f32 to vector<256x512xf32>
    %select_n3A_52 = arith.select %ge3A, %broadcast_in_dim3A_50, %broadcast_in_dim3A_51 : vector<256x512xi1>, vector<256x512xf32>
    %reduce_sum3A_53 = arith.constant dense<0.000000e+00> : vector<256xf32>
    %reduce_sum3A_54 = vector.multi_reduction <add>, %select_n3A_52, %reduce_sum3A_53 [1] : vector<256x512xf32> to vector<256xf32>
    %iota3A_55 = tpu.iota {dimensions = array<i32: 0>} : vector<256x512xi32>
    %add3A_56 = arith.constant 256 : i32
    %add3A_57 = vector.broadcast %add3A_56 : i32 to vector<256x512xi32>
    %add3A_58 = arith.addi %iota3A_55, %add3A_57 : vector<256x512xi32>
    %ge3A_59 = arith.cmpi sge, %iota3A, %add3A_58 : vector<256x512xi32>
    %jit3A_60 = arith.constant 0.000000e+00 : f32
    %broadcast_in_dim3A_61 = vector.shape_cast %reshape3A : vector<1x512xf32> to vector<1x512xf32>
    %broadcast_in_dim3A_62 = vector.broadcast %broadcast_in_dim3A_61 : vector<1x512xf32> to vector<256x512xf32>
    %broadcast_in_dim3A_63 = vector.broadcast %jit3A_60 : f32 to vector<256x512xf32>
    %select_n3A_64 = arith.select %ge3A_59, %broadcast_in_dim3A_62, %broadcast_in_dim3A_63 : vector<256x512xi1>, vector<256x512xf32>
    %reduce_sum3A_65 = arith.constant dense<0.000000e+00> : vector<256xf32>
    %reduce_sum3A_66 = vector.multi_reduction <add>, %select_n3A_64, %reduce_sum3A_65 [1] : vector<256x512xf32> to vector<256xf32>
    %jit3A_67 = arith.constant 0.000000e+00 : f32
    %broadcast_in_dim3A_68 = vector.shape_cast %reshape3A_39 : vector<1x512xf32> to vector<1x512xf32>
    %broadcast_in_dim3A_69 = vector.broadcast %broadcast_in_dim3A_68 : vector<1x512xf32> to vector<256x512xf32>
    %broadcast_in_dim3A_70 = vector.broadcast %jit3A_67 : f32 to vector<256x512xf32>
    %select_n3A_71 = arith.select %ge3A_59, %broadcast_in_dim3A_69, %broadcast_in_dim3A_70 : vector<256x512xi1>, vector<256x512xf32>
    %reduce_sum3A_72 = arith.constant dense<0.000000e+00> : vector<256xf32>
    %reduce_sum3A_73 = vector.multi_reduction <add>, %select_n3A_71, %reduce_sum3A_72 [1] : vector<256x512xf32> to vector<256xf32>
    %concatenate3A = tpu.concatenate %reduce_sum3A_47, %reduce_sum3A_66 in 0 : vector<256xf32>, vector<256xf32> -> vector<512xf32>
    %concatenate3A_74 = tpu.concatenate %reduce_sum3A_54, %reduce_sum3A_73 in 0 : vector<256xf32>, vector<256xf32> -> vector<512xf32>
    %gt3A = arith.constant 0.000000e+00 : f32
    %gt3A_75 = vector.broadcast %gt3A : f32 to vector<512xf32>
    %gt3A_76 = arith.cmpf ogt, %concatenate3A, %gt3A_75 : vector<512xf32>
    %sub3A = vector.broadcast %reduce_sum3A_38 : f32 to vector<512xf32>
    %sub3A_77 = arith.subf %sub3A, %concatenate3A_74 : vector<512xf32>
    %add3A_78 = vector.broadcast %reduce_sum3A_38 : f32 to vector<512xf32>
    %add3A_79 = arith.addf %add3A_78, %concatenate3A : vector<512xf32>
    %sub3A_80 = arith.subf %add3A_79, %concatenate3A_74 : vector<512xf32>
    %div3A = arith.divf %sub3A_77, %sub3A_80 : vector<512xf32>
    %sub3A_81 = arith.constant 1.000000e+00 : f32
    %sub3A_82 = vector.broadcast %sub3A_81 : f32 to vector<512xf32>
    %sub3A_83 = arith.subf %sub3A_82, %div3A : vector<512xf32>
    %jit3A_84 = arith.constant 0.000000e+00 : f32
    %broadcast_in_dim3A_85 = vector.broadcast %jit3A_84 : f32 to vector<512xf32>
    %select_n3A_86 = arith.select %gt3A_76, %sub3A_83, %broadcast_in_dim3A_85 : vector<512xi1>, vector<512xf32>
    %iota3A_87 = tpu.iota {dimensions = array<i32: 1>} : vector<1x512xi32>
    %iota3A_88 = vector.shape_cast %iota3A_87 : vector<1x512xi32> to vector<512xi32>
    %eq3A = arith.constant 0 : i32
    %eq3A_89 = vector.broadcast %eq3A : i32 to vector<512xi32>
    %eq3A_90 = arith.cmpi eq, %iota3A_88, %eq3A_89 : vector<512xi32>
    %jit3A_91 = arith.constant 0.000000e+00 : f32
    %broadcast_in_dim3A_92 = vector.broadcast %jit3A_91 : f32 to vector<512xf32>
    %select_n3A_93 = arith.select %eq3A_90, %select_n3A_86, %broadcast_in_dim3A_92 : vector<512xi1>, vector<512xf32>
    %reduce_sum3A_94 = vector.shape_cast %select_n3A_93 : vector<512xf32> to vector<1x512xf32>
    %reduce_sum3A_95 = arith.constant dense<0.000000e+00> : vector<1xf32>
    %reduce_sum3A_96 = vector.multi_reduction <add>, %reduce_sum3A_94, %reduce_sum3A_95 [1] : vector<1x512xf32> to vector<1xf32>
    %reduce_sum3A_97 = vector.shape_cast %reduce_sum3A_96 : vector<1xf32> to vector<1x1xf32>
    %reduce_sum3A_98 = vector.extract %reduce_sum3A_97[0, 0] : f32 from vector<1x1xf32>
    %reduce_sum3A_99 = vector.shape_cast %select_n3A_86 : vector<512xf32> to vector<1x512xf32>
    %reduce_sum3A_100 = arith.constant dense<0.000000e+00> : vector<1xf32>
    %reduce_sum3A_101 = vector.multi_reduction <add>, %reduce_sum3A_99, %reduce_sum3A_100 [1] : vector<1x512xf32> to vector<1xf32>
    %reduce_sum3A_102 = vector.shape_cast %reduce_sum3A_101 : vector<1xf32> to vector<1x1xf32>
    %reduce_sum3A_103 = vector.extract %reduce_sum3A_102[0, 0] : f32 from vector<1x1xf32>
    %mul3A = arith.constant 5.000000e-01 : f32
    %mul3A_104 = arith.mulf %mul3A, %reduce_sum3A_98 : f32
    %sub3A_105 = arith.subf %reduce_sum3A_103, %mul3A_104 : f32
    %div3A_106 = arith.constant 5.120000e+02 : f32
    %div3A_107 = arith.divf %sub3A_105, %div3A_106 : f32
    %get3A_108 = arith.constant 0 : index
    %get3A_109 = arith.constant 0 : index
    %get3A_110 = vector.load %arg4[%get3A_108, %get3A_109] : memref<1x19xf32, #tpu.memory_space<vmem>>, vector<1x19xf32>
    %reduce_max3A = vector.shape_cast %get3A_110 : vector<1x19xf32> to vector<1x1x19xf32>
    %reduce_max3A_111 = arith.constant dense<0xFF800000> : vector<1xf32>
    %reduce_max3A_112 = vector.multi_reduction <maximumf>, %reduce_max3A, %reduce_max3A_111 [1, 2] : vector<1x1x19xf32> to vector<1xf32>
    %reduce_max3A_113 = vector.shape_cast %reduce_max3A_112 : vector<1xf32> to vector<1x1x1xf32>
    %reduce_max3A_114 = vector.extract %reduce_max3A_113[0, 0, 0] : f32 from vector<1x1x1xf32>
    %sub3A_115 = vector.broadcast %reduce_max3A_114 : f32 to vector<1x19xf32>
    %sub3A_116 = arith.subf %get3A_110, %sub3A_115 : vector<1x19xf32>
    %exp3A = math.exp %sub3A_116 : vector<1x19xf32>
    %iota3A_117 = tpu.iota {dimensions = array<i32: 1>} : vector<1x19xi32>
    %eq3A_118 = arith.constant 1 : i32
    %eq3A_119 = vector.broadcast %eq3A_118 : i32 to vector<1x19xi32>
    %eq3A_120 = arith.cmpi eq, %iota3A_117, %eq3A_119 : vector<1x19xi32>
    %jit3A_121 = arith.constant 0.000000e+00 : f32
    %broadcast_in_dim3A_122 = vector.broadcast %jit3A_121 : f32 to vector<1x19xf32>
    %select_n3A_123 = arith.select %eq3A_120, %exp3A, %broadcast_in_dim3A_122 : vector<1x19xi1>, vector<1x19xf32>
    %reduce_sum3A_124 = vector.shape_cast %select_n3A_123 : vector<1x19xf32> to vector<1x1x19xf32>
    %reduce_sum3A_125 = arith.constant dense<0.000000e+00> : vector<1xf32>
    %reduce_sum3A_126 = vector.multi_reduction <add>, %reduce_sum3A_124, %reduce_sum3A_125 [1, 2] : vector<1x1x19xf32> to vector<1xf32>
    %reduce_sum3A_127 = vector.shape_cast %reduce_sum3A_126 : vector<1xf32> to vector<1x1x1xf32>
    %reduce_sum3A_128 = vector.extract %reduce_sum3A_127[0, 0, 0] : f32 from vector<1x1x1xf32>
    %reduce_sum3A_129 = vector.shape_cast %exp3A : vector<1x19xf32> to vector<1x1x19xf32>
    %reduce_sum3A_130 = arith.constant dense<0.000000e+00> : vector<1xf32>
    %reduce_sum3A_131 = vector.multi_reduction <add>, %reduce_sum3A_129, %reduce_sum3A_130 [1, 2] : vector<1x1x19xf32> to vector<1xf32>
    %reduce_sum3A_132 = vector.shape_cast %reduce_sum3A_131 : vector<1xf32> to vector<1x1x1xf32>
    %reduce_sum3A_133 = vector.extract %reduce_sum3A_132[0, 0, 0] : f32 from vector<1x1x1xf32>
    %div3A_134 = arith.divf %reduce_sum3A_128, %reduce_sum3A_133 : f32
    %le3A = arith.constant 5.000000e-01 : f32
    %le3A_135 = arith.cmpf ole, %div3A_134, %le3A : f32
    %sub3A_136 = arith.constant 1.000000e+00 : f32
    %sub3A_137 = arith.subf %sub3A_136, %div3A_134 : f32
    %sub3A_138 = arith.constant 0x49800000 : f32
    %sub3A_139 = arith.subf %sub3A_138, %add3A_31 : f32
    %mul3A_140 = arith.mulf %div3A_134, %sub3A_139 : f32
    %sub3A_141 = arith.constant 1.000000e+00 : f32
    %sub3A_142 = arith.subf %sub3A_141, %div3A_134 : f32
    %mul3A_143 = arith.mulf %sub3A_142, %add3A_31 : f32
    %add3A_144 = arith.addf %mul3A_140, %mul3A_143 : f32
    %div3A_145 = arith.constant 0x49800000 : f32
    %div3A_146 = arith.divf %add3A_144, %div3A_145 : f32
    %select_n3A_147 = arith.select %le3A_135, %sub3A_137, %div3A_146 : f32
    %gt3A_148 = arith.constant 0.000000e+00 : f32
    %gt3A_149 = arith.cmpf ogt, %reduce_sum3A_38, %gt3A_148 : f32
    %convert_element_type3A_150 = arith.extui %gt3A_149 : i1 to i32
    %convert_element_type3A_151 = arith.sitofp %convert_element_type3A_150 : i32 to f32
    %gt3A_152 = arith.constant 0.000000e+00 : f32
    %gt3A_153 = arith.cmpf ogt, %add3A_31, %gt3A_152 : f32
    %convert_element_type3A_154 = arith.extui %gt3A_153 : i1 to i32
    %convert_element_type3A_155 = arith.sitofp %convert_element_type3A_154 : i32 to f32
    %mul3A_156 = arith.mulf %div3A_107, %convert_element_type3A_151 : f32
    %mul3A_157 = arith.mulf %select_n3A_147, %convert_element_type3A_155 : f32
    %add3A_158 = arith.addf %mul3A_156, %mul3A_157 : f32
    %add3A_159 = arith.addf %convert_element_type3A_151, %convert_element_type3A_155 : f32
    %div3A_160 = arith.divf %add3A_158, %add3A_159 : f32
    %reshape3A_161 = vector.broadcast %div3A_160 : f32 to vector<1x1xf32>
    %swap3A = arith.constant 0 : index
    %swap3A_162 = arith.constant 0 : index
    %swap3A_163 = vector.load %arg5[%swap3A, %swap3A_162] : memref<1x1xf32, #tpu.memory_space<vmem>>, vector<1x1xf32>
    tpu.vector_store %arg5[%swap3A, %swap3A_162], %reshape3A_161 {strides = array<i32>} : memref<1x1xf32, #tpu.memory_space<vmem>>, vector<1x1xf32>,
    return
  }
}

module attributes {stable_mosaic.version = 14 : i64} {
  func.func @_bin_body(%arg0: i32, %arg1: i32, %arg2: memref<1x19x128x512xf32, #tpu.memory_space<vmem>>, %arg3: memref<1x128x512xi32, #tpu.memory_space<vmem>>, %arg4: memref<128x512xi32, #tpu.memory_space<vmem>>, %arg5: memref<1x1x1x1xi32, #tpu.memory_space<vmem>>) attributes {dimension_semantics = [#tpu.dimension_semantics<arbitrary>, #tpu.dimension_semantics<arbitrary>], iteration_bounds = array<i64: 2, 4>, scalar_prefetch = 0 : i64, scratch_operands = 0 : i64, tpu.core_type = #tpu.core_type<tc>, window_params = [{transform_indices = @transform_0, window_bounds = array<i64: 1, 19, 128, 512>}, {transform_indices = @transform_1, window_bounds = array<i64: 1, 128, 512>}, {transform_indices = @transform_2, window_bounds = array<i64: 128, 512>}, {transform_indices = @transform_3, window_bounds = array<i64: 1, 1, 1, 1>}]} {
    %get3A = arith.constant 0 : index
    %get3A_0 = arith.constant 0 : index
    %get3A_1 = arith.constant 0 : index
    %get3A_2 = arith.constant 0 : index
    %get3A_3 = vector.load %arg2[%get3A, %get3A_0, %get3A_1, %get3A_2] : memref<1x19x128x512xf32, #tpu.memory_space<vmem>>, vector<1x1x128x512xf32>
    %get3A_4 = vector.shape_cast %get3A_3 : vector<1x1x128x512xf32> to vector<128x512xf32>
    %exp3A = math.exp %get3A_4 : vector<128x512xf32>
    %get3A_5 = arith.constant 0 : index
    %get3A_6 = arith.constant 1 : index
    %get3A_7 = arith.constant 0 : index
    %get3A_8 = arith.constant 0 : index
    %get3A_9 = vector.load %arg2[%get3A_5, %get3A_6, %get3A_7, %get3A_8] : memref<1x19x128x512xf32, #tpu.memory_space<vmem>>, vector<1x1x128x512xf32>
    %get3A_10 = vector.shape_cast %get3A_9 : vector<1x1x128x512xf32> to vector<128x512xf32>
    %exp3A_11 = math.exp %get3A_10 : vector<128x512xf32>
    %add3A = arith.addf %exp3A, %exp3A_11 : vector<128x512xf32>
    %get3A_12 = arith.constant 0 : index
    %get3A_13 = arith.constant 2 : index
    %get3A_14 = arith.constant 0 : index
    %get3A_15 = arith.constant 0 : index
    %get3A_16 = vector.load %arg2[%get3A_12, %get3A_13, %get3A_14, %get3A_15] : memref<1x19x128x512xf32, #tpu.memory_space<vmem>>, vector<1x1x128x512xf32>
    %get3A_17 = vector.shape_cast %get3A_16 : vector<1x1x128x512xf32> to vector<128x512xf32>
    %exp3A_18 = math.exp %get3A_17 : vector<128x512xf32>
    %add3A_19 = arith.addf %add3A, %exp3A_18 : vector<128x512xf32>
    %get3A_20 = arith.constant 0 : index
    %get3A_21 = arith.constant 3 : index
    %get3A_22 = arith.constant 0 : index
    %get3A_23 = arith.constant 0 : index
    %get3A_24 = vector.load %arg2[%get3A_20, %get3A_21, %get3A_22, %get3A_23] : memref<1x19x128x512xf32, #tpu.memory_space<vmem>>, vector<1x1x128x512xf32>
    %get3A_25 = vector.shape_cast %get3A_24 : vector<1x1x128x512xf32> to vector<128x512xf32>
    %exp3A_26 = math.exp %get3A_25 : vector<128x512xf32>
    %add3A_27 = arith.addf %add3A_19, %exp3A_26 : vector<128x512xf32>
    %get3A_28 = arith.constant 0 : index
    %get3A_29 = arith.constant 4 : index
    %get3A_30 = arith.constant 0 : index
    %get3A_31 = arith.constant 0 : index
    %get3A_32 = vector.load %arg2[%get3A_28, %get3A_29, %get3A_30, %get3A_31] : memref<1x19x128x512xf32, #tpu.memory_space<vmem>>, vector<1x1x128x512xf32>
    %get3A_33 = vector.shape_cast %get3A_32 : vector<1x1x128x512xf32> to vector<128x512xf32>
    %exp3A_34 = math.exp %get3A_33 : vector<128x512xf32>
    %add3A_35 = arith.addf %add3A_27, %exp3A_34 : vector<128x512xf32>
    %get3A_36 = arith.constant 0 : index
    %get3A_37 = arith.constant 5 : index
    %get3A_38 = arith.constant 0 : index
    %get3A_39 = arith.constant 0 : index
    %get3A_40 = vector.load %arg2[%get3A_36, %get3A_37, %get3A_38, %get3A_39] : memref<1x19x128x512xf32, #tpu.memory_space<vmem>>, vector<1x1x128x512xf32>
    %get3A_41 = vector.shape_cast %get3A_40 : vector<1x1x128x512xf32> to vector<128x512xf32>
    %exp3A_42 = math.exp %get3A_41 : vector<128x512xf32>
    %add3A_43 = arith.addf %add3A_35, %exp3A_42 : vector<128x512xf32>
    %get3A_44 = arith.constant 0 : index
    %get3A_45 = arith.constant 6 : index
    %get3A_46 = arith.constant 0 : index
    %get3A_47 = arith.constant 0 : index
    %get3A_48 = vector.load %arg2[%get3A_44, %get3A_45, %get3A_46, %get3A_47] : memref<1x19x128x512xf32, #tpu.memory_space<vmem>>, vector<1x1x128x512xf32>
    %get3A_49 = vector.shape_cast %get3A_48 : vector<1x1x128x512xf32> to vector<128x512xf32>
    %exp3A_50 = math.exp %get3A_49 : vector<128x512xf32>
    %add3A_51 = arith.addf %add3A_43, %exp3A_50 : vector<128x512xf32>
    %get3A_52 = arith.constant 0 : index
    %get3A_53 = arith.constant 7 : index
    %get3A_54 = arith.constant 0 : index
    %get3A_55 = arith.constant 0 : index
    %get3A_56 = vector.load %arg2[%get3A_52, %get3A_53, %get3A_54, %get3A_55] : memref<1x19x128x512xf32, #tpu.memory_space<vmem>>, vector<1x1x128x512xf32>
    %get3A_57 = vector.shape_cast %get3A_56 : vector<1x1x128x512xf32> to vector<128x512xf32>
    %exp3A_58 = math.exp %get3A_57 : vector<128x512xf32>
    %add3A_59 = arith.addf %add3A_51, %exp3A_58 : vector<128x512xf32>
    %get3A_60 = arith.constant 0 : index
    %get3A_61 = arith.constant 8 : index
    %get3A_62 = arith.constant 0 : index
    %get3A_63 = arith.constant 0 : index
    %get3A_64 = vector.load %arg2[%get3A_60, %get3A_61, %get3A_62, %get3A_63] : memref<1x19x128x512xf32, #tpu.memory_space<vmem>>, vector<1x1x128x512xf32>
    %get3A_65 = vector.shape_cast %get3A_64 : vector<1x1x128x512xf32> to vector<128x512xf32>
    %exp3A_66 = math.exp %get3A_65 : vector<128x512xf32>
    %add3A_67 = arith.addf %add3A_59, %exp3A_66 : vector<128x512xf32>
    %get3A_68 = arith.constant 0 : index
    %get3A_69 = arith.constant 9 : index
    %get3A_70 = arith.constant 0 : index
    %get3A_71 = arith.constant 0 : index
    %get3A_72 = vector.load %arg2[%get3A_68, %get3A_69, %get3A_70, %get3A_71] : memref<1x19x128x512xf32, #tpu.memory_space<vmem>>, vector<1x1x128x512xf32>
    %get3A_73 = vector.shape_cast %get3A_72 : vector<1x1x128x512xf32> to vector<128x512xf32>
    %exp3A_74 = math.exp %get3A_73 : vector<128x512xf32>
    %add3A_75 = arith.addf %add3A_67, %exp3A_74 : vector<128x512xf32>
    %get3A_76 = arith.constant 0 : index
    %get3A_77 = arith.constant 10 : index
    %get3A_78 = arith.constant 0 : index
    %get3A_79 = arith.constant 0 : index
    %get3A_80 = vector.load %arg2[%get3A_76, %get3A_77, %get3A_78, %get3A_79] : memref<1x19x128x512xf32, #tpu.memory_space<vmem>>, vector<1x1x128x512xf32>
    %get3A_81 = vector.shape_cast %get3A_80 : vector<1x1x128x512xf32> to vector<128x512xf32>
    %exp3A_82 = math.exp %get3A_81 : vector<128x512xf32>
    %add3A_83 = arith.addf %add3A_75, %exp3A_82 : vector<128x512xf32>
    %get3A_84 = arith.constant 0 : index
    %get3A_85 = arith.constant 11 : index
    %get3A_86 = arith.constant 0 : index
    %get3A_87 = arith.constant 0 : index
    %get3A_88 = vector.load %arg2[%get3A_84, %get3A_85, %get3A_86, %get3A_87] : memref<1x19x128x512xf32, #tpu.memory_space<vmem>>, vector<1x1x128x512xf32>
    %get3A_89 = vector.shape_cast %get3A_88 : vector<1x1x128x512xf32> to vector<128x512xf32>
    %exp3A_90 = math.exp %get3A_89 : vector<128x512xf32>
    %add3A_91 = arith.addf %add3A_83, %exp3A_90 : vector<128x512xf32>
    %get3A_92 = arith.constant 0 : index
    %get3A_93 = arith.constant 12 : index
    %get3A_94 = arith.constant 0 : index
    %get3A_95 = arith.constant 0 : index
    %get3A_96 = vector.load %arg2[%get3A_92, %get3A_93, %get3A_94, %get3A_95] : memref<1x19x128x512xf32, #tpu.memory_space<vmem>>, vector<1x1x128x512xf32>
    %get3A_97 = vector.shape_cast %get3A_96 : vector<1x1x128x512xf32> to vector<128x512xf32>
    %exp3A_98 = math.exp %get3A_97 : vector<128x512xf32>
    %add3A_99 = arith.addf %add3A_91, %exp3A_98 : vector<128x512xf32>
    %get3A_100 = arith.constant 0 : index
    %get3A_101 = arith.constant 13 : index
    %get3A_102 = arith.constant 0 : index
    %get3A_103 = arith.constant 0 : index
    %get3A_104 = vector.load %arg2[%get3A_100, %get3A_101, %get3A_102, %get3A_103] : memref<1x19x128x512xf32, #tpu.memory_space<vmem>>, vector<1x1x128x512xf32>
    %get3A_105 = vector.shape_cast %get3A_104 : vector<1x1x128x512xf32> to vector<128x512xf32>
    %exp3A_106 = math.exp %get3A_105 : vector<128x512xf32>
    %add3A_107 = arith.addf %add3A_99, %exp3A_106 : vector<128x512xf32>
    %get3A_108 = arith.constant 0 : index
    %get3A_109 = arith.constant 14 : index
    %get3A_110 = arith.constant 0 : index
    %get3A_111 = arith.constant 0 : index
    %get3A_112 = vector.load %arg2[%get3A_108, %get3A_109, %get3A_110, %get3A_111] : memref<1x19x128x512xf32, #tpu.memory_space<vmem>>, vector<1x1x128x512xf32>
    %get3A_113 = vector.shape_cast %get3A_112 : vector<1x1x128x512xf32> to vector<128x512xf32>
    %exp3A_114 = math.exp %get3A_113 : vector<128x512xf32>
    %add3A_115 = arith.addf %add3A_107, %exp3A_114 : vector<128x512xf32>
    %get3A_116 = arith.constant 0 : index
    %get3A_117 = arith.constant 15 : index
    %get3A_118 = arith.constant 0 : index
    %get3A_119 = arith.constant 0 : index
    %get3A_120 = vector.load %arg2[%get3A_116, %get3A_117, %get3A_118, %get3A_119] : memref<1x19x128x512xf32, #tpu.memory_space<vmem>>, vector<1x1x128x512xf32>
    %get3A_121 = vector.shape_cast %get3A_120 : vector<1x1x128x512xf32> to vector<128x512xf32>
    %exp3A_122 = math.exp %get3A_121 : vector<128x512xf32>
    %add3A_123 = arith.addf %add3A_115, %exp3A_122 : vector<128x512xf32>
    %get3A_124 = arith.constant 0 : index
    %get3A_125 = arith.constant 16 : index
    %get3A_126 = arith.constant 0 : index
    %get3A_127 = arith.constant 0 : index
    %get3A_128 = vector.load %arg2[%get3A_124, %get3A_125, %get3A_126, %get3A_127] : memref<1x19x128x512xf32, #tpu.memory_space<vmem>>, vector<1x1x128x512xf32>
    %get3A_129 = vector.shape_cast %get3A_128 : vector<1x1x128x512xf32> to vector<128x512xf32>
    %exp3A_130 = math.exp %get3A_129 : vector<128x512xf32>
    %add3A_131 = arith.addf %add3A_123, %exp3A_130 : vector<128x512xf32>
    %get3A_132 = arith.constant 0 : index
    %get3A_133 = arith.constant 17 : index
    %get3A_134 = arith.constant 0 : index
    %get3A_135 = arith.constant 0 : index
    %get3A_136 = vector.load %arg2[%get3A_132, %get3A_133, %get3A_134, %get3A_135] : memref<1x19x128x512xf32, #tpu.memory_space<vmem>>, vector<1x1x128x512xf32>
    %get3A_137 = vector.shape_cast %get3A_136 : vector<1x1x128x512xf32> to vector<128x512xf32>
    %exp3A_138 = math.exp %get3A_137 : vector<128x512xf32>
    %add3A_139 = arith.addf %add3A_131, %exp3A_138 : vector<128x512xf32>
    %get3A_140 = arith.constant 0 : index
    %get3A_141 = arith.constant 18 : index
    %get3A_142 = arith.constant 0 : index
    %get3A_143 = arith.constant 0 : index
    %get3A_144 = vector.load %arg2[%get3A_140, %get3A_141, %get3A_142, %get3A_143] : memref<1x19x128x512xf32, #tpu.memory_space<vmem>>, vector<1x1x128x512xf32>
    %get3A_145 = vector.shape_cast %get3A_144 : vector<1x1x128x512xf32> to vector<128x512xf32>
    %exp3A_146 = math.exp %get3A_145 : vector<128x512xf32>
    %add3A_147 = arith.addf %add3A_139, %exp3A_146 : vector<128x512xf32>
    %div3A = arith.divf %exp3A, %add3A_147 : vector<128x512xf32>
    %get3A_148 = arith.constant 0 : index
    %get3A_149 = arith.constant 0 : index
    %get3A_150 = arith.constant 0 : index
    %get3A_151 = vector.load %arg3[%get3A_148, %get3A_149, %get3A_150] : memref<1x128x512xi32, #tpu.memory_space<vmem>>, vector<1x128x512xi32>
    %get3A_152 = vector.shape_cast %get3A_151 : vector<1x128x512xi32> to vector<128x512xi32>
    %eq3A = arith.constant 0 : i32
    %eq3A_153 = vector.broadcast %eq3A : i32 to vector<128x512xi32>
    %eq3A_154 = arith.cmpi eq, %get3A_152, %eq3A_153 : vector<128x512xi32>
    %sub3A = arith.constant 1.000000e+00 : f32
    %sub3A_155 = vector.broadcast %sub3A : f32 to vector<128x512xf32>
    %sub3A_156 = arith.subf %sub3A_155, %div3A : vector<128x512xf32>
    %select_n3A = arith.select %eq3A_154, %sub3A_156, %div3A : vector<128x512xi1>, vector<128x512xf32>
    %mul3A = arith.constant 5.120000e+02 : f32
    %mul3A_157 = vector.broadcast %mul3A : f32 to vector<128x512xf32>
    %mul3A_158 = arith.mulf %select_n3A, %mul3A_157 : vector<128x512xf32>
    %convert_element_type3A = arith.fptosi %mul3A_158 : vector<128x512xf32> to vector<128x512xi32>
    %jit3A = arith.constant 0 : i32
    %jit3A_159 = arith.constant 511 : i32
    %max3A = vector.broadcast %jit3A : i32 to vector<128x512xi32>
    %max3A_160 = arith.maxsi %max3A, %convert_element_type3A : vector<128x512xi32>
    %min3A = vector.broadcast %jit3A_159 : i32 to vector<128x512xi32>
    %min3A_161 = arith.minsi %min3A, %max3A_160 : vector<128x512xi32>
    %jit3A_162 = arith.constant 512 : i32
    %jit3A_163 = arith.constant 0 : i32
    %broadcast_in_dim3A = vector.broadcast %jit3A_162 : i32 to vector<128x512xi32>
    %broadcast_in_dim3A_164 = vector.broadcast %jit3A_163 : i32 to vector<128x512xi32>
    %select_n3A_165 = arith.select %eq3A_154, %broadcast_in_dim3A, %broadcast_in_dim3A_164 : vector<128x512xi1>, vector<128x512xi32>
    %add3A_166 = arith.addi %min3A_161, %select_n3A_165 : vector<128x512xi32>
    %swap3A = arith.constant 0 : index
    %swap3A_167 = arith.constant 0 : index
    %swap3A_168 = vector.load %arg4[%swap3A, %swap3A_167] : memref<128x512xi32, #tpu.memory_space<vmem>>, vector<128x512xi32>
    tpu.vector_store %arg4[%swap3A, %swap3A_167], %add3A_166 {strides = array<i32>} : memref<128x512xi32, #tpu.memory_space<vmem>>, vector<128x512xi32>,
    %eq3A_169 = arith.constant 1 : i32
    %eq3A_170 = vector.broadcast %eq3A_169 : i32 to vector<128x512xi32>
    %eq3A_171 = arith.cmpi eq, %get3A_152, %eq3A_170 : vector<128x512xi32>
    %convert_element_type3A_172 = arith.extui %eq3A_171 : vector<128x512xi1> to vector<128x512xi32>
    %reduce_sum3A = vector.shape_cast %convert_element_type3A_172 : vector<128x512xi32> to vector<1x128x512xi32>
    %reduce_sum3A_173 = arith.constant dense<0> : vector<1xi32>
    %reduce_sum3A_174 = vector.multi_reduction <add>, %reduce_sum3A, %reduce_sum3A_173 [1, 2] : vector<1x128x512xi32> to vector<1xi32>
    %reduce_sum3A_175 = vector.shape_cast %reduce_sum3A_174 : vector<1xi32> to vector<1x1x1xi32>
    %reduce_sum3A_176 = vector.extract %reduce_sum3A_175[0, 0, 0] : i32 from vector<1x1x1xi32>
    %reshape3A = vector.broadcast %reduce_sum3A_176 : i32 to vector<1x1x1x1xi32>
    %swap3A_177 = arith.constant 0 : index
    %swap3A_178 = arith.constant 0 : index
    %swap3A_179 = arith.constant 0 : index
    %swap3A_180 = arith.constant 0 : index
    %swap3A_181 = vector.load %arg5[%swap3A_177, %swap3A_178, %swap3A_179, %swap3A_180] : memref<1x1x1x1xi32, #tpu.memory_space<vmem>>, vector<1x1x1x1xi32>
    tpu.vector_store %arg5[%swap3A_177, %swap3A_178, %swap3A_179, %swap3A_180], %reshape3A {strides = array<i32>} : memref<1x1x1x1xi32, #tpu.memory_space<vmem>>, vector<1x1x1x1xi32>,
    return
  }
  func.func @transform_0(%arg0: i32, %arg1: i32) -> (i32, i32, i32, i32) {
    %add3A = arith.constant 2 : i32
    %add3A_0 = arith.addi %arg0, %add3A : i32
    %c0_i32 = arith.constant 0 : i32
    %c0_i32_1 = arith.constant 0 : i32
    %c0_i32_2 = arith.constant 0 : i32
    return %add3A_0, %c0_i32, %arg1, %c0_i32_1 : i32, i32, i32, i32
  }
  func.func @transform_1(%arg0: i32, %arg1: i32) -> (i32, i32, i32) {
    %add3A = arith.constant 2 : i32
    %add3A_0 = arith.addi %arg0, %add3A : i32
    %c0_i32 = arith.constant 0 : i32
    %c0_i32_1 = arith.constant 0 : i32
    return %add3A_0, %arg1, %c0_i32 : i32, i32, i32
  }
  func.func @transform_2(%arg0: i32, %arg1: i32) -> (i32, i32) {
    %mul3A = arith.constant 4 : i32
    %mul3A_0 = arith.muli %arg0, %mul3A : i32
    %add3A = arith.addi %mul3A_0, %arg1 : i32
    %c0_i32 = arith.constant 0 : i32
    %c0_i32_1 = arith.constant 0 : i32
    return %add3A, %c0_i32 : i32, i32
  }
  func.func @transform_3(%arg0: i32, %arg1: i32) -> (i32, i32, i32, i32) {
    %c0_i32 = arith.constant 0 : i32
    %c0_i32_0 = arith.constant 0 : i32
    %c0_i32_1 = arith.constant 0 : i32
    return %arg0, %arg1, %c0_i32, %c0_i32_0 : i32, i32, i32, i32
  }
}

</mosaic_0001>

<sc_bundles>
// kernel: hist_sc.4.cloned.1.call-start
scs
__scs_entry_jumppad:
0x0: {  	(pc) =	sbr.rel $0x88, $3  }
0x1: {  	(tag) =	ssettag $0x0;
	lr =	simm.s32 $0x1  }
0x2: {  	[smem:$0x3F9F] =	sst lr;
	_ =	strace $0xD0000000  }
0x3: {  	_ = 	snop  }
0x4: {  	_ = 	snop  }
0x5: {  	_ = 	snop  }
0x6: {  	_ = 	snop  }
0x7: {  	_ = 	snop  }
__scs_overlays_trampoline_lowered:
0x8: {  	[smem:$0x3FAE] =	sst s0  }
0x9: {  	[smem:$0x3FAF] =	sst s1  }
0xa: {  	[smem:$0x3FB0] =	sst s2  }
0xb: {  	[smem:$0x3FB1] =	sst s3  }
0xc: {  	[smem:$0x3FB2] =	sst s4  }
0xd: {  	[smem:$0x3FB3] =	sst s5  }
0xe: {  	[smem:$0x3FB4] =	sst s6  }
0xf: {  	[smem:$0x3FB5] =	sst s7  }
0x10: {  	[smem:$0x3FB6] =	sst s8  }
0x11: {  	[smem:$0x3FB7] =	sst s9;
	s0 =	simm.s32 @!p0 $0x0  }
0x12: {  	s1 =	sld [smem:$0x3F9D];
	s0 =	simm.s32 @p0 $0x1  }
0x13: {  	[smem:$0x3FB8] =	sst s0;
	s0 =	simm.s32 @!p1 $0x0  }
0x14: {  	s2 =	sld [smem:$0x3F9C];
	s0 =	simm.s32 @p1 $0x1  }
0x15: {  	[smem:$0x3FB9] =	sst s0;
	s0 =	simm.s32 @!p2 $0x0  }
0x16: {  	s3 =	sld [smem:$0x3FDB];
	s0 =	simm.s32 @p2 $0x1  }
0x17: {  	s4 =	simm.s32 $0x1BF5;
	[smem:$0x3FBB] =	sst s0  }
0x18: {  	s0 =	sld [smem:$0x3F9E];
	_ =	swait.ge [sflag:s4], $0x0  }
0x19: {  	s7 =	sld [smem:$0x3F9F]  }
0x1a: {  	s8 =	sadd.s32 $0xFFFFE003, lr  }
0x1b: {  	s9 =	sadd.s32 $0xFFFFFEF7, lr;
	s5 =	simm.s32 $0xFFFFFFFF;
	p2 =	slt.u32 s8, $0xFFFFF086  }
0x1c: {  	p1 =	slt.u32 s9, $0xF7A;
	s5 =	simm.s32 @!p2 $0x0  }
0x1d: {  	s5 =	simm.s32 @p1 $0x1;
	p0 =	seq.s32 s7, s2  }
0x1e: {  	s7 =	smul.u32 @!p0 $0xF7A, s2;
	p2 =	seq.s32 @!p0 s5, $0x0  }
0x1f: {  	s9 =	smul.u32 $0xF7A, s1;
	s8 =	simm.s32 @!p0 $0x1BF5;
	p2 =	por !p2, p0  }
0x20: {  	[sflag:s8] =	ssyncset.s32 @!p0 $0xFFFFF086;
	s6 =	sadd.s32 @!p0 s3, s7;
	s7 =	simm.s32 @!p0 $0x108  }
0x21: {  	s3 =	sadd.s32 s3, s9;
	s6 =	sadd.s32 @!p0 $0x88, s6;
	s7 =	simm.s32 @p2 $0x1082  }
0x22: {  	[simem:s7], [sflag:s8] =	dma.local @!p0 [hbm:s6], $0xF7A  }
0x23: {  	s9 =	sor.u32 $0xD0000000, s2;
	s6 =	simm.s32 $0x108;
	_ =	swait.ge @!p0 [sflag:s8], $0x0  }
0x24: {  	s3 =	sadd.s32 $0x88, s3;
	s6 =	simm.s32 @!p1 $0x1082;
	[sflag:s4] =	ssyncset.s32 $0xFFFFF086  }
0x25: {  	[simem:s6], [sflag:s4] =	dma.local [hbm:s3], $0xF7A  }
0x26: {  	[smem:$0x3F9F] =	sst s1;
	(tag) =	ssettag s2;
	_ =	strace s9  }
0x27: {  	s1 =	sld [smem:$0x3FAF]  }
0x28: {  	s2 =	sld [smem:$0x3FB0]  }
0x29: {  	s4 =	sld [smem:$0x3FB2]  }
0x2a: {  	p0 =	seq.s32 s5, $0x0;
	s5 =	sld [smem:$0x3FB3]  }
0x2b: {  	s6 =	sld [smem:$0x3FB4]  }
0x2c: {  	s7 =	sld [smem:$0x3FB5]  }
0x2d: {  	s3 =	simm.s32 $0x108;
	s8 =	sld [smem:$0x3FB6]  }
0x2e: {  	s3 =	simm.s32 @!p0 $0x1082;
	s9 =	sld [smem:$0x3FB7]  }
0x2f: {  	lr =	sadd.s32 s0, s3;
	s0 =	sld [smem:$0x3FAE]  }
0x30: {  	s3 =	sld [smem:$0x3FB1]  }
0x31: {  	[smem:$0x3FBA] =	sst s10  }
0x32: {  	s10 =	sld [smem:$0x3FB8];
	_ =	sdelay $0x3  }
0x33: {  	p0 =	seq.s32 s10, $0x1;
	s10 =	sld [smem:$0x3FBA];
	_ =	sdelay $0x3  }
0x34: {  	[smem:$0x3FBA] =	sst s10  }
0x35: {  	s10 =	sld [smem:$0x3FB9];
	_ =	sdelay $0x3  }
0x36: {  	p1 =	seq.s32 s10, $0x1;
	s10 =	sld [smem:$0x3FBA];
	_ =	sdelay $0x3  }
0x37: {  	[smem:$0x3FBA] =	sst s10  }
0x38: {  	s10 =	sld [smem:$0x3FBB]  }
0x39: {  	_ = 	snop;
	(pc) =	sbr.ind lr, $3  }
0x3a: {  	_ = 	snop  }
0x3b: {  	_ = 	snop  }
0x3c: {  	p2 =	seq.s32 s10, $0x1;
	s10 =	sld [smem:$0x3FBA]  }
0x3d: {  	_ =	shalt  }
0x3e: {  	_ =	shalt  }
0x3f: {  	_ =	shalt  }
0x40: {  	_ =	shalt  }
0x41: {  	_ =	shalt  }
0x42: {  	_ =	shalt  }
0x43: {  	_ =	shalt  }
0x44: {  	_ =	shalt  }
0x45: {  	_ =	shalt  }
0x46: {  	_ =	shalt  }
0x47: {  	_ =	shalt  }
0x48: {  	_ =	shalt  }
0x49: {  	_ =	shalt  }
0x4a: {  	_ =	shalt  }
0x4b: {  	_ =	shalt  }
0x4c: {  	_ =	shalt  }
0x4d: {  	_ =	shalt  }
0x4e: {  	_ =	shalt  }
0x4f: {  	_ =	shalt  }
0x50: {  	_ =	shalt  }
0x51: {  	_ =	shalt  }
0x52: {  	_ =	shalt  }
0x53: {  	_ =	shalt  }
0x54: {  	_ =	shalt  }
0x55: {  	_ =	shalt  }
0x56: {  	_ =	shalt  }
0x57: {  	_ =	shalt  }
0x58: {  	_ =	shalt  }
0x59: {  	_ =	shalt  }
0x5a: {  	_ =	shalt  }
0x5b: {  	_ =	shalt  }
0x5c: {  	_ =	shalt  }
0x5d: {  	_ =	shalt  }
0x5e: {  	_ =	shalt  }
0x5f: {  	_ =	shalt  }
0x60: {  	_ =	shalt  }
0x61: {  	_ =	shalt  }
0x62: {  	_ =	shalt  }
0x63: {  	_ =	shalt  }
0x64: {  	_ =	shalt  }
0x65: {  	_ =	shalt  }
0x66: {  	_ =	shalt  }
0x67: {  	_ =	shalt  }
0x68: {  	_ =	shalt  }
0x69: {  	_ =	shalt  }
0x6a: {  	_ =	shalt  }
0x6b: {  	_ =	shalt  }
0x6c: {  	_ =	shalt  }
0x6d: {  	_ =	shalt  }
0x6e: {  	_ =	shalt  }
0x6f: {  	_ =	shalt  }
0x70: {  	_ =	shalt  }
0x71: {  	_ =	shalt  }
0x72: {  	_ =	shalt  }
0x73: {  	_ =	shalt  }
0x74: {  	_ =	shalt  }
0x75: {  	_ =	shalt  }
0x76: {  	_ =	shalt  }
0x77: {  	_ =	shalt  }
0x78: {  	_ =	shalt  }
0x79: {  	_ =	shalt  }
0x7a: {  	_ =	shalt  }
0x7b: {  	_ =	shalt  }
0x7c: {  	_ =	shalt  }
0x7d: {  	_ =	shalt  }
0x7e: {  	_ =	shalt  }
0x7f: {  	_ =	shalt  }
0x80: {  	_ =	shalt  }
0x81: {  	_ =	shalt  }
0x82: {  	_ =	shalt  }
0x83: {  	_ =	shalt  }
0x84: {  	_ =	shalt  }
0x85: {  	_ =	shalt  }
0x86: {  	_ =	shalt  }
0x87: {  	_ =	shalt  }
.Lfunc_end0:
.L_simem_size_0:
called_computation_lowered:
.L_overlay_start_0:
0x88: {  	s2 =	sld [smem:$0x3FD9]  }
0x89: {  	s3 =	sld [smem:$0x3FFE];
	_ =	sdelay $0x1  }
0x8a: {  	s1 =	srdreg.scid  }
0x8b: {  	s0 =	sand.u32 $0x1, s1  }
0x8c: {  	s16 =	sshll.u32 s0, $0xA;
	s2 =	sadd.s32 s3, s2  }
0x8d: {  	s2 =	sadd.s32 s2, s16  }
0x8e: {  	[smem:$0x3FC6] =	sst s2  }
0x8f: {  	_ = 	snop  }
0x90: {  	(tm) =	ssettm $0x1  }
0x91: {  	s17 =	sld [smem:$0x3FFB];
	_ =	sdelay $0x3  }
0x92: {  	_ =	strace s17  }
0x93: {  	s2 =	sld [smem:$0x3FFC];
	_ =	sdelay $0x3  }
0x94: {  	_ =	strace s2  }
0x95: {  	s2 =	sld [smem:$0x3FFD];
	_ =	sdelay $0x3  }
0x96: {  	_ =	strace s2  }
0x97: {  	_ =	strace $0x8FFFFFFF  }
0x98: {  	s18 =	sld [smem:$0x3FDB];
	_ =	sdelay $0x1  }
0x99: {  	s19 =	simm.s32 $_scs_section_size  }
0x9a: {  	s4 =	simm.s32 $_size__tile_overlayer_lowered;
	s5 =	simm.s32 $_tile_overlayer_lowered  }
0x9b: {  	s22 =	simm.s32 $0x1BFF;
	s21 =	sshll.u32 s5, $0x1;
	s2 =	sadd.s32 s19, s18  }
0x9c: {  	s6 =	simm.s32 $0x0;
	s20 =	sshll.u32 s4, $0x1;
	s4 =	sadd.s32 s21, s2  }
0x9d: {  	[timem:s6], [sflag:s22] =	dma.local [hbm:s4], s20  }
0x9e: {  	_ =	swait.ge [sflag:s22], s20  }
0x9f: {  	s3 =	ssub.s32 $0x0, s20;
	[sflag:s22] =	ssyncset.done $0x0  }
0xa0: {  	[sflag:s22] =	ssyncadd.s32 s3;
	_ =	sdelay $0x1  }
0xa1: {  	s23 =	simm.s32 $0x1B8B  }
0xa2: {  	_ =	swait.ge [sflag:s23], $0x1  }
0xa3: {  	[sflag:s23] =	ssyncset.done $0x0  }
0xa4: {  	s25 =	simm.s32 $0x1B8E;
	s24 =	sld [smem:$0x3FFE];
	[sflag:s23] =	ssyncadd.s32 $0xFFFFFFFF  }
0xa5: {  	s26 =	simm.s32 $execute0_lowered;
	[smem:$0x3FD2] =	sst s25  }
0xa6: {  	s4 =	sshll.u32 s26, $0x1;
	_ =	strace $0x80000046;
	[dreg:$0x1] =	wrdreg $0xFFFFFFFF  }
0xa7: {  	s28 =	simm.s32 $_size_execute0_lowered;
	s2 =	sadd.s32 s2, s4;
	[dreg:$0x0] =	wrdreg $0x0  }
0xa8: {  	s4 =	sshll.u32 s28, $0x1;
	[dreg:$0x2] =	wrdreg s2  }
0xa9: {  	[dreg:$0x3] =	wrdreg s4  }
0xaa: {  	[dreg:$0x4] =	wrdreg $0xC0  }
0xab: {  	_ =	task [dreg:s6], $0x5FFFF  }
0xac: {  	[dreg:$0x1] =	wrdreg $0xFFFFFFFF  }
0xad: {  	[dreg:$0x0] =	wrdreg $0x60  }
0xae: {  	[dreg:$0x2] =	wrdreg s24  }
0xaf: {  	[dreg:$0x3] =	wrdreg $0x9  }
0xb0: {  	_ =	task.clear_ibuf [dreg:s6], $0x4FFFF;
	_ =	strace $0x90000046  }
0xb1: {  	s29 =	simm.s32 $0x9;
	_ =	strace $0x80000048  }
0xb2: {  	_ =	swait.ge [sflag:s29], $0x1  }
0xb3: {  	[sflag:s29] =	ssyncadd.s32 $0xFFFFFFFF  }
0xb4: {  	_ =	strace $0x90000048  }
0xb5: {  	_ =	sfence  }
0xb6: {  	s30 =	sld [smem:$0x0];
	_ =	sdelay $0x2  }
0xb7: {  	s31 =	sshll.u32 s1, $0xD;
	s1 =	sshrl.u32 s1, $0x2  }
0xb8: {  	s3 =	sand.u32 $0x4000, s31;
	s1 =	sadd.s32 s1, s30  }
0xb9: {  	s0 =	sor.u32 s3, s0;
	s1 =	sshll.u32 s1, $0x11  }
0xba: {  	s0 =	sor.u32 s1, s0  }
0xbb: {  	s0 =	sadd.s32 $0x8F2B, s0  }
0xbc: {  	[sflag:s0] =	ssyncadd.remote.s32 $0x1  }
0xbd: {  	_ =	sfence.sel $0xFFFF  }
0xbe: {  	[dreg:$0x0] =	wrdreg $0xFFFFFFFF;
	(pc) =	sbr.abs _section_cstart, $3  }
0xbf: {  	[dreg:$0x1] =	wrdreg $0xFFFFFFFF  }
0xc0: {  	_ =	task.clear_ibuf [dreg:s6], $0x2FFFF;
	_ =	strace $0x9FFFFFFF  }
0xc1: {  	(tm) =	ssettm $0x7FFFFFFF  }
tec
execute0_lowered:
.L_overlay_start_1:
0x0: {  	(tag) =	ssettag $0x1  }
0x1: {  	s3 =	rddreg [dreg:$0x0]  }
0x2: {  	s4 =	srdreg.scid;
	s0 =	stileid.u32  }
0x3: {  	s2 =	simm.s32 $0x0;
	s9 =	simm.s32 $0x1;
	s10 =	simm.s32 $0x1000  }
0x4: {  	s11 =	simm.s32 $0x2000;
	s12 =	simm.s32 $0x2;
	s14 =	simm.s32 $0x400  }
0x5: {  	s15 =	simm.s32 $0x6000;
	s16 =	simm.s32 $0x3;
	s4 =	sand.u32 $0x1, s4  }
0x6: {  	s5 =	sshll.u32 s0, $0x1;
	[smem:$0x7FF] =	sst s2;
	s7 =	sshll.u32 s0, $0x8  }
0x7: {  	s5 =	sor.u32 s4, s5;
	_ =	strace $0x80000047;
	s4 =	ssub.s32 $0x2, s4  }
0x8: {  	s7 =	sand.u32 $0xC00, s7;
	s6 =	sshll.u32 s5, $0xB;
	s8 =	sshrl.u32 s4, $0x1  }
0x9: {  	s5 =	sshll.u32 s5, $0x4;
	s7 =	sadd.s32 s7, s3;
	s6 =	sadd.s32 s6, s3  }
0xa: {  	v1 =	vlaneseq.u32;
	s8 =	ssub.s32 s4, s8;
	s5 =	sand.u32 $0x70, s5;
	s3 =	sadd.s32 $0x1200, s6  }
0xb: {  	v1 =	vmul.u32 $0x400, v1;
	s4 =	sadd.s32 $0x1400, s6;
	s7 =	sadd.s32 s5, s7;
	s5 =	sadd.s32 $0x1600, s6  }
0xc: {  	v0 =	vimm.s32 $0x0;
	v2 =	vimm.s32 $0x1;
	s6 =	sadd.s32 $0x1800, s6;
	s8 =	smax.u32 s8, $0x1;
	s7 =	sadd.s32 $0x11200, s7  }
.LBB2_1:
0xd: {  	s17 =	simm.s32 $0x2040  }
0xe: {  	[tilespmem:s17+$0xFFFFFFC0] =	vst v0  }
0xf: {  	[tilespmem:s17+$0x30] =	vst v0  }
0x10: {  	[tilespmem:s17+$0x20] =	vst v0  }
0x11: {  	[tilespmem:s17+$0x10] =	vst v0  }
0x12: {  	[tilespmem:s17+$0x0] =	vst v0  }
0x13: {  	[tilespmem:s17+$0xFFFFFFF0] =	vst v0  }
0x14: {  	s18 =	simm.s32 $0x0;
	[tilespmem:s17+$0xFFFFFFE0] =	vst v0  }
.LBB2_2:
0x15: {  	s18 =	sadd.s32 $0x8, s18;
	[tilespmem:s17+$0xFFFFFFD0] =	vst v0;
	s17 =	sadd.s32 $0x80, s17  }
0x16: {  	[tilespmem:s17+$0xFFFFFFC0] =	vst v0;
	p0 =	slt.u32 s18, $0x3F8  }
0x17: {  	[tilespmem:s17+$0x30] =	vst v0  }
.Ltmp0:
0x18: {  	[tilespmem:s17+$0x20] =	vst v0;
	(pc) =	sbr.rel @p0 .LBB2_2-.Ltmp0, $4  }
0x19: {  	[tilespmem:s17+$0x10] =	vst v0  }
0x1a: {  	[tilespmem:s17+$0x0] =	vst v0  }
0x1b: {  	[tilespmem:s17+$0xFFFFFFF0] =	vst v0  }
0x1c: {  	[tilespmem:s17+$0xFFFFFFE0] =	vst v0  }
0x1d: {  	[tilespmem:s17+$0xFFFFFFD0] =	vst v0;
	s19 =	simm.s32 $0x0  }
0x1e: {  	[tilespmem:s19], [sflag:$0x1] =	stream.linear.gather [hbm4b:s3+s19], $0x1000, $0x38;
	[tilespmem:$0x6400] =	vst v63  }
0x1f: {  	_ =	swait.ge [sflag:s9], $0x1000  }
0x20: {  	s24 =	sand.u32 $0x60, s19;
	s18 =	sand.u32 $0xC00, s19;
	[sflag:s9] =	ssyncset.done $0x0  }
0x21: {  	s18 =	sor.u32 s24, s18;
	[sflag:s9] =	ssyncadd.s32 $0xFFFFF000  }
0x22: {  	[tilespmem:s10], [sflag:$0x2] =	stream.linear.gather [hbm4b:s4+s19], $0x1000, $0x38;
	[tilespmem:$0x6400] =	vst v63  }
0x23: {  	v3 =	vld [tilespmem:s18+$0x10];
	_ =	sdelay $0x4  }
0x24: {  	v3 =	vadd.s32 v1, v3  }
0x25: {  	v4 =	vld [tilespmem:s18+$0x0];
	_ =	sdelay $0x3  }
0x26: {  	[tilespmem:v3+s11+$0x0] =	vst.idx.add.s32.msk $0xffff, v2  }
0x27: {  	v4 =	vadd.s32 v1, v4;
	v3 =	vld [tilespmem:s18+$0x90];
	_ =	sdelay $0x4  }
0x28: {  	[tilespmem:v4+s11+$0x0] =	vst.idx.add.s32.msk $0xffff, v2;
	v3 =	vadd.s32 v1, v3  }
0x29: {  	s22 =	simm.s32 $0x100;
	s23 =	simm.s32 $0x20;
	v4 =	vld [tilespmem:s18+$0x80]  }
0x2a: {  	s25 =	sand.u32 $0x60, s23;
	s20 =	sand.u32 $0xC00, s22  }
0x2b: {  	s20 =	sor.u32 s25, s20  }
0x2c: {  	v5 =	vld [tilespmem:s20+$0x10]  }
0x2d: {  	[tilespmem:v3+s11+$0x0] =	vst.idx.add.s32.msk $0xffff, v2  }
0x2e: {  	v3 =	vadd.s32 v1, v4;
	v4 =	vld [tilespmem:s18+$0x110];
	_ =	sdelay $0x2  }
0x2f: {  	v5 =	vadd.s32 v1, v5  }
0x30: {  	v6 =	vld [tilespmem:s20+$0x0]  }
0x31: {  	[tilespmem:v3+s11+$0x0] =	vst.idx.add.s32.msk $0xffff, v2;
	v4 =	vadd.s32 v1, v4  }
0x32: {  	v3 =	vld [tilespmem:s18+$0x100];
	_ =	sdelay $0x1  }
0x33: {  	[tilespmem:v5+s11+$0x0] =	vst.idx.add.s32.msk $0xffff, v2  }
0x34: {  	v6 =	vadd.s32 v1, v6;
	v5 =	vld [tilespmem:s20+$0x90]  }
0x35: {  	[tilespmem:v4+s11+$0x0] =	vst.idx.add.s32.msk $0xffff, v2  }
0x36: {  	v3 =	vadd.s32 v1, v3;
	v4 =	vld [tilespmem:s18+$0x190];
	_ =	sdelay $0x2  }
0x37: {  	[tilespmem:v6+s11+$0x0] =	vst.idx.add.s32.msk $0xffff, v2;
	v5 =	vadd.s32 v1, v5  }
0x38: {  	v6 =	vld [tilespmem:s20+$0x80]  }
0x39: {  	[tilespmem:v3+s11+$0x0] =	vst.idx.add.s32.msk $0xffff, v2;
	v4 =	vadd.s32 v1, v4  }
0x3a: {  	v3 =	vld [tilespmem:s18+$0x180];
	_ =	sdelay $0x1  }
0x3b: {  	[tilespmem:v5+s11+$0x0] =	vst.idx.add.s32.msk $0xffff, v2  }
0x3c: {  	v5 =	vadd.s32 v1, v6;
	v6 =	vld [tilespmem:s20+$0x110]  }
0x3d: {  	[tilespmem:v4+s11+$0x0] =	vst.idx.add.s32.msk $0xffff, v2  }
0x3e: {  	v3 =	vadd.s32 v1, v3;
	v4 =	vld [tilespmem:s18+$0x210];
	_ =	sdelay $0x2  }
0x3f: {  	[tilespmem:v5+s11+$0x0] =	vst.idx.add.s32.msk $0xffff, v2;
	v6 =	vadd.s32 v1, v6  }
0x40: {  	v5 =	vld [tilespmem:s20+$0x100]  }
0x41: {  	[tilespmem:v3+s11+$0x0] =	vst.idx.add.s32.msk $0xffff, v2;
	v3 =	vadd.s32 v1, v4  }
0x42: {  	v4 =	vld [tilespmem:s18+$0x200];
	_ =	sdelay $0x1  }
0x43: {  	[tilespmem:v6+s11+$0x0] =	vst.idx.add.s32.msk $0xffff, v2  }
0x44: {  	v5 =	vadd.s32 v1, v5;
	v6 =	vld [tilespmem:s20+$0x190]  }
0x45: {  	[tilespmem:v3+s11+$0x0] =	vst.idx.add.s32.msk $0xffff, v2  }
0x46: {  	v3 =	vadd.s32 v1, v4;
	v4 =	vld [tilespmem:s18+$0x290];
	_ =	sdelay $0x2  }
0x47: {  	[tilespmem:v5+s11+$0x0] =	vst.idx.add.s32.msk $0xffff, v2;
	v6 =	vadd.s32 v1, v6  }
0x48: {  	s17 =	simm.s32 $0x200;
	s24 =	simm.s32 $0x40;
	v5 =	vld [tilespmem:s20+$0x180]  }
0x49: {  	s25 =	sand.u32 $0xC00, s17;
	s21 =	sand.u32 $0x60, s24;
	[tilespmem:v3+s11+$0x0] =	vst.idx.add.s32.msk $0xffff, v2;
	v4 =	vadd.s32 v1, v4  }
0x4a: {  	s26 =	sand.u32 $0x3, s19;
	v3 =	vld [tilespmem:s18+$0x280];
	s18 =	sor.u32 s21, s25  }
0x4b: {  	s21 =	sshll.u32 s26, $0x5;
	v7 =	vld [tilespmem:s18+$0x10]  }
0x4c: {  	[tilespmem:v6+s11+$0x0] =	vst.idx.add.s32.msk $0xffff, v2;
	s21 =	sadd.s32 $0x0, s21  }
0x4d: {  	v5 =	vadd.s32 v1, v5;
	v6 =	vld [tilespmem:s20+$0x210];
	s28 =	sadd.s32 $0x10, s21  }
0x4e: {  	s26 =	sor.u32 $0x300, s28;
	[tilespmem:v4+s11+$0x0] =	vst.idx.add.s32.msk $0xffff, v2  }
0x4f: {  	v3 =	vadd.s32 v1, v3;
	v4 =	vld [tilespmem:s26+$0x0]  }
0x50: {  	v8 =	vld [tilespmem:s18+$0x0];
	v7 =	vadd.s32 v1, v7;
	_ =	sdelay $0x1  }
0x51: {  	[tilespmem:v5+s11+$0x0] =	vst.idx.add.s32.msk $0xffff, v2  }
0x52: {  	v5 =	vadd.s32 v1, v6;
	v6 =	vld [tilespmem:s20+$0x200]  }
0x53: {  	[tilespmem:v3+s11+$0x0] =	vst.idx.add.s32.msk $0xffff, v2;
	v4 =	vadd.s32 v1, v4  }
0x54: {  	s21 =	sor.u32 $0x300, s21;
	[tilespmem:v7+s11+$0x0] =	vst.idx.add.s32.msk $0xffff, v2;
	v7 =	vadd.s32 v1, v8  }
0x55: {  	v3 =	vld [tilespmem:s21+$0x0]  }
0x56: {  	v8 =	vld [tilespmem:s18+$0x90]  }
0x57: {  	[tilespmem:v5+s11+$0x0] =	vst.idx.add.s32.msk $0xffff, v2  }
0x58: {  	[tilespmem:v4+s11+$0x0] =	vst.idx.add.s32.msk $0xffff, v2  }
0x59: {  	v5 =	vadd.s32 v1, v6;
	s29 =	sor.u32 $0x380, s28;
	[tilespmem:v7+s11+$0x0] =	vst.idx.add.s32.msk $0xffff, v2  }
0x5a: {  	v3 =	vadd.s32 v1, v3;
	v4 =	vld [tilespmem:s29+$0x0]  }
0x5b: {  	v7 =	vadd.s32 v1, v8;
	v8 =	vld [tilespmem:s18+$0x80];
	_ =	sdelay $0x1  }
0x5c: {  	v6 =	vld [tilespmem:s20+$0x290]  }
0x5d: {  	[tilespmem:v5+s11+$0x0] =	vst.idx.add.s32.msk $0xffff, v2  }
0x5e: {  	[tilespmem:v3+s11+$0x0] =	vst.idx.add.s32.msk $0xffff, v2;
	v3 =	vadd.s32 v1, v4  }
0x5f: {  	[tilespmem:v7+s11+$0x0] =	vst.idx.add.s32.msk $0xffff, v2;
	v4 =	vadd.s32 v1, v8  }
0x60: {  	v7 =	vld [tilespmem:s18+$0x110]  }
0x61: {  	v5 =	vld [tilespmem:s20+$0x280];
	v6 =	vadd.s32 v1, v6;
	s20 =	simm.s32 $0x1  }
0x62: {  	s1 =	sand.u32 $0x3, s20  }
0x63: {  	s26 =	sshll.u32 s1, $0x5;
	[tilespmem:v3+s11+$0x0] =	vst.idx.add.s32.msk $0xffff, v2  }
0x64: {  	s26 =	sadd.s32 $0x100, s26;
	[tilespmem:v4+s11+$0x0] =	vst.idx.add.s32.msk $0xffff, v2  }
0x65: {  	s31 =	simm.s32 $0x60;
	s19 =	sor.u32 s19, s19;
	s13 =	sadd.s32 $0x10, s26;
	v3 =	vld [tilespmem:s18+$0x100];
	v4 =	vadd.s32 v1, v7  }
0x66: {  	s30 =	sor.u32 $0x380, s19;
	s19 =	simm.s32 $0x300;
	[tilespmem:v6+s11+$0x0] =	vst.idx.add.s32.msk $0xffff, v2;
	s29 =	sor.u32 $0x300, s13  }
0x67: {  	s0 =	sand.u32 $0x60, s31;
	s28 =	sand.u32 $0xC00, s19;
	v5 =	vadd.s32 v1, v5;
	v6 =	vld [tilespmem:s29+$0x0]  }
0x68: {  	s21 =	sor.u32 s0, s28  }
0x69: {  	v8 =	vld [tilespmem:s21+$0x10]  }
0x6a: {  	v3 =	vadd.s32 v1, v3;
	[tilespmem:v4+s11+$0x0] =	vst.idx.add.s32.msk $0xffff, v2  }
0x6b: {  	v4 =	vld [tilespmem:s18+$0x190]  }
0x6c: {  	s26 =	sor.u32 $0x300, s26;
	[tilespmem:v5+s11+$0x0] =	vst.idx.add.s32.msk $0xffff, v2;
	v6 =	vadd.s32 v1, v6  }
0x6d: {  	v5 =	vld [tilespmem:s26+$0x0]  }
0x6e: {  	v9 =	vld [tilespmem:s21+$0x0];
	v8 =	vadd.s32 v1, v8  }
0x6f: {  	[tilespmem:v3+s11+$0x0] =	vst.idx.add.s32.msk $0xffff, v2  }
0x70: {  	v3 =	vld [tilespmem:s18+$0x180];
	v4 =	vadd.s32 v1, v4  }
0x71: {  	s29 =	sor.u32 $0x380, s13;
	[tilespmem:v6+s11+$0x0] =	vst.idx.add.s32.msk $0xffff, v2  }
0x72: {  	v5 =	vadd.s32 v1, v5;
	v6 =	vld [tilespmem:s29+$0x0]  }
0x73: {  	[tilespmem:v8+s11+$0x0] =	vst.idx.add.s32.msk $0xffff, v2;
	v8 =	vadd.s32 v1, v9  }
0x74: {  	v61 =	vld [tilespmem:s21+$0x90]  }
0x75: {  	[tilespmem:v4+s11+$0x0] =	vst.idx.add.s32.msk $0xffff, v2;
	v3 =	vadd.s32 v1, v3  }
0x76: {  	v4 =	vld [tilespmem:s18+$0x210]  }
0x77: {  	[tilespmem:v5+s11+$0x0] =	vst.idx.add.s32.msk $0xffff, v2  }
0x78: {  	v6 =	vadd.s32 v1, v6;
	[tilespmem:v8+s11+$0x0] =	vst.idx.add.s32.msk $0xffff, v2  }
0x79: {  	v8 =	vadd.s32 v1, v61;
	v62 =	vld [tilespmem:s21+$0x80]  }
0x7a: {  	[tilespmem:v3+s11+$0x0] =	vst.idx.add.s32.msk $0xffff, v2  }
0x7b: {  	v3 =	vadd.s32 v1, v4;
	v4 =	vld [tilespmem:s18+$0x200]  }
0x7c: {  	v7 =	vld [tilespmem:s30+$0x0]  }
0x7d: {  	[tilespmem:v6+s11+$0x0] =	vst.idx.add.s32.msk $0xffff, v2  }
0x7e: {  	[tilespmem:v8+s11+$0x0] =	vst.idx.add.s32.msk $0xffff, v2;
	v8 =	vadd.s32 v1, v62  }
0x7f: {  	v63 =	vld [tilespmem:s21+$0x110]  }
0x80: {  	s22 =	sor.u32 s22, s23;
	[tilespmem:v3+s11+$0x0] =	vst.idx.add.s32.msk $0xffff, v2;
	v10 =	vadd.s32 v1, v4  }
0x81: {  	s22 =	sor.u32 $0x380, s22;
	v5 =	vld [tilespmem:s18+$0x290]  }
0x82: {  	v4 =	vld [tilespmem:s22+$0x0];
	v3 =	vadd.s32 v1, v7  }
0x83: {  	s31 =	sor.u32 s19, s31;
	[tilespmem:v8+s11+$0x0] =	vst.idx.add.s32.msk $0xffff, v2  }
0x84: {  	s25 =	simm.s32 $0x400;
	s26 =	simm.s32 $0x80;
	s30 =	sor.u32 s17, s24;
	v6 =	vld [tilespmem:s21+$0x100];
	v7 =	vadd.s32 v1, v63  }
0x85: {  	s24 =	simm.s32 $0x6;
	s23 =	sor.u32 $0x380, s30;
	s22 =	sor.u32 $0x380, s31;
	[tilespmem:v10+s11+$0x0] =	vst.idx.add.s32.msk $0xffff, v2  }
.LBB2_4:
0x86: {  	s28 =	sand.u32 $0x60, s26;
	s29 =	sand.u32 $0xC00, s25;
	v8 =	vld [tilespmem:s18+$0x280];
	v5 =	vadd.s32 v1, v5;
	s20 =	sadd.s32 $0x1, s20  }
0x87: {  	s18 =	sor.u32 s25, s26;
	s29 =	sor.u32 s28, s29;
	s30 =	sand.u32 $0x3, s20;
	[tilespmem:v3+s11+$0x0] =	vst.idx.add.s32.msk $0xffff, v2;
	v3 =	vadd.s32 v1, v4  }
0x88: {  	s24 =	sadd.s32 $0x2, s24;
	s28 =	sor.u32 $0x380, s18;
	v4 =	vld [tilespmem:s29+$0x10];
	s18 =	sshll.u32 s30, $0x5  }
0x89: {  	p0 =	slt.u32 s24, $0x1E;
	v6 =	vadd.s32 v1, v6;
	[tilespmem:v7+s11+$0x0] =	vst.idx.add.s32.msk $0xffff, v2;
	s17 =	sadd.s32 s18, s17;
	s18 =	smov.u32 s21  }
0x8a: {  	s21 =	smov.u32 s29;
	v7 =	vld [tilespmem:s18+$0x190];
	s30 =	sor.u32 $0x300, s17;
	s31 =	sadd.s32 $0x10, s17  }
0x8b: {  	s17 =	smov.u32 s19;
	s19 =	smov.u32 s25;
	v8 =	vadd.s32 v1, v8;
	[tilespmem:v5+s11+$0x0] =	vst.idx.add.s32.msk $0xffff, v2;
	s29 =	sor.u32 $0x300, s31  }
0x8c: {  	v5 =	vld [tilespmem:s29+$0x0]  }
0x8d: {  	v9 =	vld [tilespmem:s21+$0x0];
	v4 =	vadd.s32 v1, v4  }
0x8e: {  	[tilespmem:v6+s11+$0x0] =	vst.idx.add.s32.msk $0xffff, v2  }
0x8f: {  	v6 =	vld [tilespmem:s18+$0x180];
	v7 =	vadd.s32 v1, v7  }
0x90: {  	[tilespmem:v8+s11+$0x0] =	vst.idx.add.s32.msk $0xffff, v2  }
0x91: {  	v8 =	vld [tilespmem:s30+$0x0];
	v5 =	vadd.s32 v1, v5  }
0x92: {  	v9 =	vadd.s32 v1, v9;
	[tilespmem:v4+s11+$0x0] =	vst.idx.add.s32.msk $0xffff, v2  }
0x93: {  	v4 =	vld [tilespmem:s21+$0x90]  }
0x94: {  	v6 =	vadd.s32 v1, v6;
	[tilespmem:v7+s11+$0x0] =	vst.idx.add.s32.msk $0xffff, v2  }
0x95: {  	v7 =	vld [tilespmem:s18+$0x210]  }
0x96: {  	s29 =	sor.u32 $0x380, s31;
	v8 =	vadd.s32 v1, v8;
	[tilespmem:v5+s11+$0x0] =	vst.idx.add.s32.msk $0xffff, v2  }
0x97: {  	v5 =	vld [tilespmem:s29+$0x0]  }
0x98: {  	[tilespmem:v9+s11+$0x0] =	vst.idx.add.s32.msk $0xffff, v2;
	v4 =	vadd.s32 v1, v4  }
0x99: {  	v9 =	vld [tilespmem:s21+$0x80]  }
0x9a: {  	[tilespmem:v6+s11+$0x0] =	vst.idx.add.s32.msk $0xffff, v2;
	v6 =	vadd.s32 v1, v7  }
0x9b: {  	v7 =	vld [tilespmem:s18+$0x200]  }
0x9c: {  	[tilespmem:v8+s11+$0x0] =	vst.idx.add.s32.msk $0xffff, v2;
	v8 =	vadd.s32 v1, v5  }
0x9d: {  	[tilespmem:v4+s11+$0x0] =	vst.idx.add.s32.msk $0xffff, v2  }
0x9e: {  	v9 =	vadd.s32 v1, v9;
	v10 =	vld [tilespmem:s21+$0x110]  }
0x9f: {  	[tilespmem:v6+s11+$0x0] =	vst.idx.add.s32.msk $0xffff, v2  }
0xa0: {  	v11 =	vadd.s32 v1, v7;
	v5 =	vld [tilespmem:s18+$0x290]  }
.Ltmp1:
0xa1: {  	[tilespmem:v8+s11+$0x0] =	vst.idx.add.s32.msk $0xffff, v2;
	(pc) =	sbr.rel @p0 .LBB2_4-.Ltmp1, $4  }
0xa2: {  	v4 =	vld [tilespmem:s23+$0x0];
	s23 =	smov.u32 s22;
	s22 =	smov.u32 s28  }
0xa3: {  	[tilespmem:v9+s11+$0x0] =	vst.idx.add.s32.msk $0xffff, v2  }
0xa4: {  	v7 =	vadd.s32 v1, v10;
	v6 =	vld [tilespmem:s21+$0x100]  }
0xa5: {  	s26 =	sadd.s32 $0x20, s26;
	s25 =	sadd.s32 $0x100, s25;
	[tilespmem:v11+s11+$0x0] =	vst.idx.add.s32.msk $0xffff, v2  }
0xa6: {  	_ =	sdelay $0x2  }
0xa7: {  	v6 =	vadd.s32 v1, v6;
	_ =	sdelay $0x2  }
0xa8: {  	[tilespmem:v7+s11+$0x0] =	vst.idx.add.s32.msk $0xffff, v2  }
0xa9: {  	v7 =	vld [tilespmem:s21+$0x190]  }
0xaa: {  	[tilespmem:v6+s11+$0x0] =	vst.idx.add.s32.msk $0xffff, v2  }
0xab: {  	v6 =	vld [tilespmem:s21+$0x180];
	_ =	sdelay $0x2  }
0xac: {  	v7 =	vadd.s32 v1, v7;
	_ =	sdelay $0x1  }
0xad: {  	v6 =	vadd.s32 v1, v6;
	_ =	sdelay $0x2  }
0xae: {  	[tilespmem:v7+s11+$0x0] =	vst.idx.add.s32.msk $0xffff, v2  }
0xaf: {  	v7 =	vld [tilespmem:s21+$0x210]  }
0xb0: {  	[tilespmem:v6+s11+$0x0] =	vst.idx.add.s32.msk $0xffff, v2  }
0xb1: {  	v6 =	vld [tilespmem:s21+$0x200];
	_ =	sdelay $0x2  }
0xb2: {  	v7 =	vadd.s32 v1, v7;
	_ =	sdelay $0x1  }
0xb3: {  	v6 =	vadd.s32 v1, v6;
	_ =	sdelay $0x1  }
0xb4: {  	v8 =	vld [tilespmem:s18+$0x280]  }
0xb5: {  	[tilespmem:v7+s11+$0x0] =	vst.idx.add.s32.msk $0xffff, v2  }
0xb6: {  	v7 =	vld [tilespmem:s21+$0x290]  }
0xb7: {  	v5 =	vadd.s32 v1, v5;
	s24 =	sadd.s32 $0x1, s20;
	[tilespmem:v6+s11+$0x0] =	vst.idx.add.s32.msk $0xffff, v2  }
0xb8: {  	s20 =	sand.u32 $0x3, s24;
	v6 =	vld [tilespmem:s21+$0x280]  }
0xb9: {  	s20 =	sshll.u32 s20, $0x5;
	v8 =	vadd.s32 v1, v8  }
0xba: {  	s17 =	sadd.s32 s20, s17  }
0xbb: {  	s18 =	sadd.s32 $0x1, s24;
	s20 =	sadd.s32 $0x10, s17;
	v7 =	vadd.s32 v1, v7  }
0xbc: {  	s18 =	sand.u32 $0x3, s18;
	[tilespmem:v5+s11+$0x0] =	vst.idx.add.s32.msk $0xffff, v2;
	s25 =	sor.u32 $0x300, s20  }
0xbd: {  	s18 =	sshll.u32 s18, $0x5;
	v5 =	vld [tilespmem:s25+$0x0];
	v6 =	vadd.s32 v1, v6  }
0xbe: {  	s17 =	sor.u32 $0x300, s17;
	s18 =	sadd.s32 s18, s19;
	[tilespmem:v8+s11+$0x0] =	vst.idx.add.s32.msk $0xffff, v2  }
0xbf: {  	s26 =	sadd.s32 $0x10, s18;
	v8 =	vld [tilespmem:s17+$0x0]  }
0xc0: {  	s28 =	sor.u32 $0x300, s26;
	[tilespmem:v7+s11+$0x0] =	vst.idx.add.s32.msk $0xffff, v2  }
0xc1: {  	v7 =	vld [tilespmem:s28+$0x0]  }
0xc2: {  	s18 =	sor.u32 $0x300, s18;
	v5 =	vadd.s32 v1, v5;
	[tilespmem:v6+s11+$0x0] =	vst.idx.add.s32.msk $0xffff, v2  }
0xc3: {  	v6 =	vld [tilespmem:s18+$0x0]  }
0xc4: {  	v8 =	vadd.s32 v1, v8;
	_ =	sdelay $0x1  }
0xc5: {  	v7 =	vadd.s32 v1, v7  }
0xc6: {  	s29 =	sor.u32 $0x380, s20;
	[tilespmem:v5+s11+$0x0] =	vst.idx.add.s32.msk $0xffff, v2  }
0xc7: {  	v5 =	vld [tilespmem:s29+$0x0];
	v6 =	vadd.s32 v1, v6  }
0xc8: {  	[tilespmem:v8+s11+$0x0] =	vst.idx.add.s32.msk $0xffff, v2  }
0xc9: {  	v8 =	vld [tilespmem:s23+$0x0]  }
0xca: {  	s17 =	sor.u32 $0x380, s26;
	[tilespmem:v7+s11+$0x0] =	vst.idx.add.s32.msk $0xffff, v2  }
0xcb: {  	v7 =	vld [tilespmem:s17+$0x0]  }
0xcc: {  	[tilespmem:v6+s11+$0x0] =	vst.idx.add.s32.msk $0xffff, v2  }
0xcd: {  	v6 =	vld [tilespmem:s22+$0x0]  }
0xce: {  	v4 =	vadd.s32 v1, v4  }
0xcf: {  	v5 =	vadd.s32 v1, v5  }
0xd0: {  	v8 =	vadd.s32 v1, v8  }
0xd1: {  	v7 =	vadd.s32 v1, v7  }
0xd2: {  	[tilespmem:v3+s11+$0x0] =	vst.idx.add.s32.msk $0xffff, v2;
	v3 =	vadd.s32 v1, v6  }
0xd3: {  	[tilespmem:v4+s11+$0x0] =	vst.idx.add.s32.msk $0xffff, v2  }
0xd4: {  	[tilespmem:v5+s11+$0x0] =	vst.idx.add.s32.msk $0xffff, v2  }
0xd5: {  	[tilespmem:v8+s11+$0x0] =	vst.idx.add.s32.msk $0xffff, v2  }
0xd6: {  	[tilespmem:v7+s11+$0x0] =	vst.idx.add.s32.msk $0xffff, v2  }
0xd7: {  	[tilespmem:v3+s11+$0x0] =	vst.idx.add.s32.msk $0xffff, v2  }
0xd8: {  	s19 =	simm.s32 $0x0;
	_ =	swait.ge [sflag:s12], $0x1000  }
0xd9: {  	s30 =	sand.u32 $0x60, s19;
	s31 =	sand.u32 $0xC00, s19;
	[sflag:s12] =	ssyncset.done $0x0  }
0xda: {  	s18 =	sor.u32 s30, s31;
	[sflag:s12] =	ssyncadd.s32 $0xFFFFF000  }
0xdb: {  	[tilespmem:s19], [sflag:$0x1] =	stream.linear.gather [hbm4b:s5+s19], $0x1000, $0x38;
	[tilespmem:$0x6400] =	vst v63  }
0xdc: {  	v3 =	vld [tilespmem:s18+$0x1010];
	_ =	sdelay $0x4  }
0xdd: {  	v3 =	vadd.s32 v1, v3  }
0xde: {  	v4 =	vld [tilespmem:s18+$0x1000];
	_ =	sdelay $0x3  }
0xdf: {  	[tilespmem:v3+s11+$0x0] =	vst.idx.add.s32.msk $0xffff, v2  }
0xe0: {  	v4 =	vadd.s32 v1, v4;
	v3 =	vld [tilespmem:s18+$0x1090];
	_ =	sdelay $0x4  }
0xe1: {  	[tilespmem:v4+s11+$0x0] =	vst.idx.add.s32.msk $0xffff, v2;
	v3 =	vadd.s32 v1, v3  }
0xe2: {  	s23 =	simm.s32 $0x20;
	s22 =	simm.s32 $0x100;
	v4 =	vld [tilespmem:s18+$0x1080]  }
0xe3: {  	s0 =	sand.u32 $0x60, s23;
	s1 =	sand.u32 $0xC00, s22  }
0xe4: {  	s20 =	sor.u32 s0, s1  }
0xe5: {  	v5 =	vld [tilespmem:s20+$0x1010]  }
0xe6: {  	[tilespmem:v3+s11+$0x0] =	vst.idx.add.s32.msk $0xffff, v2  }
0xe7: {  	v3 =	vadd.s32 v1, v4;
	v4 =	vld [tilespmem:s18+$0x1110];
	_ =	sdelay $0x2  }
0xe8: {  	v5 =	vadd.s32 v1, v5  }
0xe9: {  	v6 =	vld [tilespmem:s20+$0x1000]  }
0xea: {  	[tilespmem:v3+s11+$0x0] =	vst.idx.add.s32.msk $0xffff, v2;
	v4 =	vadd.s32 v1, v4  }
0xeb: {  	v3 =	vld [tilespmem:s18+$0x1100];
	_ =	sdelay $0x1  }
0xec: {  	[tilespmem:v5+s11+$0x0] =	vst.idx.add.s32.msk $0xffff, v2  }
0xed: {  	v6 =	vadd.s32 v1, v6;
	v5 =	vld [tilespmem:s20+$0x1090]  }
0xee: {  	[tilespmem:v4+s11+$0x0] =	vst.idx.add.s32.msk $0xffff, v2  }
0xef: {  	v3 =	vadd.s32 v1, v3;
	v4 =	vld [tilespmem:s18+$0x1190];
	_ =	sdelay $0x2  }
0xf0: {  	[tilespmem:v6+s11+$0x0] =	vst.idx.add.s32.msk $0xffff, v2;
	v5 =	vadd.s32 v1, v5  }
0xf1: {  	v6 =	vld [tilespmem:s20+$0x1080]  }
0xf2: {  	[tilespmem:v3+s11+$0x0] =	vst.idx.add.s32.msk $0xffff, v2;
	v4 =	vadd.s32 v1, v4  }
0xf3: {  	v3 =	vld [tilespmem:s18+$0x1180];
	_ =	sdelay $0x1  }
0xf4: {  	[tilespmem:v5+s11+$0x0] =	vst.idx.add.s32.msk $0xffff, v2  }
0xf5: {  	v5 =	vadd.s32 v1, v6;
	v6 =	vld [tilespmem:s20+$0x1110]  }
0xf6: {  	[tilespmem:v4+s11+$0x0] =	vst.idx.add.s32.msk $0xffff, v2  }
0xf7: {  	v3 =	vadd.s32 v1, v3;
	v4 =	vld [tilespmem:s18+$0x1210];
	_ =	sdelay $0x2  }
0xf8: {  	[tilespmem:v5+s11+$0x0] =	vst.idx.add.s32.msk $0xffff, v2;
	v6 =	vadd.s32 v1, v6  }
0xf9: {  	v5 =	vld [tilespmem:s20+$0x1100]  }
0xfa: {  	[tilespmem:v3+s11+$0x0] =	vst.idx.add.s32.msk $0xffff, v2;
	v3 =	vadd.s32 v1, v4  }
0xfb: {  	v4 =	vld [tilespmem:s18+$0x1200];
	_ =	sdelay $0x1  }
0xfc: {  	[tilespmem:v6+s11+$0x0] =	vst.idx.add.s32.msk $0xffff, v2  }
0xfd: {  	v5 =	vadd.s32 v1, v5;
	v6 =	vld [tilespmem:s20+$0x1190]  }
0xfe: {  	[tilespmem:v3+s11+$0x0] =	vst.idx.add.s32.msk $0xffff, v2  }
0xff: {  	v3 =	vadd.s32 v1, v4;
	v4 =	vld [tilespmem:s18+$0x1290];
	_ =	sdelay $0x2  }
0x100: {  	[tilespmem:v5+s11+$0x0] =	vst.idx.add.s32.msk $0xffff, v2;
	v6 =	vadd.s32 v1, v6  }
0x101: {  	s24 =	simm.s32 $0x40;
	s17 =	simm.s32 $0x200;
	v5 =	vld [tilespmem:s20+$0x1180]  }
0x102: {  	s13 =	sand.u32 $0x60, s24;
	s25 =	sand.u32 $0xC00, s17;
	[tilespmem:v3+s11+$0x0] =	vst.idx.add.s32.msk $0xffff, v2;
	v4 =	vadd.s32 v1, v4  }
0x103: {  	s26 =	sand.u32 $0x3, s19;
	v3 =	vld [tilespmem:s18+$0x1280];
	s18 =	sor.u32 s13, s25  }
0x104: {  	s21 =	sshll.u32 s26, $0x5;
	v7 =	vld [tilespmem:s18+$0x1010]  }
0x105: {  	s21 =	sadd.s32 $0x0, s21;
	[tilespmem:v6+s11+$0x0] =	vst.idx.add.s32.msk $0xffff, v2  }
0x106: {  	s28 =	sadd.s32 $0x10, s21;
	v5 =	vadd.s32 v1, v5;
	v6 =	vld [tilespmem:s20+$0x1210]  }
0x107: {  	s26 =	sor.u32 $0x300, s28;
	[tilespmem:v4+s11+$0x0] =	vst.idx.add.s32.msk $0xffff, v2  }
0x108: {  	v3 =	vadd.s32 v1, v3;
	v4 =	vld [tilespmem:s26+$0x1000]  }
0x109: {  	v8 =	vld [tilespmem:s18+$0x1000];
	v7 =	vadd.s32 v1, v7;
	_ =	sdelay $0x1  }
0x10a: {  	[tilespmem:v5+s11+$0x0] =	vst.idx.add.s32.msk $0xffff, v2  }
0x10b: {  	v5 =	vadd.s32 v1, v6;
	v6 =	vld [tilespmem:s20+$0x1200]  }
0x10c: {  	[tilespmem:v3+s11+$0x0] =	vst.idx.add.s32.msk $0xffff, v2;
	v4 =	vadd.s32 v1, v4  }
0x10d: {  	s21 =	sor.u32 $0x300, s21;
	[tilespmem:v7+s11+$0x0] =	vst.idx.add.s32.msk $0xffff, v2;
	v7 =	vadd.s32 v1, v8  }
0x10e: {  	v3 =	vld [tilespmem:s21+$0x1000]  }
0x10f: {  	v8 =	vld [tilespmem:s18+$0x1090]  }
0x110: {  	[tilespmem:v5+s11+$0x0] =	vst.idx.add.s32.msk $0xffff, v2  }
0x111: {  	[tilespmem:v4+s11+$0x0] =	vst.idx.add.s32.msk $0xffff, v2  }
0x112: {  	s29 =	sor.u32 $0x380, s28;
	v5 =	vadd.s32 v1, v6;
	[tilespmem:v7+s11+$0x0] =	vst.idx.add.s32.msk $0xffff, v2  }
0x113: {  	v3 =	vadd.s32 v1, v3;
	v4 =	vld [tilespmem:s29+$0x1000]  }
0x114: {  	v7 =	vadd.s32 v1, v8;
	v8 =	vld [tilespmem:s18+$0x1080];
	_ =	sdelay $0x1  }
0x115: {  	v6 =	vld [tilespmem:s20+$0x1290]  }
0x116: {  	[tilespmem:v5+s11+$0x0] =	vst.idx.add.s32.msk $0xffff, v2  }
0x117: {  	[tilespmem:v3+s11+$0x0] =	vst.idx.add.s32.msk $0xffff, v2;
	v3 =	vadd.s32 v1, v4  }
0x118: {  	[tilespmem:v7+s11+$0x0] =	vst.idx.add.s32.msk $0xffff, v2;
	v4 =	vadd.s32 v1, v8  }
0x119: {  	v7 =	vld [tilespmem:s18+$0x1110]  }
0x11a: {  	v5 =	vld [tilespmem:s20+$0x1280];
	v6 =	vadd.s32 v1, v6;
	s20 =	simm.s32 $0x1  }
0x11b: {  	s1 =	sand.u32 $0x3, s20  }
0x11c: {  	s26 =	sshll.u32 s1, $0x5;
	[tilespmem:v3+s11+$0x0] =	vst.idx.add.s32.msk $0xffff, v2  }
0x11d: {  	s26 =	sadd.s32 $0x100, s26;
	[tilespmem:v4+s11+$0x0] =	vst.idx.add.s32.msk $0xffff, v2  }
0x11e: {  	s31 =	simm.s32 $0x60;
	s19 =	sor.u32 s19, s19;
	s13 =	sadd.s32 $0x10, s26;
	v3 =	vld [tilespmem:s18+$0x1100];
	v4 =	vadd.s32 v1, v7  }
0x11f: {  	s30 =	sor.u32 $0x380, s19;
	s19 =	simm.s32 $0x300;
	[tilespmem:v6+s11+$0x0] =	vst.idx.add.s32.msk $0xffff, v2;
	s29 =	sor.u32 $0x300, s13  }
0x120: {  	s0 =	sand.u32 $0x60, s31;
	s28 =	sand.u32 $0xC00, s19;
	v5 =	vadd.s32 v1, v5;
	v6 =	vld [tilespmem:s29+$0x1000]  }
0x121: {  	s21 =	sor.u32 s0, s28  }
0x122: {  	v8 =	vld [tilespmem:s21+$0x1010]  }
0x123: {  	v3 =	vadd.s32 v1, v3;
	[tilespmem:v4+s11+$0x0] =	vst.idx.add.s32.msk $0xffff, v2  }
0x124: {  	v4 =	vld [tilespmem:s18+$0x1190]  }
0x125: {  	s26 =	sor.u32 $0x300, s26;
	[tilespmem:v5+s11+$0x0] =	vst.idx.add.s32.msk $0xffff, v2;
	v6 =	vadd.s32 v1, v6  }
0x126: {  	v5 =	vld [tilespmem:s26+$0x1000]  }
0x127: {  	v9 =	vld [tilespmem:s21+$0x1000];
	v8 =	vadd.s32 v1, v8  }
0x128: {  	[tilespmem:v3+s11+$0x0] =	vst.idx.add.s32.msk $0xffff, v2  }
0x129: {  	v3 =	vld [tilespmem:s18+$0x1180];
	v4 =	vadd.s32 v1, v4  }
0x12a: {  	s29 =	sor.u32 $0x380, s13;
	[tilespmem:v6+s11+$0x0] =	vst.idx.add.s32.msk $0xffff, v2  }
0x12b: {  	v5 =	vadd.s32 v1, v5;
	v6 =	vld [tilespmem:s29+$0x1000]  }
0x12c: {  	[tilespmem:v8+s11+$0x0] =	vst.idx.add.s32.msk $0xffff, v2;
	v8 =	vadd.s32 v1, v9  }
0x12d: {  	v61 =	vld [tilespmem:s21+$0x1090]  }
0x12e: {  	[tilespmem:v4+s11+$0x0] =	vst.idx.add.s32.msk $0xffff, v2;
	v3 =	vadd.s32 v1, v3  }
0x12f: {  	v4 =	vld [tilespmem:s18+$0x1210]  }
0x130: {  	[tilespmem:v5+s11+$0x0] =	vst.idx.add.s32.msk $0xffff, v2  }
0x131: {  	v6 =	vadd.s32 v1, v6;
	[tilespmem:v8+s11+$0x0] =	vst.idx.add.s32.msk $0xffff, v2  }
0x132: {  	v8 =	vadd.s32 v1, v61;
	v62 =	vld [tilespmem:s21+$0x1080]  }
0x133: {  	[tilespmem:v3+s11+$0x0] =	vst.idx.add.s32.msk $0xffff, v2  }
0x134: {  	v3 =	vadd.s32 v1, v4;
	v4 =	vld [tilespmem:s18+$0x1200]  }
0x135: {  	v7 =	vld [tilespmem:s30+$0x1000]  }
0x136: {  	[tilespmem:v6+s11+$0x0] =	vst.idx.add.s32.msk $0xffff, v2  }
0x137: {  	[tilespmem:v8+s11+$0x0] =	vst.idx.add.s32.msk $0xffff, v2;
	v8 =	vadd.s32 v1, v62  }
0x138: {  	v63 =	vld [tilespmem:s21+$0x1110]  }
0x139: {  	s22 =	sor.u32 s22, s23;
	[tilespmem:v3+s11+$0x0] =	vst.idx.add.s32.msk $0xffff, v2;
	v10 =	vadd.s32 v1, v4  }
0x13a: {  	s22 =	sor.u32 $0x380, s22;
	v5 =	vld [tilespmem:s18+$0x1290]  }
0x13b: {  	v4 =	vld [tilespmem:s22+$0x1000];
	v3 =	vadd.s32 v1, v7  }
0x13c: {  	s31 =	sor.u32 s19, s31;
	[tilespmem:v8+s11+$0x0] =	vst.idx.add.s32.msk $0xffff, v2  }
0x13d: {  	s25 =	simm.s32 $0x400;
	s26 =	simm.s32 $0x80;
	s30 =	sor.u32 s17, s24;
	v6 =	vld [tilespmem:s21+$0x1100];
	v7 =	vadd.s32 v1, v63  }
0x13e: {  	s24 =	simm.s32 $0x6;
	s23 =	sor.u32 $0x380, s30;
	s22 =	sor.u32 $0x380, s31;
	[tilespmem:v10+s11+$0x0] =	vst.idx.add.s32.msk $0xffff, v2  }
.LBB2_6:
0x13f: {  	s28 =	sand.u32 $0x60, s26;
	s29 =	sand.u32 $0xC00, s25;
	v8 =	vld [tilespmem:s18+$0x1280];
	v5 =	vadd.s32 v1, v5;
	s20 =	sadd.s32 $0x1, s20  }
0x140: {  	s18 =	sor.u32 s25, s26;
	s29 =	sor.u32 s28, s29;
	s30 =	sand.u32 $0x3, s20;
	[tilespmem:v3+s11+$0x0] =	vst.idx.add.s32.msk $0xffff, v2;
	v3 =	vadd.s32 v1, v4  }
0x141: {  	s24 =	sadd.s32 $0x2, s24;
	s28 =	sor.u32 $0x380, s18;
	v4 =	vld [tilespmem:s29+$0x1010];
	s18 =	sshll.u32 s30, $0x5  }
0x142: {  	p0 =	slt.u32 s24, $0x1E;
	v6 =	vadd.s32 v1, v6;
	[tilespmem:v7+s11+$0x0] =	vst.idx.add.s32.msk $0xffff, v2;
	s17 =	sadd.s32 s18, s17;
	s18 =	smov.u32 s21  }
0x143: {  	s21 =	smov.u32 s29;
	v7 =	vld [tilespmem:s18+$0x1190];
	s30 =	sor.u32 $0x300, s17;
	s31 =	sadd.s32 $0x10, s17  }
0x144: {  	s17 =	smov.u32 s19;
	s19 =	smov.u32 s25;
	v8 =	vadd.s32 v1, v8;
	[tilespmem:v5+s11+$0x0] =	vst.idx.add.s32.msk $0xffff, v2;
	s29 =	sor.u32 $0x300, s31  }
0x145: {  	v5 =	vld [tilespmem:s29+$0x1000]  }
0x146: {  	v9 =	vld [tilespmem:s21+$0x1000];
	v4 =	vadd.s32 v1, v4  }
0x147: {  	[tilespmem:v6+s11+$0x0] =	vst.idx.add.s32.msk $0xffff, v2  }
0x148: {  	v6 =	vld [tilespmem:s18+$0x1180];
	v7 =	vadd.s32 v1, v7  }
0x149: {  	[tilespmem:v8+s11+$0x0] =	vst.idx.add.s32.msk $0xffff, v2  }
0x14a: {  	v8 =	vld [tilespmem:s30+$0x1000];
	v5 =	vadd.s32 v1, v5  }
0x14b: {  	v9 =	vadd.s32 v1, v9;
	[tilespmem:v4+s11+$0x0] =	vst.idx.add.s32.msk $0xffff, v2  }
0x14c: {  	v4 =	vld [tilespmem:s21+$0x1090]  }
0x14d: {  	v6 =	vadd.s32 v1, v6;
	[tilespmem:v7+s11+$0x0] =	vst.idx.add.s32.msk $0xffff, v2  }
0x14e: {  	v7 =	vld [tilespmem:s18+$0x1210]  }
0x14f: {  	s29 =	sor.u32 $0x380, s31;
	v8 =	vadd.s32 v1, v8;
	[tilespmem:v5+s11+$0x0] =	vst.idx.add.s32.msk $0xffff, v2  }
0x150: {  	v5 =	vld [tilespmem:s29+$0x1000]  }
0x151: {  	[tilespmem:v9+s11+$0x0] =	vst.idx.add.s32.msk $0xffff, v2;
	v4 =	vadd.s32 v1, v4  }
0x152: {  	v9 =	vld [tilespmem:s21+$0x1080]  }
0x153: {  	[tilespmem:v6+s11+$0x0] =	vst.idx.add.s32.msk $0xffff, v2;
	v6 =	vadd.s32 v1, v7  }
0x154: {  	v7 =	vld [tilespmem:s18+$0x1200]  }
0x155: {  	[tilespmem:v8+s11+$0x0] =	vst.idx.add.s32.msk $0xffff, v2;
	v8 =	vadd.s32 v1, v5  }
0x156: {  	[tilespmem:v4+s11+$0x0] =	vst.idx.add.s32.msk $0xffff, v2  }
0x157: {  	v9 =	vadd.s32 v1, v9;
	v10 =	vld [tilespmem:s21+$0x1110]  }
0x158: {  	[tilespmem:v6+s11+$0x0] =	vst.idx.add.s32.msk $0xffff, v2  }
0x159: {  	v11 =	vadd.s32 v1, v7;
	v5 =	vld [tilespmem:s18+$0x1290]  }
.Ltmp2:
0x15a: {  	[tilespmem:v8+s11+$0x0] =	vst.idx.add.s32.msk $0xffff, v2;
	(pc) =	sbr.rel @p0 .LBB2_6-.Ltmp2, $4  }
0x15b: {  	v4 =	vld [tilespmem:s23+$0x1000];
	s23 =	smov.u32 s22;
	s22 =	smov.u32 s28  }
0x15c: {  	[tilespmem:v9+s11+$0x0] =	vst.idx.add.s32.msk $0xffff, v2  }
0x15d: {  	v7 =	vadd.s32 v1, v10;
	v6 =	vld [tilespmem:s21+$0x1100]  }
0x15e: {  	s26 =	sadd.s32 $0x20, s26;
	s25 =	sadd.s32 $0x100, s25;
	[tilespmem:v11+s11+$0x0] =	vst.idx.add.s32.msk $0xffff, v2  }
0x15f: {  	_ =	sdelay $0x2  }
0x160: {  	v6 =	vadd.s32 v1, v6;
	_ =	sdelay $0x2  }
0x161: {  	[tilespmem:v7+s11+$0x0] =	vst.idx.add.s32.msk $0xffff, v2  }
0x162: {  	v7 =	vld [tilespmem:s21+$0x1190]  }
0x163: {  	[tilespmem:v6+s11+$0x0] =	vst.idx.add.s32.msk $0xffff, v2  }
0x164: {  	v6 =	vld [tilespmem:s21+$0x1180];
	_ =	sdelay $0x2  }
0x165: {  	v7 =	vadd.s32 v1, v7;
	_ =	sdelay $0x1  }
0x166: {  	v6 =	vadd.s32 v1, v6;
	_ =	sdelay $0x2  }
0x167: {  	[tilespmem:v7+s11+$0x0] =	vst.idx.add.s32.msk $0xffff, v2  }
0x168: {  	v7 =	vld [tilespmem:s21+$0x1210]  }
0x169: {  	[tilespmem:v6+s11+$0x0] =	vst.idx.add.s32.msk $0xffff, v2  }
0x16a: {  	v6 =	vld [tilespmem:s21+$0x1200];
	_ =	sdelay $0x2  }
0x16b: {  	v7 =	vadd.s32 v1, v7;
	_ =	sdelay $0x1  }
0x16c: {  	v6 =	vadd.s32 v1, v6;
	_ =	sdelay $0x1  }
0x16d: {  	v8 =	vld [tilespmem:s18+$0x1280]  }
0x16e: {  	[tilespmem:v7+s11+$0x0] =	vst.idx.add.s32.msk $0xffff, v2  }
0x16f: {  	v7 =	vld [tilespmem:s21+$0x1290]  }
0x170: {  	v5 =	vadd.s32 v1, v5;
	s24 =	sadd.s32 $0x1, s20;
	[tilespmem:v6+s11+$0x0] =	vst.idx.add.s32.msk $0xffff, v2  }
0x171: {  	s20 =	sand.u32 $0x3, s24;
	v6 =	vld [tilespmem:s21+$0x1280]  }
0x172: {  	s20 =	sshll.u32 s20, $0x5;
	v8 =	vadd.s32 v1, v8  }
0x173: {  	s17 =	sadd.s32 s20, s17  }
0x174: {  	s18 =	sadd.s32 $0x1, s24;
	s20 =	sadd.s32 $0x10, s17;
	v7 =	vadd.s32 v1, v7  }
0x175: {  	s18 =	sand.u32 $0x3, s18;
	[tilespmem:v5+s11+$0x0] =	vst.idx.add.s32.msk $0xffff, v2;
	s25 =	sor.u32 $0x300, s20  }
0x176: {  	s18 =	sshll.u32 s18, $0x5;
	v5 =	vld [tilespmem:s25+$0x1000];
	v6 =	vadd.s32 v1, v6  }
0x177: {  	s17 =	sor.u32 $0x300, s17;
	s18 =	sadd.s32 s18, s19;
	[tilespmem:v8+s11+$0x0] =	vst.idx.add.s32.msk $0xffff, v2  }
0x178: {  	s26 =	sadd.s32 $0x10, s18;
	v8 =	vld [tilespmem:s17+$0x1000]  }
0x179: {  	s28 =	sor.u32 $0x300, s26;
	[tilespmem:v7+s11+$0x0] =	vst.idx.add.s32.msk $0xffff, v2  }
0x17a: {  	v7 =	vld [tilespmem:s28+$0x1000]  }
0x17b: {  	s18 =	sor.u32 $0x300, s18;
	v5 =	vadd.s32 v1, v5;
	[tilespmem:v6+s11+$0x0] =	vst.idx.add.s32.msk $0xffff, v2  }
0x17c: {  	v6 =	vld [tilespmem:s18+$0x1000]  }
0x17d: {  	v8 =	vadd.s32 v1, v8;
	_ =	sdelay $0x1  }
0x17e: {  	v7 =	vadd.s32 v1, v7  }
0x17f: {  	s29 =	sor.u32 $0x380, s20;
	[tilespmem:v5+s11+$0x0] =	vst.idx.add.s32.msk $0xffff, v2  }
0x180: {  	v5 =	vld [tilespmem:s29+$0x1000];
	v6 =	vadd.s32 v1, v6  }
0x181: {  	[tilespmem:v8+s11+$0x0] =	vst.idx.add.s32.msk $0xffff, v2  }
0x182: {  	v8 =	vld [tilespmem:s23+$0x1000]  }
0x183: {  	s17 =	sor.u32 $0x380, s26;
	[tilespmem:v7+s11+$0x0] =	vst.idx.add.s32.msk $0xffff, v2  }
0x184: {  	v7 =	vld [tilespmem:s17+$0x1000]  }
0x185: {  	[tilespmem:v6+s11+$0x0] =	vst.idx.add.s32.msk $0xffff, v2  }
0x186: {  	v6 =	vld [tilespmem:s22+$0x1000]  }
0x187: {  	v4 =	vadd.s32 v1, v4  }
0x188: {  	v5 =	vadd.s32 v1, v5  }
0x189: {  	v8 =	vadd.s32 v1, v8  }
0x18a: {  	v7 =	vadd.s32 v1, v7  }
0x18b: {  	[tilespmem:v3+s11+$0x0] =	vst.idx.add.s32.msk $0xffff, v2;
	v3 =	vadd.s32 v1, v6  }
0x18c: {  	[tilespmem:v4+s11+$0x0] =	vst.idx.add.s32.msk $0xffff, v2  }
0x18d: {  	[tilespmem:v5+s11+$0x0] =	vst.idx.add.s32.msk $0xffff, v2  }
0x18e: {  	[tilespmem:v8+s11+$0x0] =	vst.idx.add.s32.msk $0xffff, v2  }
0x18f: {  	[tilespmem:v7+s11+$0x0] =	vst.idx.add.s32.msk $0xffff, v2  }
0x190: {  	[tilespmem:v3+s11+$0x0] =	vst.idx.add.s32.msk $0xffff, v2  }
0x191: {  	s19 =	simm.s32 $0x0;
	_ =	swait.ge [sflag:s9], $0x1000  }
0x192: {  	s30 =	sand.u32 $0x60, s19;
	s31 =	sand.u32 $0xC00, s19;
	[sflag:s9] =	ssyncset.done $0x0  }
0x193: {  	s18 =	sor.u32 s30, s31;
	[sflag:s9] =	ssyncadd.s32 $0xFFFFF000  }
0x194: {  	[tilespmem:s10], [sflag:$0x2] =	stream.linear.gather [hbm4b:s6+s19], $0x1000, $0x38;
	[tilespmem:$0x6400] =	vst v63  }
0x195: {  	v3 =	vld [tilespmem:s18+$0x10];
	_ =	sdelay $0x4  }
0x196: {  	v3 =	vadd.s32 v1, v3  }
0x197: {  	v4 =	vld [tilespmem:s18+$0x0];
	_ =	sdelay $0x3  }
0x198: {  	[tilespmem:v3+s11+$0x0] =	vst.idx.add.s32.msk $0xffff, v2  }
0x199: {  	v4 =	vadd.s32 v1, v4;
	v3 =	vld [tilespmem:s18+$0x90];
	_ =	sdelay $0x4  }
0x19a: {  	[tilespmem:v4+s11+$0x0] =	vst.idx.add.s32.msk $0xffff, v2;
	v3 =	vadd.s32 v1, v3  }
0x19b: {  	s23 =	simm.s32 $0x20;
	s22 =	simm.s32 $0x100;
	v4 =	vld [tilespmem:s18+$0x80]  }
0x19c: {  	s0 =	sand.u32 $0x60, s23;
	s1 =	sand.u32 $0xC00, s22  }
0x19d: {  	s20 =	sor.u32 s0, s1  }
0x19e: {  	v5 =	vld [tilespmem:s20+$0x10]  }
0x19f: {  	[tilespmem:v3+s11+$0x0] =	vst.idx.add.s32.msk $0xffff, v2  }
0x1a0: {  	v3 =	vadd.s32 v1, v4;
	v4 =	vld [tilespmem:s18+$0x110];
	_ =	sdelay $0x2  }
0x1a1: {  	v5 =	vadd.s32 v1, v5  }
0x1a2: {  	v6 =	vld [tilespmem:s20+$0x0]  }
0x1a3: {  	[tilespmem:v3+s11+$0x0] =	vst.idx.add.s32.msk $0xffff, v2;
	v4 =	vadd.s32 v1, v4  }
0x1a4: {  	v3 =	vld [tilespmem:s18+$0x100];
	_ =	sdelay $0x1  }
0x1a5: {  	[tilespmem:v5+s11+$0x0] =	vst.idx.add.s32.msk $0xffff, v2  }
0x1a6: {  	v6 =	vadd.s32 v1, v6;
	v5 =	vld [tilespmem:s20+$0x90]  }
0x1a7: {  	[tilespmem:v4+s11+$0x0] =	vst.idx.add.s32.msk $0xffff, v2  }
0x1a8: {  	v3 =	vadd.s32 v1, v3;
	v4 =	vld [tilespmem:s18+$0x190];
	_ =	sdelay $0x2  }
0x1a9: {  	[tilespmem:v6+s11+$0x0] =	vst.idx.add.s32.msk $0xffff, v2;
	v5 =	vadd.s32 v1, v5  }
0x1aa: {  	v6 =	vld [tilespmem:s20+$0x80]  }
0x1ab: {  	[tilespmem:v3+s11+$0x0] =	vst.idx.add.s32.msk $0xffff, v2;
	v4 =	vadd.s32 v1, v4  }
0x1ac: {  	v3 =	vld [tilespmem:s18+$0x180];
	_ =	sdelay $0x1  }
0x1ad: {  	[tilespmem:v5+s11+$0x0] =	vst.idx.add.s32.msk $0xffff, v2  }
0x1ae: {  	v5 =	vadd.s32 v1, v6;
	v6 =	vld [tilespmem:s20+$0x110]  }
0x1af: {  	[tilespmem:v4+s11+$0x0] =	vst.idx.add.s32.msk $0xffff, v2  }
0x1b0: {  	v3 =	vadd.s32 v1, v3;
	v4 =	vld [tilespmem:s18+$0x210];
	_ =	sdelay $0x2  }
0x1b1: {  	[tilespmem:v5+s11+$0x0] =	vst.idx.add.s32.msk $0xffff, v2;
	v6 =	vadd.s32 v1, v6  }
0x1b2: {  	v5 =	vld [tilespmem:s20+$0x100]  }
0x1b3: {  	[tilespmem:v3+s11+$0x0] =	vst.idx.add.s32.msk $0xffff, v2;
	v3 =	vadd.s32 v1, v4  }
0x1b4: {  	v4 =	vld [tilespmem:s18+$0x200];
	_ =	sdelay $0x1  }
0x1b5: {  	[tilespmem:v6+s11+$0x0] =	vst.idx.add.s32.msk $0xffff, v2  }
0x1b6: {  	v5 =	vadd.s32 v1, v5;
	v6 =	vld [tilespmem:s20+$0x190]  }
0x1b7: {  	[tilespmem:v3+s11+$0x0] =	vst.idx.add.s32.msk $0xffff, v2  }
0x1b8: {  	v3 =	vadd.s32 v1, v4;
	v4 =	vld [tilespmem:s18+$0x290];
	_ =	sdelay $0x2  }
0x1b9: {  	[tilespmem:v5+s11+$0x0] =	vst.idx.add.s32.msk $0xffff, v2;
	v6 =	vadd.s32 v1, v6  }
0x1ba: {  	s24 =	simm.s32 $0x40;
	s17 =	simm.s32 $0x200;
	v5 =	vld [tilespmem:s20+$0x180]  }
0x1bb: {  	s13 =	sand.u32 $0x60, s24;
	s25 =	sand.u32 $0xC00, s17;
	[tilespmem:v3+s11+$0x0] =	vst.idx.add.s32.msk $0xffff, v2;
	v4 =	vadd.s32 v1, v4  }
0x1bc: {  	s26 =	sand.u32 $0x3, s19;
	v3 =	vld [tilespmem:s18+$0x280];
	s18 =	sor.u32 s13, s25  }
0x1bd: {  	s21 =	sshll.u32 s26, $0x5;
	v7 =	vld [tilespmem:s18+$0x10]  }
0x1be: {  	s21 =	sadd.s32 $0x0, s21;
	[tilespmem:v6+s11+$0x0] =	vst.idx.add.s32.msk $0xffff, v2  }
0x1bf: {  	s28 =	sadd.s32 $0x10, s21;
	v5 =	vadd.s32 v1, v5;
	v6 =	vld [tilespmem:s20+$0x210]  }
0x1c0: {  	s26 =	sor.u32 $0x300, s28;
	[tilespmem:v4+s11+$0x0] =	vst.idx.add.s32.msk $0xffff, v2  }
0x1c1: {  	v3 =	vadd.s32 v1, v3;
	v4 =	vld [tilespmem:s26+$0x0]  }
0x1c2: {  	v8 =	vld [tilespmem:s18+$0x0];
	v7 =	vadd.s32 v1, v7;
	_ =	sdelay $0x1  }
0x1c3: {  	[tilespmem:v5+s11+$0x0] =	vst.idx.add.s32.msk $0xffff, v2  }
0x1c4: {  	v5 =	vadd.s32 v1, v6;
	v6 =	vld [tilespmem:s20+$0x200]  }
0x1c5: {  	[tilespmem:v3+s11+$0x0] =	vst.idx.add.s32.msk $0xffff, v2;
	v4 =	vadd.s32 v1, v4  }
0x1c6: {  	s21 =	sor.u32 $0x300, s21;
	[tilespmem:v7+s11+$0x0] =	vst.idx.add.s32.msk $0xffff, v2;
	v7 =	vadd.s32 v1, v8  }
0x1c7: {  	v3 =	vld [tilespmem:s21+$0x0]  }
0x1c8: {  	v8 =	vld [tilespmem:s18+$0x90]  }
0x1c9: {  	[tilespmem:v5+s11+$0x0] =	vst.idx.add.s32.msk $0xffff, v2  }
0x1ca: {  	[tilespmem:v4+s11+$0x0] =	vst.idx.add.s32.msk $0xffff, v2  }
0x1cb: {  	s29 =	sor.u32 $0x380, s28;
	v5 =	vadd.s32 v1, v6;
	[tilespmem:v7+s11+$0x0] =	vst.idx.add.s32.msk $0xffff, v2  }
0x1cc: {  	v3 =	vadd.s32 v1, v3;
	v4 =	vld [tilespmem:s29+$0x0]  }
0x1cd: {  	v7 =	vadd.s32 v1, v8;
	v8 =	vld [tilespmem:s18+$0x80];
	_ =	sdelay $0x1  }
0x1ce: {  	v6 =	vld [tilespmem:s20+$0x290]  }
0x1cf: {  	[tilespmem:v5+s11+$0x0] =	vst.idx.add.s32.msk $0xffff, v2  }
0x1d0: {  	[tilespmem:v3+s11+$0x0] =	vst.idx.add.s32.msk $0xffff, v2;
	v3 =	vadd.s32 v1, v4  }
0x1d1: {  	[tilespmem:v7+s11+$0x0] =	vst.idx.add.s32.msk $0xffff, v2;
	v4 =	vadd.s32 v1, v8  }
0x1d2: {  	v7 =	vld [tilespmem:s18+$0x110]  }
0x1d3: {  	v5 =	vld [tilespmem:s20+$0x280];
	v6 =	vadd.s32 v1, v6;
	s20 =	simm.s32 $0x1  }
0x1d4: {  	s1 =	sand.u32 $0x3, s20  }
0x1d5: {  	s26 =	sshll.u32 s1, $0x5;
	[tilespmem:v3+s11+$0x0] =	vst.idx.add.s32.msk $0xffff, v2  }
0x1d6: {  	s26 =	sadd.s32 $0x100, s26;
	[tilespmem:v4+s11+$0x0] =	vst.idx.add.s32.msk $0xffff, v2  }
0x1d7: {  	s31 =	simm.s32 $0x60;
	s19 =	sor.u32 s19, s19;
	s13 =	sadd.s32 $0x10, s26;
	v3 =	vld [tilespmem:s18+$0x100];
	v4 =	vadd.s32 v1, v7  }
0x1d8: {  	s30 =	sor.u32 $0x380, s19;
	s19 =	simm.s32 $0x300;
	[tilespmem:v6+s11+$0x0] =	vst.idx.add.s32.msk $0xffff, v2;
	s29 =	sor.u32 $0x300, s13  }
0x1d9: {  	s0 =	sand.u32 $0x60, s31;
	s28 =	sand.u32 $0xC00, s19;
	v5 =	vadd.s32 v1, v5;
	v6 =	vld [tilespmem:s29+$0x0]  }
0x1da: {  	s21 =	sor.u32 s0, s28  }
0x1db: {  	v8 =	vld [tilespmem:s21+$0x10]  }
0x1dc: {  	v3 =	vadd.s32 v1, v3;
	[tilespmem:v4+s11+$0x0] =	vst.idx.add.s32.msk $0xffff, v2  }
0x1dd: {  	v4 =	vld [tilespmem:s18+$0x190]  }
0x1de: {  	s26 =	sor.u32 $0x300, s26;
	[tilespmem:v5+s11+$0x0] =	vst.idx.add.s32.msk $0xffff, v2;
	v6 =	vadd.s32 v1, v6  }
0x1df: {  	v5 =	vld [tilespmem:s26+$0x0]  }
0x1e0: {  	v9 =	vld [tilespmem:s21+$0x0];
	v8 =	vadd.s32 v1, v8  }
0x1e1: {  	[tilespmem:v3+s11+$0x0] =	vst.idx.add.s32.msk $0xffff, v2  }
0x1e2: {  	v3 =	vld [tilespmem:s18+$0x180];
	v4 =	vadd.s32 v1, v4  }
0x1e3: {  	s29 =	sor.u32 $0x380, s13;
	[tilespmem:v6+s11+$0x0] =	vst.idx.add.s32.msk $0xffff, v2  }
0x1e4: {  	v5 =	vadd.s32 v1, v5;
	v6 =	vld [tilespmem:s29+$0x0]  }
0x1e5: {  	[tilespmem:v8+s11+$0x0] =	vst.idx.add.s32.msk $0xffff, v2;
	v8 =	vadd.s32 v1, v9  }
0x1e6: {  	v61 =	vld [tilespmem:s21+$0x90]  }
0x1e7: {  	[tilespmem:v4+s11+$0x0] =	vst.idx.add.s32.msk $0xffff, v2;
	v3 =	vadd.s32 v1, v3  }
0x1e8: {  	v4 =	vld [tilespmem:s18+$0x210]  }
0x1e9: {  	[tilespmem:v5+s11+$0x0] =	vst.idx.add.s32.msk $0xffff, v2  }
0x1ea: {  	v6 =	vadd.s32 v1, v6;
	[tilespmem:v8+s11+$0x0] =	vst.idx.add.s32.msk $0xffff, v2  }
0x1eb: {  	v8 =	vadd.s32 v1, v61;
	v62 =	vld [tilespmem:s21+$0x80]  }
0x1ec: {  	[tilespmem:v3+s11+$0x0] =	vst.idx.add.s32.msk $0xffff, v2  }
0x1ed: {  	v3 =	vadd.s32 v1, v4;
	v4 =	vld [tilespmem:s18+$0x200]  }
0x1ee: {  	v7 =	vld [tilespmem:s30+$0x0]  }
0x1ef: {  	[tilespmem:v6+s11+$0x0] =	vst.idx.add.s32.msk $0xffff, v2  }
0x1f0: {  	[tilespmem:v8+s11+$0x0] =	vst.idx.add.s32.msk $0xffff, v2;
	v8 =	vadd.s32 v1, v62  }
0x1f1: {  	v63 =	vld [tilespmem:s21+$0x110]  }
0x1f2: {  	s22 =	sor.u32 s22, s23;
	[tilespmem:v3+s11+$0x0] =	vst.idx.add.s32.msk $0xffff, v2;
	v10 =	vadd.s32 v1, v4  }
0x1f3: {  	s22 =	sor.u32 $0x380, s22;
	v5 =	vld [tilespmem:s18+$0x290]  }
0x1f4: {  	v4 =	vld [tilespmem:s22+$0x0];
	v3 =	vadd.s32 v1, v7  }
0x1f5: {  	s31 =	sor.u32 s19, s31;
	[tilespmem:v8+s11+$0x0] =	vst.idx.add.s32.msk $0xffff, v2  }
0x1f6: {  	s25 =	simm.s32 $0x400;
	s26 =	simm.s32 $0x80;
	s30 =	sor.u32 s17, s24;
	v6 =	vld [tilespmem:s21+$0x100];
	v7 =	vadd.s32 v1, v63  }
0x1f7: {  	s24 =	simm.s32 $0x6;
	s23 =	sor.u32 $0x380, s30;
	s22 =	sor.u32 $0x380, s31;
	[tilespmem:v10+s11+$0x0] =	vst.idx.add.s32.msk $0xffff, v2  }
.LBB2_8:
0x1f8: {  	s28 =	sand.u32 $0x60, s26;
	s29 =	sand.u32 $0xC00, s25;
	v8 =	vld [tilespmem:s18+$0x280];
	v5 =	vadd.s32 v1, v5;
	s20 =	sadd.s32 $0x1, s20  }
0x1f9: {  	s18 =	sor.u32 s25, s26;
	s29 =	sor.u32 s28, s29;
	s30 =	sand.u32 $0x3, s20;
	[tilespmem:v3+s11+$0x0] =	vst.idx.add.s32.msk $0xffff, v2;
	v3 =	vadd.s32 v1, v4  }
0x1fa: {  	s24 =	sadd.s32 $0x2, s24;
	s28 =	sor.u32 $0x380, s18;
	v4 =	vld [tilespmem:s29+$0x10];
	s18 =	sshll.u32 s30, $0x5  }
0x1fb: {  	p0 =	slt.u32 s24, $0x1E;
	v6 =	vadd.s32 v1, v6;
	[tilespmem:v7+s11+$0x0] =	vst.idx.add.s32.msk $0xffff, v2;
	s17 =	sadd.s32 s18, s17;
	s18 =	smov.u32 s21  }
0x1fc: {  	s21 =	smov.u32 s29;
	v7 =	vld [tilespmem:s18+$0x190];
	s30 =	sor.u32 $0x300, s17;
	s31 =	sadd.s32 $0x10, s17  }
0x1fd: {  	s17 =	smov.u32 s19;
	s19 =	smov.u32 s25;
	v8 =	vadd.s32 v1, v8;
	[tilespmem:v5+s11+$0x0] =	vst.idx.add.s32.msk $0xffff, v2;
	s29 =	sor.u32 $0x300, s31  }
0x1fe: {  	v5 =	vld [tilespmem:s29+$0x0]  }
0x1ff: {  	v9 =	vld [tilespmem:s21+$0x0];
	v4 =	vadd.s32 v1, v4  }
0x200: {  	[tilespmem:v6+s11+$0x0] =	vst.idx.add.s32.msk $0xffff, v2  }
0x201: {  	v6 =	vld [tilespmem:s18+$0x180];
	v7 =	vadd.s32 v1, v7  }
0x202: {  	[tilespmem:v8+s11+$0x0] =	vst.idx.add.s32.msk $0xffff, v2  }
0x203: {  	v8 =	vld [tilespmem:s30+$0x0];
	v5 =	vadd.s32 v1, v5  }
0x204: {  	v9 =	vadd.s32 v1, v9;
	[tilespmem:v4+s11+$0x0] =	vst.idx.add.s32.msk $0xffff, v2  }
0x205: {  	v4 =	vld [tilespmem:s21+$0x90]  }
0x206: {  	v6 =	vadd.s32 v1, v6;
	[tilespmem:v7+s11+$0x0] =	vst.idx.add.s32.msk $0xffff, v2  }
0x207: {  	v7 =	vld [tilespmem:s18+$0x210]  }
0x208: {  	s29 =	sor.u32 $0x380, s31;
	v8 =	vadd.s32 v1, v8;
	[tilespmem:v5+s11+$0x0] =	vst.idx.add.s32.msk $0xffff, v2  }
0x209: {  	v5 =	vld [tilespmem:s29+$0x0]  }
0x20a: {  	[tilespmem:v9+s11+$0x0] =	vst.idx.add.s32.msk $0xffff, v2;
	v4 =	vadd.s32 v1, v4  }
0x20b: {  	v9 =	vld [tilespmem:s21+$0x80]  }
0x20c: {  	[tilespmem:v6+s11+$0x0] =	vst.idx.add.s32.msk $0xffff, v2;
	v6 =	vadd.s32 v1, v7  }
0x20d: {  	v7 =	vld [tilespmem:s18+$0x200]  }
0x20e: {  	[tilespmem:v8+s11+$0x0] =	vst.idx.add.s32.msk $0xffff, v2;
	v8 =	vadd.s32 v1, v5  }
0x20f: {  	[tilespmem:v4+s11+$0x0] =	vst.idx.add.s32.msk $0xffff, v2  }
0x210: {  	v9 =	vadd.s32 v1, v9;
	v10 =	vld [tilespmem:s21+$0x110]  }
0x211: {  	[tilespmem:v6+s11+$0x0] =	vst.idx.add.s32.msk $0xffff, v2  }
0x212: {  	v11 =	vadd.s32 v1, v7;
	v5 =	vld [tilespmem:s18+$0x290]  }
.Ltmp3:
0x213: {  	[tilespmem:v8+s11+$0x0] =	vst.idx.add.s32.msk $0xffff, v2;
	(pc) =	sbr.rel @p0 .LBB2_8-.Ltmp3, $4  }
0x214: {  	v4 =	vld [tilespmem:s23+$0x0];
	s23 =	smov.u32 s22;
	s22 =	smov.u32 s28  }
0x215: {  	[tilespmem:v9+s11+$0x0] =	vst.idx.add.s32.msk $0xffff, v2  }
0x216: {  	v7 =	vadd.s32 v1, v10;
	v6 =	vld [tilespmem:s21+$0x100]  }
0x217: {  	s26 =	sadd.s32 $0x20, s26;
	s25 =	sadd.s32 $0x100, s25;
	[tilespmem:v11+s11+$0x0] =	vst.idx.add.s32.msk $0xffff, v2  }
0x218: {  	_ =	sdelay $0x2  }
0x219: {  	v6 =	vadd.s32 v1, v6;
	_ =	sdelay $0x2  }
0x21a: {  	[tilespmem:v7+s11+$0x0] =	vst.idx.add.s32.msk $0xffff, v2  }
0x21b: {  	v7 =	vld [tilespmem:s21+$0x190]  }
0x21c: {  	[tilespmem:v6+s11+$0x0] =	vst.idx.add.s32.msk $0xffff, v2  }
0x21d: {  	v6 =	vld [tilespmem:s21+$0x180];
	_ =	sdelay $0x2  }
0x21e: {  	v7 =	vadd.s32 v1, v7;
	_ =	sdelay $0x1  }
0x21f: {  	v6 =	vadd.s32 v1, v6;
	_ =	sdelay $0x2  }
0x220: {  	[tilespmem:v7+s11+$0x0] =	vst.idx.add.s32.msk $0xffff, v2  }
0x221: {  	v7 =	vld [tilespmem:s21+$0x210]  }
0x222: {  	[tilespmem:v6+s11+$0x0] =	vst.idx.add.s32.msk $0xffff, v2  }
0x223: {  	v6 =	vld [tilespmem:s21+$0x200];
	_ =	sdelay $0x2  }
0x224: {  	v7 =	vadd.s32 v1, v7;
	_ =	sdelay $0x1  }
0x225: {  	v6 =	vadd.s32 v1, v6;
	_ =	sdelay $0x1  }
0x226: {  	v8 =	vld [tilespmem:s18+$0x280]  }
0x227: {  	[tilespmem:v7+s11+$0x0] =	vst.idx.add.s32.msk $0xffff, v2  }
0x228: {  	v7 =	vld [tilespmem:s21+$0x290]  }
0x229: {  	v5 =	vadd.s32 v1, v5;
	s13 =	sadd.s32 $0x1, s20;
	[tilespmem:v6+s11+$0x0] =	vst.idx.add.s32.msk $0xffff, v2  }
0x22a: {  	s20 =	sand.u32 $0x3, s13;
	v6 =	vld [tilespmem:s21+$0x280]  }
0x22b: {  	s20 =	sshll.u32 s20, $0x5;
	v8 =	vadd.s32 v1, v8  }
0x22c: {  	s17 =	sadd.s32 s20, s17  }
0x22d: {  	s18 =	sadd.s32 $0x1, s13;
	s20 =	sadd.s32 $0x10, s17;
	v7 =	vadd.s32 v1, v7  }
0x22e: {  	s18 =	sand.u32 $0x3, s18;
	[tilespmem:v5+s11+$0x0] =	vst.idx.add.s32.msk $0xffff, v2;
	s24 =	sor.u32 $0x300, s20  }
0x22f: {  	s18 =	sshll.u32 s18, $0x5;
	v5 =	vld [tilespmem:s24+$0x0];
	v6 =	vadd.s32 v1, v6  }
0x230: {  	s17 =	sor.u32 $0x300, s17;
	s18 =	sadd.s32 s18, s19;
	[tilespmem:v8+s11+$0x0] =	vst.idx.add.s32.msk $0xffff, v2  }
0x231: {  	s25 =	sadd.s32 $0x10, s18;
	v8 =	vld [tilespmem:s17+$0x0]  }
0x232: {  	s26 =	sor.u32 $0x300, s25;
	[tilespmem:v7+s11+$0x0] =	vst.idx.add.s32.msk $0xffff, v2  }
0x233: {  	v7 =	vld [tilespmem:s26+$0x0]  }
0x234: {  	s18 =	sor.u32 $0x300, s18;
	v5 =	vadd.s32 v1, v5;
	[tilespmem:v6+s11+$0x0] =	vst.idx.add.s32.msk $0xffff, v2  }
0x235: {  	v6 =	vld [tilespmem:s18+$0x0]  }
0x236: {  	v8 =	vadd.s32 v1, v8;
	_ =	sdelay $0x1  }
0x237: {  	v7 =	vadd.s32 v1, v7  }
0x238: {  	s31 =	sor.u32 $0x380, s20;
	[tilespmem:v5+s11+$0x0] =	vst.idx.add.s32.msk $0xffff, v2  }
0x239: {  	v5 =	vld [tilespmem:s31+$0x0];
	v6 =	vadd.s32 v1, v6  }
0x23a: {  	[tilespmem:v8+s11+$0x0] =	vst.idx.add.s32.msk $0xffff, v2  }
0x23b: {  	v8 =	vld [tilespmem:s23+$0x0]  }
0x23c: {  	s17 =	sor.u32 $0x380, s25;
	[tilespmem:v7+s11+$0x0] =	vst.idx.add.s32.msk $0xffff, v2  }
0x23d: {  	v7 =	vld [tilespmem:s17+$0x0]  }
0x23e: {  	[tilespmem:v6+s11+$0x0] =	vst.idx.add.s32.msk $0xffff, v2  }
0x23f: {  	v6 =	vld [tilespmem:s22+$0x0]  }
0x240: {  	v4 =	vadd.s32 v1, v4  }
0x241: {  	v5 =	vadd.s32 v1, v5  }
0x242: {  	v8 =	vadd.s32 v1, v8  }
0x243: {  	v7 =	vadd.s32 v1, v7  }
0x244: {  	[tilespmem:v3+s11+$0x0] =	vst.idx.add.s32.msk $0xffff, v2;
	v3 =	vadd.s32 v1, v6  }
0x245: {  	[tilespmem:v4+s11+$0x0] =	vst.idx.add.s32.msk $0xffff, v2  }
0x246: {  	[tilespmem:v5+s11+$0x0] =	vst.idx.add.s32.msk $0xffff, v2  }
0x247: {  	[tilespmem:v8+s11+$0x0] =	vst.idx.add.s32.msk $0xffff, v2  }
0x248: {  	[tilespmem:v7+s11+$0x0] =	vst.idx.add.s32.msk $0xffff, v2  }
0x249: {  	[tilespmem:v3+s11+$0x0] =	vst.idx.add.s32.msk $0xffff, v2  }
0x24a: {  	s18 =	simm.s32 $0x0;
	_ =	swait.ge [sflag:s12], $0x1000  }
0x24b: {  	s0 =	sand.u32 $0x60, s18;
	s1 =	sand.u32 $0xC00, s18;
	[sflag:s12] =	ssyncset.done $0x0  }
0x24c: {  	s13 =	sor.u32 s0, s1;
	[sflag:s12] =	ssyncadd.s32 $0xFFFFF000  }
0x24d: {  	v3 =	vld [tilespmem:s13+$0x1010];
	_ =	sdelay $0x4  }
0x24e: {  	v3 =	vadd.s32 v1, v3  }
0x24f: {  	v4 =	vld [tilespmem:s13+$0x1000];
	_ =	sdelay $0x3  }
0x250: {  	[tilespmem:v3+s11+$0x0] =	vst.idx.add.s32.msk $0xffff, v2  }
0x251: {  	v4 =	vadd.s32 v1, v4;
	v3 =	vld [tilespmem:s13+$0x1090];
	_ =	sdelay $0x4  }
0x252: {  	[tilespmem:v4+s11+$0x0] =	vst.idx.add.s32.msk $0xffff, v2;
	v3 =	vadd.s32 v1, v3  }
0x253: {  	v4 =	vld [tilespmem:s13+$0x1080];
	_ =	sdelay $0x3  }
0x254: {  	[tilespmem:v3+s11+$0x0] =	vst.idx.add.s32.msk $0xffff, v2  }
0x255: {  	s19 =	simm.s32 $0x100;
	s17 =	simm.s32 $0x20;
	v3 =	vadd.s32 v1, v4;
	v4 =	vld [tilespmem:s13+$0x1110]  }
0x256: {  	s26 =	sand.u32 $0xC00, s19;
	s25 =	sand.u32 $0x60, s17  }
0x257: {  	s23 =	sor.u32 s25, s26  }
0x258: {  	v5 =	vld [tilespmem:s23+$0x1010];
	_ =	sdelay $0x1  }
0x259: {  	[tilespmem:v3+s11+$0x0] =	vst.idx.add.s32.msk $0xffff, v2;
	v4 =	vadd.s32 v1, v4  }
0x25a: {  	v3 =	vld [tilespmem:s13+$0x1100];
	_ =	sdelay $0x1  }
0x25b: {  	v6 =	vld [tilespmem:s23+$0x1000];
	v5 =	vadd.s32 v1, v5;
	_ =	sdelay $0x1  }
0x25c: {  	[tilespmem:v4+s11+$0x0] =	vst.idx.add.s32.msk $0xffff, v2  }
0x25d: {  	v3 =	vadd.s32 v1, v3;
	v4 =	vld [tilespmem:s13+$0x1190];
	_ =	sdelay $0x1  }
0x25e: {  	v6 =	vadd.s32 v1, v6;
	[tilespmem:v5+s11+$0x0] =	vst.idx.add.s32.msk $0xffff, v2  }
0x25f: {  	v5 =	vld [tilespmem:s23+$0x1090];
	_ =	sdelay $0x1  }
0x260: {  	[tilespmem:v3+s11+$0x0] =	vst.idx.add.s32.msk $0xffff, v2;
	v4 =	vadd.s32 v1, v4  }
0x261: {  	v3 =	vld [tilespmem:s13+$0x1180]  }
0x262: {  	[tilespmem:v6+s11+$0x0] =	vst.idx.add.s32.msk $0xffff, v2  }
0x263: {  	v6 =	vld [tilespmem:s23+$0x1080];
	v5 =	vadd.s32 v1, v5;
	_ =	sdelay $0x1  }
0x264: {  	[tilespmem:v4+s11+$0x0] =	vst.idx.add.s32.msk $0xffff, v2  }
0x265: {  	v3 =	vadd.s32 v1, v3;
	v4 =	vld [tilespmem:s13+$0x1210];
	_ =	sdelay $0x1  }
0x266: {  	[tilespmem:v5+s11+$0x0] =	vst.idx.add.s32.msk $0xffff, v2;
	v5 =	vadd.s32 v1, v6  }
0x267: {  	v6 =	vld [tilespmem:s23+$0x1110];
	_ =	sdelay $0x1  }
0x268: {  	[tilespmem:v3+s11+$0x0] =	vst.idx.add.s32.msk $0xffff, v2;
	v3 =	vadd.s32 v1, v4  }
0x269: {  	v4 =	vld [tilespmem:s13+$0x1200]  }
0x26a: {  	[tilespmem:v5+s11+$0x0] =	vst.idx.add.s32.msk $0xffff, v2  }
0x26b: {  	v5 =	vld [tilespmem:s23+$0x1100];
	v6 =	vadd.s32 v1, v6  }
0x26c: {  	s20 =	simm.s32 $0x200;
	s25 =	simm.s32 $0x40  }
0x26d: {  	s24 =	sand.u32 $0xC00, s20;
	s31 =	sand.u32 $0x60, s25;
	[tilespmem:v3+s11+$0x0] =	vst.idx.add.s32.msk $0xffff, v2  }
0x26e: {  	s21 =	sor.u32 s31, s24;
	v3 =	vadd.s32 v1, v4;
	v4 =	vld [tilespmem:s13+$0x1290]  }
0x26f: {  	v7 =	vld [tilespmem:s21+$0x1010]  }
0x270: {  	v5 =	vadd.s32 v1, v5;
	[tilespmem:v6+s11+$0x0] =	vst.idx.add.s32.msk $0xffff, v2  }
0x271: {  	v6 =	vld [tilespmem:s23+$0x1190];
	_ =	sdelay $0x1  }
0x272: {  	[tilespmem:v3+s11+$0x0] =	vst.idx.add.s32.msk $0xffff, v2;
	v4 =	vadd.s32 v1, v4  }
0x273: {  	s0 =	sand.u32 $0x3, s18;
	v3 =	vld [tilespmem:s13+$0x1280]  }
0x274: {  	s22 =	sshll.u32 s0, $0x5;
	v7 =	vadd.s32 v1, v7;
	[tilespmem:v5+s11+$0x0] =	vst.idx.add.s32.msk $0xffff, v2  }
0x275: {  	s22 =	sadd.s32 $0x0, s22;
	v5 =	vld [tilespmem:s23+$0x1180];
	v6 =	vadd.s32 v1, v6  }
0x276: {  	s1 =	sadd.s32 $0x10, s22;
	v8 =	vld [tilespmem:s21+$0x1000]  }
0x277: {  	s26 =	sor.u32 $0x300, s1;
	[tilespmem:v4+s11+$0x0] =	vst.idx.add.s32.msk $0xffff, v2  }
0x278: {  	v3 =	vadd.s32 v1, v3;
	v4 =	vld [tilespmem:s26+$0x1000]  }
0x279: {  	[tilespmem:v7+s11+$0x0] =	vst.idx.add.s32.msk $0xffff, v2  }
0x27a: {  	[tilespmem:v6+s11+$0x0] =	vst.idx.add.s32.msk $0xffff, v2;
	v5 =	vadd.s32 v1, v5  }
0x27b: {  	v6 =	vld [tilespmem:s23+$0x1210]  }
0x27c: {  	v7 =	vadd.s32 v1, v8;
	v8 =	vld [tilespmem:s21+$0x1090]  }
0x27d: {  	s22 =	sor.u32 $0x300, s22;
	[tilespmem:v3+s11+$0x0] =	vst.idx.add.s32.msk $0xffff, v2;
	v4 =	vadd.s32 v1, v4  }
0x27e: {  	v3 =	vld [tilespmem:s22+$0x1000]  }
0x27f: {  	[tilespmem:v5+s11+$0x0] =	vst.idx.add.s32.msk $0xffff, v2  }
0x280: {  	v5 =	vadd.s32 v1, v6;
	v6 =	vld [tilespmem:s23+$0x1200]  }
0x281: {  	[tilespmem:v7+s11+$0x0] =	vst.idx.add.s32.msk $0xffff, v2  }
0x282: {  	v7 =	vadd.s32 v1, v8;
	s13 =	sor.u32 $0x380, s1;
	[tilespmem:v4+s11+$0x0] =	vst.idx.add.s32.msk $0xffff, v2  }
0x283: {  	v3 =	vadd.s32 v1, v3;
	v4 =	vld [tilespmem:s13+$0x1000]  }
0x284: {  	v8 =	vld [tilespmem:s21+$0x1080]  }
0x285: {  	[tilespmem:v5+s11+$0x0] =	vst.idx.add.s32.msk $0xffff, v2;
	v5 =	vadd.s32 v1, v6  }
0x286: {  	v6 =	vld [tilespmem:s23+$0x1290]  }
0x287: {  	[tilespmem:v7+s11+$0x0] =	vst.idx.add.s32.msk $0xffff, v2  }
0x288: {  	[tilespmem:v3+s11+$0x0] =	vst.idx.add.s32.msk $0xffff, v2;
	v3 =	vadd.s32 v1, v4  }
0x289: {  	v7 =	vld [tilespmem:s21+$0x1110];
	v4 =	vadd.s32 v1, v8  }
0x28a: {  	s24 =	sor.u32 s18, s18;
	s31 =	simm.s32 $0x60;
	[tilespmem:v5+s11+$0x0] =	vst.idx.add.s32.msk $0xffff, v2;
	s22 =	simm.s32 $0x300  }
0x28b: {  	s28 =	sand.u32 $0x60, s31;
	v5 =	vld [tilespmem:s23+$0x1280];
	v6 =	vadd.s32 v1, v6;
	s23 =	simm.s32 $0x1;
	s29 =	sand.u32 $0xC00, s22  }
0x28c: {  	s26 =	sor.u32 $0x380, s24;
	s24 =	sor.u32 s28, s29;
	s28 =	sand.u32 $0x3, s23  }
0x28d: {  	s28 =	sshll.u32 s28, $0x5;
	[tilespmem:v3+s11+$0x0] =	vst.idx.add.s32.msk $0xffff, v2  }
0x28e: {  	s28 =	sadd.s32 $0x100, s28;
	[tilespmem:v4+s11+$0x0] =	vst.idx.add.s32.msk $0xffff, v2  }
0x28f: {  	s29 =	sadd.s32 $0x10, s28;
	v4 =	vadd.s32 v1, v7;
	v3 =	vld [tilespmem:s21+$0x1100]  }
0x290: {  	[tilespmem:v6+s11+$0x0] =	vst.idx.add.s32.msk $0xffff, v2;
	s30 =	sor.u32 $0x300, s29  }
0x291: {  	v5 =	vadd.s32 v1, v5;
	v6 =	vld [tilespmem:s30+$0x1000];
	_ =	sdelay $0x1  }
0x292: {  	v8 =	vld [tilespmem:s24+$0x1010]  }
0x293: {  	[tilespmem:v4+s11+$0x0] =	vst.idx.add.s32.msk $0xffff, v2;
	v3 =	vadd.s32 v1, v3  }
0x294: {  	v4 =	vld [tilespmem:s21+$0x1190]  }
0x295: {  	[tilespmem:v5+s11+$0x0] =	vst.idx.add.s32.msk $0xffff, v2;
	v6 =	vadd.s32 v1, v6  }
0x296: {  	v9 =	vld [tilespmem:s24+$0x1000];
	s28 =	sor.u32 $0x300, s28  }
0x297: {  	v5 =	vld [tilespmem:s28+$0x1000];
	v8 =	vadd.s32 v1, v8  }
0x298: {  	[tilespmem:v3+s11+$0x0] =	vst.idx.add.s32.msk $0xffff, v2  }
0x299: {  	v4 =	vadd.s32 v1, v4;
	v3 =	vld [tilespmem:s21+$0x1180]  }
0x29a: {  	s28 =	sor.u32 $0x380, s29;
	[tilespmem:v6+s11+$0x0] =	vst.idx.add.s32.msk $0xffff, v2  }
0x29b: {  	v6 =	vld [tilespmem:s28+$0x1000]  }
0x29c: {  	[tilespmem:v8+s11+$0x0] =	vst.idx.add.s32.msk $0xffff, v2;
	v8 =	vadd.s32 v1, v9  }
0x29d: {  	v61 =	vld [tilespmem:s24+$0x1090]  }
0x29e: {  	[tilespmem:v4+s11+$0x0] =	vst.idx.add.s32.msk $0xffff, v2;
	v3 =	vadd.s32 v1, v3  }
0x29f: {  	v4 =	vld [tilespmem:s21+$0x1210]  }
0x2a0: {  	v5 =	vadd.s32 v1, v5;
	v7 =	vld [tilespmem:s26+$0x1000]  }
0x2a1: {  	v6 =	vadd.s32 v1, v6;
	[tilespmem:v8+s11+$0x0] =	vst.idx.add.s32.msk $0xffff, v2  }
0x2a2: {  	v8 =	vadd.s32 v1, v61;
	v62 =	vld [tilespmem:s24+$0x1080]  }
0x2a3: {  	[tilespmem:v3+s11+$0x0] =	vst.idx.add.s32.msk $0xffff, v2  }
0x2a4: {  	v3 =	vadd.s32 v1, v4;
	v4 =	vld [tilespmem:s21+$0x1200]  }
0x2a5: {  	[tilespmem:v5+s11+$0x0] =	vst.idx.add.s32.msk $0xffff, v2  }
0x2a6: {  	[tilespmem:v6+s11+$0x0] =	vst.idx.add.s32.msk $0xffff, v2  }
0x2a7: {  	[tilespmem:v8+s11+$0x0] =	vst.idx.add.s32.msk $0xffff, v2;
	v8 =	vadd.s32 v1, v62  }
0x2a8: {  	v63 =	vld [tilespmem:s24+$0x1110]  }
0x2a9: {  	s19 =	sor.u32 s19, s17;
	[tilespmem:v3+s11+$0x0] =	vst.idx.add.s32.msk $0xffff, v2;
	v10 =	vadd.s32 v1, v4  }
0x2aa: {  	s19 =	sor.u32 $0x380, s19;
	v5 =	vld [tilespmem:s21+$0x1290]  }
0x2ab: {  	v3 =	vadd.s32 v1, v7;
	v4 =	vld [tilespmem:s19+$0x1000]  }
0x2ac: {  	s25 =	sor.u32 s20, s25;
	s29 =	simm.s32 $0x400;
	[tilespmem:v8+s11+$0x0] =	vst.idx.add.s32.msk $0xffff, v2  }
0x2ad: {  	s30 =	simm.s32 $0x80;
	s26 =	sor.u32 $0x380, s25;
	s28 =	sor.u32 s22, s31;
	v6 =	vld [tilespmem:s24+$0x1100];
	v7 =	vadd.s32 v1, v63  }
0x2ae: {  	s25 =	sor.u32 $0x380, s28;
	s28 =	simm.s32 $0x6;
	s19 =	simm.s32 $0x0;
	[tilespmem:v10+s11+$0x0] =	vst.idx.add.s32.msk $0xffff, v2  }
.LBB2_10:
0x2af: {  	s31 =	sand.u32 $0x60, s30;
	s0 =	sand.u32 $0xC00, s29;
	v8 =	vld [tilespmem:s21+$0x1280];
	v5 =	vadd.s32 v1, v5;
	s23 =	sadd.s32 $0x1, s23  }
0x2b0: {  	s21 =	sor.u32 s29, s30;
	s0 =	sor.u32 s31, s0;
	s1 =	sand.u32 $0x3, s23;
	[tilespmem:v3+s11+$0x0] =	vst.idx.add.s32.msk $0xffff, v2;
	v3 =	vadd.s32 v1, v4  }
0x2b1: {  	s28 =	sadd.s32 $0x2, s28;
	s31 =	sor.u32 $0x380, s21;
	v4 =	vld [tilespmem:s0+$0x1010];
	s1 =	sshll.u32 s1, $0x5  }
0x2b2: {  	p0 =	slt.u32 s28, $0x1E;
	s21 =	smov.u32 s24;
	v6 =	vadd.s32 v1, v6;
	[tilespmem:v7+s11+$0x0] =	vst.idx.add.s32.msk $0xffff, v2;
	s1 =	sadd.s32 s1, s20  }
0x2b3: {  	s24 =	smov.u32 s0;
	v7 =	vld [tilespmem:s21+$0x1190];
	s13 =	sor.u32 $0x300, s1;
	s1 =	sadd.s32 $0x10, s1  }
0x2b4: {  	s20 =	smov.u32 s22;
	s22 =	smov.u32 s29;
	v8 =	vadd.s32 v1, v8;
	[tilespmem:v5+s11+$0x0] =	vst.idx.add.s32.msk $0xffff, v2;
	s0 =	sor.u32 $0x300, s1  }
0x2b5: {  	v5 =	vld [tilespmem:s0+$0x1000]  }
0x2b6: {  	v9 =	vld [tilespmem:s24+$0x1000];
	v4 =	vadd.s32 v1, v4  }
0x2b7: {  	[tilespmem:v6+s11+$0x0] =	vst.idx.add.s32.msk $0xffff, v2  }
0x2b8: {  	v6 =	vld [tilespmem:s21+$0x1180];
	v7 =	vadd.s32 v1, v7  }
0x2b9: {  	[tilespmem:v8+s11+$0x0] =	vst.idx.add.s32.msk $0xffff, v2  }
0x2ba: {  	v8 =	vld [tilespmem:s13+$0x1000];
	v5 =	vadd.s32 v1, v5  }
0x2bb: {  	v9 =	vadd.s32 v1, v9;
	[tilespmem:v4+s11+$0x0] =	vst.idx.add.s32.msk $0xffff, v2  }
0x2bc: {  	v4 =	vld [tilespmem:s24+$0x1090]  }
0x2bd: {  	v6 =	vadd.s32 v1, v6;
	[tilespmem:v7+s11+$0x0] =	vst.idx.add.s32.msk $0xffff, v2  }
0x2be: {  	v7 =	vld [tilespmem:s21+$0x1210]  }
0x2bf: {  	s0 =	sor.u32 $0x380, s1;
	v8 =	vadd.s32 v1, v8;
	[tilespmem:v5+s11+$0x0] =	vst.idx.add.s32.msk $0xffff, v2  }
0x2c0: {  	v5 =	vld [tilespmem:s0+$0x1000]  }
0x2c1: {  	[tilespmem:v9+s11+$0x0] =	vst.idx.add.s32.msk $0xffff, v2;
	v4 =	vadd.s32 v1, v4  }
0x2c2: {  	v9 =	vld [tilespmem:s24+$0x1080]  }
0x2c3: {  	[tilespmem:v6+s11+$0x0] =	vst.idx.add.s32.msk $0xffff, v2;
	v6 =	vadd.s32 v1, v7  }
0x2c4: {  	v7 =	vld [tilespmem:s21+$0x1200]  }
0x2c5: {  	[tilespmem:v8+s11+$0x0] =	vst.idx.add.s32.msk $0xffff, v2;
	v8 =	vadd.s32 v1, v5  }
0x2c6: {  	[tilespmem:v4+s11+$0x0] =	vst.idx.add.s32.msk $0xffff, v2  }
0x2c7: {  	v9 =	vadd.s32 v1, v9;
	v10 =	vld [tilespmem:s24+$0x1110]  }
0x2c8: {  	[tilespmem:v6+s11+$0x0] =	vst.idx.add.s32.msk $0xffff, v2  }
0x2c9: {  	v11 =	vadd.s32 v1, v7;
	v5 =	vld [tilespmem:s21+$0x1290]  }
.Ltmp4:
0x2ca: {  	[tilespmem:v8+s11+$0x0] =	vst.idx.add.s32.msk $0xffff, v2;
	(pc) =	sbr.rel @p0 .LBB2_10-.Ltmp4, $4  }
0x2cb: {  	v4 =	vld [tilespmem:s26+$0x1000];
	s26 =	smov.u32 s25;
	s25 =	smov.u32 s31  }
0x2cc: {  	[tilespmem:v9+s11+$0x0] =	vst.idx.add.s32.msk $0xffff, v2  }
0x2cd: {  	v7 =	vadd.s32 v1, v10;
	v6 =	vld [tilespmem:s24+$0x1100]  }
0x2ce: {  	s30 =	sadd.s32 $0x20, s30;
	s29 =	sadd.s32 $0x100, s29;
	[tilespmem:v11+s11+$0x0] =	vst.idx.add.s32.msk $0xffff, v2  }
0x2cf: {  	_ =	sdelay $0x2  }
0x2d0: {  	v6 =	vadd.s32 v1, v6;
	_ =	sdelay $0x2  }
0x2d1: {  	[tilespmem:v7+s11+$0x0] =	vst.idx.add.s32.msk $0xffff, v2  }
0x2d2: {  	v7 =	vld [tilespmem:s24+$0x1190]  }
0x2d3: {  	[tilespmem:v6+s11+$0x0] =	vst.idx.add.s32.msk $0xffff, v2  }
0x2d4: {  	v6 =	vld [tilespmem:s24+$0x1180];
	_ =	sdelay $0x2  }
0x2d5: {  	v7 =	vadd.s32 v1, v7;
	_ =	sdelay $0x1  }
0x2d6: {  	v6 =	vadd.s32 v1, v6;
	_ =	sdelay $0x2  }
0x2d7: {  	[tilespmem:v7+s11+$0x0] =	vst.idx.add.s32.msk $0xffff, v2  }
0x2d8: {  	v7 =	vld [tilespmem:s24+$0x1210]  }
0x2d9: {  	[tilespmem:v6+s11+$0x0] =	vst.idx.add.s32.msk $0xffff, v2  }
0x2da: {  	v6 =	vld [tilespmem:s24+$0x1200];
	_ =	sdelay $0x2  }
0x2db: {  	v7 =	vadd.s32 v1, v7;
	_ =	sdelay $0x1  }
0x2dc: {  	v6 =	vadd.s32 v1, v6;
	_ =	sdelay $0x1  }
0x2dd: {  	v8 =	vld [tilespmem:s21+$0x1280]  }
0x2de: {  	[tilespmem:v7+s11+$0x0] =	vst.idx.add.s32.msk $0xffff, v2  }
0x2df: {  	v7 =	vld [tilespmem:s24+$0x1290]  }
0x2e0: {  	v5 =	vadd.s32 v1, v5;
	s0 =	sadd.s32 $0x1, s23;
	[tilespmem:v6+s11+$0x0] =	vst.idx.add.s32.msk $0xffff, v2  }
0x2e1: {  	s1 =	sand.u32 $0x3, s0;
	v6 =	vld [tilespmem:s24+$0x1280]  }
0x2e2: {  	s1 =	sshll.u32 s1, $0x5;
	v8 =	vadd.s32 v1, v8  }
0x2e3: {  	s1 =	sadd.s32 s1, s20  }
0x2e4: {  	s0 =	sadd.s32 $0x1, s0;
	s13 =	sadd.s32 $0x10, s1;
	v7 =	vadd.s32 v1, v7  }
0x2e5: {  	s0 =	sand.u32 $0x3, s0;
	[tilespmem:v5+s11+$0x0] =	vst.idx.add.s32.msk $0xffff, v2;
	s21 =	sor.u32 $0x300, s13  }
0x2e6: {  	s0 =	sshll.u32 s0, $0x5;
	v5 =	vld [tilespmem:s21+$0x1000];
	v6 =	vadd.s32 v1, v6  }
0x2e7: {  	s1 =	sor.u32 $0x300, s1;
	s0 =	sadd.s32 s0, s22;
	[tilespmem:v8+s11+$0x0] =	vst.idx.add.s32.msk $0xffff, v2  }
0x2e8: {  	s23 =	sadd.s32 $0x10, s0;
	v8 =	vld [tilespmem:s1+$0x1000]  }
0x2e9: {  	s24 =	sor.u32 $0x300, s23;
	[tilespmem:v7+s11+$0x0] =	vst.idx.add.s32.msk $0xffff, v2  }
0x2ea: {  	v7 =	vld [tilespmem:s24+$0x1000]  }
0x2eb: {  	s0 =	sor.u32 $0x300, s0;
	v5 =	vadd.s32 v1, v5;
	[tilespmem:v6+s11+$0x0] =	vst.idx.add.s32.msk $0xffff, v2  }
0x2ec: {  	v6 =	vld [tilespmem:s0+$0x1000]  }
0x2ed: {  	v8 =	vadd.s32 v1, v8;
	_ =	sdelay $0x1  }
0x2ee: {  	v7 =	vadd.s32 v1, v7  }
0x2ef: {  	s28 =	sor.u32 $0x380, s13;
	[tilespmem:v5+s11+$0x0] =	vst.idx.add.s32.msk $0xffff, v2  }
0x2f0: {  	v5 =	vld [tilespmem:s28+$0x1000];
	v6 =	vadd.s32 v1, v6  }
0x2f1: {  	[tilespmem:v8+s11+$0x0] =	vst.idx.add.s32.msk $0xffff, v2  }
0x2f2: {  	v8 =	vld [tilespmem:s26+$0x1000]  }
0x2f3: {  	s29 =	sor.u32 $0x380, s23;
	[tilespmem:v7+s11+$0x0] =	vst.idx.add.s32.msk $0xffff, v2  }
0x2f4: {  	v7 =	vld [tilespmem:s29+$0x1000]  }
0x2f5: {  	[tilespmem:v6+s11+$0x0] =	vst.idx.add.s32.msk $0xffff, v2  }
0x2f6: {  	v6 =	vld [tilespmem:s25+$0x1000]  }
0x2f7: {  	v4 =	vadd.s32 v1, v4  }
0x2f8: {  	v5 =	vadd.s32 v1, v5  }
0x2f9: {  	v8 =	vadd.s32 v1, v8  }
0x2fa: {  	v7 =	vadd.s32 v1, v7  }
0x2fb: {  	[tilespmem:v3+s11+$0x0] =	vst.idx.add.s32.msk $0xffff, v2;
	v3 =	vadd.s32 v1, v6  }
0x2fc: {  	[tilespmem:v4+s11+$0x0] =	vst.idx.add.s32.msk $0xffff, v2  }
0x2fd: {  	[tilespmem:v5+s11+$0x0] =	vst.idx.add.s32.msk $0xffff, v2  }
0x2fe: {  	[tilespmem:v8+s11+$0x0] =	vst.idx.add.s32.msk $0xffff, v2  }
0x2ff: {  	[tilespmem:v7+s11+$0x0] =	vst.idx.add.s32.msk $0xffff, v2  }
0x300: {  	s30 =	simm.s32 $0x4010;
	[tilespmem:v3+s11+$0x0] =	vst.idx.add.s32.msk $0xffff, v2  }
0x301: {  	s31 =	sand.u32 $0x3E0, s18;
	v3 =	vld [tilespmem:s30+$0xFFFFDFF0]  }
0x302: {  	v4 =	vld [tilespmem:s31+$0x2400]  }
0x303: {  	v5 =	vld [tilespmem:s31+$0x2800]  }
0x304: {  	v6 =	vld [tilespmem:s31+$0x2C00]  }
0x305: {  	v7 =	vld [tilespmem:s31+$0x3000]  }
0x306: {  	v8 =	vld [tilespmem:s31+$0x3400]  }
0x307: {  	v9 =	vld [tilespmem:s31+$0x3800]  }
0x308: {  	v10 =	vld [tilespmem:s31+$0x3C00]  }
0x309: {  	v11 =	vld [tilespmem:s31+$0x4000]  }
0x30a: {  	v12 =	vld [tilespmem:s31+$0x4400]  }
0x30b: {  	v13 =	vld [tilespmem:s31+$0x4800]  }
0x30c: {  	v14 =	vld [tilespmem:s31+$0x4C00]  }
0x30d: {  	v15 =	vld [tilespmem:s31+$0x5000]  }
0x30e: {  	v16 =	vld [tilespmem:s31+$0x5400]  }
0x30f: {  	v17 =	vld [tilespmem:s31+$0x5800]  }
0x310: {  	v18 =	vld [tilespmem:s31+$0x5C00]  }
0x311: {  	v3 =	vadd.s32 v3, v4;
	v4 =	vld [tilespmem:s30+$0xFFFFE000]  }
0x312: {  	v3 =	vadd.s32 v5, v3;
	v5 =	vld [tilespmem:s30+$0xFFFFE400]  }
0x313: {  	v3 =	vadd.s32 v6, v3;
	v6 =	vld [tilespmem:s30+$0xFFFFE800]  }
0x314: {  	v3 =	vadd.s32 v7, v3;
	v7 =	vld [tilespmem:s30+$0xFFFFEC00]  }
0x315: {  	v3 =	vadd.s32 v8, v3;
	v8 =	vld [tilespmem:s30+$0xFFFFF000]  }
0x316: {  	v3 =	vadd.s32 v9, v3;
	v9 =	vld [tilespmem:s30+$0xFFFFF400]  }
0x317: {  	v3 =	vadd.s32 v10, v3;
	v4 =	vadd.s32 v4, v5;
	v5 =	vld [tilespmem:s30+$0xFFFFF800]  }
0x318: {  	v3 =	vadd.s32 v11, v3;
	v4 =	vadd.s32 v6, v4;
	v6 =	vld [tilespmem:s30+$0xFFFFFC00]  }
0x319: {  	v3 =	vadd.s32 v12, v3;
	v4 =	vadd.s32 v7, v4;
	v7 =	vld [tilespmem:s30+$0x0]  }
0x31a: {  	v3 =	vadd.s32 v13, v3;
	v4 =	vadd.s32 v8, v4;
	v8 =	vld [tilespmem:s30+$0x400]  }
0x31b: {  	v3 =	vadd.s32 v14, v3;
	v4 =	vadd.s32 v9, v4;
	v9 =	vld [tilespmem:s30+$0x800]  }
0x31c: {  	v10 =	vadd.s32 v15, v3;
	v4 =	vadd.s32 v5, v4;
	v3 =	vld [tilespmem:s30+$0xC00]  }
0x31d: {  	v5 =	vadd.s32 v16, v10;
	v6 =	vadd.s32 v6, v4;
	v4 =	vld [tilespmem:s30+$0x1000]  }
0x31e: {  	v10 =	vadd.s32 v17, v5;
	v6 =	vadd.s32 v7, v6;
	v5 =	vld [tilespmem:s30+$0x1400]  }
0x31f: {  	s18 =	simm.s32 $0x6010;
	v7 =	vadd.s32 v18, v10;
	v8 =	vadd.s32 v8, v6;
	v6 =	vld [tilespmem:s30+$0x1800]  }
0x320: {  	s20 =	simm.s32 $0x4030;
	[tilespmem:s18+$0xFFFFFFF0] =	vst v7;
	v8 =	vadd.s32 v9, v8;
	v7 =	vld [tilespmem:s30+$0x1C00]  }
.LBB2_12:
0x321: {  	v9 =	vld [tilespmem:s20+$0xFFFFDFF0];
	s0 =	sand.u32 $0x3E0, s17;
	s19 =	sadd.s32 $0x2, s19;
	v3 =	vadd.s32 v3, v8  }
0x322: {  	v8 =	vld [tilespmem:s0+$0x2400];
	p0 =	slt.u32 s19, $0x3E;
	v3 =	vadd.s32 v4, v3  }
0x323: {  	v4 =	vld [tilespmem:s0+$0x2800];
	v3 =	vadd.s32 v5, v3  }
0x324: {  	v5 =	vld [tilespmem:s0+$0x2C00];
	v3 =	vadd.s32 v6, v3  }
0x325: {  	v6 =	vld [tilespmem:s0+$0x3000];
	v3 =	vadd.s32 v7, v3  }
0x326: {  	v7 =	vld [tilespmem:s0+$0x3400];
	[tilespmem:s18+$0x0] =	vst v3  }
0x327: {  	v3 =	vadd.s32 v9, v8;
	v8 =	vld [tilespmem:s0+$0x3800]  }
0x328: {  	v3 =	vadd.s32 v4, v3;
	v4 =	vld [tilespmem:s0+$0x3C00]  }
0x329: {  	v3 =	vadd.s32 v5, v3;
	v5 =	vld [tilespmem:s0+$0x4000]  }
0x32a: {  	v3 =	vadd.s32 v6, v3;
	v6 =	vld [tilespmem:s0+$0x4400]  }
0x32b: {  	v3 =	vadd.s32 v7, v3;
	v7 =	vld [tilespmem:s0+$0x4800]  }
0x32c: {  	v3 =	vadd.s32 v8, v3;
	v8 =	vld [tilespmem:s0+$0x4C00]  }
0x32d: {  	v3 =	vadd.s32 v4, v3;
	v4 =	vld [tilespmem:s0+$0x5000]  }
0x32e: {  	v3 =	vadd.s32 v5, v3;
	v5 =	vld [tilespmem:s0+$0x5400]  }
0x32f: {  	v3 =	vadd.s32 v6, v3;
	v6 =	vld [tilespmem:s0+$0x5800]  }
0x330: {  	v3 =	vadd.s32 v7, v3;
	v7 =	vld [tilespmem:s0+$0x5C00]  }
0x331: {  	v3 =	vadd.s32 v8, v3;
	v8 =	vld [tilespmem:s20+$0xFFFFE000]  }
0x332: {  	v3 =	vadd.s32 v4, v3;
	v4 =	vld [tilespmem:s20+$0xFFFFE400]  }
0x333: {  	v3 =	vadd.s32 v5, v3;
	v5 =	vld [tilespmem:s20+$0xFFFFE800]  }
0x334: {  	v3 =	vadd.s32 v6, v3;
	v6 =	vld [tilespmem:s20+$0xFFFFEC00]  }
0x335: {  	s18 =	sadd.s32 $0x20, s18;
	v3 =	vadd.s32 v7, v3;
	v7 =	vld [tilespmem:s20+$0xFFFFF000]  }
0x336: {  	[tilespmem:s18+$0xFFFFFFF0] =	vst v3;
	v3 =	vld [tilespmem:s20+$0xFFFFF400]  }
0x337: {  	v4 =	vadd.s32 v8, v4;
	v8 =	vld [tilespmem:s20+$0xFFFFF800]  }
0x338: {  	v4 =	vadd.s32 v5, v4;
	v5 =	vld [tilespmem:s20+$0xFFFFFC00]  }
0x339: {  	v4 =	vadd.s32 v6, v4;
	v6 =	vld [tilespmem:s20+$0x0]  }
0x33a: {  	v4 =	vadd.s32 v7, v4;
	v7 =	vld [tilespmem:s20+$0x400]  }
0x33b: {  	v3 =	vadd.s32 v3, v4;
	v9 =	vld [tilespmem:s20+$0x800]  }
.Ltmp5:
0x33c: {  	v4 =	vadd.s32 v8, v3;
	v3 =	vld [tilespmem:s20+$0xC00];
	(pc) =	sbr.rel @p0 .LBB2_12-.Ltmp5, $4  }
0x33d: {  	v5 =	vadd.s32 v5, v4;
	v4 =	vld [tilespmem:s20+$0x1000]  }
0x33e: {  	v6 =	vadd.s32 v6, v5;
	v5 =	vld [tilespmem:s20+$0x1400]  }
0x33f: {  	v7 =	vadd.s32 v7, v6;
	v6 =	vld [tilespmem:s20+$0x1800]  }
0x340: {  	s17 =	sadd.s32 $0x20, s17;
	v8 =	vadd.s32 v9, v7;
	v7 =	vld [tilespmem:s20+$0x1C00];
	s20 =	sadd.s32 $0x20, s20  }
0x341: {  	v3 =	vadd.s32 v3, v8  }
0x342: {  	v3 =	vadd.s32 v4, v3  }
0x343: {  	v3 =	vadd.s32 v5, v3  }
0x344: {  	s2 =	sadd.s32 $0x1, s2;
	v3 =	vadd.s32 v6, v3  }
0x345: {  	p0 =	sne.s32 s2, s8;
	v3 =	vadd.s32 v7, v3  }
.Ltmp6:
0x346: {  	s0 =	simm.s32 $0x80;
	[tilespmem:s18+$0x0] =	vst v3;
	(pc) =	sbr.rel @p0 .LBB2_1-.Ltmp6, $4  }
0x347: {  	[hbm4b:s7+s0] =	stream.strided.scatter [tilespmem:s15], [sflag:$0x3], $0x400, s14, s0, $0x38;
	[tilespmem:$0x6400] =	vst v63  }
0x348: {  	_ =	swait.ge [sflag:s16], $0x400  }
0x349: {  	[sflag:s16] =	ssyncset.done $0x0  }
0x34a: {  	[sflag:s16] =	ssyncadd.s32 $0xFFFFFC00  }
0x34b: {  	_ =	sfence.sel $0x180000  }
0x34c: {  	[bflag:$0x0] =	sbarrier.arrive $0xFFFF  }
0x34d: {  	_ =	strace $0x90000047  }
0x34e: {  	s0 =	stileid.u32;
	[bflag:$0x2] =	sbarrier.arrive $0xFFFF  }
0x34f: {  	p0 =	sne.s32 s0, $0x0;
	s0 =	rddreg [dreg:$0x1]  }
0x350: {  	s0 =	sadd.s32 @!p0 $0x100000, s0  }
0x351: {  	[sflag:s0] =	ssyncadd.tile.s32 @!p0 $0x1;
	_ =	shalt  }
.Lfunc_end2:
_tile_overlayer_lowered:
.L_overlay_start_2:
0x352: {  	(tag) =	ssettag $0x2  }
0x353: {  	s0 =	rddreg [dreg:$0x0];
	s2 =	stileid.u32  }
0x354: {  	s1 =	rddreg [dreg:$0x1];
	p0 =	sne.s32 s2, $0x0  }
0x355: {  	s3 =	rddreg [dreg:$0x2];
	[bflag:$0x3] =	sbarrier.arrive $0xFFFF;
	s2 =	simm.s32 @!p0 $0x1C03  }
0x356: {  	[timem:s3], [sflag:s2] =	dma.local @!p0 [hbm:s0], s1  }
0x357: {  	s0 =	simm.s32 @!p0 $0x3  }
0x358: {  	_ =	swait.ge @!p0 [sflag:s0], s1  }
0x359: {  	s1 =	ssub.s32 @!p0 $0x0, s1;
	[sflag:s0] =	ssyncset.done @!p0 $0x0  }
0x35a: {  	[sflag:s0] =	ssyncadd.s32 @!p0 s1  }
0x35b: {  	[bflag:$0x3] =	sbarrier.arrive $0xFFFF  }
0x35c: {  	_ =	shalt  }

// kernel: hist_sc.7.cloned.1.call-start
scs
__scs_entry_jumppad:
0x0: {  	(pc) =	sbr.rel $0x88, $3  }
0x1: {  	(tag) =	ssettag $0x0;
	lr =	simm.s32 $0x1  }
0x2: {  	[smem:$0x3F9F] =	sst lr;
	_ =	strace $0xD0000000  }
0x3: {  	_ = 	snop  }
0x4: {  	_ = 	snop  }
0x5: {  	_ = 	snop  }
0x6: {  	_ = 	snop  }
0x7: {  	_ = 	snop  }
__scs_overlays_trampoline_lowered:
0x8: {  	[smem:$0x3FAE] =	sst s0  }
0x9: {  	[smem:$0x3FAF] =	sst s1  }
0xa: {  	[smem:$0x3FB0] =	sst s2  }
0xb: {  	[smem:$0x3FB1] =	sst s3  }
0xc: {  	[smem:$0x3FB2] =	sst s4  }
0xd: {  	[smem:$0x3FB3] =	sst s5  }
0xe: {  	[smem:$0x3FB4] =	sst s6  }
0xf: {  	[smem:$0x3FB5] =	sst s7  }
0x10: {  	[smem:$0x3FB6] =	sst s8  }
0x11: {  	[smem:$0x3FB7] =	sst s9;
	s0 =	simm.s32 @!p0 $0x0  }
0x12: {  	s1 =	sld [smem:$0x3F9D];
	s0 =	simm.s32 @p0 $0x1  }
0x13: {  	[smem:$0x3FB8] =	sst s0;
	s0 =	simm.s32 @!p1 $0x0  }
0x14: {  	s2 =	sld [smem:$0x3F9C];
	s0 =	simm.s32 @p1 $0x1  }
0x15: {  	[smem:$0x3FB9] =	sst s0;
	s0 =	simm.s32 @!p2 $0x0  }
0x16: {  	s3 =	sld [smem:$0x3FDB];
	s0 =	simm.s32 @p2 $0x1  }
0x17: {  	s4 =	simm.s32 $0x1BF5;
	[smem:$0x3FBB] =	sst s0  }
0x18: {  	s0 =	sld [smem:$0x3F9E];
	_ =	swait.ge [sflag:s4], $0x0  }
0x19: {  	s7 =	sld [smem:$0x3F9F]  }
0x1a: {  	s8 =	sadd.s32 $0xFFFFE003, lr  }
0x1b: {  	s9 =	sadd.s32 $0xFFFFFEF7, lr;
	s5 =	simm.s32 $0xFFFFFFFF;
	p2 =	slt.u32 s8, $0xFFFFF086  }
0x1c: {  	p1 =	slt.u32 s9, $0xF7A;
	s5 =	simm.s32 @!p2 $0x0  }
0x1d: {  	s5 =	simm.s32 @p1 $0x1;
	p0 =	seq.s32 s7, s2  }
0x1e: {  	s7 =	smul.u32 @!p0 $0xF7A, s2;
	p2 =	seq.s32 @!p0 s5, $0x0  }
0x1f: {  	s9 =	smul.u32 $0xF7A, s1;
	s8 =	simm.s32 @!p0 $0x1BF5;
	p2 =	por !p2, p0  }
0x20: {  	[sflag:s8] =	ssyncset.s32 @!p0 $0xFFFFF086;
	s6 =	sadd.s32 @!p0 s3, s7;
	s7 =	simm.s32 @!p0 $0x108  }
0x21: {  	s3 =	sadd.s32 s3, s9;
	s6 =	sadd.s32 @!p0 $0x88, s6;
	s7 =	simm.s32 @p2 $0x1082  }
0x22: {  	[simem:s7], [sflag:s8] =	dma.local @!p0 [hbm:s6], $0xF7A  }
0x23: {  	s9 =	sor.u32 $0xD0000000, s2;
	s6 =	simm.s32 $0x108;
	_ =	swait.ge @!p0 [sflag:s8], $0x0  }
0x24: {  	s3 =	sadd.s32 $0x88, s3;
	s6 =	simm.s32 @!p1 $0x1082;
	[sflag:s4] =	ssyncset.s32 $0xFFFFF086  }
0x25: {  	[simem:s6], [sflag:s4] =	dma.local [hbm:s3], $0xF7A  }
0x26: {  	[smem:$0x3F9F] =	sst s1;
	(tag) =	ssettag s2;
	_ =	strace s9  }
0x27: {  	s1 =	sld [smem:$0x3FAF]  }
0x28: {  	s2 =	sld [smem:$0x3FB0]  }
0x29: {  	s4 =	sld [smem:$0x3FB2]  }
0x2a: {  	p0 =	seq.s32 s5, $0x0;
	s5 =	sld [smem:$0x3FB3]  }
0x2b: {  	s6 =	sld [smem:$0x3FB4]  }
0x2c: {  	s7 =	sld [smem:$0x3FB5]  }
0x2d: {  	s3 =	simm.s32 $0x108;
	s8 =	sld [smem:$0x3FB6]  }
0x2e: {  	s3 =	simm.s32 @!p0 $0x1082;
	s9 =	sld [smem:$0x3FB7]  }
0x2f: {  	lr =	sadd.s32 s0, s3;
	s0 =	sld [smem:$0x3FAE]  }
0x30: {  	s3 =	sld [smem:$0x3FB1]  }
0x31: {  	[smem:$0x3FBA] =	sst s10  }
0x32: {  	s10 =	sld [smem:$0x3FB8];
	_ =	sdelay $0x3  }
0x33: {  	p0 =	seq.s32 s10, $0x1;
	s10 =	sld [smem:$0x3FBA];
	_ =	sdelay $0x3  }
0x34: {  	[smem:$0x3FBA] =	sst s10  }
0x35: {  	s10 =	sld [smem:$0x3FB9];
	_ =	sdelay $0x3  }
0x36: {  	p1 =	seq.s32 s10, $0x1;
	s10 =	sld [smem:$0x3FBA];
	_ =	sdelay $0x3  }
0x37: {  	[smem:$0x3FBA] =	sst s10  }
0x38: {  	s10 =	sld [smem:$0x3FBB]  }
0x39: {  	_ = 	snop;
	(pc) =	sbr.ind lr, $3  }
0x3a: {  	_ = 	snop  }
0x3b: {  	_ = 	snop  }
0x3c: {  	p2 =	seq.s32 s10, $0x1;
	s10 =	sld [smem:$0x3FBA]  }
0x3d: {  	_ =	shalt  }
0x3e: {  	_ =	shalt  }
0x3f: {  	_ =	shalt  }
0x40: {  	_ =	shalt  }
0x41: {  	_ =	shalt  }
0x42: {  	_ =	shalt  }
0x43: {  	_ =	shalt  }
0x44: {  	_ =	shalt  }
0x45: {  	_ =	shalt  }
0x46: {  	_ =	shalt  }
0x47: {  	_ =	shalt  }
0x48: {  	_ =	shalt  }
0x49: {  	_ =	shalt  }
0x4a: {  	_ =	shalt  }
0x4b: {  	_ =	shalt  }
0x4c: {  	_ =	shalt  }
0x4d: {  	_ =	shalt  }
0x4e: {  	_ =	shalt  }
0x4f: {  	_ =	shalt  }
0x50: {  	_ =	shalt  }
0x51: {  	_ =	shalt  }
0x52: {  	_ =	shalt  }
0x53: {  	_ =	shalt  }
0x54: {  	_ =	shalt  }
0x55: {  	_ =	shalt  }
0x56: {  	_ =	shalt  }
0x57: {  	_ =	shalt  }
0x58: {  	_ =	shalt  }
0x59: {  	_ =	shalt  }
0x5a: {  	_ =	shalt  }
0x5b: {  	_ =	shalt  }
0x5c: {  	_ =	shalt  }
0x5d: {  	_ =	shalt  }
0x5e: {  	_ =	shalt  }
0x5f: {  	_ =	shalt  }
0x60: {  	_ =	shalt  }
0x61: {  	_ =	shalt  }
0x62: {  	_ =	shalt  }
0x63: {  	_ =	shalt  }
0x64: {  	_ =	shalt  }
0x65: {  	_ =	shalt  }
0x66: {  	_ =	shalt  }
0x67: {  	_ =	shalt  }
0x68: {  	_ =	shalt  }
0x69: {  	_ =	shalt  }
0x6a: {  	_ =	shalt  }
0x6b: {  	_ =	shalt  }
0x6c: {  	_ =	shalt  }
0x6d: {  	_ =	shalt  }
0x6e: {  	_ =	shalt  }
0x6f: {  	_ =	shalt  }
0x70: {  	_ =	shalt  }
0x71: {  	_ =	shalt  }
0x72: {  	_ =	shalt  }
0x73: {  	_ =	shalt  }
0x74: {  	_ =	shalt  }
0x75: {  	_ =	shalt  }
0x76: {  	_ =	shalt  }
0x77: {  	_ =	shalt  }
0x78: {  	_ =	shalt  }
0x79: {  	_ =	shalt  }
0x7a: {  	_ =	shalt  }
0x7b: {  	_ =	shalt  }
0x7c: {  	_ =	shalt  }
0x7d: {  	_ =	shalt  }
0x7e: {  	_ =	shalt  }
0x7f: {  	_ =	shalt  }
0x80: {  	_ =	shalt  }
0x81: {  	_ =	shalt  }
0x82: {  	_ =	shalt  }
0x83: {  	_ =	shalt  }
0x84: {  	_ =	shalt  }
0x85: {  	_ =	shalt  }
0x86: {  	_ =	shalt  }
0x87: {  	_ =	shalt  }
.Lfunc_end0:
.L_simem_size_0:
called_computation.1_lowered:
.L_overlay_start_0:
0x88: {  	s2 =	sld [smem:$0x3FD9]  }
0x89: {  	s3 =	sld [smem:$0x3FFE];
	_ =	sdelay $0x1  }
0x8a: {  	s1 =	srdreg.scid  }
0x8b: {  	s0 =	sand.u32 $0x1, s1  }
0x8c: {  	s17 =	sshll.u32 s0, $0xA;
	s2 =	sadd.s32 s3, s2  }
0x8d: {  	s2 =	sadd.s32 s2, s17  }
0x8e: {  	[smem:$0x3FC6] =	sst s2  }
0x8f: {  	_ = 	snop  }
0x90: {  	(tm) =	ssettm $0x1  }
0x91: {  	s18 =	sld [smem:$0x3FFB];
	_ =	sdelay $0x3  }
0x92: {  	_ =	strace s18  }
0x93: {  	s2 =	sld [smem:$0x3FFC];
	_ =	sdelay $0x3  }
0x94: {  	_ =	strace s2  }
0x95: {  	s2 =	sld [smem:$0x3FFD];
	_ =	sdelay $0x3  }
0x96: {  	_ =	strace s2  }
0x97: {  	_ =	strace $0x8FFFFFFF  }
0x98: {  	s19 =	sld [smem:$0x3FDB];
	_ =	sdelay $0x1  }
0x99: {  	s20 =	simm.s32 $_scs_section_size  }
0x9a: {  	s4 =	simm.s32 $_size__tile_overlayer_lowered;
	s5 =	simm.s32 $_tile_overlayer_lowered  }
0x9b: {  	s6 =	simm.s32 $0x1BFF;
	s21 =	sshll.u32 s5, $0x1;
	s3 =	sadd.s32 s20, s19  }
0x9c: {  	s22 =	simm.s32 $0x0;
	s4 =	sshll.u32 s4, $0x1;
	s5 =	sadd.s32 s21, s3  }
0x9d: {  	[timem:s22], [sflag:s6] =	dma.local [hbm:s5], s4  }
0x9e: {  	_ =	swait.ge [sflag:s6], s4  }
0x9f: {  	s4 =	ssub.s32 $0x0, s4;
	[sflag:s6] =	ssyncset.done $0x0  }
0xa0: {  	[sflag:s6] =	ssyncadd.s32 s4;
	_ =	sdelay $0x1  }
0xa1: {  	s23 =	simm.s32 $0x1B8B  }
0xa2: {  	_ =	swait.ge [sflag:s23], $0x1  }
0xa3: {  	[sflag:s23] =	ssyncset.done $0x0  }
0xa4: {  	[sflag:s23] =	ssyncadd.s32 $0xFFFFFFFF  }
0xa5: {  	s4 =	sld [smem:$0x0]  }
0xa6: {  	s5 =	sand.u32 $0xFFFFFFFE, s1  }
0xa7: {  	p0 =	sne.s32 s1, s5  }
0xa8: {  	s5 =	sshll.u32 @p0 s5, $0xE  }
0xa9: {  	s5 =	sadd.s32 @p0 $0x11B8D, s5;
	s6 =	sshll.u32 @p0 s4, $0x11  }
0xaa: {  	s5 =	sor.u32 @p0 s6, s5  }
0xab: {  	[sflag:s5] =	ssyncadd.remote.s32 @p0 $0x1;
	_ =	sdelay $0x1  }
0xac: {  	s5 =	simm.s32 @p0 $0x1B8D  }
0xad: {  	_ =	swait.eq @p0 [sflag:s5], $0x1  }
0xae: {  	[sflag:s5] =	ssyncadd.s32 @p0 $0xFFFFFFFF  }
0xaf: {  	s6 =	sshll.u32 @!p0 s1, $0xE  }
0xb0: {  	s6 =	sor.u32 @!p0 $0x4000, s6;
	s5 =	simm.s32 @!p0 $0x1B8D  }
0xb1: {  	s4 =	sshll.u32 @!p0 s4, $0x11;
	s6 =	sadd.s32 @!p0 $0x11B8D, s6;
	_ =	swait.eq @!p0 [sflag:s5], $0x1  }
0xb2: {  	s4 =	sor.u32 @!p0 s4, s6;
	[sflag:s5] =	ssyncadd.s32 @!p0 $0xFFFFFFFF  }
0xb3: {  	s25 =	simm.s32 $0x1B8E;
	s24 =	sld [smem:$0x3FFE];
	[sflag:s4] =	ssyncadd.remote.s32 @!p0 $0x1  }
0xb4: {  	s26 =	simm.s32 $execute0_lowered;
	[smem:$0x3FD2] =	sst s25  }
0xb5: {  	s5 =	sshll.u32 s26, $0x1;
	_ =	strace $0x80000049;
	[dreg:$0x1] =	wrdreg $0xFFFFFFFF  }
0xb6: {  	s28 =	simm.s32 $_size_execute0_lowered;
	s3 =	sadd.s32 s3, s5;
	[dreg:$0x0] =	wrdreg $0x0  }
0xb7: {  	s5 =	sshll.u32 s28, $0x1;
	[dreg:$0x2] =	wrdreg s3  }
0xb8: {  	[dreg:$0x3] =	wrdreg s5  }
0xb9: {  	[dreg:$0x4] =	wrdreg $0xC0  }
0xba: {  	_ =	task [dreg:s22], $0x5FFFF  }
0xbb: {  	[dreg:$0x1] =	wrdreg $0xFFFFFFFF  }
0xbc: {  	[dreg:$0x0] =	wrdreg $0x60  }
0xbd: {  	[dreg:$0x2] =	wrdreg s24  }
0xbe: {  	[dreg:$0x3] =	wrdreg $0xA  }
0xbf: {  	_ =	task.clear_ibuf [dreg:s22], $0x4FFFF;
	_ =	strace $0x90000049  }
0xc0: {  	s29 =	simm.s32 $0xA;
	_ =	strace $0x8000004B  }
0xc1: {  	_ =	swait.ge [sflag:s29], $0x1  }
0xc2: {  	[sflag:s29] =	ssyncadd.s32 $0xFFFFFFFF  }
0xc3: {  	_ =	strace $0x9000004B  }
0xc4: {  	_ =	sfence  }
0xc5: {  	s30 =	sld [smem:$0x0];
	_ =	sdelay $0x2  }
0xc6: {  	s31 =	sshll.u32 s1, $0xD;
	s1 =	sshrl.u32 s1, $0x2  }
0xc7: {  	s4 =	sand.u32 $0x4000, s31;
	s1 =	sadd.s32 s1, s30  }
0xc8: {  	s0 =	sor.u32 s4, s0;
	s1 =	sshll.u32 s1, $0x11  }
0xc9: {  	s0 =	sor.u32 s1, s0  }
0xca: {  	s0 =	sadd.s32 $0x8F2B, s0  }
0xcb: {  	[sflag:s0] =	ssyncadd.remote.s32 $0x1  }
0xcc: {  	_ =	sfence.sel $0xFFFF  }
0xcd: {  	[dreg:$0x0] =	wrdreg $0xFFFFFFFF;
	(pc) =	sbr.abs _section_cstart, $3  }
0xce: {  	[dreg:$0x1] =	wrdreg $0xFFFFFFFF  }
0xcf: {  	_ =	task.clear_ibuf [dreg:s22], $0x2FFFF;
	_ =	strace $0x9FFFFFFF  }
0xd0: {  	(tm) =	ssettm $0x7FFFFFFF  }
0xd1: {  	_ =	shalt  }
tec
execute0_lowered:
.L_overlay_start_1:
0x0: {  	(tag) =	ssettag $0x1  }
0x1: {  	s3 =	rddreg [dreg:$0x0]  }
0x2: {  	s4 =	srdreg.scid;
	s0 =	stileid.u32  }
0x3: {  	s2 =	simm.s32 $0x0;
	s9 =	simm.s32 $0x1;
	s10 =	simm.s32 $0x1000  }
0x4: {  	s11 =	simm.s32 $0x2000;
	s12 =	simm.s32 $0x2;
	s14 =	simm.s32 $0x400  }
0x5: {  	s15 =	simm.s32 $0x6000;
	s16 =	simm.s32 $0x3;
	s4 =	sand.u32 $0x1, s4  }
0x6: {  	s5 =	sshll.u32 s0, $0x1;
	[smem:$0x7FF] =	sst s2;
	s7 =	sshll.u32 s0, $0x8  }
0x7: {  	s5 =	sor.u32 s4, s5;
	_ =	strace $0x8000004A;
	s4 =	ssub.s32 $0x2, s4  }
0x8: {  	s7 =	sand.u32 $0xC00, s7;
	s6 =	sshll.u32 s5, $0xB;
	s8 =	sshrl.u32 s4, $0x1  }
0x9: {  	s5 =	sshll.u32 s5, $0x4;
	s7 =	sadd.s32 s7, s3;
	s6 =	sadd.s32 s6, s3  }
0xa: {  	v1 =	vlaneseq.u32;
	s8 =	ssub.s32 s4, s8;
	s5 =	sand.u32 $0x70, s5;
	s3 =	sadd.s32 $0x12200, s6  }
0xb: {  	v1 =	vmul.u32 $0x400, v1;
	s4 =	sadd.s32 $0x12400, s6;
	s7 =	sadd.s32 s5, s7;
	s5 =	sadd.s32 $0x12600, s6  }
0xc: {  	v0 =	vimm.s32 $0x0;
	v2 =	vimm.s32 $0x1;
	s6 =	sadd.s32 $0x12800, s6;
	s8 =	smax.u32 s8, $0x1;
	s7 =	sadd.s32 $0x22200, s7  }
.LBB2_1:
0xd: {  	s17 =	simm.s32 $0x2040  }
0xe: {  	[tilespmem:s17+$0xFFFFFFC0] =	vst v0  }
0xf: {  	[tilespmem:s17+$0x30] =	vst v0  }
0x10: {  	[tilespmem:s17+$0x20] =	vst v0  }
0x11: {  	[tilespmem:s17+$0x10] =	vst v0  }
0x12: {  	[tilespmem:s17+$0x0] =	vst v0  }
0x13: {  	[tilespmem:s17+$0xFFFFFFF0] =	vst v0  }
0x14: {  	s18 =	simm.s32 $0x0;
	[tilespmem:s17+$0xFFFFFFE0] =	vst v0  }
.LBB2_2:
0x15: {  	s18 =	sadd.s32 $0x8, s18;
	[tilespmem:s17+$0xFFFFFFD0] =	vst v0;
	s17 =	sadd.s32 $0x80, s17  }
0x16: {  	[tilespmem:s17+$0xFFFFFFC0] =	vst v0;
	p0 =	slt.u32 s18, $0x3F8  }
0x17: {  	[tilespmem:s17+$0x30] =	vst v0  }
.Ltmp0:
0x18: {  	[tilespmem:s17+$0x20] =	vst v0;
	(pc) =	sbr.rel @p0 .LBB2_2-.Ltmp0, $4  }
0x19: {  	[tilespmem:s17+$0x10] =	vst v0  }
0x1a: {  	[tilespmem:s17+$0x0] =	vst v0  }
0x1b: {  	[tilespmem:s17+$0xFFFFFFF0] =	vst v0  }
0x1c: {  	[tilespmem:s17+$0xFFFFFFE0] =	vst v0  }
0x1d: {  	[tilespmem:s17+$0xFFFFFFD0] =	vst v0;
	s19 =	simm.s32 $0x0  }
0x1e: {  	[tilespmem:s19], [sflag:$0x1] =	stream.linear.gather [hbm4b:s3+s19], $0x1000, $0x38;
	[tilespmem:$0x6400] =	vst v63  }
0x1f: {  	_ =	swait.ge [sflag:s9], $0x1000  }
0x20: {  	s24 =	sand.u32 $0x60, s19;
	s18 =	sand.u32 $0xC00, s19;
	[sflag:s9] =	ssyncset.done $0x0  }
0x21: {  	s18 =	sor.u32 s24, s18;
	[sflag:s9] =	ssyncadd.s32 $0xFFFFF000  }
0x22: {  	[tilespmem:s10], [sflag:$0x2] =	stream.linear.gather [hbm4b:s4+s19], $0x1000, $0x38;
	[tilespmem:$0x6400] =	vst v63  }
0x23: {  	v3 =	vld [tilespmem:s18+$0x10];
	_ =	sdelay $0x4  }
0x24: {  	v3 =	vadd.s32 v1, v3  }
0x25: {  	v4 =	vld [tilespmem:s18+$0x0];
	_ =	sdelay $0x3  }
0x26: {  	[tilespmem:v3+s11+$0x0] =	vst.idx.add.s32.msk $0xffff, v2  }
0x27: {  	v4 =	vadd.s32 v1, v4;
	v3 =	vld [tilespmem:s18+$0x90];
	_ =	sdelay $0x4  }
0x28: {  	[tilespmem:v4+s11+$0x0] =	vst.idx.add.s32.msk $0xffff, v2;
	v3 =	vadd.s32 v1, v3  }
0x29: {  	s22 =	simm.s32 $0x100;
	s23 =	simm.s32 $0x20;
	v4 =	vld [tilespmem:s18+$0x80]  }
0x2a: {  	s25 =	sand.u32 $0x60, s23;
	s20 =	sand.u32 $0xC00, s22  }
0x2b: {  	s20 =	sor.u32 s25, s20  }
0x2c: {  	v5 =	vld [tilespmem:s20+$0x10]  }
0x2d: {  	[tilespmem:v3+s11+$0x0] =	vst.idx.add.s32.msk $0xffff, v2  }
0x2e: {  	v3 =	vadd.s32 v1, v4;
	v4 =	vld [tilespmem:s18+$0x110];
	_ =	sdelay $0x2  }
0x2f: {  	v5 =	vadd.s32 v1, v5  }
0x30: {  	v6 =	vld [tilespmem:s20+$0x0]  }
0x31: {  	[tilespmem:v3+s11+$0x0] =	vst.idx.add.s32.msk $0xffff, v2;
	v4 =	vadd.s32 v1, v4  }
0x32: {  	v3 =	vld [tilespmem:s18+$0x100];
	_ =	sdelay $0x1  }
0x33: {  	[tilespmem:v5+s11+$0x0] =	vst.idx.add.s32.msk $0xffff, v2  }
0x34: {  	v6 =	vadd.s32 v1, v6;
	v5 =	vld [tilespmem:s20+$0x90]  }
0x35: {  	[tilespmem:v4+s11+$0x0] =	vst.idx.add.s32.msk $0xffff, v2  }
0x36: {  	v3 =	vadd.s32 v1, v3;
	v4 =	vld [tilespmem:s18+$0x190];
	_ =	sdelay $0x2  }
0x37: {  	[tilespmem:v6+s11+$0x0] =	vst.idx.add.s32.msk $0xffff, v2;
	v5 =	vadd.s32 v1, v5  }
0x38: {  	v6 =	vld [tilespmem:s20+$0x80]  }
0x39: {  	[tilespmem:v3+s11+$0x0] =	vst.idx.add.s32.msk $0xffff, v2;
	v4 =	vadd.s32 v1, v4  }
0x3a: {  	v3 =	vld [tilespmem:s18+$0x180];
	_ =	sdelay $0x1  }
0x3b: {  	[tilespmem:v5+s11+$0x0] =	vst.idx.add.s32.msk $0xffff, v2  }
0x3c: {  	v5 =	vadd.s32 v1, v6;
	v6 =	vld [tilespmem:s20+$0x110]  }
0x3d: {  	[tilespmem:v4+s11+$0x0] =	vst.idx.add.s32.msk $0xffff, v2  }
0x3e: {  	v3 =	vadd.s32 v1, v3;
	v4 =	vld [tilespmem:s18+$0x210];
	_ =	sdelay $0x2  }
0x3f: {  	[tilespmem:v5+s11+$0x0] =	vst.idx.add.s32.msk $0xffff, v2;
	v6 =	vadd.s32 v1, v6  }
0x40: {  	v5 =	vld [tilespmem:s20+$0x100]  }
0x41: {  	[tilespmem:v3+s11+$0x0] =	vst.idx.add.s32.msk $0xffff, v2;
	v3 =	vadd.s32 v1, v4  }
0x42: {  	v4 =	vld [tilespmem:s18+$0x200];
	_ =	sdelay $0x1  }
0x43: {  	[tilespmem:v6+s11+$0x0] =	vst.idx.add.s32.msk $0xffff, v2  }
0x44: {  	v5 =	vadd.s32 v1, v5;
	v6 =	vld [tilespmem:s20+$0x190]  }
0x45: {  	[tilespmem:v3+s11+$0x0] =	vst.idx.add.s32.msk $0xffff, v2  }
0x46: {  	v3 =	vadd.s32 v1, v4;
	v4 =	vld [tilespmem:s18+$0x290];
	_ =	sdelay $0x2  }
0x47: {  	[tilespmem:v5+s11+$0x0] =	vst.idx.add.s32.msk $0xffff, v2;
	v6 =	vadd.s32 v1, v6  }
0x48: {  	s17 =	simm.s32 $0x200;
	s24 =	simm.s32 $0x40;
	v5 =	vld [tilespmem:s20+$0x180]  }
0x49: {  	s25 =	sand.u32 $0xC00, s17;
	s21 =	sand.u32 $0x60, s24;
	[tilespmem:v3+s11+$0x0] =	vst.idx.add.s32.msk $0xffff, v2;
	v4 =	vadd.s32 v1, v4  }
0x4a: {  	s26 =	sand.u32 $0x3, s19;
	v3 =	vld [tilespmem:s18+$0x280];
	s18 =	sor.u32 s21, s25  }
0x4b: {  	s21 =	sshll.u32 s26, $0x5;
	v7 =	vld [tilespmem:s18+$0x10]  }
0x4c: {  	[tilespmem:v6+s11+$0x0] =	vst.idx.add.s32.msk $0xffff, v2;
	s21 =	sadd.s32 $0x0, s21  }
0x4d: {  	v5 =	vadd.s32 v1, v5;
	v6 =	vld [tilespmem:s20+$0x210];
	s28 =	sadd.s32 $0x10, s21  }
0x4e: {  	s26 =	sor.u32 $0x300, s28;
	[tilespmem:v4+s11+$0x0] =	vst.idx.add.s32.msk $0xffff, v2  }
0x4f: {  	v3 =	vadd.s32 v1, v3;
	v4 =	vld [tilespmem:s26+$0x0]  }
0x50: {  	v8 =	vld [tilespmem:s18+$0x0];
	v7 =	vadd.s32 v1, v7;
	_ =	sdelay $0x1  }
0x51: {  	[tilespmem:v5+s11+$0x0] =	vst.idx.add.s32.msk $0xffff, v2  }
0x52: {  	v5 =	vadd.s32 v1, v6;
	v6 =	vld [tilespmem:s20+$0x200]  }
0x53: {  	[tilespmem:v3+s11+$0x0] =	vst.idx.add.s32.msk $0xffff, v2;
	v4 =	vadd.s32 v1, v4  }
0x54: {  	s21 =	sor.u32 $0x300, s21;
	[tilespmem:v7+s11+$0x0] =	vst.idx.add.s32.msk $0xffff, v2;
	v7 =	vadd.s32 v1, v8  }
0x55: {  	v3 =	vld [tilespmem:s21+$0x0]  }
0x56: {  	v8 =	vld [tilespmem:s18+$0x90]  }
0x57: {  	[tilespmem:v5+s11+$0x0] =	vst.idx.add.s32.msk $0xffff, v2  }
0x58: {  	[tilespmem:v4+s11+$0x0] =	vst.idx.add.s32.msk $0xffff, v2  }
0x59: {  	v5 =	vadd.s32 v1, v6;
	s29 =	sor.u32 $0x380, s28;
	[tilespmem:v7+s11+$0x0] =	vst.idx.add.s32.msk $0xffff, v2  }
0x5a: {  	v3 =	vadd.s32 v1, v3;
	v4 =	vld [tilespmem:s29+$0x0]  }
0x5b: {  	v7 =	vadd.s32 v1, v8;
	v8 =	vld [tilespmem:s18+$0x80];
	_ =	sdelay $0x1  }
0x5c: {  	v6 =	vld [tilespmem:s20+$0x290]  }
0x5d: {  	[tilespmem:v5+s11+$0x0] =	vst.idx.add.s32.msk $0xffff, v2  }
0x5e: {  	[tilespmem:v3+s11+$0x0] =	vst.idx.add.s32.msk $0xffff, v2;
	v3 =	vadd.s32 v1, v4  }
0x5f: {  	[tilespmem:v7+s11+$0x0] =	vst.idx.add.s32.msk $0xffff, v2;
	v4 =	vadd.s32 v1, v8  }
0x60: {  	v7 =	vld [tilespmem:s18+$0x110]  }
0x61: {  	v5 =	vld [tilespmem:s20+$0x280];
	v6 =	vadd.s32 v1, v6;
	s20 =	simm.s32 $0x1  }
0x62: {  	s1 =	sand.u32 $0x3, s20  }
0x63: {  	s26 =	sshll.u32 s1, $0x5;
	[tilespmem:v3+s11+$0x0] =	vst.idx.add.s32.msk $0xffff, v2  }
0x64: {  	s26 =	sadd.s32 $0x100, s26;
	[tilespmem:v4+s11+$0x0] =	vst.idx.add.s32.msk $0xffff, v2  }
0x65: {  	s31 =	simm.s32 $0x60;
	s19 =	sor.u32 s19, s19;
	s13 =	sadd.s32 $0x10, s26;
	v3 =	vld [tilespmem:s18+$0x100];
	v4 =	vadd.s32 v1, v7  }
0x66: {  	s30 =	sor.u32 $0x380, s19;
	s19 =	simm.s32 $0x300;
	[tilespmem:v6+s11+$0x0] =	vst.idx.add.s32.msk $0xffff, v2;
	s29 =	sor.u32 $0x300, s13  }
0x67: {  	s0 =	sand.u32 $0x60, s31;
	s28 =	sand.u32 $0xC00, s19;
	v5 =	vadd.s32 v1, v5;
	v6 =	vld [tilespmem:s29+$0x0]  }
0x68: {  	s21 =	sor.u32 s0, s28  }
0x69: {  	v8 =	vld [tilespmem:s21+$0x10]  }
0x6a: {  	v3 =	vadd.s32 v1, v3;
	[tilespmem:v4+s11+$0x0] =	vst.idx.add.s32.msk $0xffff, v2  }
0x6b: {  	v4 =	vld [tilespmem:s18+$0x190]  }
0x6c: {  	s26 =	sor.u32 $0x300, s26;
	[tilespmem:v5+s11+$0x0] =	vst.idx.add.s32.msk $0xffff, v2;
	v6 =	vadd.s32 v1, v6  }
0x6d: {  	v5 =	vld [tilespmem:s26+$0x0]  }
0x6e: {  	v9 =	vld [tilespmem:s21+$0x0];
	v8 =	vadd.s32 v1, v8  }
0x6f: {  	[tilespmem:v3+s11+$0x0] =	vst.idx.add.s32.msk $0xffff, v2  }
0x70: {  	v3 =	vld [tilespmem:s18+$0x180];
	v4 =	vadd.s32 v1, v4  }
0x71: {  	s29 =	sor.u32 $0x380, s13;
	[tilespmem:v6+s11+$0x0] =	vst.idx.add.s32.msk $0xffff, v2  }
0x72: {  	v5 =	vadd.s32 v1, v5;
	v6 =	vld [tilespmem:s29+$0x0]  }
0x73: {  	[tilespmem:v8+s11+$0x0] =	vst.idx.add.s32.msk $0xffff, v2;
	v8 =	vadd.s32 v1, v9  }
0x74: {  	v61 =	vld [tilespmem:s21+$0x90]  }
0x75: {  	[tilespmem:v4+s11+$0x0] =	vst.idx.add.s32.msk $0xffff, v2;
	v3 =	vadd.s32 v1, v3  }
0x76: {  	v4 =	vld [tilespmem:s18+$0x210]  }
0x77: {  	[tilespmem:v5+s11+$0x0] =	vst.idx.add.s32.msk $0xffff, v2  }
0x78: {  	v6 =	vadd.s32 v1, v6;
	[tilespmem:v8+s11+$0x0] =	vst.idx.add.s32.msk $0xffff, v2  }
0x79: {  	v8 =	vadd.s32 v1, v61;
	v62 =	vld [tilespmem:s21+$0x80]  }
0x7a: {  	[tilespmem:v3+s11+$0x0] =	vst.idx.add.s32.msk $0xffff, v2  }
0x7b: {  	v3 =	vadd.s32 v1, v4;
	v4 =	vld [tilespmem:s18+$0x200]  }
0x7c: {  	v7 =	vld [tilespmem:s30+$0x0]  }
0x7d: {  	[tilespmem:v6+s11+$0x0] =	vst.idx.add.s32.msk $0xffff, v2  }
0x7e: {  	[tilespmem:v8+s11+$0x0] =	vst.idx.add.s32.msk $0xffff, v2;
	v8 =	vadd.s32 v1, v62  }
0x7f: {  	v63 =	vld [tilespmem:s21+$0x110]  }
0x80: {  	s22 =	sor.u32 s22, s23;
	[tilespmem:v3+s11+$0x0] =	vst.idx.add.s32.msk $0xffff, v2;
	v10 =	vadd.s32 v1, v4  }
0x81: {  	s22 =	sor.u32 $0x380, s22;
	v5 =	vld [tilespmem:s18+$0x290]  }
0x82: {  	v4 =	vld [tilespmem:s22+$0x0];
	v3 =	vadd.s32 v1, v7  }
0x83: {  	s31 =	sor.u32 s19, s31;
	[tilespmem:v8+s11+$0x0] =	vst.idx.add.s32.msk $0xffff, v2  }
0x84: {  	s25 =	simm.s32 $0x400;
	s26 =	simm.s32 $0x80;
	s30 =	sor.u32 s17, s24;
	v6 =	vld [tilespmem:s21+$0x100];
	v7 =	vadd.s32 v1, v63  }
0x85: {  	s24 =	simm.s32 $0x6;
	s23 =	sor.u32 $0x380, s30;
	s22 =	sor.u32 $0x380, s31;
	[tilespmem:v10+s11+$0x0] =	vst.idx.add.s32.msk $0xffff, v2  }
.LBB2_4:
0x86: {  	s28 =	sand.u32 $0x60, s26;
	s29 =	sand.u32 $0xC00, s25;
	v8 =	vld [tilespmem:s18+$0x280];
	v5 =	vadd.s32 v1, v5;
	s20 =	sadd.s32 $0x1, s20  }
0x87: {  	s18 =	sor.u32 s25, s26;
	s29 =	sor.u32 s28, s29;
	s30 =	sand.u32 $0x3, s20;
	[tilespmem:v3+s11+$0x0] =	vst.idx.add.s32.msk $0xffff, v2;
	v3 =	vadd.s32 v1, v4  }
0x88: {  	s24 =	sadd.s32 $0x2, s24;
	s28 =	sor.u32 $0x380, s18;
	v4 =	vld [tilespmem:s29+$0x10];
	s18 =	sshll.u32 s30, $0x5  }
0x89: {  	p0 =	slt.u32 s24, $0x1E;
	v6 =	vadd.s32 v1, v6;
	[tilespmem:v7+s11+$0x0] =	vst.idx.add.s32.msk $0xffff, v2;
	s17 =	sadd.s32 s18, s17;
	s18 =	smov.u32 s21  }
0x8a: {  	s21 =	smov.u32 s29;
	v7 =	vld [tilespmem:s18+$0x190];
	s30 =	sor.u32 $0x300, s17;
	s31 =	sadd.s32 $0x10, s17  }
0x8b: {  	s17 =	smov.u32 s19;
	s19 =	smov.u32 s25;
	v8 =	vadd.s32 v1, v8;
	[tilespmem:v5+s11+$0x0] =	vst.idx.add.s32.msk $0xffff, v2;
	s29 =	sor.u32 $0x300, s31  }
0x8c: {  	v5 =	vld [tilespmem:s29+$0x0]  }
0x8d: {  	v9 =	vld [tilespmem:s21+$0x0];
	v4 =	vadd.s32 v1, v4  }
0x8e: {  	[tilespmem:v6+s11+$0x0] =	vst.idx.add.s32.msk $0xffff, v2  }
0x8f: {  	v6 =	vld [tilespmem:s18+$0x180];
	v7 =	vadd.s32 v1, v7  }
0x90: {  	[tilespmem:v8+s11+$0x0] =	vst.idx.add.s32.msk $0xffff, v2  }
0x91: {  	v8 =	vld [tilespmem:s30+$0x0];
	v5 =	vadd.s32 v1, v5  }
0x92: {  	v9 =	vadd.s32 v1, v9;
	[tilespmem:v4+s11+$0x0] =	vst.idx.add.s32.msk $0xffff, v2  }
0x93: {  	v4 =	vld [tilespmem:s21+$0x90]  }
0x94: {  	v6 =	vadd.s32 v1, v6;
	[tilespmem:v7+s11+$0x0] =	vst.idx.add.s32.msk $0xffff, v2  }
0x95: {  	v7 =	vld [tilespmem:s18+$0x210]  }
0x96: {  	s29 =	sor.u32 $0x380, s31;
	v8 =	vadd.s32 v1, v8;
	[tilespmem:v5+s11+$0x0] =	vst.idx.add.s32.msk $0xffff, v2  }
0x97: {  	v5 =	vld [tilespmem:s29+$0x0]  }
0x98: {  	[tilespmem:v9+s11+$0x0] =	vst.idx.add.s32.msk $0xffff, v2;
	v4 =	vadd.s32 v1, v4  }
0x99: {  	v9 =	vld [tilespmem:s21+$0x80]  }
0x9a: {  	[tilespmem:v6+s11+$0x0] =	vst.idx.add.s32.msk $0xffff, v2;
	v6 =	vadd.s32 v1, v7  }
0x9b: {  	v7 =	vld [tilespmem:s18+$0x200]  }
0x9c: {  	[tilespmem:v8+s11+$0x0] =	vst.idx.add.s32.msk $0xffff, v2;
	v8 =	vadd.s32 v1, v5  }
0x9d: {  	[tilespmem:v4+s11+$0x0] =	vst.idx.add.s32.msk $0xffff, v2  }
0x9e: {  	v9 =	vadd.s32 v1, v9;
	v10 =	vld [tilespmem:s21+$0x110]  }
0x9f: {  	[tilespmem:v6+s11+$0x0] =	vst.idx.add.s32.msk $0xffff, v2  }
0xa0: {  	v11 =	vadd.s32 v1, v7;
	v5 =	vld [tilespmem:s18+$0x290]  }
.Ltmp1:
0xa1: {  	[tilespmem:v8+s11+$0x0] =	vst.idx.add.s32.msk $0xffff, v2;
	(pc) =	sbr.rel @p0 .LBB2_4-.Ltmp1, $4  }
0xa2: {  	v4 =	vld [tilespmem:s23+$0x0];
	s23 =	smov.u32 s22;
	s22 =	smov.u32 s28  }
0xa3: {  	[tilespmem:v9+s11+$0x0] =	vst.idx.add.s32.msk $0xffff, v2  }
0xa4: {  	v7 =	vadd.s32 v1, v10;
	v6 =	vld [tilespmem:s21+$0x100]  }
0xa5: {  	s26 =	sadd.s32 $0x20, s26;
	s25 =	sadd.s32 $0x100, s25;
	[tilespmem:v11+s11+$0x0] =	vst.idx.add.s32.msk $0xffff, v2  }
0xa6: {  	_ =	sdelay $0x2  }
0xa7: {  	v6 =	vadd.s32 v1, v6;
	_ =	sdelay $0x2  }
0xa8: {  	[tilespmem:v7+s11+$0x0] =	vst.idx.add.s32.msk $0xffff, v2  }
0xa9: {  	v7 =	vld [tilespmem:s21+$0x190]  }
0xaa: {  	[tilespmem:v6+s11+$0x0] =	vst.idx.add.s32.msk $0xffff, v2  }
0xab: {  	v6 =	vld [tilespmem:s21+$0x180];
	_ =	sdelay $0x2  }
0xac: {  	v7 =	vadd.s32 v1, v7;
	_ =	sdelay $0x1  }
0xad: {  	v6 =	vadd.s32 v1, v6;
	_ =	sdelay $0x2  }
0xae: {  	[tilespmem:v7+s11+$0x0] =	vst.idx.add.s32.msk $0xffff, v2  }
0xaf: {  	v7 =	vld [tilespmem:s21+$0x210]  }
0xb0: {  	[tilespmem:v6+s11+$0x0] =	vst.idx.add.s32.msk $0xffff, v2  }
0xb1: {  	v6 =	vld [tilespmem:s21+$0x200];
	_ =	sdelay $0x2  }
0xb2: {  	v7 =	vadd.s32 v1, v7;
	_ =	sdelay $0x1  }
0xb3: {  	v6 =	vadd.s32 v1, v6;
	_ =	sdelay $0x1  }
0xb4: {  	v8 =	vld [tilespmem:s18+$0x280]  }
0xb5: {  	[tilespmem:v7+s11+$0x0] =	vst.idx.add.s32.msk $0xffff, v2  }
0xb6: {  	v7 =	vld [tilespmem:s21+$0x290]  }
0xb7: {  	v5 =	vadd.s32 v1, v5;
	s24 =	sadd.s32 $0x1, s20;
	[tilespmem:v6+s11+$0x0] =	vst.idx.add.s32.msk $0xffff, v2  }
0xb8: {  	s20 =	sand.u32 $0x3, s24;
	v6 =	vld [tilespmem:s21+$0x280]  }
0xb9: {  	s20 =	sshll.u32 s20, $0x5;
	v8 =	vadd.s32 v1, v8  }
0xba: {  	s17 =	sadd.s32 s20, s17  }
0xbb: {  	s18 =	sadd.s32 $0x1, s24;
	s20 =	sadd.s32 $0x10, s17;
	v7 =	vadd.s32 v1, v7  }
0xbc: {  	s18 =	sand.u32 $0x3, s18;
	[tilespmem:v5+s11+$0x0] =	vst.idx.add.s32.msk $0xffff, v2;
	s25 =	sor.u32 $0x300, s20  }
0xbd: {  	s18 =	sshll.u32 s18, $0x5;
	v5 =	vld [tilespmem:s25+$0x0];
	v6 =	vadd.s32 v1, v6  }
0xbe: {  	s17 =	sor.u32 $0x300, s17;
	s18 =	sadd.s32 s18, s19;
	[tilespmem:v8+s11+$0x0] =	vst.idx.add.s32.msk $0xffff, v2  }
0xbf: {  	s26 =	sadd.s32 $0x10, s18;
	v8 =	vld [tilespmem:s17+$0x0]  }
0xc0: {  	s28 =	sor.u32 $0x300, s26;
	[tilespmem:v7+s11+$0x0] =	vst.idx.add.s32.msk $0xffff, v2  }
0xc1: {  	v7 =	vld [tilespmem:s28+$0x0]  }
0xc2: {  	s18 =	sor.u32 $0x300, s18;
	v5 =	vadd.s32 v1, v5;
	[tilespmem:v6+s11+$0x0] =	vst.idx.add.s32.msk $0xffff, v2  }
0xc3: {  	v6 =	vld [tilespmem:s18+$0x0]  }
0xc4: {  	v8 =	vadd.s32 v1, v8;
	_ =	sdelay $0x1  }
0xc5: {  	v7 =	vadd.s32 v1, v7  }
0xc6: {  	s29 =	sor.u32 $0x380, s20;
	[tilespmem:v5+s11+$0x0] =	vst.idx.add.s32.msk $0xffff, v2  }
0xc7: {  	v5 =	vld [tilespmem:s29+$0x0];
	v6 =	vadd.s32 v1, v6  }
0xc8: {  	[tilespmem:v8+s11+$0x0] =	vst.idx.add.s32.msk $0xffff, v2  }
0xc9: {  	v8 =	vld [tilespmem:s23+$0x0]  }
0xca: {  	s17 =	sor.u32 $0x380, s26;
	[tilespmem:v7+s11+$0x0] =	vst.idx.add.s32.msk $0xffff, v2  }
0xcb: {  	v7 =	vld [tilespmem:s17+$0x0]  }
0xcc: {  	[tilespmem:v6+s11+$0x0] =	vst.idx.add.s32.msk $0xffff, v2  }
0xcd: {  	v6 =	vld [tilespmem:s22+$0x0]  }
0xce: {  	v4 =	vadd.s32 v1, v4  }
0xcf: {  	v5 =	vadd.s32 v1, v5  }
0xd0: {  	v8 =	vadd.s32 v1, v8  }
0xd1: {  	v7 =	vadd.s32 v1, v7  }
0xd2: {  	[tilespmem:v3+s11+$0x0] =	vst.idx.add.s32.msk $0xffff, v2;
	v3 =	vadd.s32 v1, v6  }
0xd3: {  	[tilespmem:v4+s11+$0x0] =	vst.idx.add.s32.msk $0xffff, v2  }
0xd4: {  	[tilespmem:v5+s11+$0x0] =	vst.idx.add.s32.msk $0xffff, v2  }
0xd5: {  	[tilespmem:v8+s11+$0x0] =	vst.idx.add.s32.msk $0xffff, v2  }
0xd6: {  	[tilespmem:v7+s11+$0x0] =	vst.idx.add.s32.msk $0xffff, v2  }
0xd7: {  	[tilespmem:v3+s11+$0x0] =	vst.idx.add.s32.msk $0xffff, v2  }
0xd8: {  	s19 =	simm.s32 $0x0;
	_ =	swait.ge [sflag:s12], $0x1000  }
0xd9: {  	s30 =	sand.u32 $0x60, s19;
	s31 =	sand.u32 $0xC00, s19;
	[sflag:s12] =	ssyncset.done $0x0  }
0xda: {  	s18 =	sor.u32 s30, s31;
	[sflag:s12] =	ssyncadd.s32 $0xFFFFF000  }
0xdb: {  	[tilespmem:s19], [sflag:$0x1] =	stream.linear.gather [hbm4b:s5+s19], $0x1000, $0x38;
	[tilespmem:$0x6400] =	vst v63  }
0xdc: {  	v3 =	vld [tilespmem:s18+$0x1010];
	_ =	sdelay $0x4  }
0xdd: {  	v3 =	vadd.s32 v1, v3  }
0xde: {  	v4 =	vld [tilespmem:s18+$0x1000];
	_ =	sdelay $0x3  }
0xdf: {  	[tilespmem:v3+s11+$0x0] =	vst.idx.add.s32.msk $0xffff, v2  }
0xe0: {  	v4 =	vadd.s32 v1, v4;
	v3 =	vld [tilespmem:s18+$0x1090];
	_ =	sdelay $0x4  }
0xe1: {  	[tilespmem:v4+s11+$0x0] =	vst.idx.add.s32.msk $0xffff, v2;
	v3 =	vadd.s32 v1, v3  }
0xe2: {  	s23 =	simm.s32 $0x20;
	s22 =	simm.s32 $0x100;
	v4 =	vld [tilespmem:s18+$0x1080]  }
0xe3: {  	s0 =	sand.u32 $0x60, s23;
	s1 =	sand.u32 $0xC00, s22  }
0xe4: {  	s20 =	sor.u32 s0, s1  }
0xe5: {  	v5 =	vld [tilespmem:s20+$0x1010]  }
0xe6: {  	[tilespmem:v3+s11+$0x0] =	vst.idx.add.s32.msk $0xffff, v2  }
0xe7: {  	v3 =	vadd.s32 v1, v4;
	v4 =	vld [tilespmem:s18+$0x1110];
	_ =	sdelay $0x2  }
0xe8: {  	v5 =	vadd.s32 v1, v5  }
0xe9: {  	v6 =	vld [tilespmem:s20+$0x1000]  }
0xea: {  	[tilespmem:v3+s11+$0x0] =	vst.idx.add.s32.msk $0xffff, v2;
	v4 =	vadd.s32 v1, v4  }
0xeb: {  	v3 =	vld [tilespmem:s18+$0x1100];
	_ =	sdelay $0x1  }
0xec: {  	[tilespmem:v5+s11+$0x0] =	vst.idx.add.s32.msk $0xffff, v2  }
0xed: {  	v6 =	vadd.s32 v1, v6;
	v5 =	vld [tilespmem:s20+$0x1090]  }
0xee: {  	[tilespmem:v4+s11+$0x0] =	vst.idx.add.s32.msk $0xffff, v2  }
0xef: {  	v3 =	vadd.s32 v1, v3;
	v4 =	vld [tilespmem:s18+$0x1190];
	_ =	sdelay $0x2  }
0xf0: {  	[tilespmem:v6+s11+$0x0] =	vst.idx.add.s32.msk $0xffff, v2;
	v5 =	vadd.s32 v1, v5  }
0xf1: {  	v6 =	vld [tilespmem:s20+$0x1080]  }
0xf2: {  	[tilespmem:v3+s11+$0x0] =	vst.idx.add.s32.msk $0xffff, v2;
	v4 =	vadd.s32 v1, v4  }
0xf3: {  	v3 =	vld [tilespmem:s18+$0x1180];
	_ =	sdelay $0x1  }
0xf4: {  	[tilespmem:v5+s11+$0x0] =	vst.idx.add.s32.msk $0xffff, v2  }
0xf5: {  	v5 =	vadd.s32 v1, v6;
	v6 =	vld [tilespmem:s20+$0x1110]  }
0xf6: {  	[tilespmem:v4+s11+$0x0] =	vst.idx.add.s32.msk $0xffff, v2  }
0xf7: {  	v3 =	vadd.s32 v1, v3;
	v4 =	vld [tilespmem:s18+$0x1210];
	_ =	sdelay $0x2  }
0xf8: {  	[tilespmem:v5+s11+$0x0] =	vst.idx.add.s32.msk $0xffff, v2;
	v6 =	vadd.s32 v1, v6  }
0xf9: {  	v5 =	vld [tilespmem:s20+$0x1100]  }
0xfa: {  	[tilespmem:v3+s11+$0x0] =	vst.idx.add.s32.msk $0xffff, v2;
	v3 =	vadd.s32 v1, v4  }
0xfb: {  	v4 =	vld [tilespmem:s18+$0x1200];
	_ =	sdelay $0x1  }
0xfc: {  	[tilespmem:v6+s11+$0x0] =	vst.idx.add.s32.msk $0xffff, v2  }
0xfd: {  	v5 =	vadd.s32 v1, v5;
	v6 =	vld [tilespmem:s20+$0x1190]  }
0xfe: {  	[tilespmem:v3+s11+$0x0] =	vst.idx.add.s32.msk $0xffff, v2  }
0xff: {  	v3 =	vadd.s32 v1, v4;
	v4 =	vld [tilespmem:s18+$0x1290];
	_ =	sdelay $0x2  }
0x100: {  	[tilespmem:v5+s11+$0x0] =	vst.idx.add.s32.msk $0xffff, v2;
	v6 =	vadd.s32 v1, v6  }
0x101: {  	s24 =	simm.s32 $0x40;
	s17 =	simm.s32 $0x200;
	v5 =	vld [tilespmem:s20+$0x1180]  }
0x102: {  	s13 =	sand.u32 $0x60, s24;
	s25 =	sand.u32 $0xC00, s17;
	[tilespmem:v3+s11+$0x0] =	vst.idx.add.s32.msk $0xffff, v2;
	v4 =	vadd.s32 v1, v4  }
0x103: {  	s26 =	sand.u32 $0x3, s19;
	v3 =	vld [tilespmem:s18+$0x1280];
	s18 =	sor.u32 s13, s25  }
0x104: {  	s21 =	sshll.u32 s26, $0x5;
	v7 =	vld [tilespmem:s18+$0x1010]  }
0x105: {  	s21 =	sadd.s32 $0x0, s21;
	[tilespmem:v6+s11+$0x0] =	vst.idx.add.s32.msk $0xffff, v2  }
0x106: {  	s28 =	sadd.s32 $0x10, s21;
	v5 =	vadd.s32 v1, v5;
	v6 =	vld [tilespmem:s20+$0x1210]  }
0x107: {  	s26 =	sor.u32 $0x300, s28;
	[tilespmem:v4+s11+$0x0] =	vst.idx.add.s32.msk $0xffff, v2  }
0x108: {  	v3 =	vadd.s32 v1, v3;
	v4 =	vld [tilespmem:s26+$0x1000]  }
0x109: {  	v8 =	vld [tilespmem:s18+$0x1000];
	v7 =	vadd.s32 v1, v7;
	_ =	sdelay $0x1  }
0x10a: {  	[tilespmem:v5+s11+$0x0] =	vst.idx.add.s32.msk $0xffff, v2  }
0x10b: {  	v5 =	vadd.s32 v1, v6;
	v6 =	vld [tilespmem:s20+$0x1200]  }
0x10c: {  	[tilespmem:v3+s11+$0x0] =	vst.idx.add.s32.msk $0xffff, v2;
	v4 =	vadd.s32 v1, v4  }
0x10d: {  	s21 =	sor.u32 $0x300, s21;
	[tilespmem:v7+s11+$0x0] =	vst.idx.add.s32.msk $0xffff, v2;
	v7 =	vadd.s32 v1, v8  }
0x10e: {  	v3 =	vld [tilespmem:s21+$0x1000]  }
0x10f: {  	v8 =	vld [tilespmem:s18+$0x1090]  }
0x110: {  	[tilespmem:v5+s11+$0x0] =	vst.idx.add.s32.msk $0xffff, v2  }
0x111: {  	[tilespmem:v4+s11+$0x0] =	vst.idx.add.s32.msk $0xffff, v2  }
0x112: {  	s29 =	sor.u32 $0x380, s28;
	v5 =	vadd.s32 v1, v6;
	[tilespmem:v7+s11+$0x0] =	vst.idx.add.s32.msk $0xffff, v2  }
0x113: {  	v3 =	vadd.s32 v1, v3;
	v4 =	vld [tilespmem:s29+$0x1000]  }
0x114: {  	v7 =	vadd.s32 v1, v8;
	v8 =	vld [tilespmem:s18+$0x1080];
	_ =	sdelay $0x1  }
0x115: {  	v6 =	vld [tilespmem:s20+$0x1290]  }
0x116: {  	[tilespmem:v5+s11+$0x0] =	vst.idx.add.s32.msk $0xffff, v2  }
0x117: {  	[tilespmem:v3+s11+$0x0] =	vst.idx.add.s32.msk $0xffff, v2;
	v3 =	vadd.s32 v1, v4  }
0x118: {  	[tilespmem:v7+s11+$0x0] =	vst.idx.add.s32.msk $0xffff, v2;
	v4 =	vadd.s32 v1, v8  }
0x119: {  	v7 =	vld [tilespmem:s18+$0x1110]  }
0x11a: {  	v5 =	vld [tilespmem:s20+$0x1280];
	v6 =	vadd.s32 v1, v6;
	s20 =	simm.s32 $0x1  }
0x11b: {  	s1 =	sand.u32 $0x3, s20  }
0x11c: {  	s26 =	sshll.u32 s1, $0x5;
	[tilespmem:v3+s11+$0x0] =	vst.idx.add.s32.msk $0xffff, v2  }
0x11d: {  	s26 =	sadd.s32 $0x100, s26;
	[tilespmem:v4+s11+$0x0] =	vst.idx.add.s32.msk $0xffff, v2  }
0x11e: {  	s31 =	simm.s32 $0x60;
	s19 =	sor.u32 s19, s19;
	s13 =	sadd.s32 $0x10, s26;
	v3 =	vld [tilespmem:s18+$0x1100];
	v4 =	vadd.s32 v1, v7  }
0x11f: {  	s30 =	sor.u32 $0x380, s19;
	s19 =	simm.s32 $0x300;
	[tilespmem:v6+s11+$0x0] =	vst.idx.add.s32.msk $0xffff, v2;
	s29 =	sor.u32 $0x300, s13  }
0x120: {  	s0 =	sand.u32 $0x60, s31;
	s28 =	sand.u32 $0xC00, s19;
	v5 =	vadd.s32 v1, v5;
	v6 =	vld [tilespmem:s29+$0x1000]  }
0x121: {  	s21 =	sor.u32 s0, s28  }
0x122: {  	v8 =	vld [tilespmem:s21+$0x1010]  }
0x123: {  	v3 =	vadd.s32 v1, v3;
	[tilespmem:v4+s11+$0x0] =	vst.idx.add.s32.msk $0xffff, v2  }
0x124: {  	v4 =	vld [tilespmem:s18+$0x1190]  }
0x125: {  	s26 =	sor.u32 $0x300, s26;
	[tilespmem:v5+s11+$0x0] =	vst.idx.add.s32.msk $0xffff, v2;
	v6 =	vadd.s32 v1, v6  }
0x126: {  	v5 =	vld [tilespmem:s26+$0x1000]  }
0x127: {  	v9 =	vld [tilespmem:s21+$0x1000];
	v8 =	vadd.s32 v1, v8  }
0x128: {  	[tilespmem:v3+s11+$0x0] =	vst.idx.add.s32.msk $0xffff, v2  }
0x129: {  	v3 =	vld [tilespmem:s18+$0x1180];
	v4 =	vadd.s32 v1, v4  }
0x12a: {  	s29 =	sor.u32 $0x380, s13;
	[tilespmem:v6+s11+$0x0] =	vst.idx.add.s32.msk $0xffff, v2  }
0x12b: {  	v5 =	vadd.s32 v1, v5;
	v6 =	vld [tilespmem:s29+$0x1000]  }
0x12c: {  	[tilespmem:v8+s11+$0x0] =	vst.idx.add.s32.msk $0xffff, v2;
	v8 =	vadd.s32 v1, v9  }
0x12d: {  	v61 =	vld [tilespmem:s21+$0x1090]  }
0x12e: {  	[tilespmem:v4+s11+$0x0] =	vst.idx.add.s32.msk $0xffff, v2;
	v3 =	vadd.s32 v1, v3  }
0x12f: {  	v4 =	vld [tilespmem:s18+$0x1210]  }
0x130: {  	[tilespmem:v5+s11+$0x0] =	vst.idx.add.s32.msk $0xffff, v2  }
0x131: {  	v6 =	vadd.s32 v1, v6;
	[tilespmem:v8+s11+$0x0] =	vst.idx.add.s32.msk $0xffff, v2  }
0x132: {  	v8 =	vadd.s32 v1, v61;
	v62 =	vld [tilespmem:s21+$0x1080]  }
0x133: {  	[tilespmem:v3+s11+$0x0] =	vst.idx.add.s32.msk $0xffff, v2  }
0x134: {  	v3 =	vadd.s32 v1, v4;
	v4 =	vld [tilespmem:s18+$0x1200]  }
0x135: {  	v7 =	vld [tilespmem:s30+$0x1000]  }
0x136: {  	[tilespmem:v6+s11+$0x0] =	vst.idx.add.s32.msk $0xffff, v2  }
0x137: {  	[tilespmem:v8+s11+$0x0] =	vst.idx.add.s32.msk $0xffff, v2;
	v8 =	vadd.s32 v1, v62  }
0x138: {  	v63 =	vld [tilespmem:s21+$0x1110]  }
0x139: {  	s22 =	sor.u32 s22, s23;
	[tilespmem:v3+s11+$0x0] =	vst.idx.add.s32.msk $0xffff, v2;
	v10 =	vadd.s32 v1, v4  }
0x13a: {  	s22 =	sor.u32 $0x380, s22;
	v5 =	vld [tilespmem:s18+$0x1290]  }
0x13b: {  	v4 =	vld [tilespmem:s22+$0x1000];
	v3 =	vadd.s32 v1, v7  }
0x13c: {  	s31 =	sor.u32 s19, s31;
	[tilespmem:v8+s11+$0x0] =	vst.idx.add.s32.msk $0xffff, v2  }
0x13d: {  	s25 =	simm.s32 $0x400;
	s26 =	simm.s32 $0x80;
	s30 =	sor.u32 s17, s24;
	v6 =	vld [tilespmem:s21+$0x1100];
	v7 =	vadd.s32 v1, v63  }
0x13e: {  	s24 =	simm.s32 $0x6;
	s23 =	sor.u32 $0x380, s30;
	s22 =	sor.u32 $0x380, s31;
	[tilespmem:v10+s11+$0x0] =	vst.idx.add.s32.msk $0xffff, v2  }
.LBB2_6:
0x13f: {  	s28 =	sand.u32 $0x60, s26;
	s29 =	sand.u32 $0xC00, s25;
	v8 =	vld [tilespmem:s18+$0x1280];
	v5 =	vadd.s32 v1, v5;
	s20 =	sadd.s32 $0x1, s20  }
0x140: {  	s18 =	sor.u32 s25, s26;
	s29 =	sor.u32 s28, s29;
	s30 =	sand.u32 $0x3, s20;
	[tilespmem:v3+s11+$0x0] =	vst.idx.add.s32.msk $0xffff, v2;
	v3 =	vadd.s32 v1, v4  }
0x141: {  	s24 =	sadd.s32 $0x2, s24;
	s28 =	sor.u32 $0x380, s18;
	v4 =	vld [tilespmem:s29+$0x1010];
	s18 =	sshll.u32 s30, $0x5  }
0x142: {  	p0 =	slt.u32 s24, $0x1E;
	v6 =	vadd.s32 v1, v6;
	[tilespmem:v7+s11+$0x0] =	vst.idx.add.s32.msk $0xffff, v2;
	s17 =	sadd.s32 s18, s17;
	s18 =	smov.u32 s21  }
0x143: {  	s21 =	smov.u32 s29;
	v7 =	vld [tilespmem:s18+$0x1190];
	s30 =	sor.u32 $0x300, s17;
	s31 =	sadd.s32 $0x10, s17  }
0x144: {  	s17 =	smov.u32 s19;
	s19 =	smov.u32 s25;
	v8 =	vadd.s32 v1, v8;
	[tilespmem:v5+s11+$0x0] =	vst.idx.add.s32.msk $0xffff, v2;
	s29 =	sor.u32 $0x300, s31  }
0x145: {  	v5 =	vld [tilespmem:s29+$0x1000]  }
0x146: {  	v9 =	vld [tilespmem:s21+$0x1000];
	v4 =	vadd.s32 v1, v4  }
0x147: {  	[tilespmem:v6+s11+$0x0] =	vst.idx.add.s32.msk $0xffff, v2  }
0x148: {  	v6 =	vld [tilespmem:s18+$0x1180];
	v7 =	vadd.s32 v1, v7  }
0x149: {  	[tilespmem:v8+s11+$0x0] =	vst.idx.add.s32.msk $0xffff, v2  }
0x14a: {  	v8 =	vld [tilespmem:s30+$0x1000];
	v5 =	vadd.s32 v1, v5  }
0x14b: {  	v9 =	vadd.s32 v1, v9;
	[tilespmem:v4+s11+$0x0] =	vst.idx.add.s32.msk $0xffff, v2  }
0x14c: {  	v4 =	vld [tilespmem:s21+$0x1090]  }
0x14d: {  	v6 =	vadd.s32 v1, v6;
	[tilespmem:v7+s11+$0x0] =	vst.idx.add.s32.msk $0xffff, v2  }
0x14e: {  	v7 =	vld [tilespmem:s18+$0x1210]  }
0x14f: {  	s29 =	sor.u32 $0x380, s31;
	v8 =	vadd.s32 v1, v8;
	[tilespmem:v5+s11+$0x0] =	vst.idx.add.s32.msk $0xffff, v2  }
0x150: {  	v5 =	vld [tilespmem:s29+$0x1000]  }
0x151: {  	[tilespmem:v9+s11+$0x0] =	vst.idx.add.s32.msk $0xffff, v2;
	v4 =	vadd.s32 v1, v4  }
0x152: {  	v9 =	vld [tilespmem:s21+$0x1080]  }
0x153: {  	[tilespmem:v6+s11+$0x0] =	vst.idx.add.s32.msk $0xffff, v2;
	v6 =	vadd.s32 v1, v7  }
0x154: {  	v7 =	vld [tilespmem:s18+$0x1200]  }
0x155: {  	[tilespmem:v8+s11+$0x0] =	vst.idx.add.s32.msk $0xffff, v2;
	v8 =	vadd.s32 v1, v5  }
0x156: {  	[tilespmem:v4+s11+$0x0] =	vst.idx.add.s32.msk $0xffff, v2  }
0x157: {  	v9 =	vadd.s32 v1, v9;
	v10 =	vld [tilespmem:s21+$0x1110]  }
0x158: {  	[tilespmem:v6+s11+$0x0] =	vst.idx.add.s32.msk $0xffff, v2  }
0x159: {  	v11 =	vadd.s32 v1, v7;
	v5 =	vld [tilespmem:s18+$0x1290]  }
.Ltmp2:
0x15a: {  	[tilespmem:v8+s11+$0x0] =	vst.idx.add.s32.msk $0xffff, v2;
	(pc) =	sbr.rel @p0 .LBB2_6-.Ltmp2, $4  }
0x15b: {  	v4 =	vld [tilespmem:s23+$0x1000];
	s23 =	smov.u32 s22;
	s22 =	smov.u32 s28  }
0x15c: {  	[tilespmem:v9+s11+$0x0] =	vst.idx.add.s32.msk $0xffff, v2  }
0x15d: {  	v7 =	vadd.s32 v1, v10;
	v6 =	vld [tilespmem:s21+$0x1100]  }
0x15e: {  	s26 =	sadd.s32 $0x20, s26;
	s25 =	sadd.s32 $0x100, s25;
	[tilespmem:v11+s11+$0x0] =	vst.idx.add.s32.msk $0xffff, v2  }
0x15f: {  	_ =	sdelay $0x2  }
0x160: {  	v6 =	vadd.s32 v1, v6;
	_ =	sdelay $0x2  }
0x161: {  	[tilespmem:v7+s11+$0x0] =	vst.idx.add.s32.msk $0xffff, v2  }
0x162: {  	v7 =	vld [tilespmem:s21+$0x1190]  }
0x163: {  	[tilespmem:v6+s11+$0x0] =	vst.idx.add.s32.msk $0xffff, v2  }
0x164: {  	v6 =	vld [tilespmem:s21+$0x1180];
	_ =	sdelay $0x2  }
0x165: {  	v7 =	vadd.s32 v1, v7;
	_ =	sdelay $0x1  }
0x166: {  	v6 =	vadd.s32 v1, v6;
	_ =	sdelay $0x2  }
0x167: {  	[tilespmem:v7+s11+$0x0] =	vst.idx.add.s32.msk $0xffff, v2  }
0x168: {  	v7 =	vld [tilespmem:s21+$0x1210]  }
0x169: {  	[tilespmem:v6+s11+$0x0] =	vst.idx.add.s32.msk $0xffff, v2  }
0x16a: {  	v6 =	vld [tilespmem:s21+$0x1200];
	_ =	sdelay $0x2  }
0x16b: {  	v7 =	vadd.s32 v1, v7;
	_ =	sdelay $0x1  }
0x16c: {  	v6 =	vadd.s32 v1, v6;
	_ =	sdelay $0x1  }
0x16d: {  	v8 =	vld [tilespmem:s18+$0x1280]  }
0x16e: {  	[tilespmem:v7+s11+$0x0] =	vst.idx.add.s32.msk $0xffff, v2  }
0x16f: {  	v7 =	vld [tilespmem:s21+$0x1290]  }
0x170: {  	v5 =	vadd.s32 v1, v5;
	s24 =	sadd.s32 $0x1, s20;
	[tilespmem:v6+s11+$0x0] =	vst.idx.add.s32.msk $0xffff, v2  }
0x171: {  	s20 =	sand.u32 $0x3, s24;
	v6 =	vld [tilespmem:s21+$0x1280]  }
0x172: {  	s20 =	sshll.u32 s20, $0x5;
	v8 =	vadd.s32 v1, v8  }
0x173: {  	s17 =	sadd.s32 s20, s17  }
0x174: {  	s18 =	sadd.s32 $0x1, s24;
	s20 =	sadd.s32 $0x10, s17;
	v7 =	vadd.s32 v1, v7  }
0x175: {  	s18 =	sand.u32 $0x3, s18;
	[tilespmem:v5+s11+$0x0] =	vst.idx.add.s32.msk $0xffff, v2;
	s25 =	sor.u32 $0x300, s20  }
0x176: {  	s18 =	sshll.u32 s18, $0x5;
	v5 =	vld [tilespmem:s25+$0x1000];
	v6 =	vadd.s32 v1, v6  }
0x177: {  	s17 =	sor.u32 $0x300, s17;
	s18 =	sadd.s32 s18, s19;
	[tilespmem:v8+s11+$0x0] =	vst.idx.add.s32.msk $0xffff, v2  }
0x178: {  	s26 =	sadd.s32 $0x10, s18;
	v8 =	vld [tilespmem:s17+$0x1000]  }
0x179: {  	s28 =	sor.u32 $0x300, s26;
	[tilespmem:v7+s11+$0x0] =	vst.idx.add.s32.msk $0xffff, v2  }
0x17a: {  	v7 =	vld [tilespmem:s28+$0x1000]  }
0x17b: {  	s18 =	sor.u32 $0x300, s18;
	v5 =	vadd.s32 v1, v5;
	[tilespmem:v6+s11+$0x0] =	vst.idx.add.s32.msk $0xffff, v2  }
0x17c: {  	v6 =	vld [tilespmem:s18+$0x1000]  }
0x17d: {  	v8 =	vadd.s32 v1, v8;
	_ =	sdelay $0x1  }
0x17e: {  	v7 =	vadd.s32 v1, v7  }
0x17f: {  	s29 =	sor.u32 $0x380, s20;
	[tilespmem:v5+s11+$0x0] =	vst.idx.add.s32.msk $0xffff, v2  }
0x180: {  	v5 =	vld [tilespmem:s29+$0x1000];
	v6 =	vadd.s32 v1, v6  }
0x181: {  	[tilespmem:v8+s11+$0x0] =	vst.idx.add.s32.msk $0xffff, v2  }
0x182: {  	v8 =	vld [tilespmem:s23+$0x1000]  }
0x183: {  	s17 =	sor.u32 $0x380, s26;
	[tilespmem:v7+s11+$0x0] =	vst.idx.add.s32.msk $0xffff, v2  }
0x184: {  	v7 =	vld [tilespmem:s17+$0x1000]  }
0x185: {  	[tilespmem:v6+s11+$0x0] =	vst.idx.add.s32.msk $0xffff, v2  }
0x186: {  	v6 =	vld [tilespmem:s22+$0x1000]  }
0x187: {  	v4 =	vadd.s32 v1, v4  }
0x188: {  	v5 =	vadd.s32 v1, v5  }
0x189: {  	v8 =	vadd.s32 v1, v8  }
0x18a: {  	v7 =	vadd.s32 v1, v7  }
0x18b: {  	[tilespmem:v3+s11+$0x0] =	vst.idx.add.s32.msk $0xffff, v2;
	v3 =	vadd.s32 v1, v6  }
0x18c: {  	[tilespmem:v4+s11+$0x0] =	vst.idx.add.s32.msk $0xffff, v2  }
0x18d: {  	[tilespmem:v5+s11+$0x0] =	vst.idx.add.s32.msk $0xffff, v2  }
0x18e: {  	[tilespmem:v8+s11+$0x0] =	vst.idx.add.s32.msk $0xffff, v2  }
0x18f: {  	[tilespmem:v7+s11+$0x0] =	vst.idx.add.s32.msk $0xffff, v2  }
0x190: {  	[tilespmem:v3+s11+$0x0] =	vst.idx.add.s32.msk $0xffff, v2  }
0x191: {  	s19 =	simm.s32 $0x0;
	_ =	swait.ge [sflag:s9], $0x1000  }
0x192: {  	s30 =	sand.u32 $0x60, s19;
	s31 =	sand.u32 $0xC00, s19;
	[sflag:s9] =	ssyncset.done $0x0  }
0x193: {  	s18 =	sor.u32 s30, s31;
	[sflag:s9] =	ssyncadd.s32 $0xFFFFF000  }
0x194: {  	[tilespmem:s10], [sflag:$0x2] =	stream.linear.gather [hbm4b:s6+s19], $0x1000, $0x38;
	[tilespmem:$0x6400] =	vst v63  }
0x195: {  	v3 =	vld [tilespmem:s18+$0x10];
	_ =	sdelay $0x4  }
0x196: {  	v3 =	vadd.s32 v1, v3  }
0x197: {  	v4 =	vld [tilespmem:s18+$0x0];
	_ =	sdelay $0x3  }
0x198: {  	[tilespmem:v3+s11+$0x0] =	vst.idx.add.s32.msk $0xffff, v2  }
0x199: {  	v4 =	vadd.s32 v1, v4;
	v3 =	vld [tilespmem:s18+$0x90];
	_ =	sdelay $0x4  }
0x19a: {  	[tilespmem:v4+s11+$0x0] =	vst.idx.add.s32.msk $0xffff, v2;
	v3 =	vadd.s32 v1, v3  }
0x19b: {  	s23 =	simm.s32 $0x20;
	s22 =	simm.s32 $0x100;
	v4 =	vld [tilespmem:s18+$0x80]  }
0x19c: {  	s0 =	sand.u32 $0x60, s23;
	s1 =	sand.u32 $0xC00, s22  }
0x19d: {  	s20 =	sor.u32 s0, s1  }
0x19e: {  	v5 =	vld [tilespmem:s20+$0x10]  }
0x19f: {  	[tilespmem:v3+s11+$0x0] =	vst.idx.add.s32.msk $0xffff, v2  }
0x1a0: {  	v3 =	vadd.s32 v1, v4;
	v4 =	vld [tilespmem:s18+$0x110];
	_ =	sdelay $0x2  }
0x1a1: {  	v5 =	vadd.s32 v1, v5  }
0x1a2: {  	v6 =	vld [tilespmem:s20+$0x0]  }
0x1a3: {  	[tilespmem:v3+s11+$0x0] =	vst.idx.add.s32.msk $0xffff, v2;
	v4 =	vadd.s32 v1, v4  }
0x1a4: {  	v3 =	vld [tilespmem:s18+$0x100];
	_ =	sdelay $0x1  }
0x1a5: {  	[tilespmem:v5+s11+$0x0] =	vst.idx.add.s32.msk $0xffff, v2  }
0x1a6: {  	v6 =	vadd.s32 v1, v6;
	v5 =	vld [tilespmem:s20+$0x90]  }
0x1a7: {  	[tilespmem:v4+s11+$0x0] =	vst.idx.add.s32.msk $0xffff, v2  }
0x1a8: {  	v3 =	vadd.s32 v1, v3;
	v4 =	vld [tilespmem:s18+$0x190];
	_ =	sdelay $0x2  }
0x1a9: {  	[tilespmem:v6+s11+$0x0] =	vst.idx.add.s32.msk $0xffff, v2;
	v5 =	vadd.s32 v1, v5  }
0x1aa: {  	v6 =	vld [tilespmem:s20+$0x80]  }
0x1ab: {  	[tilespmem:v3+s11+$0x0] =	vst.idx.add.s32.msk $0xffff, v2;
	v4 =	vadd.s32 v1, v4  }
0x1ac: {  	v3 =	vld [tilespmem:s18+$0x180];
	_ =	sdelay $0x1  }
0x1ad: {  	[tilespmem:v5+s11+$0x0] =	vst.idx.add.s32.msk $0xffff, v2  }
0x1ae: {  	v5 =	vadd.s32 v1, v6;
	v6 =	vld [tilespmem:s20+$0x110]  }
0x1af: {  	[tilespmem:v4+s11+$0x0] =	vst.idx.add.s32.msk $0xffff, v2  }
0x1b0: {  	v3 =	vadd.s32 v1, v3;
	v4 =	vld [tilespmem:s18+$0x210];
	_ =	sdelay $0x2  }
0x1b1: {  	[tilespmem:v5+s11+$0x0] =	vst.idx.add.s32.msk $0xffff, v2;
	v6 =	vadd.s32 v1, v6  }
0x1b2: {  	v5 =	vld [tilespmem:s20+$0x100]  }
0x1b3: {  	[tilespmem:v3+s11+$0x0] =	vst.idx.add.s32.msk $0xffff, v2;
	v3 =	vadd.s32 v1, v4  }
0x1b4: {  	v4 =	vld [tilespmem:s18+$0x200];
	_ =	sdelay $0x1  }
0x1b5: {  	[tilespmem:v6+s11+$0x0] =	vst.idx.add.s32.msk $0xffff, v2  }
0x1b6: {  	v5 =	vadd.s32 v1, v5;
	v6 =	vld [tilespmem:s20+$0x190]  }
0x1b7: {  	[tilespmem:v3+s11+$0x0] =	vst.idx.add.s32.msk $0xffff, v2  }
0x1b8: {  	v3 =	vadd.s32 v1, v4;
	v4 =	vld [tilespmem:s18+$0x290];
	_ =	sdelay $0x2  }
0x1b9: {  	[tilespmem:v5+s11+$0x0] =	vst.idx.add.s32.msk $0xffff, v2;
	v6 =	vadd.s32 v1, v6  }
0x1ba: {  	s24 =	simm.s32 $0x40;
	s17 =	simm.s32 $0x200;
	v5 =	vld [tilespmem:s20+$0x180]  }
0x1bb: {  	s13 =	sand.u32 $0x60, s24;
	s25 =	sand.u32 $0xC00, s17;
	[tilespmem:v3+s11+$0x0] =	vst.idx.add.s32.msk $0xffff, v2;
	v4 =	vadd.s32 v1, v4  }
0x1bc: {  	s26 =	sand.u32 $0x3, s19;
	v3 =	vld [tilespmem:s18+$0x280];
	s18 =	sor.u32 s13, s25  }
0x1bd: {  	s21 =	sshll.u32 s26, $0x5;
	v7 =	vld [tilespmem:s18+$0x10]  }
0x1be: {  	s21 =	sadd.s32 $0x0, s21;
	[tilespmem:v6+s11+$0x0] =	vst.idx.add.s32.msk $0xffff, v2  }
0x1bf: {  	s28 =	sadd.s32 $0x10, s21;
	v5 =	vadd.s32 v1, v5;
	v6 =	vld [tilespmem:s20+$0x210]  }
0x1c0: {  	s26 =	sor.u32 $0x300, s28;
	[tilespmem:v4+s11+$0x0] =	vst.idx.add.s32.msk $0xffff, v2  }
0x1c1: {  	v3 =	vadd.s32 v1, v3;
	v4 =	vld [tilespmem:s26+$0x0]  }
0x1c2: {  	v8 =	vld [tilespmem:s18+$0x0];
	v7 =	vadd.s32 v1, v7;
	_ =	sdelay $0x1  }
0x1c3: {  	[tilespmem:v5+s11+$0x0] =	vst.idx.add.s32.msk $0xffff, v2  }
0x1c4: {  	v5 =	vadd.s32 v1, v6;
	v6 =	vld [tilespmem:s20+$0x200]  }
0x1c5: {  	[tilespmem:v3+s11+$0x0] =	vst.idx.add.s32.msk $0xffff, v2;
	v4 =	vadd.s32 v1, v4  }
0x1c6: {  	s21 =	sor.u32 $0x300, s21;
	[tilespmem:v7+s11+$0x0] =	vst.idx.add.s32.msk $0xffff, v2;
	v7 =	vadd.s32 v1, v8  }
0x1c7: {  	v3 =	vld [tilespmem:s21+$0x0]  }
0x1c8: {  	v8 =	vld [tilespmem:s18+$0x90]  }
0x1c9: {  	[tilespmem:v5+s11+$0x0] =	vst.idx.add.s32.msk $0xffff, v2  }
0x1ca: {  	[tilespmem:v4+s11+$0x0] =	vst.idx.add.s32.msk $0xffff, v2  }
0x1cb: {  	s29 =	sor.u32 $0x380, s28;
	v5 =	vadd.s32 v1, v6;
	[tilespmem:v7+s11+$0x0] =	vst.idx.add.s32.msk $0xffff, v2  }
0x1cc: {  	v3 =	vadd.s32 v1, v3;
	v4 =	vld [tilespmem:s29+$0x0]  }
0x1cd: {  	v7 =	vadd.s32 v1, v8;
	v8 =	vld [tilespmem:s18+$0x80];
	_ =	sdelay $0x1  }
0x1ce: {  	v6 =	vld [tilespmem:s20+$0x290]  }
0x1cf: {  	[tilespmem:v5+s11+$0x0] =	vst.idx.add.s32.msk $0xffff, v2  }
0x1d0: {  	[tilespmem:v3+s11+$0x0] =	vst.idx.add.s32.msk $0xffff, v2;
	v3 =	vadd.s32 v1, v4  }
0x1d1: {  	[tilespmem:v7+s11+$0x0] =	vst.idx.add.s32.msk $0xffff, v2;
	v4 =	vadd.s32 v1, v8  }
0x1d2: {  	v7 =	vld [tilespmem:s18+$0x110]  }
0x1d3: {  	v5 =	vld [tilespmem:s20+$0x280];
	v6 =	vadd.s32 v1, v6;
	s20 =	simm.s32 $0x1  }
0x1d4: {  	s1 =	sand.u32 $0x3, s20  }
0x1d5: {  	s26 =	sshll.u32 s1, $0x5;
	[tilespmem:v3+s11+$0x0] =	vst.idx.add.s32.msk $0xffff, v2  }
0x1d6: {  	s26 =	sadd.s32 $0x100, s26;
	[tilespmem:v4+s11+$0x0] =	vst.idx.add.s32.msk $0xffff, v2  }
0x1d7: {  	s31 =	simm.s32 $0x60;
	s19 =	sor.u32 s19, s19;
	s13 =	sadd.s32 $0x10, s26;
	v3 =	vld [tilespmem:s18+$0x100];
	v4 =	vadd.s32 v1, v7  }
0x1d8: {  	s30 =	sor.u32 $0x380, s19;
	s19 =	simm.s32 $0x300;
	[tilespmem:v6+s11+$0x0] =	vst.idx.add.s32.msk $0xffff, v2;
	s29 =	sor.u32 $0x300, s13  }
0x1d9: {  	s0 =	sand.u32 $0x60, s31;
	s28 =	sand.u32 $0xC00, s19;
	v5 =	vadd.s32 v1, v5;
	v6 =	vld [tilespmem:s29+$0x0]  }
0x1da: {  	s21 =	sor.u32 s0, s28  }
0x1db: {  	v8 =	vld [tilespmem:s21+$0x10]  }
0x1dc: {  	v3 =	vadd.s32 v1, v3;
	[tilespmem:v4+s11+$0x0] =	vst.idx.add.s32.msk $0xffff, v2  }
0x1dd: {  	v4 =	vld [tilespmem:s18+$0x190]  }
0x1de: {  	s26 =	sor.u32 $0x300, s26;
	[tilespmem:v5+s11+$0x0] =	vst.idx.add.s32.msk $0xffff, v2;
	v6 =	vadd.s32 v1, v6  }
0x1df: {  	v5 =	vld [tilespmem:s26+$0x0]  }
0x1e0: {  	v9 =	vld [tilespmem:s21+$0x0];
	v8 =	vadd.s32 v1, v8  }
0x1e1: {  	[tilespmem:v3+s11+$0x0] =	vst.idx.add.s32.msk $0xffff, v2  }
0x1e2: {  	v3 =	vld [tilespmem:s18+$0x180];
	v4 =	vadd.s32 v1, v4  }
0x1e3: {  	s29 =	sor.u32 $0x380, s13;
	[tilespmem:v6+s11+$0x0] =	vst.idx.add.s32.msk $0xffff, v2  }
0x1e4: {  	v5 =	vadd.s32 v1, v5;
	v6 =	vld [tilespmem:s29+$0x0]  }
0x1e5: {  	[tilespmem:v8+s11+$0x0] =	vst.idx.add.s32.msk $0xffff, v2;
	v8 =	vadd.s32 v1, v9  }
0x1e6: {  	v61 =	vld [tilespmem:s21+$0x90]  }
0x1e7: {  	[tilespmem:v4+s11+$0x0] =	vst.idx.add.s32.msk $0xffff, v2;
	v3 =	vadd.s32 v1, v3  }
0x1e8: {  	v4 =	vld [tilespmem:s18+$0x210]  }
0x1e9: {  	[tilespmem:v5+s11+$0x0] =	vst.idx.add.s32.msk $0xffff, v2  }
0x1ea: {  	v6 =	vadd.s32 v1, v6;
	[tilespmem:v8+s11+$0x0] =	vst.idx.add.s32.msk $0xffff, v2  }
0x1eb: {  	v8 =	vadd.s32 v1, v61;
	v62 =	vld [tilespmem:s21+$0x80]  }
0x1ec: {  	[tilespmem:v3+s11+$0x0] =	vst.idx.add.s32.msk $0xffff, v2  }
0x1ed: {  	v3 =	vadd.s32 v1, v4;
	v4 =	vld [tilespmem:s18+$0x200]  }
0x1ee: {  	v7 =	vld [tilespmem:s30+$0x0]  }
0x1ef: {  	[tilespmem:v6+s11+$0x0] =	vst.idx.add.s32.msk $0xffff, v2  }
0x1f0: {  	[tilespmem:v8+s11+$0x0] =	vst.idx.add.s32.msk $0xffff, v2;
	v8 =	vadd.s32 v1, v62  }
0x1f1: {  	v63 =	vld [tilespmem:s21+$0x110]  }
0x1f2: {  	s22 =	sor.u32 s22, s23;
	[tilespmem:v3+s11+$0x0] =	vst.idx.add.s32.msk $0xffff, v2;
	v10 =	vadd.s32 v1, v4  }
0x1f3: {  	s22 =	sor.u32 $0x380, s22;
	v5 =	vld [tilespmem:s18+$0x290]  }
0x1f4: {  	v4 =	vld [tilespmem:s22+$0x0];
	v3 =	vadd.s32 v1, v7  }
0x1f5: {  	s31 =	sor.u32 s19, s31;
	[tilespmem:v8+s11+$0x0] =	vst.idx.add.s32.msk $0xffff, v2  }
0x1f6: {  	s25 =	simm.s32 $0x400;
	s26 =	simm.s32 $0x80;
	s30 =	sor.u32 s17, s24;
	v6 =	vld [tilespmem:s21+$0x100];
	v7 =	vadd.s32 v1, v63  }
0x1f7: {  	s24 =	simm.s32 $0x6;
	s23 =	sor.u32 $0x380, s30;
	s22 =	sor.u32 $0x380, s31;
	[tilespmem:v10+s11+$0x0] =	vst.idx.add.s32.msk $0xffff, v2  }
.LBB2_8:
0x1f8: {  	s28 =	sand.u32 $0x60, s26;
	s29 =	sand.u32 $0xC00, s25;
	v8 =	vld [tilespmem:s18+$0x280];
	v5 =	vadd.s32 v1, v5;
	s20 =	sadd.s32 $0x1, s20  }
0x1f9: {  	s18 =	sor.u32 s25, s26;
	s29 =	sor.u32 s28, s29;
	s30 =	sand.u32 $0x3, s20;
	[tilespmem:v3+s11+$0x0] =	vst.idx.add.s32.msk $0xffff, v2;
	v3 =	vadd.s32 v1, v4  }
0x1fa: {  	s24 =	sadd.s32 $0x2, s24;
	s28 =	sor.u32 $0x380, s18;
	v4 =	vld [tilespmem:s29+$0x10];
	s18 =	sshll.u32 s30, $0x5  }
0x1fb: {  	p0 =	slt.u32 s24, $0x1E;
	v6 =	vadd.s32 v1, v6;
	[tilespmem:v7+s11+$0x0] =	vst.idx.add.s32.msk $0xffff, v2;
	s17 =	sadd.s32 s18, s17;
	s18 =	smov.u32 s21  }
0x1fc: {  	s21 =	smov.u32 s29;
	v7 =	vld [tilespmem:s18+$0x190];
	s30 =	sor.u32 $0x300, s17;
	s31 =	sadd.s32 $0x10, s17  }
0x1fd: {  	s17 =	smov.u32 s19;
	s19 =	smov.u32 s25;
	v8 =	vadd.s32 v1, v8;
	[tilespmem:v5+s11+$0x0] =	vst.idx.add.s32.msk $0xffff, v2;
	s29 =	sor.u32 $0x300, s31  }
0x1fe: {  	v5 =	vld [tilespmem:s29+$0x0]  }
0x1ff: {  	v9 =	vld [tilespmem:s21+$0x0];
	v4 =	vadd.s32 v1, v4  }
0x200: {  	[tilespmem:v6+s11+$0x0] =	vst.idx.add.s32.msk $0xffff, v2  }
0x201: {  	v6 =	vld [tilespmem:s18+$0x180];
	v7 =	vadd.s32 v1, v7  }
0x202: {  	[tilespmem:v8+s11+$0x0] =	vst.idx.add.s32.msk $0xffff, v2  }
0x203: {  	v8 =	vld [tilespmem:s30+$0x0];
	v5 =	vadd.s32 v1, v5  }
0x204: {  	v9 =	vadd.s32 v1, v9;
	[tilespmem:v4+s11+$0x0] =	vst.idx.add.s32.msk $0xffff, v2  }
0x205: {  	v4 =	vld [tilespmem:s21+$0x90]  }
0x206: {  	v6 =	vadd.s32 v1, v6;
	[tilespmem:v7+s11+$0x0] =	vst.idx.add.s32.msk $0xffff, v2  }
0x207: {  	v7 =	vld [tilespmem:s18+$0x210]  }
0x208: {  	s29 =	sor.u32 $0x380, s31;
	v8 =	vadd.s32 v1, v8;
	[tilespmem:v5+s11+$0x0] =	vst.idx.add.s32.msk $0xffff, v2  }
0x209: {  	v5 =	vld [tilespmem:s29+$0x0]  }
0x20a: {  	[tilespmem:v9+s11+$0x0] =	vst.idx.add.s32.msk $0xffff, v2;
	v4 =	vadd.s32 v1, v4  }
0x20b: {  	v9 =	vld [tilespmem:s21+$0x80]  }
0x20c: {  	[tilespmem:v6+s11+$0x0] =	vst.idx.add.s32.msk $0xffff, v2;
	v6 =	vadd.s32 v1, v7  }
0x20d: {  	v7 =	vld [tilespmem:s18+$0x200]  }
0x20e: {  	[tilespmem:v8+s11+$0x0] =	vst.idx.add.s32.msk $0xffff, v2;
	v8 =	vadd.s32 v1, v5  }
0x20f: {  	[tilespmem:v4+s11+$0x0] =	vst.idx.add.s32.msk $0xffff, v2  }
0x210: {  	v9 =	vadd.s32 v1, v9;
	v10 =	vld [tilespmem:s21+$0x110]  }
0x211: {  	[tilespmem:v6+s11+$0x0] =	vst.idx.add.s32.msk $0xffff, v2  }
0x212: {  	v11 =	vadd.s32 v1, v7;
	v5 =	vld [tilespmem:s18+$0x290]  }
.Ltmp3:
0x213: {  	[tilespmem:v8+s11+$0x0] =	vst.idx.add.s32.msk $0xffff, v2;
	(pc) =	sbr.rel @p0 .LBB2_8-.Ltmp3, $4  }
0x214: {  	v4 =	vld [tilespmem:s23+$0x0];
	s23 =	smov.u32 s22;
	s22 =	smov.u32 s28  }
0x215: {  	[tilespmem:v9+s11+$0x0] =	vst.idx.add.s32.msk $0xffff, v2  }
0x216: {  	v7 =	vadd.s32 v1, v10;
	v6 =	vld [tilespmem:s21+$0x100]  }
0x217: {  	s26 =	sadd.s32 $0x20, s26;
	s25 =	sadd.s32 $0x100, s25;
	[tilespmem:v11+s11+$0x0] =	vst.idx.add.s32.msk $0xffff, v2  }
0x218: {  	_ =	sdelay $0x2  }
0x219: {  	v6 =	vadd.s32 v1, v6;
	_ =	sdelay $0x2  }
0x21a: {  	[tilespmem:v7+s11+$0x0] =	vst.idx.add.s32.msk $0xffff, v2  }
0x21b: {  	v7 =	vld [tilespmem:s21+$0x190]  }
0x21c: {  	[tilespmem:v6+s11+$0x0] =	vst.idx.add.s32.msk $0xffff, v2  }
0x21d: {  	v6 =	vld [tilespmem:s21+$0x180];
	_ =	sdelay $0x2  }
0x21e: {  	v7 =	vadd.s32 v1, v7;
	_ =	sdelay $0x1  }
0x21f: {  	v6 =	vadd.s32 v1, v6;
	_ =	sdelay $0x2  }
0x220: {  	[tilespmem:v7+s11+$0x0] =	vst.idx.add.s32.msk $0xffff, v2  }
0x221: {  	v7 =	vld [tilespmem:s21+$0x210]  }
0x222: {  	[tilespmem:v6+s11+$0x0] =	vst.idx.add.s32.msk $0xffff, v2  }
0x223: {  	v6 =	vld [tilespmem:s21+$0x200];
	_ =	sdelay $0x2  }
0x224: {  	v7 =	vadd.s32 v1, v7;
	_ =	sdelay $0x1  }
0x225: {  	v6 =	vadd.s32 v1, v6;
	_ =	sdelay $0x1  }
0x226: {  	v8 =	vld [tilespmem:s18+$0x280]  }
0x227: {  	[tilespmem:v7+s11+$0x0] =	vst.idx.add.s32.msk $0xffff, v2  }
0x228: {  	v7 =	vld [tilespmem:s21+$0x290]  }
0x229: {  	v5 =	vadd.s32 v1, v5;
	s13 =	sadd.s32 $0x1, s20;
	[tilespmem:v6+s11+$0x0] =	vst.idx.add.s32.msk $0xffff, v2  }
0x22a: {  	s20 =	sand.u32 $0x3, s13;
	v6 =	vld [tilespmem:s21+$0x280]  }
0x22b: {  	s20 =	sshll.u32 s20, $0x5;
	v8 =	vadd.s32 v1, v8  }
0x22c: {  	s17 =	sadd.s32 s20, s17  }
0x22d: {  	s18 =	sadd.s32 $0x1, s13;
	s20 =	sadd.s32 $0x10, s17;
	v7 =	vadd.s32 v1, v7  }
0x22e: {  	s18 =	sand.u32 $0x3, s18;
	[tilespmem:v5+s11+$0x0] =	vst.idx.add.s32.msk $0xffff, v2;
	s24 =	sor.u32 $0x300, s20  }
0x22f: {  	s18 =	sshll.u32 s18, $0x5;
	v5 =	vld [tilespmem:s24+$0x0];
	v6 =	vadd.s32 v1, v6  }
0x230: {  	s17 =	sor.u32 $0x300, s17;
	s18 =	sadd.s32 s18, s19;
	[tilespmem:v8+s11+$0x0] =	vst.idx.add.s32.msk $0xffff, v2  }
0x231: {  	s25 =	sadd.s32 $0x10, s18;
	v8 =	vld [tilespmem:s17+$0x0]  }
0x232: {  	s26 =	sor.u32 $0x300, s25;
	[tilespmem:v7+s11+$0x0] =	vst.idx.add.s32.msk $0xffff, v2  }
0x233: {  	v7 =	vld [tilespmem:s26+$0x0]  }
0x234: {  	s18 =	sor.u32 $0x300, s18;
	v5 =	vadd.s32 v1, v5;
	[tilespmem:v6+s11+$0x0] =	vst.idx.add.s32.msk $0xffff, v2  }
0x235: {  	v6 =	vld [tilespmem:s18+$0x0]  }
0x236: {  	v8 =	vadd.s32 v1, v8;
	_ =	sdelay $0x1  }
0x237: {  	v7 =	vadd.s32 v1, v7  }
0x238: {  	s31 =	sor.u32 $0x380, s20;
	[tilespmem:v5+s11+$0x0] =	vst.idx.add.s32.msk $0xffff, v2  }
0x239: {  	v5 =	vld [tilespmem:s31+$0x0];
	v6 =	vadd.s32 v1, v6  }
0x23a: {  	[tilespmem:v8+s11+$0x0] =	vst.idx.add.s32.msk $0xffff, v2  }
0x23b: {  	v8 =	vld [tilespmem:s23+$0x0]  }
0x23c: {  	s17 =	sor.u32 $0x380, s25;
	[tilespmem:v7+s11+$0x0] =	vst.idx.add.s32.msk $0xffff, v2  }
0x23d: {  	v7 =	vld [tilespmem:s17+$0x0]  }
0x23e: {  	[tilespmem:v6+s11+$0x0] =	vst.idx.add.s32.msk $0xffff, v2  }
0x23f: {  	v6 =	vld [tilespmem:s22+$0x0]  }
0x240: {  	v4 =	vadd.s32 v1, v4  }
0x241: {  	v5 =	vadd.s32 v1, v5  }
0x242: {  	v8 =	vadd.s32 v1, v8  }
0x243: {  	v7 =	vadd.s32 v1, v7  }
0x244: {  	[tilespmem:v3+s11+$0x0] =	vst.idx.add.s32.msk $0xffff, v2;
	v3 =	vadd.s32 v1, v6  }
0x245: {  	[tilespmem:v4+s11+$0x0] =	vst.idx.add.s32.msk $0xffff, v2  }
0x246: {  	[tilespmem:v5+s11+$0x0] =	vst.idx.add.s32.msk $0xffff, v2  }
0x247: {  	[tilespmem:v8+s11+$0x0] =	vst.idx.add.s32.msk $0xffff, v2  }
0x248: {  	[tilespmem:v7+s11+$0x0] =	vst.idx.add.s32.msk $0xffff, v2  }
0x249: {  	[tilespmem:v3+s11+$0x0] =	vst.idx.add.s32.msk $0xffff, v2  }
0x24a: {  	s18 =	simm.s32 $0x0;
	_ =	swait.ge [sflag:s12], $0x1000  }
0x24b: {  	s0 =	sand.u32 $0x60, s18;
	s1 =	sand.u32 $0xC00, s18;
	[sflag:s12] =	ssyncset.done $0x0  }
0x24c: {  	s13 =	sor.u32 s0, s1;
	[sflag:s12] =	ssyncadd.s32 $0xFFFFF000  }
0x24d: {  	v3 =	vld [tilespmem:s13+$0x1010];
	_ =	sdelay $0x4  }
0x24e: {  	v3 =	vadd.s32 v1, v3  }
0x24f: {  	v4 =	vld [tilespmem:s13+$0x1000];
	_ =	sdelay $0x3  }
0x250: {  	[tilespmem:v3+s11+$0x0] =	vst.idx.add.s32.msk $0xffff, v2  }
0x251: {  	v4 =	vadd.s32 v1, v4;
	v3 =	vld [tilespmem:s13+$0x1090];
	_ =	sdelay $0x4  }
0x252: {  	[tilespmem:v4+s11+$0x0] =	vst.idx.add.s32.msk $0xffff, v2;
	v3 =	vadd.s32 v1, v3  }
0x253: {  	v4 =	vld [tilespmem:s13+$0x1080];
	_ =	sdelay $0x3  }
0x254: {  	[tilespmem:v3+s11+$0x0] =	vst.idx.add.s32.msk $0xffff, v2  }
0x255: {  	s19 =	simm.s32 $0x100;
	s17 =	simm.s32 $0x20;
	v3 =	vadd.s32 v1, v4;
	v4 =	vld [tilespmem:s13+$0x1110]  }
0x256: {  	s26 =	sand.u32 $0xC00, s19;
	s25 =	sand.u32 $0x60, s17  }
0x257: {  	s23 =	sor.u32 s25, s26  }
0x258: {  	v5 =	vld [tilespmem:s23+$0x1010];
	_ =	sdelay $0x1  }
0x259: {  	[tilespmem:v3+s11+$0x0] =	vst.idx.add.s32.msk $0xffff, v2;
	v4 =	vadd.s32 v1, v4  }
0x25a: {  	v3 =	vld [tilespmem:s13+$0x1100];
	_ =	sdelay $0x1  }
0x25b: {  	v6 =	vld [tilespmem:s23+$0x1000];
	v5 =	vadd.s32 v1, v5;
	_ =	sdelay $0x1  }
0x25c: {  	[tilespmem:v4+s11+$0x0] =	vst.idx.add.s32.msk $0xffff, v2  }
0x25d: {  	v3 =	vadd.s32 v1, v3;
	v4 =	vld [tilespmem:s13+$0x1190];
	_ =	sdelay $0x1  }
0x25e: {  	v6 =	vadd.s32 v1, v6;
	[tilespmem:v5+s11+$0x0] =	vst.idx.add.s32.msk $0xffff, v2  }
0x25f: {  	v5 =	vld [tilespmem:s23+$0x1090];
	_ =	sdelay $0x1  }
0x260: {  	[tilespmem:v3+s11+$0x0] =	vst.idx.add.s32.msk $0xffff, v2;
	v4 =	vadd.s32 v1, v4  }
0x261: {  	v3 =	vld [tilespmem:s13+$0x1180]  }
0x262: {  	[tilespmem:v6+s11+$0x0] =	vst.idx.add.s32.msk $0xffff, v2  }
0x263: {  	v6 =	vld [tilespmem:s23+$0x1080];
	v5 =	vadd.s32 v1, v5;
	_ =	sdelay $0x1  }
0x264: {  	[tilespmem:v4+s11+$0x0] =	vst.idx.add.s32.msk $0xffff, v2  }
0x265: {  	v3 =	vadd.s32 v1, v3;
	v4 =	vld [tilespmem:s13+$0x1210];
	_ =	sdelay $0x1  }
0x266: {  	[tilespmem:v5+s11+$0x0] =	vst.idx.add.s32.msk $0xffff, v2;
	v5 =	vadd.s32 v1, v6  }
0x267: {  	v6 =	vld [tilespmem:s23+$0x1110];
	_ =	sdelay $0x1  }
0x268: {  	[tilespmem:v3+s11+$0x0] =	vst.idx.add.s32.msk $0xffff, v2;
	v3 =	vadd.s32 v1, v4  }
0x269: {  	v4 =	vld [tilespmem:s13+$0x1200]  }
0x26a: {  	[tilespmem:v5+s11+$0x0] =	vst.idx.add.s32.msk $0xffff, v2  }
0x26b: {  	v5 =	vld [tilespmem:s23+$0x1100];
	v6 =	vadd.s32 v1, v6  }
0x26c: {  	s20 =	simm.s32 $0x200;
	s25 =	simm.s32 $0x40  }
0x26d: {  	s24 =	sand.u32 $0xC00, s20;
	s31 =	sand.u32 $0x60, s25;
	[tilespmem:v3+s11+$0x0] =	vst.idx.add.s32.msk $0xffff, v2  }
0x26e: {  	s21 =	sor.u32 s31, s24;
	v3 =	vadd.s32 v1, v4;
	v4 =	vld [tilespmem:s13+$0x1290]  }
0x26f: {  	v7 =	vld [tilespmem:s21+$0x1010]  }
0x270: {  	v5 =	vadd.s32 v1, v5;
	[tilespmem:v6+s11+$0x0] =	vst.idx.add.s32.msk $0xffff, v2  }
0x271: {  	v6 =	vld [tilespmem:s23+$0x1190];
	_ =	sdelay $0x1  }
0x272: {  	[tilespmem:v3+s11+$0x0] =	vst.idx.add.s32.msk $0xffff, v2;
	v4 =	vadd.s32 v1, v4  }
0x273: {  	s0 =	sand.u32 $0x3, s18;
	v3 =	vld [tilespmem:s13+$0x1280]  }
0x274: {  	s22 =	sshll.u32 s0, $0x5;
	v7 =	vadd.s32 v1, v7;
	[tilespmem:v5+s11+$0x0] =	vst.idx.add.s32.msk $0xffff, v2  }
0x275: {  	s22 =	sadd.s32 $0x0, s22;
	v5 =	vld [tilespmem:s23+$0x1180];
	v6 =	vadd.s32 v1, v6  }
0x276: {  	s1 =	sadd.s32 $0x10, s22;
	v8 =	vld [tilespmem:s21+$0x1000]  }
0x277: {  	s26 =	sor.u32 $0x300, s1;
	[tilespmem:v4+s11+$0x0] =	vst.idx.add.s32.msk $0xffff, v2  }
0x278: {  	v3 =	vadd.s32 v1, v3;
	v4 =	vld [tilespmem:s26+$0x1000]  }
0x279: {  	[tilespmem:v7+s11+$0x0] =	vst.idx.add.s32.msk $0xffff, v2  }
0x27a: {  	[tilespmem:v6+s11+$0x0] =	vst.idx.add.s32.msk $0xffff, v2;
	v5 =	vadd.s32 v1, v5  }
0x27b: {  	v6 =	vld [tilespmem:s23+$0x1210]  }
0x27c: {  	v7 =	vadd.s32 v1, v8;
	v8 =	vld [tilespmem:s21+$0x1090]  }
0x27d: {  	s22 =	sor.u32 $0x300, s22;
	[tilespmem:v3+s11+$0x0] =	vst.idx.add.s32.msk $0xffff, v2;
	v4 =	vadd.s32 v1, v4  }
0x27e: {  	v3 =	vld [tilespmem:s22+$0x1000]  }
0x27f: {  	[tilespmem:v5+s11+$0x0] =	vst.idx.add.s32.msk $0xffff, v2  }
0x280: {  	v5 =	vadd.s32 v1, v6;
	v6 =	vld [tilespmem:s23+$0x1200]  }
0x281: {  	[tilespmem:v7+s11+$0x0] =	vst.idx.add.s32.msk $0xffff, v2  }
0x282: {  	v7 =	vadd.s32 v1, v8;
	s13 =	sor.u32 $0x380, s1;
	[tilespmem:v4+s11+$0x0] =	vst.idx.add.s32.msk $0xffff, v2  }
0x283: {  	v3 =	vadd.s32 v1, v3;
	v4 =	vld [tilespmem:s13+$0x1000]  }
0x284: {  	v8 =	vld [tilespmem:s21+$0x1080]  }
0x285: {  	[tilespmem:v5+s11+$0x0] =	vst.idx.add.s32.msk $0xffff, v2;
	v5 =	vadd.s32 v1, v6  }
0x286: {  	v6 =	vld [tilespmem:s23+$0x1290]  }
0x287: {  	[tilespmem:v7+s11+$0x0] =	vst.idx.add.s32.msk $0xffff, v2  }
0x288: {  	[tilespmem:v3+s11+$0x0] =	vst.idx.add.s32.msk $0xffff, v2;
	v3 =	vadd.s32 v1, v4  }
0x289: {  	v7 =	vld [tilespmem:s21+$0x1110];
	v4 =	vadd.s32 v1, v8  }
0x28a: {  	s24 =	sor.u32 s18, s18;
	s31 =	simm.s32 $0x60;
	[tilespmem:v5+s11+$0x0] =	vst.idx.add.s32.msk $0xffff, v2;
	s22 =	simm.s32 $0x300  }
0x28b: {  	s28 =	sand.u32 $0x60, s31;
	v5 =	vld [tilespmem:s23+$0x1280];
	v6 =	vadd.s32 v1, v6;
	s23 =	simm.s32 $0x1;
	s29 =	sand.u32 $0xC00, s22  }
0x28c: {  	s26 =	sor.u32 $0x380, s24;
	s24 =	sor.u32 s28, s29;
	s28 =	sand.u32 $0x3, s23  }
0x28d: {  	s28 =	sshll.u32 s28, $0x5;
	[tilespmem:v3+s11+$0x0] =	vst.idx.add.s32.msk $0xffff, v2  }
0x28e: {  	s28 =	sadd.s32 $0x100, s28;
	[tilespmem:v4+s11+$0x0] =	vst.idx.add.s32.msk $0xffff, v2  }
0x28f: {  	s29 =	sadd.s32 $0x10, s28;
	v4 =	vadd.s32 v1, v7;
	v3 =	vld [tilespmem:s21+$0x1100]  }
0x290: {  	[tilespmem:v6+s11+$0x0] =	vst.idx.add.s32.msk $0xffff, v2;
	s30 =	sor.u32 $0x300, s29  }
0x291: {  	v5 =	vadd.s32 v1, v5;
	v6 =	vld [tilespmem:s30+$0x1000];
	_ =	sdelay $0x1  }
0x292: {  	v8 =	vld [tilespmem:s24+$0x1010]  }
0x293: {  	[tilespmem:v4+s11+$0x0] =	vst.idx.add.s32.msk $0xffff, v2;
	v3 =	vadd.s32 v1, v3  }
0x294: {  	v4 =	vld [tilespmem:s21+$0x1190]  }
0x295: {  	[tilespmem:v5+s11+$0x0] =	vst.idx.add.s32.msk $0xffff, v2;
	v6 =	vadd.s32 v1, v6  }
0x296: {  	v9 =	vld [tilespmem:s24+$0x1000];
	s28 =	sor.u32 $0x300, s28  }
0x297: {  	v5 =	vld [tilespmem:s28+$0x1000];
	v8 =	vadd.s32 v1, v8  }
0x298: {  	[tilespmem:v3+s11+$0x0] =	vst.idx.add.s32.msk $0xffff, v2  }
0x299: {  	v4 =	vadd.s32 v1, v4;
	v3 =	vld [tilespmem:s21+$0x1180]  }
0x29a: {  	s28 =	sor.u32 $0x380, s29;
	[tilespmem:v6+s11+$0x0] =	vst.idx.add.s32.msk $0xffff, v2  }
0x29b: {  	v6 =	vld [tilespmem:s28+$0x1000]  }
0x29c: {  	[tilespmem:v8+s11+$0x0] =	vst.idx.add.s32.msk $0xffff, v2;
	v8 =	vadd.s32 v1, v9  }
0x29d: {  	v61 =	vld [tilespmem:s24+$0x1090]  }
0x29e: {  	[tilespmem:v4+s11+$0x0] =	vst.idx.add.s32.msk $0xffff, v2;
	v3 =	vadd.s32 v1, v3  }
0x29f: {  	v4 =	vld [tilespmem:s21+$0x1210]  }
0x2a0: {  	v5 =	vadd.s32 v1, v5;
	v7 =	vld [tilespmem:s26+$0x1000]  }
0x2a1: {  	v6 =	vadd.s32 v1, v6;
	[tilespmem:v8+s11+$0x0] =	vst.idx.add.s32.msk $0xffff, v2  }
0x2a2: {  	v8 =	vadd.s32 v1, v61;
	v62 =	vld [tilespmem:s24+$0x1080]  }
0x2a3: {  	[tilespmem:v3+s11+$0x0] =	vst.idx.add.s32.msk $0xffff, v2  }
0x2a4: {  	v3 =	vadd.s32 v1, v4;
	v4 =	vld [tilespmem:s21+$0x1200]  }
0x2a5: {  	[tilespmem:v5+s11+$0x0] =	vst.idx.add.s32.msk $0xffff, v2  }
0x2a6: {  	[tilespmem:v6+s11+$0x0] =	vst.idx.add.s32.msk $0xffff, v2  }
0x2a7: {  	[tilespmem:v8+s11+$0x0] =	vst.idx.add.s32.msk $0xffff, v2;
	v8 =	vadd.s32 v1, v62  }
0x2a8: {  	v63 =	vld [tilespmem:s24+$0x1110]  }
0x2a9: {  	s19 =	sor.u32 s19, s17;
	[tilespmem:v3+s11+$0x0] =	vst.idx.add.s32.msk $0xffff, v2;
	v10 =	vadd.s32 v1, v4  }
0x2aa: {  	s19 =	sor.u32 $0x380, s19;
	v5 =	vld [tilespmem:s21+$0x1290]  }
0x2ab: {  	v3 =	vadd.s32 v1, v7;
	v4 =	vld [tilespmem:s19+$0x1000]  }
0x2ac: {  	s25 =	sor.u32 s20, s25;
	s29 =	simm.s32 $0x400;
	[tilespmem:v8+s11+$0x0] =	vst.idx.add.s32.msk $0xffff, v2  }
0x2ad: {  	s30 =	simm.s32 $0x80;
	s26 =	sor.u32 $0x380, s25;
	s28 =	sor.u32 s22, s31;
	v6 =	vld [tilespmem:s24+$0x1100];
	v7 =	vadd.s32 v1, v63  }
0x2ae: {  	s25 =	sor.u32 $0x380, s28;
	s28 =	simm.s32 $0x6;
	s19 =	simm.s32 $0x0;
	[tilespmem:v10+s11+$0x0] =	vst.idx.add.s32.msk $0xffff, v2  }
.LBB2_10:
0x2af: {  	s31 =	sand.u32 $0x60, s30;
	s0 =	sand.u32 $0xC00, s29;
	v8 =	vld [tilespmem:s21+$0x1280];
	v5 =	vadd.s32 v1, v5;
	s23 =	sadd.s32 $0x1, s23  }
0x2b0: {  	s21 =	sor.u32 s29, s30;
	s0 =	sor.u32 s31, s0;
	s1 =	sand.u32 $0x3, s23;
	[tilespmem:v3+s11+$0x0] =	vst.idx.add.s32.msk $0xffff, v2;
	v3 =	vadd.s32 v1, v4  }
0x2b1: {  	s28 =	sadd.s32 $0x2, s28;
	s31 =	sor.u32 $0x380, s21;
	v4 =	vld [tilespmem:s0+$0x1010];
	s1 =	sshll.u32 s1, $0x5  }
0x2b2: {  	p0 =	slt.u32 s28, $0x1E;
	s21 =	smov.u32 s24;
	v6 =	vadd.s32 v1, v6;
	[tilespmem:v7+s11+$0x0] =	vst.idx.add.s32.msk $0xffff, v2;
	s1 =	sadd.s32 s1, s20  }
0x2b3: {  	s24 =	smov.u32 s0;
	v7 =	vld [tilespmem:s21+$0x1190];
	s13 =	sor.u32 $0x300, s1;
	s1 =	sadd.s32 $0x10, s1  }
0x2b4: {  	s20 =	smov.u32 s22;
	s22 =	smov.u32 s29;
	v8 =	vadd.s32 v1, v8;
	[tilespmem:v5+s11+$0x0] =	vst.idx.add.s32.msk $0xffff, v2;
	s0 =	sor.u32 $0x300, s1  }
0x2b5: {  	v5 =	vld [tilespmem:s0+$0x1000]  }
0x2b6: {  	v9 =	vld [tilespmem:s24+$0x1000];
	v4 =	vadd.s32 v1, v4  }
0x2b7: {  	[tilespmem:v6+s11+$0x0] =	vst.idx.add.s32.msk $0xffff, v2  }
0x2b8: {  	v6 =	vld [tilespmem:s21+$0x1180];
	v7 =	vadd.s32 v1, v7  }
0x2b9: {  	[tilespmem:v8+s11+$0x0] =	vst.idx.add.s32.msk $0xffff, v2  }
0x2ba: {  	v8 =	vld [tilespmem:s13+$0x1000];
	v5 =	vadd.s32 v1, v5  }
0x2bb: {  	v9 =	vadd.s32 v1, v9;
	[tilespmem:v4+s11+$0x0] =	vst.idx.add.s32.msk $0xffff, v2  }
0x2bc: {  	v4 =	vld [tilespmem:s24+$0x1090]  }
0x2bd: {  	v6 =	vadd.s32 v1, v6;
	[tilespmem:v7+s11+$0x0] =	vst.idx.add.s32.msk $0xffff, v2  }
0x2be: {  	v7 =	vld [tilespmem:s21+$0x1210]  }
0x2bf: {  	s0 =	sor.u32 $0x380, s1;
	v8 =	vadd.s32 v1, v8;
	[tilespmem:v5+s11+$0x0] =	vst.idx.add.s32.msk $0xffff, v2  }
0x2c0: {  	v5 =	vld [tilespmem:s0+$0x1000]  }
0x2c1: {  	[tilespmem:v9+s11+$0x0] =	vst.idx.add.s32.msk $0xffff, v2;
	v4 =	vadd.s32 v1, v4  }
0x2c2: {  	v9 =	vld [tilespmem:s24+$0x1080]  }
0x2c3: {  	[tilespmem:v6+s11+$0x0] =	vst.idx.add.s32.msk $0xffff, v2;
	v6 =	vadd.s32 v1, v7  }
0x2c4: {  	v7 =	vld [tilespmem:s21+$0x1200]  }
0x2c5: {  	[tilespmem:v8+s11+$0x0] =	vst.idx.add.s32.msk $0xffff, v2;
	v8 =	vadd.s32 v1, v5  }
0x2c6: {  	[tilespmem:v4+s11+$0x0] =	vst.idx.add.s32.msk $0xffff, v2  }
0x2c7: {  	v9 =	vadd.s32 v1, v9;
	v10 =	vld [tilespmem:s24+$0x1110]  }
0x2c8: {  	[tilespmem:v6+s11+$0x0] =	vst.idx.add.s32.msk $0xffff, v2  }
0x2c9: {  	v11 =	vadd.s32 v1, v7;
	v5 =	vld [tilespmem:s21+$0x1290]  }
.Ltmp4:
0x2ca: {  	[tilespmem:v8+s11+$0x0] =	vst.idx.add.s32.msk $0xffff, v2;
	(pc) =	sbr.rel @p0 .LBB2_10-.Ltmp4, $4  }
0x2cb: {  	v4 =	vld [tilespmem:s26+$0x1000];
	s26 =	smov.u32 s25;
	s25 =	smov.u32 s31  }
0x2cc: {  	[tilespmem:v9+s11+$0x0] =	vst.idx.add.s32.msk $0xffff, v2  }
0x2cd: {  	v7 =	vadd.s32 v1, v10;
	v6 =	vld [tilespmem:s24+$0x1100]  }
0x2ce: {  	s30 =	sadd.s32 $0x20, s30;
	s29 =	sadd.s32 $0x100, s29;
	[tilespmem:v11+s11+$0x0] =	vst.idx.add.s32.msk $0xffff, v2  }
0x2cf: {  	_ =	sdelay $0x2  }
0x2d0: {  	v6 =	vadd.s32 v1, v6;
	_ =	sdelay $0x2  }
0x2d1: {  	[tilespmem:v7+s11+$0x0] =	vst.idx.add.s32.msk $0xffff, v2  }
0x2d2: {  	v7 =	vld [tilespmem:s24+$0x1190]  }
0x2d3: {  	[tilespmem:v6+s11+$0x0] =	vst.idx.add.s32.msk $0xffff, v2  }
0x2d4: {  	v6 =	vld [tilespmem:s24+$0x1180];
	_ =	sdelay $0x2  }
0x2d5: {  	v7 =	vadd.s32 v1, v7;
	_ =	sdelay $0x1  }
0x2d6: {  	v6 =	vadd.s32 v1, v6;
	_ =	sdelay $0x2  }
0x2d7: {  	[tilespmem:v7+s11+$0x0] =	vst.idx.add.s32.msk $0xffff, v2  }
0x2d8: {  	v7 =	vld [tilespmem:s24+$0x1210]  }
0x2d9: {  	[tilespmem:v6+s11+$0x0] =	vst.idx.add.s32.msk $0xffff, v2  }
0x2da: {  	v6 =	vld [tilespmem:s24+$0x1200];
	_ =	sdelay $0x2  }
0x2db: {  	v7 =	vadd.s32 v1, v7;
	_ =	sdelay $0x1  }
0x2dc: {  	v6 =	vadd.s32 v1, v6;
	_ =	sdelay $0x1  }
0x2dd: {  	v8 =	vld [tilespmem:s21+$0x1280]  }
0x2de: {  	[tilespmem:v7+s11+$0x0] =	vst.idx.add.s32.msk $0xffff, v2  }
0x2df: {  	v7 =	vld [tilespmem:s24+$0x1290]  }
0x2e0: {  	v5 =	vadd.s32 v1, v5;
	s0 =	sadd.s32 $0x1, s23;
	[tilespmem:v6+s11+$0x0] =	vst.idx.add.s32.msk $0xffff, v2  }
0x2e1: {  	s1 =	sand.u32 $0x3, s0;
	v6 =	vld [tilespmem:s24+$0x1280]  }
0x2e2: {  	s1 =	sshll.u32 s1, $0x5;
	v8 =	vadd.s32 v1, v8  }
0x2e3: {  	s1 =	sadd.s32 s1, s20  }
0x2e4: {  	s0 =	sadd.s32 $0x1, s0;
	s13 =	sadd.s32 $0x10, s1;
	v7 =	vadd.s32 v1, v7  }
0x2e5: {  	s0 =	sand.u32 $0x3, s0;
	[tilespmem:v5+s11+$0x0] =	vst.idx.add.s32.msk $0xffff, v2;
	s21 =	sor.u32 $0x300, s13  }
0x2e6: {  	s0 =	sshll.u32 s0, $0x5;
	v5 =	vld [tilespmem:s21+$0x1000];
	v6 =	vadd.s32 v1, v6  }
0x2e7: {  	s1 =	sor.u32 $0x300, s1;
	s0 =	sadd.s32 s0, s22;
	[tilespmem:v8+s11+$0x0] =	vst.idx.add.s32.msk $0xffff, v2  }
0x2e8: {  	s23 =	sadd.s32 $0x10, s0;
	v8 =	vld [tilespmem:s1+$0x1000]  }
0x2e9: {  	s24 =	sor.u32 $0x300, s23;
	[tilespmem:v7+s11+$0x0] =	vst.idx.add.s32.msk $0xffff, v2  }
0x2ea: {  	v7 =	vld [tilespmem:s24+$0x1000]  }
0x2eb: {  	s0 =	sor.u32 $0x300, s0;
	v5 =	vadd.s32 v1, v5;
	[tilespmem:v6+s11+$0x0] =	vst.idx.add.s32.msk $0xffff, v2  }
0x2ec: {  	v6 =	vld [tilespmem:s0+$0x1000]  }
0x2ed: {  	v8 =	vadd.s32 v1, v8;
	_ =	sdelay $0x1  }
0x2ee: {  	v7 =	vadd.s32 v1, v7  }
0x2ef: {  	s28 =	sor.u32 $0x380, s13;
	[tilespmem:v5+s11+$0x0] =	vst.idx.add.s32.msk $0xffff, v2  }
0x2f0: {  	v5 =	vld [tilespmem:s28+$0x1000];
	v6 =	vadd.s32 v1, v6  }
0x2f1: {  	[tilespmem:v8+s11+$0x0] =	vst.idx.add.s32.msk $0xffff, v2  }
0x2f2: {  	v8 =	vld [tilespmem:s26+$0x1000]  }
0x2f3: {  	s29 =	sor.u32 $0x380, s23;
	[tilespmem:v7+s11+$0x0] =	vst.idx.add.s32.msk $0xffff, v2  }
0x2f4: {  	v7 =	vld [tilespmem:s29+$0x1000]  }
0x2f5: {  	[tilespmem:v6+s11+$0x0] =	vst.idx.add.s32.msk $0xffff, v2  }
0x2f6: {  	v6 =	vld [tilespmem:s25+$0x1000]  }
0x2f7: {  	v4 =	vadd.s32 v1, v4  }
0x2f8: {  	v5 =	vadd.s32 v1, v5  }
0x2f9: {  	v8 =	vadd.s32 v1, v8  }
0x2fa: {  	v7 =	vadd.s32 v1, v7  }
0x2fb: {  	[tilespmem:v3+s11+$0x0] =	vst.idx.add.s32.msk $0xffff, v2;
	v3 =	vadd.s32 v1, v6  }
0x2fc: {  	[tilespmem:v4+s11+$0x0] =	vst.idx.add.s32.msk $0xffff, v2  }
0x2fd: {  	[tilespmem:v5+s11+$0x0] =	vst.idx.add.s32.msk $0xffff, v2  }
0x2fe: {  	[tilespmem:v8+s11+$0x0] =	vst.idx.add.s32.msk $0xffff, v2  }
0x2ff: {  	[tilespmem:v7+s11+$0x0] =	vst.idx.add.s32.msk $0xffff, v2  }
0x300: {  	s30 =	simm.s32 $0x4010;
	[tilespmem:v3+s11+$0x0] =	vst.idx.add.s32.msk $0xffff, v2  }
0x301: {  	s31 =	sand.u32 $0x3E0, s18;
	v3 =	vld [tilespmem:s30+$0xFFFFDFF0]  }
0x302: {  	v4 =	vld [tilespmem:s31+$0x2400]  }
0x303: {  	v5 =	vld [tilespmem:s31+$0x2800]  }
0x304: {  	v6 =	vld [tilespmem:s31+$0x2C00]  }
0x305: {  	v7 =	vld [tilespmem:s31+$0x3000]  }
0x306: {  	v8 =	vld [tilespmem:s31+$0x3400]  }
0x307: {  	v9 =	vld [tilespmem:s31+$0x3800]  }
0x308: {  	v10 =	vld [tilespmem:s31+$0x3C00]  }
0x309: {  	v11 =	vld [tilespmem:s31+$0x4000]  }
0x30a: {  	v12 =	vld [tilespmem:s31+$0x4400]  }
0x30b: {  	v13 =	vld [tilespmem:s31+$0x4800]  }
0x30c: {  	v14 =	vld [tilespmem:s31+$0x4C00]  }
0x30d: {  	v15 =	vld [tilespmem:s31+$0x5000]  }
0x30e: {  	v16 =	vld [tilespmem:s31+$0x5400]  }
0x30f: {  	v17 =	vld [tilespmem:s31+$0x5800]  }
0x310: {  	v18 =	vld [tilespmem:s31+$0x5C00]  }
0x311: {  	v3 =	vadd.s32 v3, v4;
	v4 =	vld [tilespmem:s30+$0xFFFFE000]  }
0x312: {  	v3 =	vadd.s32 v5, v3;
	v5 =	vld [tilespmem:s30+$0xFFFFE400]  }
0x313: {  	v3 =	vadd.s32 v6, v3;
	v6 =	vld [tilespmem:s30+$0xFFFFE800]  }
0x314: {  	v3 =	vadd.s32 v7, v3;
	v7 =	vld [tilespmem:s30+$0xFFFFEC00]  }
0x315: {  	v3 =	vadd.s32 v8, v3;
	v8 =	vld [tilespmem:s30+$0xFFFFF000]  }
0x316: {  	v3 =	vadd.s32 v9, v3;
	v9 =	vld [tilespmem:s30+$0xFFFFF400]  }
0x317: {  	v3 =	vadd.s32 v10, v3;
	v4 =	vadd.s32 v4, v5;
	v5 =	vld [tilespmem:s30+$0xFFFFF800]  }
0x318: {  	v3 =	vadd.s32 v11, v3;
	v4 =	vadd.s32 v6, v4;
	v6 =	vld [tilespmem:s30+$0xFFFFFC00]  }
0x319: {  	v3 =	vadd.s32 v12, v3;
	v4 =	vadd.s32 v7, v4;
	v7 =	vld [tilespmem:s30+$0x0]  }
0x31a: {  	v3 =	vadd.s32 v13, v3;
	v4 =	vadd.s32 v8, v4;
	v8 =	vld [tilespmem:s30+$0x400]  }
0x31b: {  	v3 =	vadd.s32 v14, v3;
	v4 =	vadd.s32 v9, v4;
	v9 =	vld [tilespmem:s30+$0x800]  }
0x31c: {  	v10 =	vadd.s32 v15, v3;
	v4 =	vadd.s32 v5, v4;
	v3 =	vld [tilespmem:s30+$0xC00]  }
0x31d: {  	v5 =	vadd.s32 v16, v10;
	v6 =	vadd.s32 v6, v4;
	v4 =	vld [tilespmem:s30+$0x1000]  }
0x31e: {  	v10 =	vadd.s32 v17, v5;
	v6 =	vadd.s32 v7, v6;
	v5 =	vld [tilespmem:s30+$0x1400]  }
0x31f: {  	s18 =	simm.s32 $0x6010;
	v7 =	vadd.s32 v18, v10;
	v8 =	vadd.s32 v8, v6;
	v6 =	vld [tilespmem:s30+$0x1800]  }
0x320: {  	s20 =	simm.s32 $0x4030;
	[tilespmem:s18+$0xFFFFFFF0] =	vst v7;
	v8 =	vadd.s32 v9, v8;
	v7 =	vld [tilespmem:s30+$0x1C00]  }
.LBB2_12:
0x321: {  	v9 =	vld [tilespmem:s20+$0xFFFFDFF0];
	s0 =	sand.u32 $0x3E0, s17;
	s19 =	sadd.s32 $0x2, s19;
	v3 =	vadd.s32 v3, v8  }
0x322: {  	v8 =	vld [tilespmem:s0+$0x2400];
	p0 =	slt.u32 s19, $0x3E;
	v3 =	vadd.s32 v4, v3  }
0x323: {  	v4 =	vld [tilespmem:s0+$0x2800];
	v3 =	vadd.s32 v5, v3  }
0x324: {  	v5 =	vld [tilespmem:s0+$0x2C00];
	v3 =	vadd.s32 v6, v3  }
0x325: {  	v6 =	vld [tilespmem:s0+$0x3000];
	v3 =	vadd.s32 v7, v3  }
0x326: {  	v7 =	vld [tilespmem:s0+$0x3400];
	[tilespmem:s18+$0x0] =	vst v3  }
0x327: {  	v3 =	vadd.s32 v9, v8;
	v8 =	vld [tilespmem:s0+$0x3800]  }
0x328: {  	v3 =	vadd.s32 v4, v3;
	v4 =	vld [tilespmem:s0+$0x3C00]  }
0x329: {  	v3 =	vadd.s32 v5, v3;
	v5 =	vld [tilespmem:s0+$0x4000]  }
0x32a: {  	v3 =	vadd.s32 v6, v3;
	v6 =	vld [tilespmem:s0+$0x4400]  }
0x32b: {  	v3 =	vadd.s32 v7, v3;
	v7 =	vld [tilespmem:s0+$0x4800]  }
0x32c: {  	v3 =	vadd.s32 v8, v3;
	v8 =	vld [tilespmem:s0+$0x4C00]  }
0x32d: {  	v3 =	vadd.s32 v4, v3;
	v4 =	vld [tilespmem:s0+$0x5000]  }
0x32e: {  	v3 =	vadd.s32 v5, v3;
	v5 =	vld [tilespmem:s0+$0x5400]  }
0x32f: {  	v3 =	vadd.s32 v6, v3;
	v6 =	vld [tilespmem:s0+$0x5800]  }
0x330: {  	v3 =	vadd.s32 v7, v3;
	v7 =	vld [tilespmem:s0+$0x5C00]  }
0x331: {  	v3 =	vadd.s32 v8, v3;
	v8 =	vld [tilespmem:s20+$0xFFFFE000]  }
0x332: {  	v3 =	vadd.s32 v4, v3;
	v4 =	vld [tilespmem:s20+$0xFFFFE400]  }
0x333: {  	v3 =	vadd.s32 v5, v3;
	v5 =	vld [tilespmem:s20+$0xFFFFE800]  }
0x334: {  	v3 =	vadd.s32 v6, v3;
	v6 =	vld [tilespmem:s20+$0xFFFFEC00]  }
0x335: {  	s18 =	sadd.s32 $0x20, s18;
	v3 =	vadd.s32 v7, v3;
	v7 =	vld [tilespmem:s20+$0xFFFFF000]  }
0x336: {  	[tilespmem:s18+$0xFFFFFFF0] =	vst v3;
	v3 =	vld [tilespmem:s20+$0xFFFFF400]  }
0x337: {  	v4 =	vadd.s32 v8, v4;
	v8 =	vld [tilespmem:s20+$0xFFFFF800]  }
0x338: {  	v4 =	vadd.s32 v5, v4;
	v5 =	vld [tilespmem:s20+$0xFFFFFC00]  }
0x339: {  	v4 =	vadd.s32 v6, v4;
	v6 =	vld [tilespmem:s20+$0x0]  }
0x33a: {  	v4 =	vadd.s32 v7, v4;
	v7 =	vld [tilespmem:s20+$0x400]  }
0x33b: {  	v3 =	vadd.s32 v3, v4;
	v9 =	vld [tilespmem:s20+$0x800]  }
.Ltmp5:
0x33c: {  	v4 =	vadd.s32 v8, v3;
	v3 =	vld [tilespmem:s20+$0xC00];
	(pc) =	sbr.rel @p0 .LBB2_12-.Ltmp5, $4  }
0x33d: {  	v5 =	vadd.s32 v5, v4;
	v4 =	vld [tilespmem:s20+$0x1000]  }
0x33e: {  	v6 =	vadd.s32 v6, v5;
	v5 =	vld [tilespmem:s20+$0x1400]  }
0x33f: {  	v7 =	vadd.s32 v7, v6;
	v6 =	vld [tilespmem:s20+$0x1800]  }
0x340: {  	s17 =	sadd.s32 $0x20, s17;
	v8 =	vadd.s32 v9, v7;
	v7 =	vld [tilespmem:s20+$0x1C00];
	s20 =	sadd.s32 $0x20, s20  }
0x341: {  	v3 =	vadd.s32 v3, v8  }
0x342: {  	v3 =	vadd.s32 v4, v3  }
0x343: {  	v3 =	vadd.s32 v5, v3  }
0x344: {  	s2 =	sadd.s32 $0x1, s2;
	v3 =	vadd.s32 v6, v3  }
0x345: {  	p0 =	sne.s32 s2, s8;
	v3 =	vadd.s32 v7, v3  }
.Ltmp6:
0x346: {  	s0 =	simm.s32 $0x80;
	[tilespmem:s18+$0x0] =	vst v3;
	(pc) =	sbr.rel @p0 .LBB2_1-.Ltmp6, $4  }
0x347: {  	[hbm4b:s7+s0] =	stream.strided.scatter [tilespmem:s15], [sflag:$0x3], $0x400, s14, s0, $0x38;
	[tilespmem:$0x6400] =	vst v63  }
0x348: {  	_ =	swait.ge [sflag:s16], $0x400  }
0x349: {  	[sflag:s16] =	ssyncset.done $0x0  }
0x34a: {  	[sflag:s16] =	ssyncadd.s32 $0xFFFFFC00  }
0x34b: {  	_ =	sfence.sel $0x180000  }
0x34c: {  	[bflag:$0x0] =	sbarrier.arrive $0xFFFF  }
0x34d: {  	_ =	strace $0x9000004A  }
0x34e: {  	s0 =	stileid.u32;
	[bflag:$0x2] =	sbarrier.arrive $0xFFFF  }
0x34f: {  	p0 =	sne.s32 s0, $0x0;
	s0 =	rddreg [dreg:$0x1]  }
0x350: {  	s0 =	sadd.s32 @!p0 $0x100000, s0  }
0x351: {  	[sflag:s0] =	ssyncadd.tile.s32 @!p0 $0x1;
	_ =	shalt  }
.Lfunc_end2:
_tile_overlayer_lowered:
.L_overlay_start_2:
0x352: {  	(tag) =	ssettag $0x2  }
0x353: {  	s0 =	rddreg [dreg:$0x0];
	s2 =	stileid.u32  }
0x354: {  	s1 =	rddreg [dreg:$0x1];
	p0 =	sne.s32 s2, $0x0  }
0x355: {  	s3 =	rddreg [dreg:$0x2];
	[bflag:$0x3] =	sbarrier.arrive $0xFFFF;
	s2 =	simm.s32 @!p0 $0x1C03  }
0x356: {  	[timem:s3], [sflag:s2] =	dma.local @!p0 [hbm:s0], s1  }
0x357: {  	s0 =	simm.s32 @!p0 $0x3  }
0x358: {  	_ =	swait.ge @!p0 [sflag:s0], s1  }
0x359: {  	s1 =	ssub.s32 @!p0 $0x0, s1;
	[sflag:s0] =	ssyncset.done @!p0 $0x0  }
0x35a: {  	[sflag:s0] =	ssyncadd.s32 @!p0 s1  }
0x35b: {  	[bflag:$0x3] =	sbarrier.arrive $0xFFFF  }
0x35c: {  	_ =	shalt  }

</sc_bundles>
